<compile_context>
chip_gen: v7x
topology: tpu7x:2x2x1
jax: 0.10.2.dev20260603
libtpu: 0.0.44.dev20260713+nightly
codegen_flags: <defaults>
</compile_context>

<pallas_src>
import functools

import jax
import jax.numpy as jnp
from jax import lax
from jax.experimental import pallas as pl
from jax.experimental.pallas import tpu as pltpu
from jax.experimental.pallas import tpu_sc as plsc

LATENT = 64
_NC = 2
_NS = 16
_NW = _NC * _NS
_L = 16
_CHB = 32


def _sc_gather_pair(src, tgt, table):
    b = src.shape[0]
    bpw = b // _NW
    nchunk = bpw // _CHB
    ntile = table.shape[0] // 8

    mesh = plsc.VectorSubcoreMesh(core_axis_name="c", subcore_axis_name="s")

    @functools.partial(
        pl.kernel,
        out_type=jax.ShapeDtypeStruct((b, 2 * LATENT), jnp.float32),
        mesh=mesh,
        scratch_types=[
            pltpu.VMEM((2 * bpw,), jnp.int32),
            pltpu.VMEM((2 * _CHB, 8, LATENT), jnp.float32),
            pltpu.VMEM((_CHB, 2 * LATENT), jnp.float32),
            pltpu.SemaphoreType.DMA,
            pltpu.SemaphoreType.DMA,
        ],
        compiler_params=pltpu.CompilerParams(needs_layout_passes=False),
    )
    def gather_kernel(src_hbm, tgt_hbm, table_hbm, out_hbm, idx_v, tiles_v,
                      rows_v, gsem, osem):
        tbl3 = table_hbm.reshape(ntile, 8, LATENT)
        wid = lax.axis_index("s") * _NC + lax.axis_index("c")
        base = wid * bpw
        pltpu.sync_copy(src_hbm.at[pl.ds(base, bpw)], idx_v.at[pl.ds(0, bpw)])
        pltpu.sync_copy(tgt_hbm.at[pl.ds(base, bpw)],
                        idx_v.at[pl.ds(bpw, bpw)])

        lanes = lax.iota(jnp.int32, _L)

        def chunk_body(c, carry):
            for h in range(2):
                for g16 in range(_CHB // _L):
                    v16 = idx_v[pl.ds(h * bpw + c * _CHB + g16 * _L, _L)]
                    for lane in range(_L):
                        s = jnp.sum(jnp.where(lanes == lane, v16, 0))
                        tq = lax.shift_right_logical(s, 3)
                        k = h * _CHB + g16 * _L + lane
                        pltpu.make_async_copy(
                            tbl3.at[tq], tiles_v.at[k], gsem).start()
            pltpu.make_async_copy(
                tbl3.at[pl.ds(0, 2 * _CHB)], tiles_v, gsem).wait()

            for h in range(2):
                for g16 in range(_CHB // _L):
                    v16 = idx_v[pl.ds(h * bpw + c * _CHB + g16 * _L, _L)]
                    r_vec = lax.bitwise_and(v16, 7)
                    g_vec = lanes + (g16 * _L)
                    k_vec = g_vec + (h * _CHB)
                    for col in range(LATENT):
                        cv = jnp.full((_L,), col, jnp.int32)
                        vals = plsc.load_gather(tiles_v, [k_vec, r_vec, cv])
                        xv = jnp.full((_L,), col + LATENT * h, jnp.int32)
                        plsc.store_scatter(rows_v, [g_vec, xv], vals)
            pltpu.sync_copy(rows_v, out_hbm.at[pl.ds(base + c * _CHB, _CHB)])
            return carry

        lax.fori_loop(0, nchunk, chunk_body, 0)

    return gather_kernel(src, tgt, table)


def _mlp_body(st_ref, w1_ref, b1_ref, w2_ref, b2_ref, o_ref):
    st = st_ref[...]
    e = st[:, :LATENT] * st[:, LATENT:]
    h = jnp.dot(e, w1_ref[...], preferred_element_type=jnp.float32)
    h = jnp.maximum(h + b1_ref[...], 0.0)
    z = jnp.sum(h * w2_ref[...], axis=1, keepdims=True) + b2_ref[...]
    o_ref[...] = jax.nn.sigmoid(z)


def kernel(src, tgt, table, W1, b1, W2, b2):
    B = src.shape[0]
    staged = _sc_gather_pair(src, tgt, table)

    blk = 2048
    nblk = B // blk
    out = pl.pallas_call(
        _mlp_body,
        grid=(nblk,),
        in_specs=[
            pl.BlockSpec((blk, 2 * LATENT), lambda i: (i, 0)),
            pl.BlockSpec((LATENT, LATENT), lambda i: (0, 0)),
            pl.BlockSpec((1, LATENT), lambda i: (0, 0)),
            pl.BlockSpec((1, LATENT), lambda i: (0, 0)),
            pl.BlockSpec((1, 1), lambda i: (0, 0)),
        ],
        out_specs=pl.BlockSpec((blk, 1), lambda i: (i, 0)),
        out_shape=jax.ShapeDtypeStruct((B, 1), jnp.float32),
    )(staged, W1, b1.reshape(1, LATENT), W2.reshape(1, LATENT),
      b2.reshape(1, 1))
    return out

# --- scband reference (transcript-rebuilt; emitter-appended) ---
"""Pipeline reference for scband-sgmodel-6176162972103 (READ-ONLY COPY).

The authoritative reference and input builder live on the scoring server;
editing this copy changes nothing except your own understanding.
"""

import jax, jax.numpy as jnp
import numpy as np

NUM_USERS = 1000000
LATENT_DIM = 64
BATCH = 16384

def setup_inputs(seed: int = 0) -> dict:
    key = jax.random.key(seed)
    k1, k2, k3, k4, k5, k6, k7 = jax.random.split(key, 7)
    src = jax.random.randint(k1, (BATCH,), 0, NUM_USERS, dtype=jnp.int64 if jax.config.jax_enable_x64 else jnp.int32).astype(jnp.int32)
    tgt = jax.random.randint(k2, (BATCH,), 0, NUM_USERS, dtype=jnp.int64 if jax.config.jax_enable_x64 else jnp.int32).astype(jnp.int32)
    table = jax.random.normal(k3, (NUM_USERS, LATENT_DIM), dtype=jnp.float32)
    W1 = jax.random.normal(k4, (LATENT_DIM, 64), dtype=jnp.float32) * (1.0 / np.sqrt(LATENT_DIM))
    b1 = jnp.zeros((64,), dtype=jnp.float32)
    W2 = jax.random.normal(k5, (64, 1), dtype=jnp.float32) * (1.0 / np.sqrt(64.0))
    b2 = jnp.zeros((1,), dtype=jnp.float32)
    return {"src": src, "tgt": tgt, "table": table, "W1": W1, "b1": b1, "W2": W2, "b2": b2}

def reference(src, tgt, table, W1, b1, W2, b2):
    # _get_edge_features with method='hadamard'
    src_emb = jnp.take(table, src, axis=0)
    tgt_emb = jnp.take(table, tgt, axis=0)
    edge_features = src_emb * tgt_emb
    # classifier: Linear(latent_dim, 64) -> ReLU -> Linear(64, 1) -> Sigmoid
    h = jnp.maximum(edge_features @ W1 + b1, 0.0)
    out = jax.nn.sigmoid(h @ W2 + b2)
    return out

if __name__ == "__main__":
    import jax
    _d = setup_inputs()
    print(jax.jit(kernel)(*tuple(_d.values())))

</pallas_src>

<mosaic_0001>
#map = affine_map<(d0, d1) -> (0)>
#map1 = affine_map<(d0, d1) -> (0, 0)>
module attributes {stable_mosaic.version = 14 : i64} {
  func.func @gather_kernel(%arg0: i32, %arg1: i32, %arg2: memref<16384xi32, #tpu.memory_space<hbm>>, %arg3: memref<16384xi32, #tpu.memory_space<hbm>>, %arg4: memref<1000000x64xf32, #tpu.memory_space<hbm>>, %arg5: memref<16384x128xf32, #tpu.memory_space<hbm>>, %arg6: memref<1024xi32, #tpu.memory_space<vmem>>, %arg7: memref<64x8x64xf32, #tpu.memory_space<vmem>>, %arg8: memref<32x128xf32, #tpu.memory_space<vmem>>, %arg9: memref<!tpu.dma_semaphore, #tpu.memory_space<semaphore_mem>>, %arg10: memref<!tpu.dma_semaphore, #tpu.memory_space<semaphore_mem>>) attributes {dimension_semantics = [#tpu.dimension_semantics<core_parallel>, #tpu.dimension_semantics<subcore_parallel>], iteration_bounds = array<i64: 2, 16>, scalar_prefetch = 0 : i64, scratch_operands = 5 : i64, tpu.core_type = #tpu.core_type<sc_vector_subcore>, window_params = [{transform_indices = #map}, {transform_indices = #map}, {transform_indices = #map1}, {transform_indices = #map1}]} {
    %mul3A = arith.constant 2 : i32
    %mul3A_0 = arith.muli %arg1, %mul3A : i32
    %add3A = arith.addi %mul3A_0, %arg0 : i32
    %mul3A_1 = arith.constant 512 : i32
    %mul3A_2 = arith.muli %add3A, %mul3A_1 : i32
    "tpu.region"() ({
      %run_scoped3A = tpu.sem_alloc : memref<!tpu.dma_semaphore, #tpu.memory_space<semaphore_mem>>
      %dma_start3A = arith.constant 0 : i32
      %dma_start3A_8 = tpu.memref_slice %arg6[%dma_start3A] : memref<1024xi32, #tpu.memory_space<vmem>> -> memref<512xi32, #tpu.memory_space<vmem>>
      %dma_start3A_9 = tpu.memref_slice %arg2[%mul3A_2] : memref<16384xi32, #tpu.memory_space<hbm>> -> memref<512xi32, #tpu.memory_space<hbm>>
      %dma_start3A_10 = arith.constant 0 : i32
      %dma_start3A_11 = tpu.memref_slice %arg6[%dma_start3A_10] : memref<1024xi32, #tpu.memory_space<vmem>> -> memref<512xi32, #tpu.memory_space<vmem>>
      %dma_start3A_12 = tpu.memref_slice %arg2[%mul3A_2] : memref<16384xi32, #tpu.memory_space<hbm>> -> memref<512xi32, #tpu.memory_space<hbm>>
      tpu.enqueue_dma source(%dma_start3A_12 : memref<512xi32, #tpu.memory_space<hbm>>) target(%dma_start3A_11 : memref<512xi32, #tpu.memory_space<vmem>>) target_semaphore(%run_scoped3A : memref<!tpu.dma_semaphore, #tpu.memory_space<semaphore_mem>>)
      %dma_wait3A = arith.constant 0 : i32
      %dma_wait3A_13 = tpu.memref_slice %arg6[%dma_wait3A] : memref<1024xi32, #tpu.memory_space<vmem>> -> memref<512xi32, #tpu.memory_space<vmem>>
      %dma_wait3A_14 = tpu.memref_slice %arg2[%mul3A_2] : memref<16384xi32, #tpu.memory_space<hbm>> -> memref<512xi32, #tpu.memory_space<hbm>>
      %dma_wait3A_15 = arith.constant 0 : i32
      %dma_wait3A_16 = tpu.memref_slice %arg6[%dma_wait3A_15] : memref<1024xi32, #tpu.memory_space<vmem>> -> memref<512xi32, #tpu.memory_space<vmem>>
      %dma_wait3A_17 = tpu.memref_slice %arg2[%mul3A_2] : memref<16384xi32, #tpu.memory_space<hbm>> -> memref<512xi32, #tpu.memory_space<hbm>>
      tpu.wait_dma2 semaphore(%run_scoped3A : memref<!tpu.dma_semaphore, #tpu.memory_space<semaphore_mem>>) src(%dma_wait3A_17 : memref<512xi32, #tpu.memory_space<hbm>>) dst(%dma_wait3A_16 : memref<512xi32, #tpu.memory_space<vmem>>)
      tpu.yield
    }) : () -> ()
    "tpu.region"() ({
      %run_scoped3A = tpu.sem_alloc : memref<!tpu.dma_semaphore, #tpu.memory_space<semaphore_mem>>
      %dma_start3A = arith.constant 512 : i32
      %dma_start3A_8 = tpu.memref_slice %arg6[%dma_start3A] : memref<1024xi32, #tpu.memory_space<vmem>> -> memref<512xi32, #tpu.memory_space<vmem>>
      %dma_start3A_9 = tpu.memref_slice %arg3[%mul3A_2] : memref<16384xi32, #tpu.memory_space<hbm>> -> memref<512xi32, #tpu.memory_space<hbm>>
      %dma_start3A_10 = arith.constant 512 : i32
      %dma_start3A_11 = tpu.memref_slice %arg6[%dma_start3A_10] : memref<1024xi32, #tpu.memory_space<vmem>> -> memref<512xi32, #tpu.memory_space<vmem>>
      %dma_start3A_12 = tpu.memref_slice %arg3[%mul3A_2] : memref<16384xi32, #tpu.memory_space<hbm>> -> memref<512xi32, #tpu.memory_space<hbm>>
      tpu.enqueue_dma source(%dma_start3A_12 : memref<512xi32, #tpu.memory_space<hbm>>) target(%dma_start3A_11 : memref<512xi32, #tpu.memory_space<vmem>>) target_semaphore(%run_scoped3A : memref<!tpu.dma_semaphore, #tpu.memory_space<semaphore_mem>>)
      %dma_wait3A = arith.constant 512 : i32
      %dma_wait3A_13 = tpu.memref_slice %arg6[%dma_wait3A] : memref<1024xi32, #tpu.memory_space<vmem>> -> memref<512xi32, #tpu.memory_space<vmem>>
      %dma_wait3A_14 = tpu.memref_slice %arg3[%mul3A_2] : memref<16384xi32, #tpu.memory_space<hbm>> -> memref<512xi32, #tpu.memory_space<hbm>>
      %dma_wait3A_15 = arith.constant 512 : i32
      %dma_wait3A_16 = tpu.memref_slice %arg6[%dma_wait3A_15] : memref<1024xi32, #tpu.memory_space<vmem>> -> memref<512xi32, #tpu.memory_space<vmem>>
      %dma_wait3A_17 = tpu.memref_slice %arg3[%mul3A_2] : memref<16384xi32, #tpu.memory_space<hbm>> -> memref<512xi32, #tpu.memory_space<hbm>>
      tpu.wait_dma2 semaphore(%run_scoped3A : memref<!tpu.dma_semaphore, #tpu.memory_space<semaphore_mem>>) src(%dma_wait3A_17 : memref<512xi32, #tpu.memory_space<hbm>>) dst(%dma_wait3A_16 : memref<512xi32, #tpu.memory_space<vmem>>)
      tpu.yield
    }) : () -> ()
    %iota3A = tpu.iota {dimensions = array<i32: 0>} : vector<16xi32>
    %scan3A = arith.constant 0 : i32
    %scan3A_3 = arith.constant 0 : i32
    %scan3A_4 = arith.constant 16 : i32
    %scan3A_5 = arith.addi %scan3A_3, %scan3A_4 : i32
    %scan3A_6 = arith.constant 1 : i32
    scf.for %scan3A_8 = %scan3A_3 to %scan3A_5 step %scan3A_6  : i32 {
      %mul3A_9 = arith.constant 32 : i32
      %mul3A_10 = arith.muli %scan3A_8, %mul3A_9 : i32
      %add3A_11 = arith.constant 0 : i32
      %add3A_12 = arith.addi %add3A_11, %mul3A_10 : i32
      %add3A_13 = arith.constant 0 : i32
      %add3A_14 = arith.addi %add3A_12, %add3A_13 : i32
      %get3A = arith.index_cast %add3A_14 : i32 to index
      %get3A_15 = tpu.vector_load %arg6[%get3A] {strides = array<i32>} : memref<1024xi32, #tpu.memory_space<vmem>>, vector<16xi32>,
      %eq3A = arith.constant 0 : i32
      %eq3A_16 = vector.broadcast %eq3A : i32 to vector<16xi32>
      %eq3A_17 = arith.cmpi eq, %iota3A, %eq3A_16 : vector<16xi32>
      %jit3A = arith.constant 0 : i32
      %broadcast_in_dim3A = vector.broadcast %jit3A : i32 to vector<16xi32>
      %select_n3A = arith.select %eq3A_17, %get3A_15, %broadcast_in_dim3A : vector<16xi1>, vector<16xi32>
      %reduce_sum3A = arith.constant true
      %reduce_sum3A_18 = vector.broadcast %reduce_sum3A : i1 to vector<16xi1>
      %reduce_sum3A_19 = tpu.scan <sum>, %select_n3A masked %reduce_sum3A_18 : vector<16xi32>, vector<16xi1> -> vector<16xi32>
      %reduce_sum3A_20 = vector.extract %reduce_sum3A_19[15] : i32 from vector<16xi32>
      %shift_right_logical3A = arith.constant 3 : i32
      %shift_right_logical3A_21 = arith.shrui %reduce_sum3A_20, %shift_right_logical3A : i32
      %dma_start3A = arith.constant 0 : i32
      %dma_start3A_22 = arith.constant 0 : i32
      %dma_start3A_23 = arith.constant 0 : i32
      %dma_start3A_24 = tpu.memref_slice %arg7[%dma_start3A, %dma_start3A_22, %dma_start3A_23] : memref<64x8x64xf32, #tpu.memory_space<vmem>> -> memref<1x8x64xf32, #tpu.memory_space<vmem>>
      %dma_start3A_25 = tpu.memref_squeeze %dma_start3A_24 : memref<1x8x64xf32, #tpu.memory_space<vmem>> -> memref<8x64xf32, #tpu.memory_space<vmem>>
      %dma_start3A_26 = tpu.memref_reshape %arg4 : memref<1000000x64xf32, #tpu.memory_space<hbm>> -> memref<125000x8x64xf32, #tpu.memory_space<hbm>>
      %dma_start3A_27 = arith.constant 0 : i32
      %dma_start3A_28 = arith.constant 0 : i32
      %dma_start3A_29 = tpu.memref_slice %dma_start3A_26[%shift_right_logical3A_21, %dma_start3A_27, %dma_start3A_28] : memref<125000x8x64xf32, #tpu.memory_space<hbm>> -> memref<1x8x64xf32, #tpu.memory_space<hbm>>
      %dma_start3A_30 = tpu.memref_squeeze %dma_start3A_29 : memref<1x8x64xf32, #tpu.memory_space<hbm>> -> memref<8x64xf32, #tpu.memory_space<hbm>>
      %dma_start3A_31 = arith.constant 0 : i32
      %dma_start3A_32 = arith.constant 0 : i32
      %dma_start3A_33 = tpu.memref_slice %arg7[%dma_start3A, %dma_start3A_31, %dma_start3A_32] : memref<64x8x64xf32, #tpu.memory_space<vmem>> -> memref<1x8x64xf32, #tpu.memory_space<vmem>>
      %dma_start3A_34 = tpu.memref_squeeze %dma_start3A_33 : memref<1x8x64xf32, #tpu.memory_space<vmem>> -> memref<8x64xf32, #tpu.memory_space<vmem>>
      %dma_start3A_35 = tpu.memref_reshape %arg4 : memref<1000000x64xf32, #tpu.memory_space<hbm>> -> memref<125000x8x64xf32, #tpu.memory_space<hbm>>
      %dma_start3A_36 = arith.constant 0 : i32
      %dma_start3A_37 = arith.constant 0 : i32
      %dma_start3A_38 = tpu.memref_slice %dma_start3A_35[%shift_right_logical3A_21, %dma_start3A_36, %dma_start3A_37] : memref<125000x8x64xf32, #tpu.memory_space<hbm>> -> memref<1x8x64xf32, #tpu.memory_space<hbm>>
      %dma_start3A_39 = tpu.memref_squeeze %dma_start3A_38 : memref<1x8x64xf32, #tpu.memory_space<hbm>> -> memref<8x64xf32, #tpu.memory_space<hbm>>
      tpu.enqueue_dma source(%dma_start3A_39 : memref<8x64xf32, #tpu.memory_space<hbm>>) target(%dma_start3A_34 : memref<8x64xf32, #tpu.memory_space<vmem>>) target_semaphore(%arg9 : memref<!tpu.dma_semaphore, #tpu.memory_space<semaphore_mem>>)
      %eq3A_40 = arith.constant 1 : i32
      %eq3A_41 = vector.broadcast %eq3A_40 : i32 to vector<16xi32>
      %eq3A_42 = arith.cmpi eq, %iota3A, %eq3A_41 : vector<16xi32>
      %jit3A_43 = arith.constant 0 : i32
      %broadcast_in_dim3A_44 = vector.broadcast %jit3A_43 : i32 to vector<16xi32>
      %select_n3A_45 = arith.select %eq3A_42, %get3A_15, %broadcast_in_dim3A_44 : vector<16xi1>, vector<16xi32>
      %reduce_sum3A_46 = arith.constant true
      %reduce_sum3A_47 = vector.broadcast %reduce_sum3A_46 : i1 to vector<16xi1>
      %reduce_sum3A_48 = tpu.scan <sum>, %select_n3A_45 masked %reduce_sum3A_47 : vector<16xi32>, vector<16xi1> -> vector<16xi32>
      %reduce_sum3A_49 = vector.extract %reduce_sum3A_48[15] : i32 from vector<16xi32>
      %shift_right_logical3A_50 = arith.constant 3 : i32
      %shift_right_logical3A_51 = arith.shrui %reduce_sum3A_49, %shift_right_logical3A_50 : i32
      %dma_start3A_52 = arith.constant 1 : i32
      %dma_start3A_53 = arith.constant 0 : i32
      %dma_start3A_54 = arith.constant 0 : i32
      %dma_start3A_55 = tpu.memref_slice %arg7[%dma_start3A_52, %dma_start3A_53, %dma_start3A_54] : memref<64x8x64xf32, #tpu.memory_space<vmem>> -> memref<1x8x64xf32, #tpu.memory_space<vmem>>
      %dma_start3A_56 = tpu.memref_squeeze %dma_start3A_55 : memref<1x8x64xf32, #tpu.memory_space<vmem>> -> memref<8x64xf32, #tpu.memory_space<vmem>>
      %dma_start3A_57 = tpu.memref_reshape %arg4 : memref<1000000x64xf32, #tpu.memory_space<hbm>> -> memref<125000x8x64xf32, #tpu.memory_space<hbm>>
      %dma_start3A_58 = arith.constant 0 : i32
      %dma_start3A_59 = arith.constant 0 : i32
      %dma_start3A_60 = tpu.memref_slice %dma_start3A_57[%shift_right_logical3A_51, %dma_start3A_58, %dma_start3A_59] : memref<125000x8x64xf32, #tpu.memory_space<hbm>> -> memref<1x8x64xf32, #tpu.memory_space<hbm>>
      %dma_start3A_61 = tpu.memref_squeeze %dma_start3A_60 : memref<1x8x64xf32, #tpu.memory_space<hbm>> -> memref<8x64xf32, #tpu.memory_space<hbm>>
      %dma_start3A_62 = arith.constant 0 : i32
      %dma_start3A_63 = arith.constant 0 : i32
      %dma_start3A_64 = tpu.memref_slice %arg7[%dma_start3A_52, %dma_start3A_62, %dma_start3A_63] : memref<64x8x64xf32, #tpu.memory_space<vmem>> -> memref<1x8x64xf32, #tpu.memory_space<vmem>>
      %dma_start3A_65 = tpu.memref_squeeze %dma_start3A_64 : memref<1x8x64xf32, #tpu.memory_space<vmem>> -> memref<8x64xf32, #tpu.memory_space<vmem>>
      %dma_start3A_66 = tpu.memref_reshape %arg4 : memref<1000000x64xf32, #tpu.memory_space<hbm>> -> memref<125000x8x64xf32, #tpu.memory_space<hbm>>
      %dma_start3A_67 = arith.constant 0 : i32
      %dma_start3A_68 = arith.constant 0 : i32
      %dma_start3A_69 = tpu.memref_slice %dma_start3A_66[%shift_right_logical3A_51, %dma_start3A_67, %dma_start3A_68] : memref<125000x8x64xf32, #tpu.memory_space<hbm>> -> memref<1x8x64xf32, #tpu.memory_space<hbm>>
      %dma_start3A_70 = tpu.memref_squeeze %dma_start3A_69 : memref<1x8x64xf32, #tpu.memory_space<hbm>> -> memref<8x64xf32, #tpu.memory_space<hbm>>
      tpu.enqueue_dma source(%dma_start3A_70 : memref<8x64xf32, #tpu.memory_space<hbm>>) target(%dma_start3A_65 : memref<8x64xf32, #tpu.memory_space<vmem>>) target_semaphore(%arg9 : memref<!tpu.dma_semaphore, #tpu.memory_space<semaphore_mem>>)
      %eq3A_71 = arith.constant 2 : i32
      %eq3A_72 = vector.broadcast %eq3A_71 : i32 to vector<16xi32>
      %eq3A_73 = arith.cmpi eq, %iota3A, %eq3A_72 : vector<16xi32>
      %jit3A_74 = arith.constant 0 : i32
      %broadcast_in_dim3A_75 = vector.broadcast %jit3A_74 : i32 to vector<16xi32>
      %select_n3A_76 = arith.select %eq3A_73, %get3A_15, %broadcast_in_dim3A_75 : vector<16xi1>, vector<16xi32>
      %reduce_sum3A_77 = arith.constant true
      %reduce_sum3A_78 = vector.broadcast %reduce_sum3A_77 : i1 to vector<16xi1>
      %reduce_sum3A_79 = tpu.scan <sum>, %select_n3A_76 masked %reduce_sum3A_78 : vector<16xi32>, vector<16xi1> -> vector<16xi32>
      %reduce_sum3A_80 = vector.extract %reduce_sum3A_79[15] : i32 from vector<16xi32>
      %shift_right_logical3A_81 = arith.constant 3 : i32
      %shift_right_logical3A_82 = arith.shrui %reduce_sum3A_80, %shift_right_logical3A_81 : i32
      %dma_start3A_83 = arith.constant 2 : i32
      %dma_start3A_84 = arith.constant 0 : i32
      %dma_start3A_85 = arith.constant 0 : i32
      %dma_start3A_86 = tpu.memref_slice %arg7[%dma_start3A_83, %dma_start3A_84, %dma_start3A_85] : memref<64x8x64xf32, #tpu.memory_space<vmem>> -> memref<1x8x64xf32, #tpu.memory_space<vmem>>
      %dma_start3A_87 = tpu.memref_squeeze %dma_start3A_86 : memref<1x8x64xf32, #tpu.memory_space<vmem>> -> memref<8x64xf32, #tpu.memory_space<vmem>>
      %dma_start3A_88 = tpu.memref_reshape %arg4 : memref<1000000x64xf32, #tpu.memory_space<hbm>> -> memref<125000x8x64xf32, #tpu.memory_space<hbm>>
      %dma_start3A_89 = arith.constant 0 : i32
      %dma_start3A_90 = arith.constant 0 : i32
      %dma_start3A_91 = tpu.memref_slice %dma_start3A_88[%shift_right_logical3A_82, %dma_start3A_89, %dma_start3A_90] : memref<125000x8x64xf32, #tpu.memory_space<hbm>> -> memref<1x8x64xf32, #tpu.memory_space<hbm>>
      %dma_start3A_92 = tpu.memref_squeeze %dma_start3A_91 : memref<1x8x64xf32, #tpu.memory_space<hbm>> -> memref<8x64xf32, #tpu.memory_space<hbm>>
      %dma_start3A_93 = arith.constant 0 : i32
      %dma_start3A_94 = arith.constant 0 : i32
      %dma_start3A_95 = tpu.memref_slice %arg7[%dma_start3A_83, %dma_start3A_93, %dma_start3A_94] : memref<64x8x64xf32, #tpu.memory_space<vmem>> -> memref<1x8x64xf32, #tpu.memory_space<vmem>>
      %dma_start3A_96 = tpu.memref_squeeze %dma_start3A_95 : memref<1x8x64xf32, #tpu.memory_space<vmem>> -> memref<8x64xf32, #tpu.memory_space<vmem>>
      %dma_start3A_97 = tpu.memref_reshape %arg4 : memref<1000000x64xf32, #tpu.memory_space<hbm>> -> memref<125000x8x64xf32, #tpu.memory_space<hbm>>
      %dma_start3A_98 = arith.constant 0 : i32
      %dma_start3A_99 = arith.constant 0 : i32
      %dma_start3A_100 = tpu.memref_slice %dma_start3A_97[%shift_right_logical3A_82, %dma_start3A_98, %dma_start3A_99] : memref<125000x8x64xf32, #tpu.memory_space<hbm>> -> memref<1x8x64xf32, #tpu.memory_space<hbm>>
      %dma_start3A_101 = tpu.memref_squeeze %dma_start3A_100 : memref<1x8x64xf32, #tpu.memory_space<hbm>> -> memref<8x64xf32, #tpu.memory_space<hbm>>
      tpu.enqueue_dma source(%dma_start3A_101 : memref<8x64xf32, #tpu.memory_space<hbm>>) target(%dma_start3A_96 : memref<8x64xf32, #tpu.memory_space<vmem>>) target_semaphore(%arg9 : memref<!tpu.dma_semaphore, #tpu.memory_space<semaphore_mem>>)
      %eq3A_102 = arith.constant 3 : i32
      %eq3A_103 = vector.broadcast %eq3A_102 : i32 to vector<16xi32>
      %eq3A_104 = arith.cmpi eq, %iota3A, %eq3A_103 : vector<16xi32>
      %jit3A_105 = arith.constant 0 : i32
      %broadcast_in_dim3A_106 = vector.broadcast %jit3A_105 : i32 to vector<16xi32>
      %select_n3A_107 = arith.select %eq3A_104, %get3A_15, %broadcast_in_dim3A_106 : vector<16xi1>, vector<16xi32>
      %reduce_sum3A_108 = arith.constant true
      %reduce_sum3A_109 = vector.broadcast %reduce_sum3A_108 : i1 to vector<16xi1>
      %reduce_sum3A_110 = tpu.scan <sum>, %select_n3A_107 masked %reduce_sum3A_109 : vector<16xi32>, vector<16xi1> -> vector<16xi32>
      %reduce_sum3A_111 = vector.extract %reduce_sum3A_110[15] : i32 from vector<16xi32>
      %shift_right_logical3A_112 = arith.constant 3 : i32
      %shift_right_logical3A_113 = arith.shrui %reduce_sum3A_111, %shift_right_logical3A_112 : i32
      %dma_start3A_114 = arith.constant 3 : i32
      %dma_start3A_115 = arith.constant 0 : i32
      %dma_start3A_116 = arith.constant 0 : i32
      %dma_start3A_117 = tpu.memref_slice %arg7[%dma_start3A_114, %dma_start3A_115, %dma_start3A_116] : memref<64x8x64xf32, #tpu.memory_space<vmem>> -> memref<1x8x64xf32, #tpu.memory_space<vmem>>
      %dma_start3A_118 = tpu.memref_squeeze %dma_start3A_117 : memref<1x8x64xf32, #tpu.memory_space<vmem>> -> memref<8x64xf32, #tpu.memory_space<vmem>>
      %dma_start3A_119 = tpu.memref_reshape %arg4 : memref<1000000x64xf32, #tpu.memory_space<hbm>> -> memref<125000x8x64xf32, #tpu.memory_space<hbm>>
      %dma_start3A_120 = arith.constant 0 : i32
      %dma_start3A_121 = arith.constant 0 : i32
      %dma_start3A_122 = tpu.memref_slice %dma_start3A_119[%shift_right_logical3A_113, %dma_start3A_120, %dma_start3A_121] : memref<125000x8x64xf32, #tpu.memory_space<hbm>> -> memref<1x8x64xf32, #tpu.memory_space<hbm>>
      %dma_start3A_123 = tpu.memref_squeeze %dma_start3A_122 : memref<1x8x64xf32, #tpu.memory_space<hbm>> -> memref<8x64xf32, #tpu.memory_space<hbm>>
      %dma_start3A_124 = arith.constant 0 : i32
      %dma_start3A_125 = arith.constant 0 : i32
      %dma_start3A_126 = tpu.memref_slice %arg7[%dma_start3A_114, %dma_start3A_124, %dma_start3A_125] : memref<64x8x64xf32, #tpu.memory_space<vmem>> -> memref<1x8x64xf32, #tpu.memory_space<vmem>>
      %dma_start3A_127 = tpu.memref_squeeze %dma_start3A_126 : memref<1x8x64xf32, #tpu.memory_space<vmem>> -> memref<8x64xf32, #tpu.memory_space<vmem>>
      %dma_start3A_128 = tpu.memref_reshape %arg4 : memref<1000000x64xf32, #tpu.memory_space<hbm>> -> memref<125000x8x64xf32, #tpu.memory_space<hbm>>
      %dma_start3A_129 = arith.constant 0 : i32
      %dma_start3A_130 = arith.constant 0 : i32
      %dma_start3A_131 = tpu.memref_slice %dma_start3A_128[%shift_right_logical3A_113, %dma_start3A_129, %dma_start3A_130] : memref<125000x8x64xf32, #tpu.memory_space<hbm>> -> memref<1x8x64xf32, #tpu.memory_space<hbm>>
      %dma_start3A_132 = tpu.memref_squeeze %dma_start3A_131 : memref<1x8x64xf32, #tpu.memory_space<hbm>> -> memref<8x64xf32, #tpu.memory_space<hbm>>
      tpu.enqueue_dma source(%dma_start3A_132 : memref<8x64xf32, #tpu.memory_space<hbm>>) target(%dma_start3A_127 : memref<8x64xf32, #tpu.memory_space<vmem>>) target_semaphore(%arg9 : memref<!tpu.dma_semaphore, #tpu.memory_space<semaphore_mem>>)
      %eq3A_133 = arith.constant 4 : i32
      %eq3A_134 = vector.broadcast %eq3A_133 : i32 to vector<16xi32>
      %eq3A_135 = arith.cmpi eq, %iota3A, %eq3A_134 : vector<16xi32>
      %jit3A_136 = arith.constant 0 : i32
      %broadcast_in_dim3A_137 = vector.broadcast %jit3A_136 : i32 to vector<16xi32>
      %select_n3A_138 = arith.select %eq3A_135, %get3A_15, %broadcast_in_dim3A_137 : vector<16xi1>, vector<16xi32>
      %reduce_sum3A_139 = arith.constant true
      %reduce_sum3A_140 = vector.broadcast %reduce_sum3A_139 : i1 to vector<16xi1>
      %reduce_sum3A_141 = tpu.scan <sum>, %select_n3A_138 masked %reduce_sum3A_140 : vector<16xi32>, vector<16xi1> -> vector<16xi32>
      %reduce_sum3A_142 = vector.extract %reduce_sum3A_141[15] : i32 from vector<16xi32>
      %shift_right_logical3A_143 = arith.constant 3 : i32
      %shift_right_logical3A_144 = arith.shrui %reduce_sum3A_142, %shift_right_logical3A_143 : i32
      %dma_start3A_145 = arith.constant 4 : i32
      %dma_start3A_146 = arith.constant 0 : i32
      %dma_start3A_147 = arith.constant 0 : i32
      %dma_start3A_148 = tpu.memref_slice %arg7[%dma_start3A_145, %dma_start3A_146, %dma_start3A_147] : memref<64x8x64xf32, #tpu.memory_space<vmem>> -> memref<1x8x64xf32, #tpu.memory_space<vmem>>
      %dma_start3A_149 = tpu.memref_squeeze %dma_start3A_148 : memref<1x8x64xf32, #tpu.memory_space<vmem>> -> memref<8x64xf32, #tpu.memory_space<vmem>>
      %dma_start3A_150 = tpu.memref_reshape %arg4 : memref<1000000x64xf32, #tpu.memory_space<hbm>> -> memref<125000x8x64xf32, #tpu.memory_space<hbm>>
      %dma_start3A_151 = arith.constant 0 : i32
      %dma_start3A_152 = arith.constant 0 : i32
      %dma_start3A_153 = tpu.memref_slice %dma_start3A_150[%shift_right_logical3A_144, %dma_start3A_151, %dma_start3A_152] : memref<125000x8x64xf32, #tpu.memory_space<hbm>> -> memref<1x8x64xf32, #tpu.memory_space<hbm>>
      %dma_start3A_154 = tpu.memref_squeeze %dma_start3A_153 : memref<1x8x64xf32, #tpu.memory_space<hbm>> -> memref<8x64xf32, #tpu.memory_space<hbm>>
      %dma_start3A_155 = arith.constant 0 : i32
      %dma_start3A_156 = arith.constant 0 : i32
      %dma_start3A_157 = tpu.memref_slice %arg7[%dma_start3A_145, %dma_start3A_155, %dma_start3A_156] : memref<64x8x64xf32, #tpu.memory_space<vmem>> -> memref<1x8x64xf32, #tpu.memory_space<vmem>>
      %dma_start3A_158 = tpu.memref_squeeze %dma_start3A_157 : memref<1x8x64xf32, #tpu.memory_space<vmem>> -> memref<8x64xf32, #tpu.memory_space<vmem>>
      %dma_start3A_159 = tpu.memref_reshape %arg4 : memref<1000000x64xf32, #tpu.memory_space<hbm>> -> memref<125000x8x64xf32, #tpu.memory_space<hbm>>
      %dma_start3A_160 = arith.constant 0 : i32
      %dma_start3A_161 = arith.constant 0 : i32
      %dma_start3A_162 = tpu.memref_slice %dma_start3A_159[%shift_right_logical3A_144, %dma_start3A_160, %dma_start3A_161] : memref<125000x8x64xf32, #tpu.memory_space<hbm>> -> memref<1x8x64xf32, #tpu.memory_space<hbm>>
      %dma_start3A_163 = tpu.memref_squeeze %dma_start3A_162 : memref<1x8x64xf32, #tpu.memory_space<hbm>> -> memref<8x64xf32, #tpu.memory_space<hbm>>
      tpu.enqueue_dma source(%dma_start3A_163 : memref<8x64xf32, #tpu.memory_space<hbm>>) target(%dma_start3A_158 : memref<8x64xf32, #tpu.memory_space<vmem>>) target_semaphore(%arg9 : memref<!tpu.dma_semaphore, #tpu.memory_space<semaphore_mem>>)
      %eq3A_164 = arith.constant 5 : i32
      %eq3A_165 = vector.broadcast %eq3A_164 : i32 to vector<16xi32>
      %eq3A_166 = arith.cmpi eq, %iota3A, %eq3A_165 : vector<16xi32>
      %jit3A_167 = arith.constant 0 : i32
      %broadcast_in_dim3A_168 = vector.broadcast %jit3A_167 : i32 to vector<16xi32>
      %select_n3A_169 = arith.select %eq3A_166, %get3A_15, %broadcast_in_dim3A_168 : vector<16xi1>, vector<16xi32>
      %reduce_sum3A_170 = arith.constant true
      %reduce_sum3A_171 = vector.broadcast %reduce_sum3A_170 : i1 to vector<16xi1>
      %reduce_sum3A_172 = tpu.scan <sum>, %select_n3A_169 masked %reduce_sum3A_171 : vector<16xi32>, vector<16xi1> -> vector<16xi32>
      %reduce_sum3A_173 = vector.extract %reduce_sum3A_172[15] : i32 from vector<16xi32>
      %shift_right_logical3A_174 = arith.constant 3 : i32
      %shift_right_logical3A_175 = arith.shrui %reduce_sum3A_173, %shift_right_logical3A_174 : i32
      %dma_start3A_176 = arith.constant 5 : i32
      %dma_start3A_177 = arith.constant 0 : i32
      %dma_start3A_178 = arith.constant 0 : i32
      %dma_start3A_179 = tpu.memref_slice %arg7[%dma_start3A_176, %dma_start3A_177, %dma_start3A_178] : memref<64x8x64xf32, #tpu.memory_space<vmem>> -> memref<1x8x64xf32, #tpu.memory_space<vmem>>
      %dma_start3A_180 = tpu.memref_squeeze %dma_start3A_179 : memref<1x8x64xf32, #tpu.memory_space<vmem>> -> memref<8x64xf32, #tpu.memory_space<vmem>>
      %dma_start3A_181 = tpu.memref_reshape %arg4 : memref<1000000x64xf32, #tpu.memory_space<hbm>> -> memref<125000x8x64xf32, #tpu.memory_space<hbm>>
      %dma_start3A_182 = arith.constant 0 : i32
      %dma_start3A_183 = arith.constant 0 : i32
      %dma_start3A_184 = tpu.memref_slice %dma_start3A_181[%shift_right_logical3A_175, %dma_start3A_182, %dma_start3A_183] : memref<125000x8x64xf32, #tpu.memory_space<hbm>> -> memref<1x8x64xf32, #tpu.memory_space<hbm>>
      %dma_start3A_185 = tpu.memref_squeeze %dma_start3A_184 : memref<1x8x64xf32, #tpu.memory_space<hbm>> -> memref<8x64xf32, #tpu.memory_space<hbm>>
      %dma_start3A_186 = arith.constant 0 : i32
      %dma_start3A_187 = arith.constant 0 : i32
      %dma_start3A_188 = tpu.memref_slice %arg7[%dma_start3A_176, %dma_start3A_186, %dma_start3A_187] : memref<64x8x64xf32, #tpu.memory_space<vmem>> -> memref<1x8x64xf32, #tpu.memory_space<vmem>>
      %dma_start3A_189 = tpu.memref_squeeze %dma_start3A_188 : memref<1x8x64xf32, #tpu.memory_space<vmem>> -> memref<8x64xf32, #tpu.memory_space<vmem>>
      %dma_start3A_190 = tpu.memref_reshape %arg4 : memref<1000000x64xf32, #tpu.memory_space<hbm>> -> memref<125000x8x64xf32, #tpu.memory_space<hbm>>
      %dma_start3A_191 = arith.constant 0 : i32
      %dma_start3A_192 = arith.constant 0 : i32
      %dma_start3A_193 = tpu.memref_slice %dma_start3A_190[%shift_right_logical3A_175, %dma_start3A_191, %dma_start3A_192] : memref<125000x8x64xf32, #tpu.memory_space<hbm>> -> memref<1x8x64xf32, #tpu.memory_space<hbm>>
      %dma_start3A_194 = tpu.memref_squeeze %dma_start3A_193 : memref<1x8x64xf32, #tpu.memory_space<hbm>> -> memref<8x64xf32, #tpu.memory_space<hbm>>
      tpu.enqueue_dma source(%dma_start3A_194 : memref<8x64xf32, #tpu.memory_space<hbm>>) target(%dma_start3A_189 : memref<8x64xf32, #tpu.memory_space<vmem>>) target_semaphore(%arg9 : memref<!tpu.dma_semaphore, #tpu.memory_space<semaphore_mem>>)
      %eq3A_195 = arith.constant 6 : i32
      %eq3A_196 = vector.broadcast %eq3A_195 : i32 to vector<16xi32>
      %eq3A_197 = arith.cmpi eq, %iota3A, %eq3A_196 : vector<16xi32>
      %jit3A_198 = arith.constant 0 : i32
      %broadcast_in_dim3A_199 = vector.broadcast %jit3A_198 : i32 to vector<16xi32>
      %select_n3A_200 = arith.select %eq3A_197, %get3A_15, %broadcast_in_dim3A_199 : vector<16xi1>, vector<16xi32>
      %reduce_sum3A_201 = arith.constant true
      %reduce_sum3A_202 = vector.broadcast %reduce_sum3A_201 : i1 to vector<16xi1>
      %reduce_sum3A_203 = tpu.scan <sum>, %select_n3A_200 masked %reduce_sum3A_202 : vector<16xi32>, vector<16xi1> -> vector<16xi32>
      %reduce_sum3A_204 = vector.extract %reduce_sum3A_203[15] : i32 from vector<16xi32>
      %shift_right_logical3A_205 = arith.constant 3 : i32
      %shift_right_logical3A_206 = arith.shrui %reduce_sum3A_204, %shift_right_logical3A_205 : i32
      %dma_start3A_207 = arith.constant 6 : i32
      %dma_start3A_208 = arith.constant 0 : i32
      %dma_start3A_209 = arith.constant 0 : i32
      %dma_start3A_210 = tpu.memref_slice %arg7[%dma_start3A_207, %dma_start3A_208, %dma_start3A_209] : memref<64x8x64xf32, #tpu.memory_space<vmem>> -> memref<1x8x64xf32, #tpu.memory_space<vmem>>
      %dma_start3A_211 = tpu.memref_squeeze %dma_start3A_210 : memref<1x8x64xf32, #tpu.memory_space<vmem>> -> memref<8x64xf32, #tpu.memory_space<vmem>>
      %dma_start3A_212 = tpu.memref_reshape %arg4 : memref<1000000x64xf32, #tpu.memory_space<hbm>> -> memref<125000x8x64xf32, #tpu.memory_space<hbm>>
      %dma_start3A_213 = arith.constant 0 : i32
      %dma_start3A_214 = arith.constant 0 : i32
      %dma_start3A_215 = tpu.memref_slice %dma_start3A_212[%shift_right_logical3A_206, %dma_start3A_213, %dma_start3A_214] : memref<125000x8x64xf32, #tpu.memory_space<hbm>> -> memref<1x8x64xf32, #tpu.memory_space<hbm>>
      %dma_start3A_216 = tpu.memref_squeeze %dma_start3A_215 : memref<1x8x64xf32, #tpu.memory_space<hbm>> -> memref<8x64xf32, #tpu.memory_space<hbm>>
      %dma_start3A_217 = arith.constant 0 : i32
      %dma_start3A_218 = arith.constant 0 : i32
      %dma_start3A_219 = tpu.memref_slice %arg7[%dma_start3A_207, %dma_start3A_217, %dma_start3A_218] : memref<64x8x64xf32, #tpu.memory_space<vmem>> -> memref<1x8x64xf32, #tpu.memory_space<vmem>>
      %dma_start3A_220 = tpu.memref_squeeze %dma_start3A_219 : memref<1x8x64xf32, #tpu.memory_space<vmem>> -> memref<8x64xf32, #tpu.memory_space<vmem>>
      %dma_start3A_221 = tpu.memref_reshape %arg4 : memref<1000000x64xf32, #tpu.memory_space<hbm>> -> memref<125000x8x64xf32, #tpu.memory_space<hbm>>
      %dma_start3A_222 = arith.constant 0 : i32
      %dma_start3A_223 = arith.constant 0 : i32
      %dma_start3A_224 = tpu.memref_slice %dma_start3A_221[%shift_right_logical3A_206, %dma_start3A_222, %dma_start3A_223] : memref<125000x8x64xf32, #tpu.memory_space<hbm>> -> memref<1x8x64xf32, #tpu.memory_space<hbm>>
      %dma_start3A_225 = tpu.memref_squeeze %dma_start3A_224 : memref<1x8x64xf32, #tpu.memory_space<hbm>> -> memref<8x64xf32, #tpu.memory_space<hbm>>
      tpu.enqueue_dma source(%dma_start3A_225 : memref<8x64xf32, #tpu.memory_space<hbm>>) target(%dma_start3A_220 : memref<8x64xf32, #tpu.memory_space<vmem>>) target_semaphore(%arg9 : memref<!tpu.dma_semaphore, #tpu.memory_space<semaphore_mem>>)
      %eq3A_226 = arith.constant 7 : i32
      %eq3A_227 = vector.broadcast %eq3A_226 : i32 to vector<16xi32>
      %eq3A_228 = arith.cmpi eq, %iota3A, %eq3A_227 : vector<16xi32>
      %jit3A_229 = arith.constant 0 : i32
      %broadcast_in_dim3A_230 = vector.broadcast %jit3A_229 : i32 to vector<16xi32>
      %select_n3A_231 = arith.select %eq3A_228, %get3A_15, %broadcast_in_dim3A_230 : vector<16xi1>, vector<16xi32>
      %reduce_sum3A_232 = arith.constant true
      %reduce_sum3A_233 = vector.broadcast %reduce_sum3A_232 : i1 to vector<16xi1>
      %reduce_sum3A_234 = tpu.scan <sum>, %select_n3A_231 masked %reduce_sum3A_233 : vector<16xi32>, vector<16xi1> -> vector<16xi32>
      %reduce_sum3A_235 = vector.extract %reduce_sum3A_234[15] : i32 from vector<16xi32>
      %shift_right_logical3A_236 = arith.constant 3 : i32
      %shift_right_logical3A_237 = arith.shrui %reduce_sum3A_235, %shift_right_logical3A_236 : i32
      %dma_start3A_238 = arith.constant 7 : i32
      %dma_start3A_239 = arith.constant 0 : i32
      %dma_start3A_240 = arith.constant 0 : i32
      %dma_start3A_241 = tpu.memref_slice %arg7[%dma_start3A_238, %dma_start3A_239, %dma_start3A_240] : memref<64x8x64xf32, #tpu.memory_space<vmem>> -> memref<1x8x64xf32, #tpu.memory_space<vmem>>
      %dma_start3A_242 = tpu.memref_squeeze %dma_start3A_241 : memref<1x8x64xf32, #tpu.memory_space<vmem>> -> memref<8x64xf32, #tpu.memory_space<vmem>>
      %dma_start3A_243 = tpu.memref_reshape %arg4 : memref<1000000x64xf32, #tpu.memory_space<hbm>> -> memref<125000x8x64xf32, #tpu.memory_space<hbm>>
      %dma_start3A_244 = arith.constant 0 : i32
      %dma_start3A_245 = arith.constant 0 : i32
      %dma_start3A_246 = tpu.memref_slice %dma_start3A_243[%shift_right_logical3A_237, %dma_start3A_244, %dma_start3A_245] : memref<125000x8x64xf32, #tpu.memory_space<hbm>> -> memref<1x8x64xf32, #tpu.memory_space<hbm>>
      %dma_start3A_247 = tpu.memref_squeeze %dma_start3A_246 : memref<1x8x64xf32, #tpu.memory_space<hbm>> -> memref<8x64xf32, #tpu.memory_space<hbm>>
      %dma_start3A_248 = arith.constant 0 : i32
      %dma_start3A_249 = arith.constant 0 : i32
      %dma_start3A_250 = tpu.memref_slice %arg7[%dma_start3A_238, %dma_start3A_248, %dma_start3A_249] : memref<64x8x64xf32, #tpu.memory_space<vmem>> -> memref<1x8x64xf32, #tpu.memory_space<vmem>>
      %dma_start3A_251 = tpu.memref_squeeze %dma_start3A_250 : memref<1x8x64xf32, #tpu.memory_space<vmem>> -> memref<8x64xf32, #tpu.memory_space<vmem>>
      %dma_start3A_252 = tpu.memref_reshape %arg4 : memref<1000000x64xf32, #tpu.memory_space<hbm>> -> memref<125000x8x64xf32, #tpu.memory_space<hbm>>
      %dma_start3A_253 = arith.constant 0 : i32
      %dma_start3A_254 = arith.constant 0 : i32
      %dma_start3A_255 = tpu.memref_slice %dma_start3A_252[%shift_right_logical3A_237, %dma_start3A_253, %dma_start3A_254] : memref<125000x8x64xf32, #tpu.memory_space<hbm>> -> memref<1x8x64xf32, #tpu.memory_space<hbm>>
      %dma_start3A_256 = tpu.memref_squeeze %dma_start3A_255 : memref<1x8x64xf32, #tpu.memory_space<hbm>> -> memref<8x64xf32, #tpu.memory_space<hbm>>
      tpu.enqueue_dma source(%dma_start3A_256 : memref<8x64xf32, #tpu.memory_space<hbm>>) target(%dma_start3A_251 : memref<8x64xf32, #tpu.memory_space<vmem>>) target_semaphore(%arg9 : memref<!tpu.dma_semaphore, #tpu.memory_space<semaphore_mem>>)
      %eq3A_257 = arith.constant 8 : i32
      %eq3A_258 = vector.broadcast %eq3A_257 : i32 to vector<16xi32>
      %eq3A_259 = arith.cmpi eq, %iota3A, %eq3A_258 : vector<16xi32>
      %jit3A_260 = arith.constant 0 : i32
      %broadcast_in_dim3A_261 = vector.broadcast %jit3A_260 : i32 to vector<16xi32>
      %select_n3A_262 = arith.select %eq3A_259, %get3A_15, %broadcast_in_dim3A_261 : vector<16xi1>, vector<16xi32>
      %reduce_sum3A_263 = arith.constant true
      %reduce_sum3A_264 = vector.broadcast %reduce_sum3A_263 : i1 to vector<16xi1>
      %reduce_sum3A_265 = tpu.scan <sum>, %select_n3A_262 masked %reduce_sum3A_264 : vector<16xi32>, vector<16xi1> -> vector<16xi32>
      %reduce_sum3A_266 = vector.extract %reduce_sum3A_265[15] : i32 from vector<16xi32>
      %shift_right_logical3A_267 = arith.constant 3 : i32
      %shift_right_logical3A_268 = arith.shrui %reduce_sum3A_266, %shift_right_logical3A_267 : i32
      %dma_start3A_269 = arith.constant 8 : i32
      %dma_start3A_270 = arith.constant 0 : i32
      %dma_start3A_271 = arith.constant 0 : i32
      %dma_start3A_272 = tpu.memref_slice %arg7[%dma_start3A_269, %dma_start3A_270, %dma_start3A_271] : memref<64x8x64xf32, #tpu.memory_space<vmem>> -> memref<1x8x64xf32, #tpu.memory_space<vmem>>
      %dma_start3A_273 = tpu.memref_squeeze %dma_start3A_272 : memref<1x8x64xf32, #tpu.memory_space<vmem>> -> memref<8x64xf32, #tpu.memory_space<vmem>>
      %dma_start3A_274 = tpu.memref_reshape %arg4 : memref<1000000x64xf32, #tpu.memory_space<hbm>> -> memref<125000x8x64xf32, #tpu.memory_space<hbm>>
      %dma_start3A_275 = arith.constant 0 : i32
      %dma_start3A_276 = arith.constant 0 : i32
      %dma_start3A_277 = tpu.memref_slice %dma_start3A_274[%shift_right_logical3A_268, %dma_start3A_275, %dma_start3A_276] : memref<125000x8x64xf32, #tpu.memory_space<hbm>> -> memref<1x8x64xf32, #tpu.memory_space<hbm>>
      %dma_start3A_278 = tpu.memref_squeeze %dma_start3A_277 : memref<1x8x64xf32, #tpu.memory_space<hbm>> -> memref<8x64xf32, #tpu.memory_space<hbm>>
      %dma_start3A_279 = arith.constant 0 : i32
      %dma_start3A_280 = arith.constant 0 : i32
      %dma_start3A_281 = tpu.memref_slice %arg7[%dma_start3A_269, %dma_start3A_279, %dma_start3A_280] : memref<64x8x64xf32, #tpu.memory_space<vmem>> -> memref<1x8x64xf32, #tpu.memory_space<vmem>>
      %dma_start3A_282 = tpu.memref_squeeze %dma_start3A_281 : memref<1x8x64xf32, #tpu.memory_space<vmem>> -> memref<8x64xf32, #tpu.memory_space<vmem>>
      %dma_start3A_283 = tpu.memref_reshape %arg4 : memref<1000000x64xf32, #tpu.memory_space<hbm>> -> memref<125000x8x64xf32, #tpu.memory_space<hbm>>
      %dma_start3A_284 = arith.constant 0 : i32
      %dma_start3A_285 = arith.constant 0 : i32
      %dma_start3A_286 = tpu.memref_slice %dma_start3A_283[%shift_right_logical3A_268, %dma_start3A_284, %dma_start3A_285] : memref<125000x8x64xf32, #tpu.memory_space<hbm>> -> memref<1x8x64xf32, #tpu.memory_space<hbm>>
      %dma_start3A_287 = tpu.memref_squeeze %dma_start3A_286 : memref<1x8x64xf32, #tpu.memory_space<hbm>> -> memref<8x64xf32, #tpu.memory_space<hbm>>
      tpu.enqueue_dma source(%dma_start3A_287 : memref<8x64xf32, #tpu.memory_space<hbm>>) target(%dma_start3A_282 : memref<8x64xf32, #tpu.memory_space<vmem>>) target_semaphore(%arg9 : memref<!tpu.dma_semaphore, #tpu.memory_space<semaphore_mem>>)
      %eq3A_288 = arith.constant 9 : i32
      %eq3A_289 = vector.broadcast %eq3A_288 : i32 to vector<16xi32>
      %eq3A_290 = arith.cmpi eq, %iota3A, %eq3A_289 : vector<16xi32>
      %jit3A_291 = arith.constant 0 : i32
      %broadcast_in_dim3A_292 = vector.broadcast %jit3A_291 : i32 to vector<16xi32>
      %select_n3A_293 = arith.select %eq3A_290, %get3A_15, %broadcast_in_dim3A_292 : vector<16xi1>, vector<16xi32>
      %reduce_sum3A_294 = arith.constant true
      %reduce_sum3A_295 = vector.broadcast %reduce_sum3A_294 : i1 to vector<16xi1>
      %reduce_sum3A_296 = tpu.scan <sum>, %select_n3A_293 masked %reduce_sum3A_295 : vector<16xi32>, vector<16xi1> -> vector<16xi32>
      %reduce_sum3A_297 = vector.extract %reduce_sum3A_296[15] : i32 from vector<16xi32>
      %shift_right_logical3A_298 = arith.constant 3 : i32
      %shift_right_logical3A_299 = arith.shrui %reduce_sum3A_297, %shift_right_logical3A_298 : i32
      %dma_start3A_300 = arith.constant 9 : i32
      %dma_start3A_301 = arith.constant 0 : i32
      %dma_start3A_302 = arith.constant 0 : i32
      %dma_start3A_303 = tpu.memref_slice %arg7[%dma_start3A_300, %dma_start3A_301, %dma_start3A_302] : memref<64x8x64xf32, #tpu.memory_space<vmem>> -> memref<1x8x64xf32, #tpu.memory_space<vmem>>
      %dma_start3A_304 = tpu.memref_squeeze %dma_start3A_303 : memref<1x8x64xf32, #tpu.memory_space<vmem>> -> memref<8x64xf32, #tpu.memory_space<vmem>>
      %dma_start3A_305 = tpu.memref_reshape %arg4 : memref<1000000x64xf32, #tpu.memory_space<hbm>> -> memref<125000x8x64xf32, #tpu.memory_space<hbm>>
      %dma_start3A_306 = arith.constant 0 : i32
      %dma_start3A_307 = arith.constant 0 : i32
      %dma_start3A_308 = tpu.memref_slice %dma_start3A_305[%shift_right_logical3A_299, %dma_start3A_306, %dma_start3A_307] : memref<125000x8x64xf32, #tpu.memory_space<hbm>> -> memref<1x8x64xf32, #tpu.memory_space<hbm>>
      %dma_start3A_309 = tpu.memref_squeeze %dma_start3A_308 : memref<1x8x64xf32, #tpu.memory_space<hbm>> -> memref<8x64xf32, #tpu.memory_space<hbm>>
      %dma_start3A_310 = arith.constant 0 : i32
      %dma_start3A_311 = arith.constant 0 : i32
      %dma_start3A_312 = tpu.memref_slice %arg7[%dma_start3A_300, %dma_start3A_310, %dma_start3A_311] : memref<64x8x64xf32, #tpu.memory_space<vmem>> -> memref<1x8x64xf32, #tpu.memory_space<vmem>>
      %dma_start3A_313 = tpu.memref_squeeze %dma_start3A_312 : memref<1x8x64xf32, #tpu.memory_space<vmem>> -> memref<8x64xf32, #tpu.memory_space<vmem>>
      %dma_start3A_314 = tpu.memref_reshape %arg4 : memref<1000000x64xf32, #tpu.memory_space<hbm>> -> memref<125000x8x64xf32, #tpu.memory_space<hbm>>
      %dma_start3A_315 = arith.constant 0 : i32
      %dma_start3A_316 = arith.constant 0 : i32
      %dma_start3A_317 = tpu.memref_slice %dma_start3A_314[%shift_right_logical3A_299, %dma_start3A_315, %dma_start3A_316] : memref<125000x8x64xf32, #tpu.memory_space<hbm>> -> memref<1x8x64xf32, #tpu.memory_space<hbm>>
      %dma_start3A_318 = tpu.memref_squeeze %dma_start3A_317 : memref<1x8x64xf32, #tpu.memory_space<hbm>> -> memref<8x64xf32, #tpu.memory_space<hbm>>
      tpu.enqueue_dma source(%dma_start3A_318 : memref<8x64xf32, #tpu.memory_space<hbm>>) target(%dma_start3A_313 : memref<8x64xf32, #tpu.memory_space<vmem>>) target_semaphore(%arg9 : memref<!tpu.dma_semaphore, #tpu.memory_space<semaphore_mem>>)
      %eq3A_319 = arith.constant 10 : i32
      %eq3A_320 = vector.broadcast %eq3A_319 : i32 to vector<16xi32>
      %eq3A_321 = arith.cmpi eq, %iota3A, %eq3A_320 : vector<16xi32>
      %jit3A_322 = arith.constant 0 : i32
      %broadcast_in_dim3A_323 = vector.broadcast %jit3A_322 : i32 to vector<16xi32>
      %select_n3A_324 = arith.select %eq3A_321, %get3A_15, %broadcast_in_dim3A_323 : vector<16xi1>, vector<16xi32>
      %reduce_sum3A_325 = arith.constant true
      %reduce_sum3A_326 = vector.broadcast %reduce_sum3A_325 : i1 to vector<16xi1>
      %reduce_sum3A_327 = tpu.scan <sum>, %select_n3A_324 masked %reduce_sum3A_326 : vector<16xi32>, vector<16xi1> -> vector<16xi32>
      %reduce_sum3A_328 = vector.extract %reduce_sum3A_327[15] : i32 from vector<16xi32>
      %shift_right_logical3A_329 = arith.constant 3 : i32
      %shift_right_logical3A_330 = arith.shrui %reduce_sum3A_328, %shift_right_logical3A_329 : i32
      %dma_start3A_331 = arith.constant 10 : i32
      %dma_start3A_332 = arith.constant 0 : i32
      %dma_start3A_333 = arith.constant 0 : i32
      %dma_start3A_334 = tpu.memref_slice %arg7[%dma_start3A_331, %dma_start3A_332, %dma_start3A_333] : memref<64x8x64xf32, #tpu.memory_space<vmem>> -> memref<1x8x64xf32, #tpu.memory_space<vmem>>
      %dma_start3A_335 = tpu.memref_squeeze %dma_start3A_334 : memref<1x8x64xf32, #tpu.memory_space<vmem>> -> memref<8x64xf32, #tpu.memory_space<vmem>>
      %dma_start3A_336 = tpu.memref_reshape %arg4 : memref<1000000x64xf32, #tpu.memory_space<hbm>> -> memref<125000x8x64xf32, #tpu.memory_space<hbm>>
      %dma_start3A_337 = arith.constant 0 : i32
      %dma_start3A_338 = arith.constant 0 : i32
      %dma_start3A_339 = tpu.memref_slice %dma_start3A_336[%shift_right_logical3A_330, %dma_start3A_337, %dma_start3A_338] : memref<125000x8x64xf32, #tpu.memory_space<hbm>> -> memref<1x8x64xf32, #tpu.memory_space<hbm>>
      %dma_start3A_340 = tpu.memref_squeeze %dma_start3A_339 : memref<1x8x64xf32, #tpu.memory_space<hbm>> -> memref<8x64xf32, #tpu.memory_space<hbm>>
      %dma_start3A_341 = arith.constant 0 : i32
      %dma_start3A_342 = arith.constant 0 : i32
      %dma_start3A_343 = tpu.memref_slice %arg7[%dma_start3A_331, %dma_start3A_341, %dma_start3A_342] : memref<64x8x64xf32, #tpu.memory_space<vmem>> -> memref<1x8x64xf32, #tpu.memory_space<vmem>>
      %dma_start3A_344 = tpu.memref_squeeze %dma_start3A_343 : memref<1x8x64xf32, #tpu.memory_space<vmem>> -> memref<8x64xf32, #tpu.memory_space<vmem>>
      %dma_start3A_345 = tpu.memref_reshape %arg4 : memref<1000000x64xf32, #tpu.memory_space<hbm>> -> memref<125000x8x64xf32, #tpu.memory_space<hbm>>
      %dma_start3A_346 = arith.constant 0 : i32
      %dma_start3A_347 = arith.constant 0 : i32
      %dma_start3A_348 = tpu.memref_slice %dma_start3A_345[%shift_right_logical3A_330, %dma_start3A_346, %dma_start3A_347] : memref<125000x8x64xf32, #tpu.memory_space<hbm>> -> memref<1x8x64xf32, #tpu.memory_space<hbm>>
      %dma_start3A_349 = tpu.memref_squeeze %dma_start3A_348 : memref<1x8x64xf32, #tpu.memory_space<hbm>> -> memref<8x64xf32, #tpu.memory_space<hbm>>
      tpu.enqueue_dma source(%dma_start3A_349 : memref<8x64xf32, #tpu.memory_space<hbm>>) target(%dma_start3A_344 : memref<8x64xf32, #tpu.memory_space<vmem>>) target_semaphore(%arg9 : memref<!tpu.dma_semaphore, #tpu.memory_space<semaphore_mem>>)
      %eq3A_350 = arith.constant 11 : i32
      %eq3A_351 = vector.broadcast %eq3A_350 : i32 to vector<16xi32>
      %eq3A_352 = arith.cmpi eq, %iota3A, %eq3A_351 : vector<16xi32>
      %jit3A_353 = arith.constant 0 : i32
      %broadcast_in_dim3A_354 = vector.broadcast %jit3A_353 : i32 to vector<16xi32>
      %select_n3A_355 = arith.select %eq3A_352, %get3A_15, %broadcast_in_dim3A_354 : vector<16xi1>, vector<16xi32>
      %reduce_sum3A_356 = arith.constant true
      %reduce_sum3A_357 = vector.broadcast %reduce_sum3A_356 : i1 to vector<16xi1>
      %reduce_sum3A_358 = tpu.scan <sum>, %select_n3A_355 masked %reduce_sum3A_357 : vector<16xi32>, vector<16xi1> -> vector<16xi32>
      %reduce_sum3A_359 = vector.extract %reduce_sum3A_358[15] : i32 from vector<16xi32>
      %shift_right_logical3A_360 = arith.constant 3 : i32
      %shift_right_logical3A_361 = arith.shrui %reduce_sum3A_359, %shift_right_logical3A_360 : i32
      %dma_start3A_362 = arith.constant 11 : i32
      %dma_start3A_363 = arith.constant 0 : i32
      %dma_start3A_364 = arith.constant 0 : i32
      %dma_start3A_365 = tpu.memref_slice %arg7[%dma_start3A_362, %dma_start3A_363, %dma_start3A_364] : memref<64x8x64xf32, #tpu.memory_space<vmem>> -> memref<1x8x64xf32, #tpu.memory_space<vmem>>
      %dma_start3A_366 = tpu.memref_squeeze %dma_start3A_365 : memref<1x8x64xf32, #tpu.memory_space<vmem>> -> memref<8x64xf32, #tpu.memory_space<vmem>>
      %dma_start3A_367 = tpu.memref_reshape %arg4 : memref<1000000x64xf32, #tpu.memory_space<hbm>> -> memref<125000x8x64xf32, #tpu.memory_space<hbm>>
      %dma_start3A_368 = arith.constant 0 : i32
      %dma_start3A_369 = arith.constant 0 : i32
      %dma_start3A_370 = tpu.memref_slice %dma_start3A_367[%shift_right_logical3A_361, %dma_start3A_368, %dma_start3A_369] : memref<125000x8x64xf32, #tpu.memory_space<hbm>> -> memref<1x8x64xf32, #tpu.memory_space<hbm>>
      %dma_start3A_371 = tpu.memref_squeeze %dma_start3A_370 : memref<1x8x64xf32, #tpu.memory_space<hbm>> -> memref<8x64xf32, #tpu.memory_space<hbm>>
      %dma_start3A_372 = arith.constant 0 : i32
      %dma_start3A_373 = arith.constant 0 : i32
      %dma_start3A_374 = tpu.memref_slice %arg7[%dma_start3A_362, %dma_start3A_372, %dma_start3A_373] : memref<64x8x64xf32, #tpu.memory_space<vmem>> -> memref<1x8x64xf32, #tpu.memory_space<vmem>>
      %dma_start3A_375 = tpu.memref_squeeze %dma_start3A_374 : memref<1x8x64xf32, #tpu.memory_space<vmem>> -> memref<8x64xf32, #tpu.memory_space<vmem>>
      %dma_start3A_376 = tpu.memref_reshape %arg4 : memref<1000000x64xf32, #tpu.memory_space<hbm>> -> memref<125000x8x64xf32, #tpu.memory_space<hbm>>
      %dma_start3A_377 = arith.constant 0 : i32
      %dma_start3A_378 = arith.constant 0 : i32
      %dma_start3A_379 = tpu.memref_slice %dma_start3A_376[%shift_right_logical3A_361, %dma_start3A_377, %dma_start3A_378] : memref<125000x8x64xf32, #tpu.memory_space<hbm>> -> memref<1x8x64xf32, #tpu.memory_space<hbm>>
      %dma_start3A_380 = tpu.memref_squeeze %dma_start3A_379 : memref<1x8x64xf32, #tpu.memory_space<hbm>> -> memref<8x64xf32, #tpu.memory_space<hbm>>
      tpu.enqueue_dma source(%dma_start3A_380 : memref<8x64xf32, #tpu.memory_space<hbm>>) target(%dma_start3A_375 : memref<8x64xf32, #tpu.memory_space<vmem>>) target_semaphore(%arg9 : memref<!tpu.dma_semaphore, #tpu.memory_space<semaphore_mem>>)
      %eq3A_381 = arith.constant 12 : i32
      %eq3A_382 = vector.broadcast %eq3A_381 : i32 to vector<16xi32>
      %eq3A_383 = arith.cmpi eq, %iota3A, %eq3A_382 : vector<16xi32>
      %jit3A_384 = arith.constant 0 : i32
      %broadcast_in_dim3A_385 = vector.broadcast %jit3A_384 : i32 to vector<16xi32>
      %select_n3A_386 = arith.select %eq3A_383, %get3A_15, %broadcast_in_dim3A_385 : vector<16xi1>, vector<16xi32>
      %reduce_sum3A_387 = arith.constant true
      %reduce_sum3A_388 = vector.broadcast %reduce_sum3A_387 : i1 to vector<16xi1>
      %reduce_sum3A_389 = tpu.scan <sum>, %select_n3A_386 masked %reduce_sum3A_388 : vector<16xi32>, vector<16xi1> -> vector<16xi32>
      %reduce_sum3A_390 = vector.extract %reduce_sum3A_389[15] : i32 from vector<16xi32>
      %shift_right_logical3A_391 = arith.constant 3 : i32
      %shift_right_logical3A_392 = arith.shrui %reduce_sum3A_390, %shift_right_logical3A_391 : i32
      %dma_start3A_393 = arith.constant 12 : i32
      %dma_start3A_394 = arith.constant 0 : i32
      %dma_start3A_395 = arith.constant 0 : i32
      %dma_start3A_396 = tpu.memref_slice %arg7[%dma_start3A_393, %dma_start3A_394, %dma_start3A_395] : memref<64x8x64xf32, #tpu.memory_space<vmem>> -> memref<1x8x64xf32, #tpu.memory_space<vmem>>
      %dma_start3A_397 = tpu.memref_squeeze %dma_start3A_396 : memref<1x8x64xf32, #tpu.memory_space<vmem>> -> memref<8x64xf32, #tpu.memory_space<vmem>>
      %dma_start3A_398 = tpu.memref_reshape %arg4 : memref<1000000x64xf32, #tpu.memory_space<hbm>> -> memref<125000x8x64xf32, #tpu.memory_space<hbm>>
      %dma_start3A_399 = arith.constant 0 : i32
      %dma_start3A_400 = arith.constant 0 : i32
      %dma_start3A_401 = tpu.memref_slice %dma_start3A_398[%shift_right_logical3A_392, %dma_start3A_399, %dma_start3A_400] : memref<125000x8x64xf32, #tpu.memory_space<hbm>> -> memref<1x8x64xf32, #tpu.memory_space<hbm>>
      %dma_start3A_402 = tpu.memref_squeeze %dma_start3A_401 : memref<1x8x64xf32, #tpu.memory_space<hbm>> -> memref<8x64xf32, #tpu.memory_space<hbm>>
      %dma_start3A_403 = arith.constant 0 : i32
      %dma_start3A_404 = arith.constant 0 : i32
      %dma_start3A_405 = tpu.memref_slice %arg7[%dma_start3A_393, %dma_start3A_403, %dma_start3A_404] : memref<64x8x64xf32, #tpu.memory_space<vmem>> -> memref<1x8x64xf32, #tpu.memory_space<vmem>>
      %dma_start3A_406 = tpu.memref_squeeze %dma_start3A_405 : memref<1x8x64xf32, #tpu.memory_space<vmem>> -> memref<8x64xf32, #tpu.memory_space<vmem>>
      %dma_start3A_407 = tpu.memref_reshape %arg4 : memref<1000000x64xf32, #tpu.memory_space<hbm>> -> memref<125000x8x64xf32, #tpu.memory_space<hbm>>
      %dma_start3A_408 = arith.constant 0 : i32
      %dma_start3A_409 = arith.constant 0 : i32
      %dma_start3A_410 = tpu.memref_slice %dma_start3A_407[%shift_right_logical3A_392, %dma_start3A_408, %dma_start3A_409] : memref<125000x8x64xf32, #tpu.memory_space<hbm>> -> memref<1x8x64xf32, #tpu.memory_space<hbm>>
      %dma_start3A_411 = tpu.memref_squeeze %dma_start3A_410 : memref<1x8x64xf32, #tpu.memory_space<hbm>> -> memref<8x64xf32, #tpu.memory_space<hbm>>
      tpu.enqueue_dma source(%dma_start3A_411 : memref<8x64xf32, #tpu.memory_space<hbm>>) target(%dma_start3A_406 : memref<8x64xf32, #tpu.memory_space<vmem>>) target_semaphore(%arg9 : memref<!tpu.dma_semaphore, #tpu.memory_space<semaphore_mem>>)
      %eq3A_412 = arith.constant 13 : i32
      %eq3A_413 = vector.broadcast %eq3A_412 : i32 to vector<16xi32>
      %eq3A_414 = arith.cmpi eq, %iota3A, %eq3A_413 : vector<16xi32>
      %jit3A_415 = arith.constant 0 : i32
      %broadcast_in_dim3A_416 = vector.broadcast %jit3A_415 : i32 to vector<16xi32>
      %select_n3A_417 = arith.select %eq3A_414, %get3A_15, %broadcast_in_dim3A_416 : vector<16xi1>, vector<16xi32>
      %reduce_sum3A_418 = arith.constant true
      %reduce_sum3A_419 = vector.broadcast %reduce_sum3A_418 : i1 to vector<16xi1>
      %reduce_sum3A_420 = tpu.scan <sum>, %select_n3A_417 masked %reduce_sum3A_419 : vector<16xi32>, vector<16xi1> -> vector<16xi32>
      %reduce_sum3A_421 = vector.extract %reduce_sum3A_420[15] : i32 from vector<16xi32>
      %shift_right_logical3A_422 = arith.constant 3 : i32
      %shift_right_logical3A_423 = arith.shrui %reduce_sum3A_421, %shift_right_logical3A_422 : i32
      %dma_start3A_424 = arith.constant 13 : i32
      %dma_start3A_425 = arith.constant 0 : i32
      %dma_start3A_426 = arith.constant 0 : i32
      %dma_start3A_427 = tpu.memref_slice %arg7[%dma_start3A_424, %dma_start3A_425, %dma_start3A_426] : memref<64x8x64xf32, #tpu.memory_space<vmem>> -> memref<1x8x64xf32, #tpu.memory_space<vmem>>
      %dma_start3A_428 = tpu.memref_squeeze %dma_start3A_427 : memref<1x8x64xf32, #tpu.memory_space<vmem>> -> memref<8x64xf32, #tpu.memory_space<vmem>>
      %dma_start3A_429 = tpu.memref_reshape %arg4 : memref<1000000x64xf32, #tpu.memory_space<hbm>> -> memref<125000x8x64xf32, #tpu.memory_space<hbm>>
      %dma_start3A_430 = arith.constant 0 : i32
      %dma_start3A_431 = arith.constant 0 : i32
      %dma_start3A_432 = tpu.memref_slice %dma_start3A_429[%shift_right_logical3A_423, %dma_start3A_430, %dma_start3A_431] : memref<125000x8x64xf32, #tpu.memory_space<hbm>> -> memref<1x8x64xf32, #tpu.memory_space<hbm>>
      %dma_start3A_433 = tpu.memref_squeeze %dma_start3A_432 : memref<1x8x64xf32, #tpu.memory_space<hbm>> -> memref<8x64xf32, #tpu.memory_space<hbm>>
      %dma_start3A_434 = arith.constant 0 : i32
      %dma_start3A_435 = arith.constant 0 : i32
      %dma_start3A_436 = tpu.memref_slice %arg7[%dma_start3A_424, %dma_start3A_434, %dma_start3A_435] : memref<64x8x64xf32, #tpu.memory_space<vmem>> -> memref<1x8x64xf32, #tpu.memory_space<vmem>>
      %dma_start3A_437 = tpu.memref_squeeze %dma_start3A_436 : memref<1x8x64xf32, #tpu.memory_space<vmem>> -> memref<8x64xf32, #tpu.memory_space<vmem>>
      %dma_start3A_438 = tpu.memref_reshape %arg4 : memref<1000000x64xf32, #tpu.memory_space<hbm>> -> memref<125000x8x64xf32, #tpu.memory_space<hbm>>
      %dma_start3A_439 = arith.constant 0 : i32
      %dma_start3A_440 = arith.constant 0 : i32
      %dma_start3A_441 = tpu.memref_slice %dma_start3A_438[%shift_right_logical3A_423, %dma_start3A_439, %dma_start3A_440] : memref<125000x8x64xf32, #tpu.memory_space<hbm>> -> memref<1x8x64xf32, #tpu.memory_space<hbm>>
      %dma_start3A_442 = tpu.memref_squeeze %dma_start3A_441 : memref<1x8x64xf32, #tpu.memory_space<hbm>> -> memref<8x64xf32, #tpu.memory_space<hbm>>
      tpu.enqueue_dma source(%dma_start3A_442 : memref<8x64xf32, #tpu.memory_space<hbm>>) target(%dma_start3A_437 : memref<8x64xf32, #tpu.memory_space<vmem>>) target_semaphore(%arg9 : memref<!tpu.dma_semaphore, #tpu.memory_space<semaphore_mem>>)
      %eq3A_443 = arith.constant 14 : i32
      %eq3A_444 = vector.broadcast %eq3A_443 : i32 to vector<16xi32>
      %eq3A_445 = arith.cmpi eq, %iota3A, %eq3A_444 : vector<16xi32>
      %jit3A_446 = arith.constant 0 : i32
      %broadcast_in_dim3A_447 = vector.broadcast %jit3A_446 : i32 to vector<16xi32>
      %select_n3A_448 = arith.select %eq3A_445, %get3A_15, %broadcast_in_dim3A_447 : vector<16xi1>, vector<16xi32>
      %reduce_sum3A_449 = arith.constant true
      %reduce_sum3A_450 = vector.broadcast %reduce_sum3A_449 : i1 to vector<16xi1>
      %reduce_sum3A_451 = tpu.scan <sum>, %select_n3A_448 masked %reduce_sum3A_450 : vector<16xi32>, vector<16xi1> -> vector<16xi32>
      %reduce_sum3A_452 = vector.extract %reduce_sum3A_451[15] : i32 from vector<16xi32>
      %shift_right_logical3A_453 = arith.constant 3 : i32
      %shift_right_logical3A_454 = arith.shrui %reduce_sum3A_452, %shift_right_logical3A_453 : i32
      %dma_start3A_455 = arith.constant 14 : i32
      %dma_start3A_456 = arith.constant 0 : i32
      %dma_start3A_457 = arith.constant 0 : i32
      %dma_start3A_458 = tpu.memref_slice %arg7[%dma_start3A_455, %dma_start3A_456, %dma_start3A_457] : memref<64x8x64xf32, #tpu.memory_space<vmem>> -> memref<1x8x64xf32, #tpu.memory_space<vmem>>
      %dma_start3A_459 = tpu.memref_squeeze %dma_start3A_458 : memref<1x8x64xf32, #tpu.memory_space<vmem>> -> memref<8x64xf32, #tpu.memory_space<vmem>>
      %dma_start3A_460 = tpu.memref_reshape %arg4 : memref<1000000x64xf32, #tpu.memory_space<hbm>> -> memref<125000x8x64xf32, #tpu.memory_space<hbm>>
      %dma_start3A_461 = arith.constant 0 : i32
      %dma_start3A_462 = arith.constant 0 : i32
      %dma_start3A_463 = tpu.memref_slice %dma_start3A_460[%shift_right_logical3A_454, %dma_start3A_461, %dma_start3A_462] : memref<125000x8x64xf32, #tpu.memory_space<hbm>> -> memref<1x8x64xf32, #tpu.memory_space<hbm>>
      %dma_start3A_464 = tpu.memref_squeeze %dma_start3A_463 : memref<1x8x64xf32, #tpu.memory_space<hbm>> -> memref<8x64xf32, #tpu.memory_space<hbm>>
      %dma_start3A_465 = arith.constant 0 : i32
      %dma_start3A_466 = arith.constant 0 : i32
      %dma_start3A_467 = tpu.memref_slice %arg7[%dma_start3A_455, %dma_start3A_465, %dma_start3A_466] : memref<64x8x64xf32, #tpu.memory_space<vmem>> -> memref<1x8x64xf32, #tpu.memory_space<vmem>>
      %dma_start3A_468 = tpu.memref_squeeze %dma_start3A_467 : memref<1x8x64xf32, #tpu.memory_space<vmem>> -> memref<8x64xf32, #tpu.memory_space<vmem>>
      %dma_start3A_469 = tpu.memref_reshape %arg4 : memref<1000000x64xf32, #tpu.memory_space<hbm>> -> memref<125000x8x64xf32, #tpu.memory_space<hbm>>
      %dma_start3A_470 = arith.constant 0 : i32
      %dma_start3A_471 = arith.constant 0 : i32
      %dma_start3A_472 = tpu.memref_slice %dma_start3A_469[%shift_right_logical3A_454, %dma_start3A_470, %dma_start3A_471] : memref<125000x8x64xf32, #tpu.memory_space<hbm>> -> memref<1x8x64xf32, #tpu.memory_space<hbm>>
      %dma_start3A_473 = tpu.memref_squeeze %dma_start3A_472 : memref<1x8x64xf32, #tpu.memory_space<hbm>> -> memref<8x64xf32, #tpu.memory_space<hbm>>
      tpu.enqueue_dma source(%dma_start3A_473 : memref<8x64xf32, #tpu.memory_space<hbm>>) target(%dma_start3A_468 : memref<8x64xf32, #tpu.memory_space<vmem>>) target_semaphore(%arg9 : memref<!tpu.dma_semaphore, #tpu.memory_space<semaphore_mem>>)
      %eq3A_474 = arith.constant 15 : i32
      %eq3A_475 = vector.broadcast %eq3A_474 : i32 to vector<16xi32>
      %eq3A_476 = arith.cmpi eq, %iota3A, %eq3A_475 : vector<16xi32>
      %jit3A_477 = arith.constant 0 : i32
      %broadcast_in_dim3A_478 = vector.broadcast %jit3A_477 : i32 to vector<16xi32>
      %select_n3A_479 = arith.select %eq3A_476, %get3A_15, %broadcast_in_dim3A_478 : vector<16xi1>, vector<16xi32>
      %reduce_sum3A_480 = arith.constant true
      %reduce_sum3A_481 = vector.broadcast %reduce_sum3A_480 : i1 to vector<16xi1>
      %reduce_sum3A_482 = tpu.scan <sum>, %select_n3A_479 masked %reduce_sum3A_481 : vector<16xi32>, vector<16xi1> -> vector<16xi32>
      %reduce_sum3A_483 = vector.extract %reduce_sum3A_482[15] : i32 from vector<16xi32>
      %shift_right_logical3A_484 = arith.constant 3 : i32
      %shift_right_logical3A_485 = arith.shrui %reduce_sum3A_483, %shift_right_logical3A_484 : i32
      %dma_start3A_486 = arith.constant 15 : i32
      %dma_start3A_487 = arith.constant 0 : i32
      %dma_start3A_488 = arith.constant 0 : i32
      %dma_start3A_489 = tpu.memref_slice %arg7[%dma_start3A_486, %dma_start3A_487, %dma_start3A_488] : memref<64x8x64xf32, #tpu.memory_space<vmem>> -> memref<1x8x64xf32, #tpu.memory_space<vmem>>
      %dma_start3A_490 = tpu.memref_squeeze %dma_start3A_489 : memref<1x8x64xf32, #tpu.memory_space<vmem>> -> memref<8x64xf32, #tpu.memory_space<vmem>>
      %dma_start3A_491 = tpu.memref_reshape %arg4 : memref<1000000x64xf32, #tpu.memory_space<hbm>> -> memref<125000x8x64xf32, #tpu.memory_space<hbm>>
      %dma_start3A_492 = arith.constant 0 : i32
      %dma_start3A_493 = arith.constant 0 : i32
      %dma_start3A_494 = tpu.memref_slice %dma_start3A_491[%shift_right_logical3A_485, %dma_start3A_492, %dma_start3A_493] : memref<125000x8x64xf32, #tpu.memory_space<hbm>> -> memref<1x8x64xf32, #tpu.memory_space<hbm>>
      %dma_start3A_495 = tpu.memref_squeeze %dma_start3A_494 : memref<1x8x64xf32, #tpu.memory_space<hbm>> -> memref<8x64xf32, #tpu.memory_space<hbm>>
      %dma_start3A_496 = arith.constant 0 : i32
      %dma_start3A_497 = arith.constant 0 : i32
      %dma_start3A_498 = tpu.memref_slice %arg7[%dma_start3A_486, %dma_start3A_496, %dma_start3A_497] : memref<64x8x64xf32, #tpu.memory_space<vmem>> -> memref<1x8x64xf32, #tpu.memory_space<vmem>>
      %dma_start3A_499 = tpu.memref_squeeze %dma_start3A_498 : memref<1x8x64xf32, #tpu.memory_space<vmem>> -> memref<8x64xf32, #tpu.memory_space<vmem>>
      %dma_start3A_500 = tpu.memref_reshape %arg4 : memref<1000000x64xf32, #tpu.memory_space<hbm>> -> memref<125000x8x64xf32, #tpu.memory_space<hbm>>
      %dma_start3A_501 = arith.constant 0 : i32
      %dma_start3A_502 = arith.constant 0 : i32
      %dma_start3A_503 = tpu.memref_slice %dma_start3A_500[%shift_right_logical3A_485, %dma_start3A_501, %dma_start3A_502] : memref<125000x8x64xf32, #tpu.memory_space<hbm>> -> memref<1x8x64xf32, #tpu.memory_space<hbm>>
      %dma_start3A_504 = tpu.memref_squeeze %dma_start3A_503 : memref<1x8x64xf32, #tpu.memory_space<hbm>> -> memref<8x64xf32, #tpu.memory_space<hbm>>
      tpu.enqueue_dma source(%dma_start3A_504 : memref<8x64xf32, #tpu.memory_space<hbm>>) target(%dma_start3A_499 : memref<8x64xf32, #tpu.memory_space<vmem>>) target_semaphore(%arg9 : memref<!tpu.dma_semaphore, #tpu.memory_space<semaphore_mem>>)
      %mul3A_505 = arith.constant 32 : i32
      %mul3A_506 = arith.muli %scan3A_8, %mul3A_505 : i32
      %add3A_507 = arith.constant 0 : i32
      %add3A_508 = arith.addi %add3A_507, %mul3A_506 : i32
      %add3A_509 = arith.constant 16 : i32
      %add3A_510 = arith.addi %add3A_508, %add3A_509 : i32
      %get3A_511 = arith.index_cast %add3A_510 : i32 to index
      %get3A_512 = tpu.vector_load %arg6[%get3A_511] {strides = array<i32>} : memref<1024xi32, #tpu.memory_space<vmem>>, vector<16xi32>,
      %eq3A_513 = arith.constant 0 : i32
      %eq3A_514 = vector.broadcast %eq3A_513 : i32 to vector<16xi32>
      %eq3A_515 = arith.cmpi eq, %iota3A, %eq3A_514 : vector<16xi32>
      %jit3A_516 = arith.constant 0 : i32
      %broadcast_in_dim3A_517 = vector.broadcast %jit3A_516 : i32 to vector<16xi32>
      %select_n3A_518 = arith.select %eq3A_515, %get3A_512, %broadcast_in_dim3A_517 : vector<16xi1>, vector<16xi32>
      %reduce_sum3A_519 = arith.constant true
      %reduce_sum3A_520 = vector.broadcast %reduce_sum3A_519 : i1 to vector<16xi1>
      %reduce_sum3A_521 = tpu.scan <sum>, %select_n3A_518 masked %reduce_sum3A_520 : vector<16xi32>, vector<16xi1> -> vector<16xi32>
      %reduce_sum3A_522 = vector.extract %reduce_sum3A_521[15] : i32 from vector<16xi32>
      %shift_right_logical3A_523 = arith.constant 3 : i32
      %shift_right_logical3A_524 = arith.shrui %reduce_sum3A_522, %shift_right_logical3A_523 : i32
      %dma_start3A_525 = arith.constant 16 : i32
      %dma_start3A_526 = arith.constant 0 : i32
      %dma_start3A_527 = arith.constant 0 : i32
      %dma_start3A_528 = tpu.memref_slice %arg7[%dma_start3A_525, %dma_start3A_526, %dma_start3A_527] : memref<64x8x64xf32, #tpu.memory_space<vmem>> -> memref<1x8x64xf32, #tpu.memory_space<vmem>>
      %dma_start3A_529 = tpu.memref_squeeze %dma_start3A_528 : memref<1x8x64xf32, #tpu.memory_space<vmem>> -> memref<8x64xf32, #tpu.memory_space<vmem>>
      %dma_start3A_530 = tpu.memref_reshape %arg4 : memref<1000000x64xf32, #tpu.memory_space<hbm>> -> memref<125000x8x64xf32, #tpu.memory_space<hbm>>
      %dma_start3A_531 = arith.constant 0 : i32
      %dma_start3A_532 = arith.constant 0 : i32
      %dma_start3A_533 = tpu.memref_slice %dma_start3A_530[%shift_right_logical3A_524, %dma_start3A_531, %dma_start3A_532] : memref<125000x8x64xf32, #tpu.memory_space<hbm>> -> memref<1x8x64xf32, #tpu.memory_space<hbm>>
      %dma_start3A_534 = tpu.memref_squeeze %dma_start3A_533 : memref<1x8x64xf32, #tpu.memory_space<hbm>> -> memref<8x64xf32, #tpu.memory_space<hbm>>
      %dma_start3A_535 = arith.constant 0 : i32
      %dma_start3A_536 = arith.constant 0 : i32
      %dma_start3A_537 = tpu.memref_slice %arg7[%dma_start3A_525, %dma_start3A_535, %dma_start3A_536] : memref<64x8x64xf32, #tpu.memory_space<vmem>> -> memref<1x8x64xf32, #tpu.memory_space<vmem>>
      %dma_start3A_538 = tpu.memref_squeeze %dma_start3A_537 : memref<1x8x64xf32, #tpu.memory_space<vmem>> -> memref<8x64xf32, #tpu.memory_space<vmem>>
      %dma_start3A_539 = tpu.memref_reshape %arg4 : memref<1000000x64xf32, #tpu.memory_space<hbm>> -> memref<125000x8x64xf32, #tpu.memory_space<hbm>>
      %dma_start3A_540 = arith.constant 0 : i32
      %dma_start3A_541 = arith.constant 0 : i32
      %dma_start3A_542 = tpu.memref_slice %dma_start3A_539[%shift_right_logical3A_524, %dma_start3A_540, %dma_start3A_541] : memref<125000x8x64xf32, #tpu.memory_space<hbm>> -> memref<1x8x64xf32, #tpu.memory_space<hbm>>
      %dma_start3A_543 = tpu.memref_squeeze %dma_start3A_542 : memref<1x8x64xf32, #tpu.memory_space<hbm>> -> memref<8x64xf32, #tpu.memory_space<hbm>>
      tpu.enqueue_dma source(%dma_start3A_543 : memref<8x64xf32, #tpu.memory_space<hbm>>) target(%dma_start3A_538 : memref<8x64xf32, #tpu.memory_space<vmem>>) target_semaphore(%arg9 : memref<!tpu.dma_semaphore, #tpu.memory_space<semaphore_mem>>)
      %eq3A_544 = arith.constant 1 : i32
      %eq3A_545 = vector.broadcast %eq3A_544 : i32 to vector<16xi32>
      %eq3A_546 = arith.cmpi eq, %iota3A, %eq3A_545 : vector<16xi32>
      %jit3A_547 = arith.constant 0 : i32
      %broadcast_in_dim3A_548 = vector.broadcast %jit3A_547 : i32 to vector<16xi32>
      %select_n3A_549 = arith.select %eq3A_546, %get3A_512, %broadcast_in_dim3A_548 : vector<16xi1>, vector<16xi32>
      %reduce_sum3A_550 = arith.constant true
      %reduce_sum3A_551 = vector.broadcast %reduce_sum3A_550 : i1 to vector<16xi1>
      %reduce_sum3A_552 = tpu.scan <sum>, %select_n3A_549 masked %reduce_sum3A_551 : vector<16xi32>, vector<16xi1> -> vector<16xi32>
      %reduce_sum3A_553 = vector.extract %reduce_sum3A_552[15] : i32 from vector<16xi32>
      %shift_right_logical3A_554 = arith.constant 3 : i32
      %shift_right_logical3A_555 = arith.shrui %reduce_sum3A_553, %shift_right_logical3A_554 : i32
      %dma_start3A_556 = arith.constant 17 : i32
      %dma_start3A_557 = arith.constant 0 : i32
      %dma_start3A_558 = arith.constant 0 : i32
      %dma_start3A_559 = tpu.memref_slice %arg7[%dma_start3A_556, %dma_start3A_557, %dma_start3A_558] : memref<64x8x64xf32, #tpu.memory_space<vmem>> -> memref<1x8x64xf32, #tpu.memory_space<vmem>>
      %dma_start3A_560 = tpu.memref_squeeze %dma_start3A_559 : memref<1x8x64xf32, #tpu.memory_space<vmem>> -> memref<8x64xf32, #tpu.memory_space<vmem>>
      %dma_start3A_561 = tpu.memref_reshape %arg4 : memref<1000000x64xf32, #tpu.memory_space<hbm>> -> memref<125000x8x64xf32, #tpu.memory_space<hbm>>
      %dma_start3A_562 = arith.constant 0 : i32
      %dma_start3A_563 = arith.constant 0 : i32
      %dma_start3A_564 = tpu.memref_slice %dma_start3A_561[%shift_right_logical3A_555, %dma_start3A_562, %dma_start3A_563] : memref<125000x8x64xf32, #tpu.memory_space<hbm>> -> memref<1x8x64xf32, #tpu.memory_space<hbm>>
      %dma_start3A_565 = tpu.memref_squeeze %dma_start3A_564 : memref<1x8x64xf32, #tpu.memory_space<hbm>> -> memref<8x64xf32, #tpu.memory_space<hbm>>
      %dma_start3A_566 = arith.constant 0 : i32
      %dma_start3A_567 = arith.constant 0 : i32
      %dma_start3A_568 = tpu.memref_slice %arg7[%dma_start3A_556, %dma_start3A_566, %dma_start3A_567] : memref<64x8x64xf32, #tpu.memory_space<vmem>> -> memref<1x8x64xf32, #tpu.memory_space<vmem>>
      %dma_start3A_569 = tpu.memref_squeeze %dma_start3A_568 : memref<1x8x64xf32, #tpu.memory_space<vmem>> -> memref<8x64xf32, #tpu.memory_space<vmem>>
      %dma_start3A_570 = tpu.memref_reshape %arg4 : memref<1000000x64xf32, #tpu.memory_space<hbm>> -> memref<125000x8x64xf32, #tpu.memory_space<hbm>>
      %dma_start3A_571 = arith.constant 0 : i32
      %dma_start3A_572 = arith.constant 0 : i32
      %dma_start3A_573 = tpu.memref_slice %dma_start3A_570[%shift_right_logical3A_555, %dma_start3A_571, %dma_start3A_572] : memref<125000x8x64xf32, #tpu.memory_space<hbm>> -> memref<1x8x64xf32, #tpu.memory_space<hbm>>
      %dma_start3A_574 = tpu.memref_squeeze %dma_start3A_573 : memref<1x8x64xf32, #tpu.memory_space<hbm>> -> memref<8x64xf32, #tpu.memory_space<hbm>>
      tpu.enqueue_dma source(%dma_start3A_574 : memref<8x64xf32, #tpu.memory_space<hbm>>) target(%dma_start3A_569 : memref<8x64xf32, #tpu.memory_space<vmem>>) target_semaphore(%arg9 : memref<!tpu.dma_semaphore, #tpu.memory_space<semaphore_mem>>)
      %eq3A_575 = arith.constant 2 : i32
      %eq3A_576 = vector.broadcast %eq3A_575 : i32 to vector<16xi32>
      %eq3A_577 = arith.cmpi eq, %iota3A, %eq3A_576 : vector<16xi32>
      %jit3A_578 = arith.constant 0 : i32
      %broadcast_in_dim3A_579 = vector.broadcast %jit3A_578 : i32 to vector<16xi32>
      %select_n3A_580 = arith.select %eq3A_577, %get3A_512, %broadcast_in_dim3A_579 : vector<16xi1>, vector<16xi32>
      %reduce_sum3A_581 = arith.constant true
      %reduce_sum3A_582 = vector.broadcast %reduce_sum3A_581 : i1 to vector<16xi1>
      %reduce_sum3A_583 = tpu.scan <sum>, %select_n3A_580 masked %reduce_sum3A_582 : vector<16xi32>, vector<16xi1> -> vector<16xi32>
      %reduce_sum3A_584 = vector.extract %reduce_sum3A_583[15] : i32 from vector<16xi32>
      %shift_right_logical3A_585 = arith.constant 3 : i32
      %shift_right_logical3A_586 = arith.shrui %reduce_sum3A_584, %shift_right_logical3A_585 : i32
      %dma_start3A_587 = arith.constant 18 : i32
      %dma_start3A_588 = arith.constant 0 : i32
      %dma_start3A_589 = arith.constant 0 : i32
      %dma_start3A_590 = tpu.memref_slice %arg7[%dma_start3A_587, %dma_start3A_588, %dma_start3A_589] : memref<64x8x64xf32, #tpu.memory_space<vmem>> -> memref<1x8x64xf32, #tpu.memory_space<vmem>>
      %dma_start3A_591 = tpu.memref_squeeze %dma_start3A_590 : memref<1x8x64xf32, #tpu.memory_space<vmem>> -> memref<8x64xf32, #tpu.memory_space<vmem>>
      %dma_start3A_592 = tpu.memref_reshape %arg4 : memref<1000000x64xf32, #tpu.memory_space<hbm>> -> memref<125000x8x64xf32, #tpu.memory_space<hbm>>
      %dma_start3A_593 = arith.constant 0 : i32
      %dma_start3A_594 = arith.constant 0 : i32
      %dma_start3A_595 = tpu.memref_slice %dma_start3A_592[%shift_right_logical3A_586, %dma_start3A_593, %dma_start3A_594] : memref<125000x8x64xf32, #tpu.memory_space<hbm>> -> memref<1x8x64xf32, #tpu.memory_space<hbm>>
      %dma_start3A_596 = tpu.memref_squeeze %dma_start3A_595 : memref<1x8x64xf32, #tpu.memory_space<hbm>> -> memref<8x64xf32, #tpu.memory_space<hbm>>
      %dma_start3A_597 = arith.constant 0 : i32
      %dma_start3A_598 = arith.constant 0 : i32
      %dma_start3A_599 = tpu.memref_slice %arg7[%dma_start3A_587, %dma_start3A_597, %dma_start3A_598] : memref<64x8x64xf32, #tpu.memory_space<vmem>> -> memref<1x8x64xf32, #tpu.memory_space<vmem>>
      %dma_start3A_600 = tpu.memref_squeeze %dma_start3A_599 : memref<1x8x64xf32, #tpu.memory_space<vmem>> -> memref<8x64xf32, #tpu.memory_space<vmem>>
      %dma_start3A_601 = tpu.memref_reshape %arg4 : memref<1000000x64xf32, #tpu.memory_space<hbm>> -> memref<125000x8x64xf32, #tpu.memory_space<hbm>>
      %dma_start3A_602 = arith.constant 0 : i32
      %dma_start3A_603 = arith.constant 0 : i32
      %dma_start3A_604 = tpu.memref_slice %dma_start3A_601[%shift_right_logical3A_586, %dma_start3A_602, %dma_start3A_603] : memref<125000x8x64xf32, #tpu.memory_space<hbm>> -> memref<1x8x64xf32, #tpu.memory_space<hbm>>
      %dma_start3A_605 = tpu.memref_squeeze %dma_start3A_604 : memref<1x8x64xf32, #tpu.memory_space<hbm>> -> memref<8x64xf32, #tpu.memory_space<hbm>>
      tpu.enqueue_dma source(%dma_start3A_605 : memref<8x64xf32, #tpu.memory_space<hbm>>) target(%dma_start3A_600 : memref<8x64xf32, #tpu.memory_space<vmem>>) target_semaphore(%arg9 : memref<!tpu.dma_semaphore, #tpu.memory_space<semaphore_mem>>)
      %eq3A_606 = arith.constant 3 : i32
      %eq3A_607 = vector.broadcast %eq3A_606 : i32 to vector<16xi32>
      %eq3A_608 = arith.cmpi eq, %iota3A, %eq3A_607 : vector<16xi32>
      %jit3A_609 = arith.constant 0 : i32
      %broadcast_in_dim3A_610 = vector.broadcast %jit3A_609 : i32 to vector<16xi32>
      %select_n3A_611 = arith.select %eq3A_608, %get3A_512, %broadcast_in_dim3A_610 : vector<16xi1>, vector<16xi32>
      %reduce_sum3A_612 = arith.constant true
      %reduce_sum3A_613 = vector.broadcast %reduce_sum3A_612 : i1 to vector<16xi1>
      %reduce_sum3A_614 = tpu.scan <sum>, %select_n3A_611 masked %reduce_sum3A_613 : vector<16xi32>, vector<16xi1> -> vector<16xi32>
      %reduce_sum3A_615 = vector.extract %reduce_sum3A_614[15] : i32 from vector<16xi32>
      %shift_right_logical3A_616 = arith.constant 3 : i32
      %shift_right_logical3A_617 = arith.shrui %reduce_sum3A_615, %shift_right_logical3A_616 : i32
      %dma_start3A_618 = arith.constant 19 : i32
      %dma_start3A_619 = arith.constant 0 : i32
      %dma_start3A_620 = arith.constant 0 : i32
      %dma_start3A_621 = tpu.memref_slice %arg7[%dma_start3A_618, %dma_start3A_619, %dma_start3A_620] : memref<64x8x64xf32, #tpu.memory_space<vmem>> -> memref<1x8x64xf32, #tpu.memory_space<vmem>>
      %dma_start3A_622 = tpu.memref_squeeze %dma_start3A_621 : memref<1x8x64xf32, #tpu.memory_space<vmem>> -> memref<8x64xf32, #tpu.memory_space<vmem>>
      %dma_start3A_623 = tpu.memref_reshape %arg4 : memref<1000000x64xf32, #tpu.memory_space<hbm>> -> memref<125000x8x64xf32, #tpu.memory_space<hbm>>
      %dma_start3A_624 = arith.constant 0 : i32
      %dma_start3A_625 = arith.constant 0 : i32
      %dma_start3A_626 = tpu.memref_slice %dma_start3A_623[%shift_right_logical3A_617, %dma_start3A_624, %dma_start3A_625] : memref<125000x8x64xf32, #tpu.memory_space<hbm>> -> memref<1x8x64xf32, #tpu.memory_space<hbm>>
      %dma_start3A_627 = tpu.memref_squeeze %dma_start3A_626 : memref<1x8x64xf32, #tpu.memory_space<hbm>> -> memref<8x64xf32, #tpu.memory_space<hbm>>
      %dma_start3A_628 = arith.constant 0 : i32
      %dma_start3A_629 = arith.constant 0 : i32
      %dma_start3A_630 = tpu.memref_slice %arg7[%dma_start3A_618, %dma_start3A_628, %dma_start3A_629] : memref<64x8x64xf32, #tpu.memory_space<vmem>> -> memref<1x8x64xf32, #tpu.memory_space<vmem>>
      %dma_start3A_631 = tpu.memref_squeeze %dma_start3A_630 : memref<1x8x64xf32, #tpu.memory_space<vmem>> -> memref<8x64xf32, #tpu.memory_space<vmem>>
      %dma_start3A_632 = tpu.memref_reshape %arg4 : memref<1000000x64xf32, #tpu.memory_space<hbm>> -> memref<125000x8x64xf32, #tpu.memory_space<hbm>>
      %dma_start3A_633 = arith.constant 0 : i32
      %dma_start3A_634 = arith.constant 0 : i32
      %dma_start3A_635 = tpu.memref_slice %dma_start3A_632[%shift_right_logical3A_617, %dma_start3A_633, %dma_start3A_634] : memref<125000x8x64xf32, #tpu.memory_space<hbm>> -> memref<1x8x64xf32, #tpu.memory_space<hbm>>
      %dma_start3A_636 = tpu.memref_squeeze %dma_start3A_635 : memref<1x8x64xf32, #tpu.memory_space<hbm>> -> memref<8x64xf32, #tpu.memory_space<hbm>>
      tpu.enqueue_dma source(%dma_start3A_636 : memref<8x64xf32, #tpu.memory_space<hbm>>) target(%dma_start3A_631 : memref<8x64xf32, #tpu.memory_space<vmem>>) target_semaphore(%arg9 : memref<!tpu.dma_semaphore, #tpu.memory_space<semaphore_mem>>)
      %eq3A_637 = arith.constant 4 : i32
      %eq3A_638 = vector.broadcast %eq3A_637 : i32 to vector<16xi32>
      %eq3A_639 = arith.cmpi eq, %iota3A, %eq3A_638 : vector<16xi32>
      %jit3A_640 = arith.constant 0 : i32
      %broadcast_in_dim3A_641 = vector.broadcast %jit3A_640 : i32 to vector<16xi32>
      %select_n3A_642 = arith.select %eq3A_639, %get3A_512, %broadcast_in_dim3A_641 : vector<16xi1>, vector<16xi32>
      %reduce_sum3A_643 = arith.constant true
      %reduce_sum3A_644 = vector.broadcast %reduce_sum3A_643 : i1 to vector<16xi1>
      %reduce_sum3A_645 = tpu.scan <sum>, %select_n3A_642 masked %reduce_sum3A_644 : vector<16xi32>, vector<16xi1> -> vector<16xi32>
      %reduce_sum3A_646 = vector.extract %reduce_sum3A_645[15] : i32 from vector<16xi32>
      %shift_right_logical3A_647 = arith.constant 3 : i32
      %shift_right_logical3A_648 = arith.shrui %reduce_sum3A_646, %shift_right_logical3A_647 : i32
      %dma_start3A_649 = arith.constant 20 : i32
      %dma_start3A_650 = arith.constant 0 : i32
      %dma_start3A_651 = arith.constant 0 : i32
      %dma_start3A_652 = tpu.memref_slice %arg7[%dma_start3A_649, %dma_start3A_650, %dma_start3A_651] : memref<64x8x64xf32, #tpu.memory_space<vmem>> -> memref<1x8x64xf32, #tpu.memory_space<vmem>>
      %dma_start3A_653 = tpu.memref_squeeze %dma_start3A_652 : memref<1x8x64xf32, #tpu.memory_space<vmem>> -> memref<8x64xf32, #tpu.memory_space<vmem>>
      %dma_start3A_654 = tpu.memref_reshape %arg4 : memref<1000000x64xf32, #tpu.memory_space<hbm>> -> memref<125000x8x64xf32, #tpu.memory_space<hbm>>
      %dma_start3A_655 = arith.constant 0 : i32
      %dma_start3A_656 = arith.constant 0 : i32
      %dma_start3A_657 = tpu.memref_slice %dma_start3A_654[%shift_right_logical3A_648, %dma_start3A_655, %dma_start3A_656] : memref<125000x8x64xf32, #tpu.memory_space<hbm>> -> memref<1x8x64xf32, #tpu.memory_space<hbm>>
      %dma_start3A_658 = tpu.memref_squeeze %dma_start3A_657 : memref<1x8x64xf32, #tpu.memory_space<hbm>> -> memref<8x64xf32, #tpu.memory_space<hbm>>
      %dma_start3A_659 = arith.constant 0 : i32
      %dma_start3A_660 = arith.constant 0 : i32
      %dma_start3A_661 = tpu.memref_slice %arg7[%dma_start3A_649, %dma_start3A_659, %dma_start3A_660] : memref<64x8x64xf32, #tpu.memory_space<vmem>> -> memref<1x8x64xf32, #tpu.memory_space<vmem>>
      %dma_start3A_662 = tpu.memref_squeeze %dma_start3A_661 : memref<1x8x64xf32, #tpu.memory_space<vmem>> -> memref<8x64xf32, #tpu.memory_space<vmem>>
      %dma_start3A_663 = tpu.memref_reshape %arg4 : memref<1000000x64xf32, #tpu.memory_space<hbm>> -> memref<125000x8x64xf32, #tpu.memory_space<hbm>>
      %dma_start3A_664 = arith.constant 0 : i32
      %dma_start3A_665 = arith.constant 0 : i32
      %dma_start3A_666 = tpu.memref_slice %dma_start3A_663[%shift_right_logical3A_648, %dma_start3A_664, %dma_start3A_665] : memref<125000x8x64xf32, #tpu.memory_space<hbm>> -> memref<1x8x64xf32, #tpu.memory_space<hbm>>
      %dma_start3A_667 = tpu.memref_squeeze %dma_start3A_666 : memref<1x8x64xf32, #tpu.memory_space<hbm>> -> memref<8x64xf32, #tpu.memory_space<hbm>>
      tpu.enqueue_dma source(%dma_start3A_667 : memref<8x64xf32, #tpu.memory_space<hbm>>) target(%dma_start3A_662 : memref<8x64xf32, #tpu.memory_space<vmem>>) target_semaphore(%arg9 : memref<!tpu.dma_semaphore, #tpu.memory_space<semaphore_mem>>)
      %eq3A_668 = arith.constant 5 : i32
      %eq3A_669 = vector.broadcast %eq3A_668 : i32 to vector<16xi32>
      %eq3A_670 = arith.cmpi eq, %iota3A, %eq3A_669 : vector<16xi32>
      %jit3A_671 = arith.constant 0 : i32
      %broadcast_in_dim3A_672 = vector.broadcast %jit3A_671 : i32 to vector<16xi32>
      %select_n3A_673 = arith.select %eq3A_670, %get3A_512, %broadcast_in_dim3A_672 : vector<16xi1>, vector<16xi32>
      %reduce_sum3A_674 = arith.constant true
      %reduce_sum3A_675 = vector.broadcast %reduce_sum3A_674 : i1 to vector<16xi1>
      %reduce_sum3A_676 = tpu.scan <sum>, %select_n3A_673 masked %reduce_sum3A_675 : vector<16xi32>, vector<16xi1> -> vector<16xi32>
      %reduce_sum3A_677 = vector.extract %reduce_sum3A_676[15] : i32 from vector<16xi32>
      %shift_right_logical3A_678 = arith.constant 3 : i32
      %shift_right_logical3A_679 = arith.shrui %reduce_sum3A_677, %shift_right_logical3A_678 : i32
      %dma_start3A_680 = arith.constant 21 : i32
      %dma_start3A_681 = arith.constant 0 : i32
      %dma_start3A_682 = arith.constant 0 : i32
      %dma_start3A_683 = tpu.memref_slice %arg7[%dma_start3A_680, %dma_start3A_681, %dma_start3A_682] : memref<64x8x64xf32, #tpu.memory_space<vmem>> -> memref<1x8x64xf32, #tpu.memory_space<vmem>>
      %dma_start3A_684 = tpu.memref_squeeze %dma_start3A_683 : memref<1x8x64xf32, #tpu.memory_space<vmem>> -> memref<8x64xf32, #tpu.memory_space<vmem>>
      %dma_start3A_685 = tpu.memref_reshape %arg4 : memref<1000000x64xf32, #tpu.memory_space<hbm>> -> memref<125000x8x64xf32, #tpu.memory_space<hbm>>
      %dma_start3A_686 = arith.constant 0 : i32
      %dma_start3A_687 = arith.constant 0 : i32
      %dma_start3A_688 = tpu.memref_slice %dma_start3A_685[%shift_right_logical3A_679, %dma_start3A_686, %dma_start3A_687] : memref<125000x8x64xf32, #tpu.memory_space<hbm>> -> memref<1x8x64xf32, #tpu.memory_space<hbm>>
      %dma_start3A_689 = tpu.memref_squeeze %dma_start3A_688 : memref<1x8x64xf32, #tpu.memory_space<hbm>> -> memref<8x64xf32, #tpu.memory_space<hbm>>
      %dma_start3A_690 = arith.constant 0 : i32
      %dma_start3A_691 = arith.constant 0 : i32
      %dma_start3A_692 = tpu.memref_slice %arg7[%dma_start3A_680, %dma_start3A_690, %dma_start3A_691] : memref<64x8x64xf32, #tpu.memory_space<vmem>> -> memref<1x8x64xf32, #tpu.memory_space<vmem>>
      %dma_start3A_693 = tpu.memref_squeeze %dma_start3A_692 : memref<1x8x64xf32, #tpu.memory_space<vmem>> -> memref<8x64xf32, #tpu.memory_space<vmem>>
      %dma_start3A_694 = tpu.memref_reshape %arg4 : memref<1000000x64xf32, #tpu.memory_space<hbm>> -> memref<125000x8x64xf32, #tpu.memory_space<hbm>>
      %dma_start3A_695 = arith.constant 0 : i32
      %dma_start3A_696 = arith.constant 0 : i32
      %dma_start3A_697 = tpu.memref_slice %dma_start3A_694[%shift_right_logical3A_679, %dma_start3A_695, %dma_start3A_696] : memref<125000x8x64xf32, #tpu.memory_space<hbm>> -> memref<1x8x64xf32, #tpu.memory_space<hbm>>
      %dma_start3A_698 = tpu.memref_squeeze %dma_start3A_697 : memref<1x8x64xf32, #tpu.memory_space<hbm>> -> memref<8x64xf32, #tpu.memory_space<hbm>>
      tpu.enqueue_dma source(%dma_start3A_698 : memref<8x64xf32, #tpu.memory_space<hbm>>) target(%dma_start3A_693 : memref<8x64xf32, #tpu.memory_space<vmem>>) target_semaphore(%arg9 : memref<!tpu.dma_semaphore, #tpu.memory_space<semaphore_mem>>)
      %eq3A_699 = arith.constant 6 : i32
      %eq3A_700 = vector.broadcast %eq3A_699 : i32 to vector<16xi32>
      %eq3A_701 = arith.cmpi eq, %iota3A, %eq3A_700 : vector<16xi32>
      %jit3A_702 = arith.constant 0 : i32
      %broadcast_in_dim3A_703 = vector.broadcast %jit3A_702 : i32 to vector<16xi32>
      %select_n3A_704 = arith.select %eq3A_701, %get3A_512, %broadcast_in_dim3A_703 : vector<16xi1>, vector<16xi32>
      %reduce_sum3A_705 = arith.constant true
      %reduce_sum3A_706 = vector.broadcast %reduce_sum3A_705 : i1 to vector<16xi1>
      %reduce_sum3A_707 = tpu.scan <sum>, %select_n3A_704 masked %reduce_sum3A_706 : vector<16xi32>, vector<16xi1> -> vector<16xi32>
      %reduce_sum3A_708 = vector.extract %reduce_sum3A_707[15] : i32 from vector<16xi32>
      %shift_right_logical3A_709 = arith.constant 3 : i32
      %shift_right_logical3A_710 = arith.shrui %reduce_sum3A_708, %shift_right_logical3A_709 : i32
      %dma_start3A_711 = arith.constant 22 : i32
      %dma_start3A_712 = arith.constant 0 : i32
      %dma_start3A_713 = arith.constant 0 : i32
      %dma_start3A_714 = tpu.memref_slice %arg7[%dma_start3A_711, %dma_start3A_712, %dma_start3A_713] : memref<64x8x64xf32, #tpu.memory_space<vmem>> -> memref<1x8x64xf32, #tpu.memory_space<vmem>>
      %dma_start3A_715 = tpu.memref_squeeze %dma_start3A_714 : memref<1x8x64xf32, #tpu.memory_space<vmem>> -> memref<8x64xf32, #tpu.memory_space<vmem>>
      %dma_start3A_716 = tpu.memref_reshape %arg4 : memref<1000000x64xf32, #tpu.memory_space<hbm>> -> memref<125000x8x64xf32, #tpu.memory_space<hbm>>
      %dma_start3A_717 = arith.constant 0 : i32
      %dma_start3A_718 = arith.constant 0 : i32
      %dma_start3A_719 = tpu.memref_slice %dma_start3A_716[%shift_right_logical3A_710, %dma_start3A_717, %dma_start3A_718] : memref<125000x8x64xf32, #tpu.memory_space<hbm>> -> memref<1x8x64xf32, #tpu.memory_space<hbm>>
      %dma_start3A_720 = tpu.memref_squeeze %dma_start3A_719 : memref<1x8x64xf32, #tpu.memory_space<hbm>> -> memref<8x64xf32, #tpu.memory_space<hbm>>
      %dma_start3A_721 = arith.constant 0 : i32
      %dma_start3A_722 = arith.constant 0 : i32
      %dma_start3A_723 = tpu.memref_slice %arg7[%dma_start3A_711, %dma_start3A_721, %dma_start3A_722] : memref<64x8x64xf32, #tpu.memory_space<vmem>> -> memref<1x8x64xf32, #tpu.memory_space<vmem>>
      %dma_start3A_724 = tpu.memref_squeeze %dma_start3A_723 : memref<1x8x64xf32, #tpu.memory_space<vmem>> -> memref<8x64xf32, #tpu.memory_space<vmem>>
      %dma_start3A_725 = tpu.memref_reshape %arg4 : memref<1000000x64xf32, #tpu.memory_space<hbm>> -> memref<125000x8x64xf32, #tpu.memory_space<hbm>>
      %dma_start3A_726 = arith.constant 0 : i32
      %dma_start3A_727 = arith.constant 0 : i32
      %dma_start3A_728 = tpu.memref_slice %dma_start3A_725[%shift_right_logical3A_710, %dma_start3A_726, %dma_start3A_727] : memref<125000x8x64xf32, #tpu.memory_space<hbm>> -> memref<1x8x64xf32, #tpu.memory_space<hbm>>
      %dma_start3A_729 = tpu.memref_squeeze %dma_start3A_728 : memref<1x8x64xf32, #tpu.memory_space<hbm>> -> memref<8x64xf32, #tpu.memory_space<hbm>>
      tpu.enqueue_dma source(%dma_start3A_729 : memref<8x64xf32, #tpu.memory_space<hbm>>) target(%dma_start3A_724 : memref<8x64xf32, #tpu.memory_space<vmem>>) target_semaphore(%arg9 : memref<!tpu.dma_semaphore, #tpu.memory_space<semaphore_mem>>)
      %eq3A_730 = arith.constant 7 : i32
      %eq3A_731 = vector.broadcast %eq3A_730 : i32 to vector<16xi32>
      %eq3A_732 = arith.cmpi eq, %iota3A, %eq3A_731 : vector<16xi32>
      %jit3A_733 = arith.constant 0 : i32
      %broadcast_in_dim3A_734 = vector.broadcast %jit3A_733 : i32 to vector<16xi32>
      %select_n3A_735 = arith.select %eq3A_732, %get3A_512, %broadcast_in_dim3A_734 : vector<16xi1>, vector<16xi32>
      %reduce_sum3A_736 = arith.constant true
      %reduce_sum3A_737 = vector.broadcast %reduce_sum3A_736 : i1 to vector<16xi1>
      %reduce_sum3A_738 = tpu.scan <sum>, %select_n3A_735 masked %reduce_sum3A_737 : vector<16xi32>, vector<16xi1> -> vector<16xi32>
      %reduce_sum3A_739 = vector.extract %reduce_sum3A_738[15] : i32 from vector<16xi32>
      %shift_right_logical3A_740 = arith.constant 3 : i32
      %shift_right_logical3A_741 = arith.shrui %reduce_sum3A_739, %shift_right_logical3A_740 : i32
      %dma_start3A_742 = arith.constant 23 : i32
      %dma_start3A_743 = arith.constant 0 : i32
      %dma_start3A_744 = arith.constant 0 : i32
      %dma_start3A_745 = tpu.memref_slice %arg7[%dma_start3A_742, %dma_start3A_743, %dma_start3A_744] : memref<64x8x64xf32, #tpu.memory_space<vmem>> -> memref<1x8x64xf32, #tpu.memory_space<vmem>>
      %dma_start3A_746 = tpu.memref_squeeze %dma_start3A_745 : memref<1x8x64xf32, #tpu.memory_space<vmem>> -> memref<8x64xf32, #tpu.memory_space<vmem>>
      %dma_start3A_747 = tpu.memref_reshape %arg4 : memref<1000000x64xf32, #tpu.memory_space<hbm>> -> memref<125000x8x64xf32, #tpu.memory_space<hbm>>
      %dma_start3A_748 = arith.constant 0 : i32
      %dma_start3A_749 = arith.constant 0 : i32
      %dma_start3A_750 = tpu.memref_slice %dma_start3A_747[%shift_right_logical3A_741, %dma_start3A_748, %dma_start3A_749] : memref<125000x8x64xf32, #tpu.memory_space<hbm>> -> memref<1x8x64xf32, #tpu.memory_space<hbm>>
      %dma_start3A_751 = tpu.memref_squeeze %dma_start3A_750 : memref<1x8x64xf32, #tpu.memory_space<hbm>> -> memref<8x64xf32, #tpu.memory_space<hbm>>
      %dma_start3A_752 = arith.constant 0 : i32
      %dma_start3A_753 = arith.constant 0 : i32
      %dma_start3A_754 = tpu.memref_slice %arg7[%dma_start3A_742, %dma_start3A_752, %dma_start3A_753] : memref<64x8x64xf32, #tpu.memory_space<vmem>> -> memref<1x8x64xf32, #tpu.memory_space<vmem>>
      %dma_start3A_755 = tpu.memref_squeeze %dma_start3A_754 : memref<1x8x64xf32, #tpu.memory_space<vmem>> -> memref<8x64xf32, #tpu.memory_space<vmem>>
      %dma_start3A_756 = tpu.memref_reshape %arg4 : memref<1000000x64xf32, #tpu.memory_space<hbm>> -> memref<125000x8x64xf32, #tpu.memory_space<hbm>>
      %dma_start3A_757 = arith.constant 0 : i32
      %dma_start3A_758 = arith.constant 0 : i32
      %dma_start3A_759 = tpu.memref_slice %dma_start3A_756[%shift_right_logical3A_741, %dma_start3A_757, %dma_start3A_758] : memref<125000x8x64xf32, #tpu.memory_space<hbm>> -> memref<1x8x64xf32, #tpu.memory_space<hbm>>
      %dma_start3A_760 = tpu.memref_squeeze %dma_start3A_759 : memref<1x8x64xf32, #tpu.memory_space<hbm>> -> memref<8x64xf32, #tpu.memory_space<hbm>>
      tpu.enqueue_dma source(%dma_start3A_760 : memref<8x64xf32, #tpu.memory_space<hbm>>) target(%dma_start3A_755 : memref<8x64xf32, #tpu.memory_space<vmem>>) target_semaphore(%arg9 : memref<!tpu.dma_semaphore, #tpu.memory_space<semaphore_mem>>)
      %eq3A_761 = arith.constant 8 : i32
      %eq3A_762 = vector.broadcast %eq3A_761 : i32 to vector<16xi32>
      %eq3A_763 = arith.cmpi eq, %iota3A, %eq3A_762 : vector<16xi32>
      %jit3A_764 = arith.constant 0 : i32
      %broadcast_in_dim3A_765 = vector.broadcast %jit3A_764 : i32 to vector<16xi32>
      %select_n3A_766 = arith.select %eq3A_763, %get3A_512, %broadcast_in_dim3A_765 : vector<16xi1>, vector<16xi32>
      %reduce_sum3A_767 = arith.constant true
      %reduce_sum3A_768 = vector.broadcast %reduce_sum3A_767 : i1 to vector<16xi1>
      %reduce_sum3A_769 = tpu.scan <sum>, %select_n3A_766 masked %reduce_sum3A_768 : vector<16xi32>, vector<16xi1> -> vector<16xi32>
      %reduce_sum3A_770 = vector.extract %reduce_sum3A_769[15] : i32 from vector<16xi32>
      %shift_right_logical3A_771 = arith.constant 3 : i32
      %shift_right_logical3A_772 = arith.shrui %reduce_sum3A_770, %shift_right_logical3A_771 : i32
      %dma_start3A_773 = arith.constant 24 : i32
      %dma_start3A_774 = arith.constant 0 : i32
      %dma_start3A_775 = arith.constant 0 : i32
      %dma_start3A_776 = tpu.memref_slice %arg7[%dma_start3A_773, %dma_start3A_774, %dma_start3A_775] : memref<64x8x64xf32, #tpu.memory_space<vmem>> -> memref<1x8x64xf32, #tpu.memory_space<vmem>>
      %dma_start3A_777 = tpu.memref_squeeze %dma_start3A_776 : memref<1x8x64xf32, #tpu.memory_space<vmem>> -> memref<8x64xf32, #tpu.memory_space<vmem>>
      %dma_start3A_778 = tpu.memref_reshape %arg4 : memref<1000000x64xf32, #tpu.memory_space<hbm>> -> memref<125000x8x64xf32, #tpu.memory_space<hbm>>
      %dma_start3A_779 = arith.constant 0 : i32
      %dma_start3A_780 = arith.constant 0 : i32
      %dma_start3A_781 = tpu.memref_slice %dma_start3A_778[%shift_right_logical3A_772, %dma_start3A_779, %dma_start3A_780] : memref<125000x8x64xf32, #tpu.memory_space<hbm>> -> memref<1x8x64xf32, #tpu.memory_space<hbm>>
      %dma_start3A_782 = tpu.memref_squeeze %dma_start3A_781 : memref<1x8x64xf32, #tpu.memory_space<hbm>> -> memref<8x64xf32, #tpu.memory_space<hbm>>
      %dma_start3A_783 = arith.constant 0 : i32
      %dma_start3A_784 = arith.constant 0 : i32
      %dma_start3A_785 = tpu.memref_slice %arg7[%dma_start3A_773, %dma_start3A_783, %dma_start3A_784] : memref<64x8x64xf32, #tpu.memory_space<vmem>> -> memref<1x8x64xf32, #tpu.memory_space<vmem>>
      %dma_start3A_786 = tpu.memref_squeeze %dma_start3A_785 : memref<1x8x64xf32, #tpu.memory_space<vmem>> -> memref<8x64xf32, #tpu.memory_space<vmem>>
      %dma_start3A_787 = tpu.memref_reshape %arg4 : memref<1000000x64xf32, #tpu.memory_space<hbm>> -> memref<125000x8x64xf32, #tpu.memory_space<hbm>>
      %dma_start3A_788 = arith.constant 0 : i32
      %dma_start3A_789 = arith.constant 0 : i32
      %dma_start3A_790 = tpu.memref_slice %dma_start3A_787[%shift_right_logical3A_772, %dma_start3A_788, %dma_start3A_789] : memref<125000x8x64xf32, #tpu.memory_space<hbm>> -> memref<1x8x64xf32, #tpu.memory_space<hbm>>
      %dma_start3A_791 = tpu.memref_squeeze %dma_start3A_790 : memref<1x8x64xf32, #tpu.memory_space<hbm>> -> memref<8x64xf32, #tpu.memory_space<hbm>>
      tpu.enqueue_dma source(%dma_start3A_791 : memref<8x64xf32, #tpu.memory_space<hbm>>) target(%dma_start3A_786 : memref<8x64xf32, #tpu.memory_space<vmem>>) target_semaphore(%arg9 : memref<!tpu.dma_semaphore, #tpu.memory_space<semaphore_mem>>)
      %eq3A_792 = arith.constant 9 : i32
      %eq3A_793 = vector.broadcast %eq3A_792 : i32 to vector<16xi32>
      %eq3A_794 = arith.cmpi eq, %iota3A, %eq3A_793 : vector<16xi32>
      %jit3A_795 = arith.constant 0 : i32
      %broadcast_in_dim3A_796 = vector.broadcast %jit3A_795 : i32 to vector<16xi32>
      %select_n3A_797 = arith.select %eq3A_794, %get3A_512, %broadcast_in_dim3A_796 : vector<16xi1>, vector<16xi32>
      %reduce_sum3A_798 = arith.constant true
      %reduce_sum3A_799 = vector.broadcast %reduce_sum3A_798 : i1 to vector<16xi1>
      %reduce_sum3A_800 = tpu.scan <sum>, %select_n3A_797 masked %reduce_sum3A_799 : vector<16xi32>, vector<16xi1> -> vector<16xi32>
      %reduce_sum3A_801 = vector.extract %reduce_sum3A_800[15] : i32 from vector<16xi32>
      %shift_right_logical3A_802 = arith.constant 3 : i32
      %shift_right_logical3A_803 = arith.shrui %reduce_sum3A_801, %shift_right_logical3A_802 : i32
      %dma_start3A_804 = arith.constant 25 : i32
      %dma_start3A_805 = arith.constant 0 : i32
      %dma_start3A_806 = arith.constant 0 : i32
      %dma_start3A_807 = tpu.memref_slice %arg7[%dma_start3A_804, %dma_start3A_805, %dma_start3A_806] : memref<64x8x64xf32, #tpu.memory_space<vmem>> -> memref<1x8x64xf32, #tpu.memory_space<vmem>>
      %dma_start3A_808 = tpu.memref_squeeze %dma_start3A_807 : memref<1x8x64xf32, #tpu.memory_space<vmem>> -> memref<8x64xf32, #tpu.memory_space<vmem>>
      %dma_start3A_809 = tpu.memref_reshape %arg4 : memref<1000000x64xf32, #tpu.memory_space<hbm>> -> memref<125000x8x64xf32, #tpu.memory_space<hbm>>
      %dma_start3A_810 = arith.constant 0 : i32
      %dma_start3A_811 = arith.constant 0 : i32
      %dma_start3A_812 = tpu.memref_slice %dma_start3A_809[%shift_right_logical3A_803, %dma_start3A_810, %dma_start3A_811] : memref<125000x8x64xf32, #tpu.memory_space<hbm>> -> memref<1x8x64xf32, #tpu.memory_space<hbm>>
      %dma_start3A_813 = tpu.memref_squeeze %dma_start3A_812 : memref<1x8x64xf32, #tpu.memory_space<hbm>> -> memref<8x64xf32, #tpu.memory_space<hbm>>
      %dma_start3A_814 = arith.constant 0 : i32
      %dma_start3A_815 = arith.constant 0 : i32
      %dma_start3A_816 = tpu.memref_slice %arg7[%dma_start3A_804, %dma_start3A_814, %dma_start3A_815] : memref<64x8x64xf32, #tpu.memory_space<vmem>> -> memref<1x8x64xf32, #tpu.memory_space<vmem>>
      %dma_start3A_817 = tpu.memref_squeeze %dma_start3A_816 : memref<1x8x64xf32, #tpu.memory_space<vmem>> -> memref<8x64xf32, #tpu.memory_space<vmem>>
      %dma_start3A_818 = tpu.memref_reshape %arg4 : memref<1000000x64xf32, #tpu.memory_space<hbm>> -> memref<125000x8x64xf32, #tpu.memory_space<hbm>>
      %dma_start3A_819 = arith.constant 0 : i32
      %dma_start3A_820 = arith.constant 0 : i32
      %dma_start3A_821 = tpu.memref_slice %dma_start3A_818[%shift_right_logical3A_803, %dma_start3A_819, %dma_start3A_820] : memref<125000x8x64xf32, #tpu.memory_space<hbm>> -> memref<1x8x64xf32, #tpu.memory_space<hbm>>
      %dma_start3A_822 = tpu.memref_squeeze %dma_start3A_821 : memref<1x8x64xf32, #tpu.memory_space<hbm>> -> memref<8x64xf32, #tpu.memory_space<hbm>>
      tpu.enqueue_dma source(%dma_start3A_822 : memref<8x64xf32, #tpu.memory_space<hbm>>) target(%dma_start3A_817 : memref<8x64xf32, #tpu.memory_space<vmem>>) target_semaphore(%arg9 : memref<!tpu.dma_semaphore, #tpu.memory_space<semaphore_mem>>)
      %eq3A_823 = arith.constant 10 : i32
      %eq3A_824 = vector.broadcast %eq3A_823 : i32 to vector<16xi32>
      %eq3A_825 = arith.cmpi eq, %iota3A, %eq3A_824 : vector<16xi32>
      %jit3A_826 = arith.constant 0 : i32
      %broadcast_in_dim3A_827 = vector.broadcast %jit3A_826 : i32 to vector<16xi32>
      %select_n3A_828 = arith.select %eq3A_825, %get3A_512, %broadcast_in_dim3A_827 : vector<16xi1>, vector<16xi32>
      %reduce_sum3A_829 = arith.constant true
      %reduce_sum3A_830 = vector.broadcast %reduce_sum3A_829 : i1 to vector<16xi1>
      %reduce_sum3A_831 = tpu.scan <sum>, %select_n3A_828 masked %reduce_sum3A_830 : vector<16xi32>, vector<16xi1> -> vector<16xi32>
      %reduce_sum3A_832 = vector.extract %reduce_sum3A_831[15] : i32 from vector<16xi32>
      %shift_right_logical3A_833 = arith.constant 3 : i32
      %shift_right_logical3A_834 = arith.shrui %reduce_sum3A_832, %shift_right_logical3A_833 : i32
      %dma_start3A_835 = arith.constant 26 : i32
      %dma_start3A_836 = arith.constant 0 : i32
      %dma_start3A_837 = arith.constant 0 : i32
      %dma_start3A_838 = tpu.memref_slice %arg7[%dma_start3A_835, %dma_start3A_836, %dma_start3A_837] : memref<64x8x64xf32, #tpu.memory_space<vmem>> -> memref<1x8x64xf32, #tpu.memory_space<vmem>>
      %dma_start3A_839 = tpu.memref_squeeze %dma_start3A_838 : memref<1x8x64xf32, #tpu.memory_space<vmem>> -> memref<8x64xf32, #tpu.memory_space<vmem>>
      %dma_start3A_840 = tpu.memref_reshape %arg4 : memref<1000000x64xf32, #tpu.memory_space<hbm>> -> memref<125000x8x64xf32, #tpu.memory_space<hbm>>
      %dma_start3A_841 = arith.constant 0 : i32
      %dma_start3A_842 = arith.constant 0 : i32
      %dma_start3A_843 = tpu.memref_slice %dma_start3A_840[%shift_right_logical3A_834, %dma_start3A_841, %dma_start3A_842] : memref<125000x8x64xf32, #tpu.memory_space<hbm>> -> memref<1x8x64xf32, #tpu.memory_space<hbm>>
      %dma_start3A_844 = tpu.memref_squeeze %dma_start3A_843 : memref<1x8x64xf32, #tpu.memory_space<hbm>> -> memref<8x64xf32, #tpu.memory_space<hbm>>
      %dma_start3A_845 = arith.constant 0 : i32
      %dma_start3A_846 = arith.constant 0 : i32
      %dma_start3A_847 = tpu.memref_slice %arg7[%dma_start3A_835, %dma_start3A_845, %dma_start3A_846] : memref<64x8x64xf32, #tpu.memory_space<vmem>> -> memref<1x8x64xf32, #tpu.memory_space<vmem>>
      %dma_start3A_848 = tpu.memref_squeeze %dma_start3A_847 : memref<1x8x64xf32, #tpu.memory_space<vmem>> -> memref<8x64xf32, #tpu.memory_space<vmem>>
      %dma_start3A_849 = tpu.memref_reshape %arg4 : memref<1000000x64xf32, #tpu.memory_space<hbm>> -> memref<125000x8x64xf32, #tpu.memory_space<hbm>>
      %dma_start3A_850 = arith.constant 0 : i32
      %dma_start3A_851 = arith.constant 0 : i32
      %dma_start3A_852 = tpu.memref_slice %dma_start3A_849[%shift_right_logical3A_834, %dma_start3A_850, %dma_start3A_851] : memref<125000x8x64xf32, #tpu.memory_space<hbm>> -> memref<1x8x64xf32, #tpu.memory_space<hbm>>
      %dma_start3A_853 = tpu.memref_squeeze %dma_start3A_852 : memref<1x8x64xf32, #tpu.memory_space<hbm>> -> memref<8x64xf32, #tpu.memory_space<hbm>>
      tpu.enqueue_dma source(%dma_start3A_853 : memref<8x64xf32, #tpu.memory_space<hbm>>) target(%dma_start3A_848 : memref<8x64xf32, #tpu.memory_space<vmem>>) target_semaphore(%arg9 : memref<!tpu.dma_semaphore, #tpu.memory_space<semaphore_mem>>)
      %eq3A_854 = arith.constant 11 : i32
      %eq3A_855 = vector.broadcast %eq3A_854 : i32 to vector<16xi32>
      %eq3A_856 = arith.cmpi eq, %iota3A, %eq3A_855 : vector<16xi32>
      %jit3A_857 = arith.constant 0 : i32
      %broadcast_in_dim3A_858 = vector.broadcast %jit3A_857 : i32 to vector<16xi32>
      %select_n3A_859 = arith.select %eq3A_856, %get3A_512, %broadcast_in_dim3A_858 : vector<16xi1>, vector<16xi32>
      %reduce_sum3A_860 = arith.constant true
      %reduce_sum3A_861 = vector.broadcast %reduce_sum3A_860 : i1 to vector<16xi1>
      %reduce_sum3A_862 = tpu.scan <sum>, %select_n3A_859 masked %reduce_sum3A_861 : vector<16xi32>, vector<16xi1> -> vector<16xi32>
      %reduce_sum3A_863 = vector.extract %reduce_sum3A_862[15] : i32 from vector<16xi32>
      %shift_right_logical3A_864 = arith.constant 3 : i32
      %shift_right_logical3A_865 = arith.shrui %reduce_sum3A_863, %shift_right_logical3A_864 : i32
      %dma_start3A_866 = arith.constant 27 : i32
      %dma_start3A_867 = arith.constant 0 : i32
      %dma_start3A_868 = arith.constant 0 : i32
      %dma_start3A_869 = tpu.memref_slice %arg7[%dma_start3A_866, %dma_start3A_867, %dma_start3A_868] : memref<64x8x64xf32, #tpu.memory_space<vmem>> -> memref<1x8x64xf32, #tpu.memory_space<vmem>>
      %dma_start3A_870 = tpu.memref_squeeze %dma_start3A_869 : memref<1x8x64xf32, #tpu.memory_space<vmem>> -> memref<8x64xf32, #tpu.memory_space<vmem>>
      %dma_start3A_871 = tpu.memref_reshape %arg4 : memref<1000000x64xf32, #tpu.memory_space<hbm>> -> memref<125000x8x64xf32, #tpu.memory_space<hbm>>
      %dma_start3A_872 = arith.constant 0 : i32
      %dma_start3A_873 = arith.constant 0 : i32
      %dma_start3A_874 = tpu.memref_slice %dma_start3A_871[%shift_right_logical3A_865, %dma_start3A_872, %dma_start3A_873] : memref<125000x8x64xf32, #tpu.memory_space<hbm>> -> memref<1x8x64xf32, #tpu.memory_space<hbm>>
      %dma_start3A_875 = tpu.memref_squeeze %dma_start3A_874 : memref<1x8x64xf32, #tpu.memory_space<hbm>> -> memref<8x64xf32, #tpu.memory_space<hbm>>
      %dma_start3A_876 = arith.constant 0 : i32
      %dma_start3A_877 = arith.constant 0 : i32
      %dma_start3A_878 = tpu.memref_slice %arg7[%dma_start3A_866, %dma_start3A_876, %dma_start3A_877] : memref<64x8x64xf32, #tpu.memory_space<vmem>> -> memref<1x8x64xf32, #tpu.memory_space<vmem>>
      %dma_start3A_879 = tpu.memref_squeeze %dma_start3A_878 : memref<1x8x64xf32, #tpu.memory_space<vmem>> -> memref<8x64xf32, #tpu.memory_space<vmem>>
      %dma_start3A_880 = tpu.memref_reshape %arg4 : memref<1000000x64xf32, #tpu.memory_space<hbm>> -> memref<125000x8x64xf32, #tpu.memory_space<hbm>>
      %dma_start3A_881 = arith.constant 0 : i32
      %dma_start3A_882 = arith.constant 0 : i32
      %dma_start3A_883 = tpu.memref_slice %dma_start3A_880[%shift_right_logical3A_865, %dma_start3A_881, %dma_start3A_882] : memref<125000x8x64xf32, #tpu.memory_space<hbm>> -> memref<1x8x64xf32, #tpu.memory_space<hbm>>
      %dma_start3A_884 = tpu.memref_squeeze %dma_start3A_883 : memref<1x8x64xf32, #tpu.memory_space<hbm>> -> memref<8x64xf32, #tpu.memory_space<hbm>>
      tpu.enqueue_dma source(%dma_start3A_884 : memref<8x64xf32, #tpu.memory_space<hbm>>) target(%dma_start3A_879 : memref<8x64xf32, #tpu.memory_space<vmem>>) target_semaphore(%arg9 : memref<!tpu.dma_semaphore, #tpu.memory_space<semaphore_mem>>)
      %eq3A_885 = arith.constant 12 : i32
      %eq3A_886 = vector.broadcast %eq3A_885 : i32 to vector<16xi32>
      %eq3A_887 = arith.cmpi eq, %iota3A, %eq3A_886 : vector<16xi32>
      %jit3A_888 = arith.constant 0 : i32
      %broadcast_in_dim3A_889 = vector.broadcast %jit3A_888 : i32 to vector<16xi32>
      %select_n3A_890 = arith.select %eq3A_887, %get3A_512, %broadcast_in_dim3A_889 : vector<16xi1>, vector<16xi32>
      %reduce_sum3A_891 = arith.constant true
      %reduce_sum3A_892 = vector.broadcast %reduce_sum3A_891 : i1 to vector<16xi1>
      %reduce_sum3A_893 = tpu.scan <sum>, %select_n3A_890 masked %reduce_sum3A_892 : vector<16xi32>, vector<16xi1> -> vector<16xi32>
      %reduce_sum3A_894 = vector.extract %reduce_sum3A_893[15] : i32 from vector<16xi32>
      %shift_right_logical3A_895 = arith.constant 3 : i32
      %shift_right_logical3A_896 = arith.shrui %reduce_sum3A_894, %shift_right_logical3A_895 : i32
      %dma_start3A_897 = arith.constant 28 : i32
      %dma_start3A_898 = arith.constant 0 : i32
      %dma_start3A_899 = arith.constant 0 : i32
      %dma_start3A_900 = tpu.memref_slice %arg7[%dma_start3A_897, %dma_start3A_898, %dma_start3A_899] : memref<64x8x64xf32, #tpu.memory_space<vmem>> -> memref<1x8x64xf32, #tpu.memory_space<vmem>>
      %dma_start3A_901 = tpu.memref_squeeze %dma_start3A_900 : memref<1x8x64xf32, #tpu.memory_space<vmem>> -> memref<8x64xf32, #tpu.memory_space<vmem>>
      %dma_start3A_902 = tpu.memref_reshape %arg4 : memref<1000000x64xf32, #tpu.memory_space<hbm>> -> memref<125000x8x64xf32, #tpu.memory_space<hbm>>
      %dma_start3A_903 = arith.constant 0 : i32
      %dma_start3A_904 = arith.constant 0 : i32
      %dma_start3A_905 = tpu.memref_slice %dma_start3A_902[%shift_right_logical3A_896, %dma_start3A_903, %dma_start3A_904] : memref<125000x8x64xf32, #tpu.memory_space<hbm>> -> memref<1x8x64xf32, #tpu.memory_space<hbm>>
      %dma_start3A_906 = tpu.memref_squeeze %dma_start3A_905 : memref<1x8x64xf32, #tpu.memory_space<hbm>> -> memref<8x64xf32, #tpu.memory_space<hbm>>
      %dma_start3A_907 = arith.constant 0 : i32
      %dma_start3A_908 = arith.constant 0 : i32
      %dma_start3A_909 = tpu.memref_slice %arg7[%dma_start3A_897, %dma_start3A_907, %dma_start3A_908] : memref<64x8x64xf32, #tpu.memory_space<vmem>> -> memref<1x8x64xf32, #tpu.memory_space<vmem>>
      %dma_start3A_910 = tpu.memref_squeeze %dma_start3A_909 : memref<1x8x64xf32, #tpu.memory_space<vmem>> -> memref<8x64xf32, #tpu.memory_space<vmem>>
      %dma_start3A_911 = tpu.memref_reshape %arg4 : memref<1000000x64xf32, #tpu.memory_space<hbm>> -> memref<125000x8x64xf32, #tpu.memory_space<hbm>>
      %dma_start3A_912 = arith.constant 0 : i32
      %dma_start3A_913 = arith.constant 0 : i32
      %dma_start3A_914 = tpu.memref_slice %dma_start3A_911[%shift_right_logical3A_896, %dma_start3A_912, %dma_start3A_913] : memref<125000x8x64xf32, #tpu.memory_space<hbm>> -> memref<1x8x64xf32, #tpu.memory_space<hbm>>
      %dma_start3A_915 = tpu.memref_squeeze %dma_start3A_914 : memref<1x8x64xf32, #tpu.memory_space<hbm>> -> memref<8x64xf32, #tpu.memory_space<hbm>>
      tpu.enqueue_dma source(%dma_start3A_915 : memref<8x64xf32, #tpu.memory_space<hbm>>) target(%dma_start3A_910 : memref<8x64xf32, #tpu.memory_space<vmem>>) target_semaphore(%arg9 : memref<!tpu.dma_semaphore, #tpu.memory_space<semaphore_mem>>)
      %eq3A_916 = arith.constant 13 : i32
      %eq3A_917 = vector.broadcast %eq3A_916 : i32 to vector<16xi32>
      %eq3A_918 = arith.cmpi eq, %iota3A, %eq3A_917 : vector<16xi32>
      %jit3A_919 = arith.constant 0 : i32
      %broadcast_in_dim3A_920 = vector.broadcast %jit3A_919 : i32 to vector<16xi32>
      %select_n3A_921 = arith.select %eq3A_918, %get3A_512, %broadcast_in_dim3A_920 : vector<16xi1>, vector<16xi32>
      %reduce_sum3A_922 = arith.constant true
      %reduce_sum3A_923 = vector.broadcast %reduce_sum3A_922 : i1 to vector<16xi1>
      %reduce_sum3A_924 = tpu.scan <sum>, %select_n3A_921 masked %reduce_sum3A_923 : vector<16xi32>, vector<16xi1> -> vector<16xi32>
      %reduce_sum3A_925 = vector.extract %reduce_sum3A_924[15] : i32 from vector<16xi32>
      %shift_right_logical3A_926 = arith.constant 3 : i32
      %shift_right_logical3A_927 = arith.shrui %reduce_sum3A_925, %shift_right_logical3A_926 : i32
      %dma_start3A_928 = arith.constant 29 : i32
      %dma_start3A_929 = arith.constant 0 : i32
      %dma_start3A_930 = arith.constant 0 : i32
      %dma_start3A_931 = tpu.memref_slice %arg7[%dma_start3A_928, %dma_start3A_929, %dma_start3A_930] : memref<64x8x64xf32, #tpu.memory_space<vmem>> -> memref<1x8x64xf32, #tpu.memory_space<vmem>>
      %dma_start3A_932 = tpu.memref_squeeze %dma_start3A_931 : memref<1x8x64xf32, #tpu.memory_space<vmem>> -> memref<8x64xf32, #tpu.memory_space<vmem>>
      %dma_start3A_933 = tpu.memref_reshape %arg4 : memref<1000000x64xf32, #tpu.memory_space<hbm>> -> memref<125000x8x64xf32, #tpu.memory_space<hbm>>
      %dma_start3A_934 = arith.constant 0 : i32
      %dma_start3A_935 = arith.constant 0 : i32
      %dma_start3A_936 = tpu.memref_slice %dma_start3A_933[%shift_right_logical3A_927, %dma_start3A_934, %dma_start3A_935] : memref<125000x8x64xf32, #tpu.memory_space<hbm>> -> memref<1x8x64xf32, #tpu.memory_space<hbm>>
      %dma_start3A_937 = tpu.memref_squeeze %dma_start3A_936 : memref<1x8x64xf32, #tpu.memory_space<hbm>> -> memref<8x64xf32, #tpu.memory_space<hbm>>
      %dma_start3A_938 = arith.constant 0 : i32
      %dma_start3A_939 = arith.constant 0 : i32
      %dma_start3A_940 = tpu.memref_slice %arg7[%dma_start3A_928, %dma_start3A_938, %dma_start3A_939] : memref<64x8x64xf32, #tpu.memory_space<vmem>> -> memref<1x8x64xf32, #tpu.memory_space<vmem>>
      %dma_start3A_941 = tpu.memref_squeeze %dma_start3A_940 : memref<1x8x64xf32, #tpu.memory_space<vmem>> -> memref<8x64xf32, #tpu.memory_space<vmem>>
      %dma_start3A_942 = tpu.memref_reshape %arg4 : memref<1000000x64xf32, #tpu.memory_space<hbm>> -> memref<125000x8x64xf32, #tpu.memory_space<hbm>>
      %dma_start3A_943 = arith.constant 0 : i32
      %dma_start3A_944 = arith.constant 0 : i32
      %dma_start3A_945 = tpu.memref_slice %dma_start3A_942[%shift_right_logical3A_927, %dma_start3A_943, %dma_start3A_944] : memref<125000x8x64xf32, #tpu.memory_space<hbm>> -> memref<1x8x64xf32, #tpu.memory_space<hbm>>
      %dma_start3A_946 = tpu.memref_squeeze %dma_start3A_945 : memref<1x8x64xf32, #tpu.memory_space<hbm>> -> memref<8x64xf32, #tpu.memory_space<hbm>>
      tpu.enqueue_dma source(%dma_start3A_946 : memref<8x64xf32, #tpu.memory_space<hbm>>) target(%dma_start3A_941 : memref<8x64xf32, #tpu.memory_space<vmem>>) target_semaphore(%arg9 : memref<!tpu.dma_semaphore, #tpu.memory_space<semaphore_mem>>)
      %eq3A_947 = arith.constant 14 : i32
      %eq3A_948 = vector.broadcast %eq3A_947 : i32 to vector<16xi32>
      %eq3A_949 = arith.cmpi eq, %iota3A, %eq3A_948 : vector<16xi32>
      %jit3A_950 = arith.constant 0 : i32
      %broadcast_in_dim3A_951 = vector.broadcast %jit3A_950 : i32 to vector<16xi32>
      %select_n3A_952 = arith.select %eq3A_949, %get3A_512, %broadcast_in_dim3A_951 : vector<16xi1>, vector<16xi32>
      %reduce_sum3A_953 = arith.constant true
      %reduce_sum3A_954 = vector.broadcast %reduce_sum3A_953 : i1 to vector<16xi1>
      %reduce_sum3A_955 = tpu.scan <sum>, %select_n3A_952 masked %reduce_sum3A_954 : vector<16xi32>, vector<16xi1> -> vector<16xi32>
      %reduce_sum3A_956 = vector.extract %reduce_sum3A_955[15] : i32 from vector<16xi32>
      %shift_right_logical3A_957 = arith.constant 3 : i32
      %shift_right_logical3A_958 = arith.shrui %reduce_sum3A_956, %shift_right_logical3A_957 : i32
      %dma_start3A_959 = arith.constant 30 : i32
      %dma_start3A_960 = arith.constant 0 : i32
      %dma_start3A_961 = arith.constant 0 : i32
      %dma_start3A_962 = tpu.memref_slice %arg7[%dma_start3A_959, %dma_start3A_960, %dma_start3A_961] : memref<64x8x64xf32, #tpu.memory_space<vmem>> -> memref<1x8x64xf32, #tpu.memory_space<vmem>>
      %dma_start3A_963 = tpu.memref_squeeze %dma_start3A_962 : memref<1x8x64xf32, #tpu.memory_space<vmem>> -> memref<8x64xf32, #tpu.memory_space<vmem>>
      %dma_start3A_964 = tpu.memref_reshape %arg4 : memref<1000000x64xf32, #tpu.memory_space<hbm>> -> memref<125000x8x64xf32, #tpu.memory_space<hbm>>
      %dma_start3A_965 = arith.constant 0 : i32
      %dma_start3A_966 = arith.constant 0 : i32
      %dma_start3A_967 = tpu.memref_slice %dma_start3A_964[%shift_right_logical3A_958, %dma_start3A_965, %dma_start3A_966] : memref<125000x8x64xf32, #tpu.memory_space<hbm>> -> memref<1x8x64xf32, #tpu.memory_space<hbm>>
      %dma_start3A_968 = tpu.memref_squeeze %dma_start3A_967 : memref<1x8x64xf32, #tpu.memory_space<hbm>> -> memref<8x64xf32, #tpu.memory_space<hbm>>
      %dma_start3A_969 = arith.constant 0 : i32
      %dma_start3A_970 = arith.constant 0 : i32
      %dma_start3A_971 = tpu.memref_slice %arg7[%dma_start3A_959, %dma_start3A_969, %dma_start3A_970] : memref<64x8x64xf32, #tpu.memory_space<vmem>> -> memref<1x8x64xf32, #tpu.memory_space<vmem>>
      %dma_start3A_972 = tpu.memref_squeeze %dma_start3A_971 : memref<1x8x64xf32, #tpu.memory_space<vmem>> -> memref<8x64xf32, #tpu.memory_space<vmem>>
      %dma_start3A_973 = tpu.memref_reshape %arg4 : memref<1000000x64xf32, #tpu.memory_space<hbm>> -> memref<125000x8x64xf32, #tpu.memory_space<hbm>>
      %dma_start3A_974 = arith.constant 0 : i32
      %dma_start3A_975 = arith.constant 0 : i32
      %dma_start3A_976 = tpu.memref_slice %dma_start3A_973[%shift_right_logical3A_958, %dma_start3A_974, %dma_start3A_975] : memref<125000x8x64xf32, #tpu.memory_space<hbm>> -> memref<1x8x64xf32, #tpu.memory_space<hbm>>
      %dma_start3A_977 = tpu.memref_squeeze %dma_start3A_976 : memref<1x8x64xf32, #tpu.memory_space<hbm>> -> memref<8x64xf32, #tpu.memory_space<hbm>>
      tpu.enqueue_dma source(%dma_start3A_977 : memref<8x64xf32, #tpu.memory_space<hbm>>) target(%dma_start3A_972 : memref<8x64xf32, #tpu.memory_space<vmem>>) target_semaphore(%arg9 : memref<!tpu.dma_semaphore, #tpu.memory_space<semaphore_mem>>)
      %eq3A_978 = arith.constant 15 : i32
      %eq3A_979 = vector.broadcast %eq3A_978 : i32 to vector<16xi32>
      %eq3A_980 = arith.cmpi eq, %iota3A, %eq3A_979 : vector<16xi32>
      %jit3A_981 = arith.constant 0 : i32
      %broadcast_in_dim3A_982 = vector.broadcast %jit3A_981 : i32 to vector<16xi32>
      %select_n3A_983 = arith.select %eq3A_980, %get3A_512, %broadcast_in_dim3A_982 : vector<16xi1>, vector<16xi32>
      %reduce_sum3A_984 = arith.constant true
      %reduce_sum3A_985 = vector.broadcast %reduce_sum3A_984 : i1 to vector<16xi1>
      %reduce_sum3A_986 = tpu.scan <sum>, %select_n3A_983 masked %reduce_sum3A_985 : vector<16xi32>, vector<16xi1> -> vector<16xi32>
      %reduce_sum3A_987 = vector.extract %reduce_sum3A_986[15] : i32 from vector<16xi32>
      %shift_right_logical3A_988 = arith.constant 3 : i32
      %shift_right_logical3A_989 = arith.shrui %reduce_sum3A_987, %shift_right_logical3A_988 : i32
      %dma_start3A_990 = arith.constant 31 : i32
      %dma_start3A_991 = arith.constant 0 : i32
      %dma_start3A_992 = arith.constant 0 : i32
      %dma_start3A_993 = tpu.memref_slice %arg7[%dma_start3A_990, %dma_start3A_991, %dma_start3A_992] : memref<64x8x64xf32, #tpu.memory_space<vmem>> -> memref<1x8x64xf32, #tpu.memory_space<vmem>>
      %dma_start3A_994 = tpu.memref_squeeze %dma_start3A_993 : memref<1x8x64xf32, #tpu.memory_space<vmem>> -> memref<8x64xf32, #tpu.memory_space<vmem>>
      %dma_start3A_995 = tpu.memref_reshape %arg4 : memref<1000000x64xf32, #tpu.memory_space<hbm>> -> memref<125000x8x64xf32, #tpu.memory_space<hbm>>
      %dma_start3A_996 = arith.constant 0 : i32
      %dma_start3A_997 = arith.constant 0 : i32
      %dma_start3A_998 = tpu.memref_slice %dma_start3A_995[%shift_right_logical3A_989, %dma_start3A_996, %dma_start3A_997] : memref<125000x8x64xf32, #tpu.memory_space<hbm>> -> memref<1x8x64xf32, #tpu.memory_space<hbm>>
      %dma_start3A_999 = tpu.memref_squeeze %dma_start3A_998 : memref<1x8x64xf32, #tpu.memory_space<hbm>> -> memref<8x64xf32, #tpu.memory_space<hbm>>
      %dma_start3A_1000 = arith.constant 0 : i32
      %dma_start3A_1001 = arith.constant 0 : i32
      %dma_start3A_1002 = tpu.memref_slice %arg7[%dma_start3A_990, %dma_start3A_1000, %dma_start3A_1001] : memref<64x8x64xf32, #tpu.memory_space<vmem>> -> memref<1x8x64xf32, #tpu.memory_space<vmem>>
      %dma_start3A_1003 = tpu.memref_squeeze %dma_start3A_1002 : memref<1x8x64xf32, #tpu.memory_space<vmem>> -> memref<8x64xf32, #tpu.memory_space<vmem>>
      %dma_start3A_1004 = tpu.memref_reshape %arg4 : memref<1000000x64xf32, #tpu.memory_space<hbm>> -> memref<125000x8x64xf32, #tpu.memory_space<hbm>>
      %dma_start3A_1005 = arith.constant 0 : i32
      %dma_start3A_1006 = arith.constant 0 : i32
      %dma_start3A_1007 = tpu.memref_slice %dma_start3A_1004[%shift_right_logical3A_989, %dma_start3A_1005, %dma_start3A_1006] : memref<125000x8x64xf32, #tpu.memory_space<hbm>> -> memref<1x8x64xf32, #tpu.memory_space<hbm>>
      %dma_start3A_1008 = tpu.memref_squeeze %dma_start3A_1007 : memref<1x8x64xf32, #tpu.memory_space<hbm>> -> memref<8x64xf32, #tpu.memory_space<hbm>>
      tpu.enqueue_dma source(%dma_start3A_1008 : memref<8x64xf32, #tpu.memory_space<hbm>>) target(%dma_start3A_1003 : memref<8x64xf32, #tpu.memory_space<vmem>>) target_semaphore(%arg9 : memref<!tpu.dma_semaphore, #tpu.memory_space<semaphore_mem>>)
      %mul3A_1009 = arith.constant 32 : i32
      %mul3A_1010 = arith.muli %scan3A_8, %mul3A_1009 : i32
      %add3A_1011 = arith.constant 512 : i32
      %add3A_1012 = arith.addi %add3A_1011, %mul3A_1010 : i32
      %add3A_1013 = arith.constant 0 : i32
      %add3A_1014 = arith.addi %add3A_1012, %add3A_1013 : i32
      %get3A_1015 = arith.index_cast %add3A_1014 : i32 to index
      %get3A_1016 = tpu.vector_load %arg6[%get3A_1015] {strides = array<i32>} : memref<1024xi32, #tpu.memory_space<vmem>>, vector<16xi32>,
      %eq3A_1017 = arith.constant 0 : i32
      %eq3A_1018 = vector.broadcast %eq3A_1017 : i32 to vector<16xi32>
      %eq3A_1019 = arith.cmpi eq, %iota3A, %eq3A_1018 : vector<16xi32>
      %jit3A_1020 = arith.constant 0 : i32
      %broadcast_in_dim3A_1021 = vector.broadcast %jit3A_1020 : i32 to vector<16xi32>
      %select_n3A_1022 = arith.select %eq3A_1019, %get3A_1016, %broadcast_in_dim3A_1021 : vector<16xi1>, vector<16xi32>
      %reduce_sum3A_1023 = arith.constant true
      %reduce_sum3A_1024 = vector.broadcast %reduce_sum3A_1023 : i1 to vector<16xi1>
      %reduce_sum3A_1025 = tpu.scan <sum>, %select_n3A_1022 masked %reduce_sum3A_1024 : vector<16xi32>, vector<16xi1> -> vector<16xi32>
      %reduce_sum3A_1026 = vector.extract %reduce_sum3A_1025[15] : i32 from vector<16xi32>
      %shift_right_logical3A_1027 = arith.constant 3 : i32
      %shift_right_logical3A_1028 = arith.shrui %reduce_sum3A_1026, %shift_right_logical3A_1027 : i32
      %dma_start3A_1029 = arith.constant 32 : i32
      %dma_start3A_1030 = arith.constant 0 : i32
      %dma_start3A_1031 = arith.constant 0 : i32
      %dma_start3A_1032 = tpu.memref_slice %arg7[%dma_start3A_1029, %dma_start3A_1030, %dma_start3A_1031] : memref<64x8x64xf32, #tpu.memory_space<vmem>> -> memref<1x8x64xf32, #tpu.memory_space<vmem>>
      %dma_start3A_1033 = tpu.memref_squeeze %dma_start3A_1032 : memref<1x8x64xf32, #tpu.memory_space<vmem>> -> memref<8x64xf32, #tpu.memory_space<vmem>>
      %dma_start3A_1034 = tpu.memref_reshape %arg4 : memref<1000000x64xf32, #tpu.memory_space<hbm>> -> memref<125000x8x64xf32, #tpu.memory_space<hbm>>
      %dma_start3A_1035 = arith.constant 0 : i32
      %dma_start3A_1036 = arith.constant 0 : i32
      %dma_start3A_1037 = tpu.memref_slice %dma_start3A_1034[%shift_right_logical3A_1028, %dma_start3A_1035, %dma_start3A_1036] : memref<125000x8x64xf32, #tpu.memory_space<hbm>> -> memref<1x8x64xf32, #tpu.memory_space<hbm>>
      %dma_start3A_1038 = tpu.memref_squeeze %dma_start3A_1037 : memref<1x8x64xf32, #tpu.memory_space<hbm>> -> memref<8x64xf32, #tpu.memory_space<hbm>>
      %dma_start3A_1039 = arith.constant 0 : i32
      %dma_start3A_1040 = arith.constant 0 : i32
      %dma_start3A_1041 = tpu.memref_slice %arg7[%dma_start3A_1029, %dma_start3A_1039, %dma_start3A_1040] : memref<64x8x64xf32, #tpu.memory_space<vmem>> -> memref<1x8x64xf32, #tpu.memory_space<vmem>>
      %dma_start3A_1042 = tpu.memref_squeeze %dma_start3A_1041 : memref<1x8x64xf32, #tpu.memory_space<vmem>> -> memref<8x64xf32, #tpu.memory_space<vmem>>
      %dma_start3A_1043 = tpu.memref_reshape %arg4 : memref<1000000x64xf32, #tpu.memory_space<hbm>> -> memref<125000x8x64xf32, #tpu.memory_space<hbm>>
      %dma_start3A_1044 = arith.constant 0 : i32
      %dma_start3A_1045 = arith.constant 0 : i32
      %dma_start3A_1046 = tpu.memref_slice %dma_start3A_1043[%shift_right_logical3A_1028, %dma_start3A_1044, %dma_start3A_1045] : memref<125000x8x64xf32, #tpu.memory_space<hbm>> -> memref<1x8x64xf32, #tpu.memory_space<hbm>>
      %dma_start3A_1047 = tpu.memref_squeeze %dma_start3A_1046 : memref<1x8x64xf32, #tpu.memory_space<hbm>> -> memref<8x64xf32, #tpu.memory_space<hbm>>
      tpu.enqueue_dma source(%dma_start3A_1047 : memref<8x64xf32, #tpu.memory_space<hbm>>) target(%dma_start3A_1042 : memref<8x64xf32, #tpu.memory_space<vmem>>) target_semaphore(%arg9 : memref<!tpu.dma_semaphore, #tpu.memory_space<semaphore_mem>>)
      %eq3A_1048 = arith.constant 1 : i32
      %eq3A_1049 = vector.broadcast %eq3A_1048 : i32 to vector<16xi32>
      %eq3A_1050 = arith.cmpi eq, %iota3A, %eq3A_1049 : vector<16xi32>
      %jit3A_1051 = arith.constant 0 : i32
      %broadcast_in_dim3A_1052 = vector.broadcast %jit3A_1051 : i32 to vector<16xi32>
      %select_n3A_1053 = arith.select %eq3A_1050, %get3A_1016, %broadcast_in_dim3A_1052 : vector<16xi1>, vector<16xi32>
      %reduce_sum3A_1054 = arith.constant true
      %reduce_sum3A_1055 = vector.broadcast %reduce_sum3A_1054 : i1 to vector<16xi1>
      %reduce_sum3A_1056 = tpu.scan <sum>, %select_n3A_1053 masked %reduce_sum3A_1055 : vector<16xi32>, vector<16xi1> -> vector<16xi32>
      %reduce_sum3A_1057 = vector.extract %reduce_sum3A_1056[15] : i32 from vector<16xi32>
      %shift_right_logical3A_1058 = arith.constant 3 : i32
      %shift_right_logical3A_1059 = arith.shrui %reduce_sum3A_1057, %shift_right_logical3A_1058 : i32
      %dma_start3A_1060 = arith.constant 33 : i32
      %dma_start3A_1061 = arith.constant 0 : i32
      %dma_start3A_1062 = arith.constant 0 : i32
      %dma_start3A_1063 = tpu.memref_slice %arg7[%dma_start3A_1060, %dma_start3A_1061, %dma_start3A_1062] : memref<64x8x64xf32, #tpu.memory_space<vmem>> -> memref<1x8x64xf32, #tpu.memory_space<vmem>>
      %dma_start3A_1064 = tpu.memref_squeeze %dma_start3A_1063 : memref<1x8x64xf32, #tpu.memory_space<vmem>> -> memref<8x64xf32, #tpu.memory_space<vmem>>
      %dma_start3A_1065 = tpu.memref_reshape %arg4 : memref<1000000x64xf32, #tpu.memory_space<hbm>> -> memref<125000x8x64xf32, #tpu.memory_space<hbm>>
      %dma_start3A_1066 = arith.constant 0 : i32
      %dma_start3A_1067 = arith.constant 0 : i32
      %dma_start3A_1068 = tpu.memref_slice %dma_start3A_1065[%shift_right_logical3A_1059, %dma_start3A_1066, %dma_start3A_1067] : memref<125000x8x64xf32, #tpu.memory_space<hbm>> -> memref<1x8x64xf32, #tpu.memory_space<hbm>>
      %dma_start3A_1069 = tpu.memref_squeeze %dma_start3A_1068 : memref<1x8x64xf32, #tpu.memory_space<hbm>> -> memref<8x64xf32, #tpu.memory_space<hbm>>
      %dma_start3A_1070 = arith.constant 0 : i32
      %dma_start3A_1071 = arith.constant 0 : i32
      %dma_start3A_1072 = tpu.memref_slice %arg7[%dma_start3A_1060, %dma_start3A_1070, %dma_start3A_1071] : memref<64x8x64xf32, #tpu.memory_space<vmem>> -> memref<1x8x64xf32, #tpu.memory_space<vmem>>
      %dma_start3A_1073 = tpu.memref_squeeze %dma_start3A_1072 : memref<1x8x64xf32, #tpu.memory_space<vmem>> -> memref<8x64xf32, #tpu.memory_space<vmem>>
      %dma_start3A_1074 = tpu.memref_reshape %arg4 : memref<1000000x64xf32, #tpu.memory_space<hbm>> -> memref<125000x8x64xf32, #tpu.memory_space<hbm>>
      %dma_start3A_1075 = arith.constant 0 : i32
      %dma_start3A_1076 = arith.constant 0 : i32
      %dma_start3A_1077 = tpu.memref_slice %dma_start3A_1074[%shift_right_logical3A_1059, %dma_start3A_1075, %dma_start3A_1076] : memref<125000x8x64xf32, #tpu.memory_space<hbm>> -> memref<1x8x64xf32, #tpu.memory_space<hbm>>
      %dma_start3A_1078 = tpu.memref_squeeze %dma_start3A_1077 : memref<1x8x64xf32, #tpu.memory_space<hbm>> -> memref<8x64xf32, #tpu.memory_space<hbm>>
      tpu.enqueue_dma source(%dma_start3A_1078 : memref<8x64xf32, #tpu.memory_space<hbm>>) target(%dma_start3A_1073 : memref<8x64xf32, #tpu.memory_space<vmem>>) target_semaphore(%arg9 : memref<!tpu.dma_semaphore, #tpu.memory_space<semaphore_mem>>)
      %eq3A_1079 = arith.constant 2 : i32
      %eq3A_1080 = vector.broadcast %eq3A_1079 : i32 to vector<16xi32>
      %eq3A_1081 = arith.cmpi eq, %iota3A, %eq3A_1080 : vector<16xi32>
      %jit3A_1082 = arith.constant 0 : i32
      %broadcast_in_dim3A_1083 = vector.broadcast %jit3A_1082 : i32 to vector<16xi32>
      %select_n3A_1084 = arith.select %eq3A_1081, %get3A_1016, %broadcast_in_dim3A_1083 : vector<16xi1>, vector<16xi32>
      %reduce_sum3A_1085 = arith.constant true
      %reduce_sum3A_1086 = vector.broadcast %reduce_sum3A_1085 : i1 to vector<16xi1>
      %reduce_sum3A_1087 = tpu.scan <sum>, %select_n3A_1084 masked %reduce_sum3A_1086 : vector<16xi32>, vector<16xi1> -> vector<16xi32>
      %reduce_sum3A_1088 = vector.extract %reduce_sum3A_1087[15] : i32 from vector<16xi32>
      %shift_right_logical3A_1089 = arith.constant 3 : i32
      %shift_right_logical3A_1090 = arith.shrui %reduce_sum3A_1088, %shift_right_logical3A_1089 : i32
      %dma_start3A_1091 = arith.constant 34 : i32
      %dma_start3A_1092 = arith.constant 0 : i32
      %dma_start3A_1093 = arith.constant 0 : i32
      %dma_start3A_1094 = tpu.memref_slice %arg7[%dma_start3A_1091, %dma_start3A_1092, %dma_start3A_1093] : memref<64x8x64xf32, #tpu.memory_space<vmem>> -> memref<1x8x64xf32, #tpu.memory_space<vmem>>
      %dma_start3A_1095 = tpu.memref_squeeze %dma_start3A_1094 : memref<1x8x64xf32, #tpu.memory_space<vmem>> -> memref<8x64xf32, #tpu.memory_space<vmem>>
      %dma_start3A_1096 = tpu.memref_reshape %arg4 : memref<1000000x64xf32, #tpu.memory_space<hbm>> -> memref<125000x8x64xf32, #tpu.memory_space<hbm>>
      %dma_start3A_1097 = arith.constant 0 : i32
      %dma_start3A_1098 = arith.constant 0 : i32
      %dma_start3A_1099 = tpu.memref_slice %dma_start3A_1096[%shift_right_logical3A_1090, %dma_start3A_1097, %dma_start3A_1098] : memref<125000x8x64xf32, #tpu.memory_space<hbm>> -> memref<1x8x64xf32, #tpu.memory_space<hbm>>
      %dma_start3A_1100 = tpu.memref_squeeze %dma_start3A_1099 : memref<1x8x64xf32, #tpu.memory_space<hbm>> -> memref<8x64xf32, #tpu.memory_space<hbm>>
      %dma_start3A_1101 = arith.constant 0 : i32
      %dma_start3A_1102 = arith.constant 0 : i32
      %dma_start3A_1103 = tpu.memref_slice %arg7[%dma_start3A_1091, %dma_start3A_1101, %dma_start3A_1102] : memref<64x8x64xf32, #tpu.memory_space<vmem>> -> memref<1x8x64xf32, #tpu.memory_space<vmem>>
      %dma_start3A_1104 = tpu.memref_squeeze %dma_start3A_1103 : memref<1x8x64xf32, #tpu.memory_space<vmem>> -> memref<8x64xf32, #tpu.memory_space<vmem>>
      %dma_start3A_1105 = tpu.memref_reshape %arg4 : memref<1000000x64xf32, #tpu.memory_space<hbm>> -> memref<125000x8x64xf32, #tpu.memory_space<hbm>>
      %dma_start3A_1106 = arith.constant 0 : i32
      %dma_start3A_1107 = arith.constant 0 : i32
      %dma_start3A_1108 = tpu.memref_slice %dma_start3A_1105[%shift_right_logical3A_1090, %dma_start3A_1106, %dma_start3A_1107] : memref<125000x8x64xf32, #tpu.memory_space<hbm>> -> memref<1x8x64xf32, #tpu.memory_space<hbm>>
      %dma_start3A_1109 = tpu.memref_squeeze %dma_start3A_1108 : memref<1x8x64xf32, #tpu.memory_space<hbm>> -> memref<8x64xf32, #tpu.memory_space<hbm>>
      tpu.enqueue_dma source(%dma_start3A_1109 : memref<8x64xf32, #tpu.memory_space<hbm>>) target(%dma_start3A_1104 : memref<8x64xf32, #tpu.memory_space<vmem>>) target_semaphore(%arg9 : memref<!tpu.dma_semaphore, #tpu.memory_space<semaphore_mem>>)
      %eq3A_1110 = arith.constant 3 : i32
      %eq3A_1111 = vector.broadcast %eq3A_1110 : i32 to vector<16xi32>
      %eq3A_1112 = arith.cmpi eq, %iota3A, %eq3A_1111 : vector<16xi32>
      %jit3A_1113 = arith.constant 0 : i32
      %broadcast_in_dim3A_1114 = vector.broadcast %jit3A_1113 : i32 to vector<16xi32>
      %select_n3A_1115 = arith.select %eq3A_1112, %get3A_1016, %broadcast_in_dim3A_1114 : vector<16xi1>, vector<16xi32>
      %reduce_sum3A_1116 = arith.constant true
      %reduce_sum3A_1117 = vector.broadcast %reduce_sum3A_1116 : i1 to vector<16xi1>
      %reduce_sum3A_1118 = tpu.scan <sum>, %select_n3A_1115 masked %reduce_sum3A_1117 : vector<16xi32>, vector<16xi1> -> vector<16xi32>
      %reduce_sum3A_1119 = vector.extract %reduce_sum3A_1118[15] : i32 from vector<16xi32>
      %shift_right_logical3A_1120 = arith.constant 3 : i32
      %shift_right_logical3A_1121 = arith.shrui %reduce_sum3A_1119, %shift_right_logical3A_1120 : i32
      %dma_start3A_1122 = arith.constant 35 : i32
      %dma_start3A_1123 = arith.constant 0 : i32
      %dma_start3A_1124 = arith.constant 0 : i32
      %dma_start3A_1125 = tpu.memref_slice %arg7[%dma_start3A_1122, %dma_start3A_1123, %dma_start3A_1124] : memref<64x8x64xf32, #tpu.memory_space<vmem>> -> memref<1x8x64xf32, #tpu.memory_space<vmem>>
      %dma_start3A_1126 = tpu.memref_squeeze %dma_start3A_1125 : memref<1x8x64xf32, #tpu.memory_space<vmem>> -> memref<8x64xf32, #tpu.memory_space<vmem>>
      %dma_start3A_1127 = tpu.memref_reshape %arg4 : memref<1000000x64xf32, #tpu.memory_space<hbm>> -> memref<125000x8x64xf32, #tpu.memory_space<hbm>>
      %dma_start3A_1128 = arith.constant 0 : i32
      %dma_start3A_1129 = arith.constant 0 : i32
      %dma_start3A_1130 = tpu.memref_slice %dma_start3A_1127[%shift_right_logical3A_1121, %dma_start3A_1128, %dma_start3A_1129] : memref<125000x8x64xf32, #tpu.memory_space<hbm>> -> memref<1x8x64xf32, #tpu.memory_space<hbm>>
      %dma_start3A_1131 = tpu.memref_squeeze %dma_start3A_1130 : memref<1x8x64xf32, #tpu.memory_space<hbm>> -> memref<8x64xf32, #tpu.memory_space<hbm>>
      %dma_start3A_1132 = arith.constant 0 : i32
      %dma_start3A_1133 = arith.constant 0 : i32
      %dma_start3A_1134 = tpu.memref_slice %arg7[%dma_start3A_1122, %dma_start3A_1132, %dma_start3A_1133] : memref<64x8x64xf32, #tpu.memory_space<vmem>> -> memref<1x8x64xf32, #tpu.memory_space<vmem>>
      %dma_start3A_1135 = tpu.memref_squeeze %dma_start3A_1134 : memref<1x8x64xf32, #tpu.memory_space<vmem>> -> memref<8x64xf32, #tpu.memory_space<vmem>>
      %dma_start3A_1136 = tpu.memref_reshape %arg4 : memref<1000000x64xf32, #tpu.memory_space<hbm>> -> memref<125000x8x64xf32, #tpu.memory_space<hbm>>
      %dma_start3A_1137 = arith.constant 0 : i32
      %dma_start3A_1138 = arith.constant 0 : i32
      %dma_start3A_1139 = tpu.memref_slice %dma_start3A_1136[%shift_right_logical3A_1121, %dma_start3A_1137, %dma_start3A_1138] : memref<125000x8x64xf32, #tpu.memory_space<hbm>> -> memref<1x8x64xf32, #tpu.memory_space<hbm>>
      %dma_start3A_1140 = tpu.memref_squeeze %dma_start3A_1139 : memref<1x8x64xf32, #tpu.memory_space<hbm>> -> memref<8x64xf32, #tpu.memory_space<hbm>>
      tpu.enqueue_dma source(%dma_start3A_1140 : memref<8x64xf32, #tpu.memory_space<hbm>>) target(%dma_start3A_1135 : memref<8x64xf32, #tpu.memory_space<vmem>>) target_semaphore(%arg9 : memref<!tpu.dma_semaphore, #tpu.memory_space<semaphore_mem>>)
      %eq3A_1141 = arith.constant 4 : i32
      %eq3A_1142 = vector.broadcast %eq3A_1141 : i32 to vector<16xi32>
      %eq3A_1143 = arith.cmpi eq, %iota3A, %eq3A_1142 : vector<16xi32>
      %jit3A_1144 = arith.constant 0 : i32
      %broadcast_in_dim3A_1145 = vector.broadcast %jit3A_1144 : i32 to vector<16xi32>
      %select_n3A_1146 = arith.select %eq3A_1143, %get3A_1016, %broadcast_in_dim3A_1145 : vector<16xi1>, vector<16xi32>
      %reduce_sum3A_1147 = arith.constant true
      %reduce_sum3A_1148 = vector.broadcast %reduce_sum3A_1147 : i1 to vector<16xi1>
      %reduce_sum3A_1149 = tpu.scan <sum>, %select_n3A_1146 masked %reduce_sum3A_1148 : vector<16xi32>, vector<16xi1> -> vector<16xi32>
      %reduce_sum3A_1150 = vector.extract %reduce_sum3A_1149[15] : i32 from vector<16xi32>
      %shift_right_logical3A_1151 = arith.constant 3 : i32
      %shift_right_logical3A_1152 = arith.shrui %reduce_sum3A_1150, %shift_right_logical3A_1151 : i32
      %dma_start3A_1153 = arith.constant 36 : i32
      %dma_start3A_1154 = arith.constant 0 : i32
      %dma_start3A_1155 = arith.constant 0 : i32
      %dma_start3A_1156 = tpu.memref_slice %arg7[%dma_start3A_1153, %dma_start3A_1154, %dma_start3A_1155] : memref<64x8x64xf32, #tpu.memory_space<vmem>> -> memref<1x8x64xf32, #tpu.memory_space<vmem>>
      %dma_start3A_1157 = tpu.memref_squeeze %dma_start3A_1156 : memref<1x8x64xf32, #tpu.memory_space<vmem>> -> memref<8x64xf32, #tpu.memory_space<vmem>>
      %dma_start3A_1158 = tpu.memref_reshape %arg4 : memref<1000000x64xf32, #tpu.memory_space<hbm>> -> memref<125000x8x64xf32, #tpu.memory_space<hbm>>
      %dma_start3A_1159 = arith.constant 0 : i32
      %dma_start3A_1160 = arith.constant 0 : i32
      %dma_start3A_1161 = tpu.memref_slice %dma_start3A_1158[%shift_right_logical3A_1152, %dma_start3A_1159, %dma_start3A_1160] : memref<125000x8x64xf32, #tpu.memory_space<hbm>> -> memref<1x8x64xf32, #tpu.memory_space<hbm>>
      %dma_start3A_1162 = tpu.memref_squeeze %dma_start3A_1161 : memref<1x8x64xf32, #tpu.memory_space<hbm>> -> memref<8x64xf32, #tpu.memory_space<hbm>>
      %dma_start3A_1163 = arith.constant 0 : i32
      %dma_start3A_1164 = arith.constant 0 : i32
      %dma_start3A_1165 = tpu.memref_slice %arg7[%dma_start3A_1153, %dma_start3A_1163, %dma_start3A_1164] : memref<64x8x64xf32, #tpu.memory_space<vmem>> -> memref<1x8x64xf32, #tpu.memory_space<vmem>>
      %dma_start3A_1166 = tpu.memref_squeeze %dma_start3A_1165 : memref<1x8x64xf32, #tpu.memory_space<vmem>> -> memref<8x64xf32, #tpu.memory_space<vmem>>
      %dma_start3A_1167 = tpu.memref_reshape %arg4 : memref<1000000x64xf32, #tpu.memory_space<hbm>> -> memref<125000x8x64xf32, #tpu.memory_space<hbm>>
      %dma_start3A_1168 = arith.constant 0 : i32
      %dma_start3A_1169 = arith.constant 0 : i32
      %dma_start3A_1170 = tpu.memref_slice %dma_start3A_1167[%shift_right_logical3A_1152, %dma_start3A_1168, %dma_start3A_1169] : memref<125000x8x64xf32, #tpu.memory_space<hbm>> -> memref<1x8x64xf32, #tpu.memory_space<hbm>>
      %dma_start3A_1171 = tpu.memref_squeeze %dma_start3A_1170 : memref<1x8x64xf32, #tpu.memory_space<hbm>> -> memref<8x64xf32, #tpu.memory_space<hbm>>
      tpu.enqueue_dma source(%dma_start3A_1171 : memref<8x64xf32, #tpu.memory_space<hbm>>) target(%dma_start3A_1166 : memref<8x64xf32, #tpu.memory_space<vmem>>) target_semaphore(%arg9 : memref<!tpu.dma_semaphore, #tpu.memory_space<semaphore_mem>>)
      %eq3A_1172 = arith.constant 5 : i32
      %eq3A_1173 = vector.broadcast %eq3A_1172 : i32 to vector<16xi32>
      %eq3A_1174 = arith.cmpi eq, %iota3A, %eq3A_1173 : vector<16xi32>
      %jit3A_1175 = arith.constant 0 : i32
      %broadcast_in_dim3A_1176 = vector.broadcast %jit3A_1175 : i32 to vector<16xi32>
      %select_n3A_1177 = arith.select %eq3A_1174, %get3A_1016, %broadcast_in_dim3A_1176 : vector<16xi1>, vector<16xi32>
      %reduce_sum3A_1178 = arith.constant true
      %reduce_sum3A_1179 = vector.broadcast %reduce_sum3A_1178 : i1 to vector<16xi1>
      %reduce_sum3A_1180 = tpu.scan <sum>, %select_n3A_1177 masked %reduce_sum3A_1179 : vector<16xi32>, vector<16xi1> -> vector<16xi32>
      %reduce_sum3A_1181 = vector.extract %reduce_sum3A_1180[15] : i32 from vector<16xi32>
      %shift_right_logical3A_1182 = arith.constant 3 : i32
      %shift_right_logical3A_1183 = arith.shrui %reduce_sum3A_1181, %shift_right_logical3A_1182 : i32
      %dma_start3A_1184 = arith.constant 37 : i32
      %dma_start3A_1185 = arith.constant 0 : i32
      %dma_start3A_1186 = arith.constant 0 : i32
      %dma_start3A_1187 = tpu.memref_slice %arg7[%dma_start3A_1184, %dma_start3A_1185, %dma_start3A_1186] : memref<64x8x64xf32, #tpu.memory_space<vmem>> -> memref<1x8x64xf32, #tpu.memory_space<vmem>>
      %dma_start3A_1188 = tpu.memref_squeeze %dma_start3A_1187 : memref<1x8x64xf32, #tpu.memory_space<vmem>> -> memref<8x64xf32, #tpu.memory_space<vmem>>
      %dma_start3A_1189 = tpu.memref_reshape %arg4 : memref<1000000x64xf32, #tpu.memory_space<hbm>> -> memref<125000x8x64xf32, #tpu.memory_space<hbm>>
      %dma_start3A_1190 = arith.constant 0 : i32
      %dma_start3A_1191 = arith.constant 0 : i32
      %dma_start3A_1192 = tpu.memref_slice %dma_start3A_1189[%shift_right_logical3A_1183, %dma_start3A_1190, %dma_start3A_1191] : memref<125000x8x64xf32, #tpu.memory_space<hbm>> -> memref<1x8x64xf32, #tpu.memory_space<hbm>>
      %dma_start3A_1193 = tpu.memref_squeeze %dma_start3A_1192 : memref<1x8x64xf32, #tpu.memory_space<hbm>> -> memref<8x64xf32, #tpu.memory_space<hbm>>
      %dma_start3A_1194 = arith.constant 0 : i32
      %dma_start3A_1195 = arith.constant 0 : i32
      %dma_start3A_1196 = tpu.memref_slice %arg7[%dma_start3A_1184, %dma_start3A_1194, %dma_start3A_1195] : memref<64x8x64xf32, #tpu.memory_space<vmem>> -> memref<1x8x64xf32, #tpu.memory_space<vmem>>
      %dma_start3A_1197 = tpu.memref_squeeze %dma_start3A_1196 : memref<1x8x64xf32, #tpu.memory_space<vmem>> -> memref<8x64xf32, #tpu.memory_space<vmem>>
      %dma_start3A_1198 = tpu.memref_reshape %arg4 : memref<1000000x64xf32, #tpu.memory_space<hbm>> -> memref<125000x8x64xf32, #tpu.memory_space<hbm>>
      %dma_start3A_1199 = arith.constant 0 : i32
      %dma_start3A_1200 = arith.constant 0 : i32
      %dma_start3A_1201 = tpu.memref_slice %dma_start3A_1198[%shift_right_logical3A_1183, %dma_start3A_1199, %dma_start3A_1200] : memref<125000x8x64xf32, #tpu.memory_space<hbm>> -> memref<1x8x64xf32, #tpu.memory_space<hbm>>
      %dma_start3A_1202 = tpu.memref_squeeze %dma_start3A_1201 : memref<1x8x64xf32, #tpu.memory_space<hbm>> -> memref<8x64xf32, #tpu.memory_space<hbm>>
      tpu.enqueue_dma source(%dma_start3A_1202 : memref<8x64xf32, #tpu.memory_space<hbm>>) target(%dma_start3A_1197 : memref<8x64xf32, #tpu.memory_space<vmem>>) target_semaphore(%arg9 : memref<!tpu.dma_semaphore, #tpu.memory_space<semaphore_mem>>)
      %eq3A_1203 = arith.constant 6 : i32
      %eq3A_1204 = vector.broadcast %eq3A_1203 : i32 to vector<16xi32>
      %eq3A_1205 = arith.cmpi eq, %iota3A, %eq3A_1204 : vector<16xi32>
      %jit3A_1206 = arith.constant 0 : i32
      %broadcast_in_dim3A_1207 = vector.broadcast %jit3A_1206 : i32 to vector<16xi32>
      %select_n3A_1208 = arith.select %eq3A_1205, %get3A_1016, %broadcast_in_dim3A_1207 : vector<16xi1>, vector<16xi32>
      %reduce_sum3A_1209 = arith.constant true
      %reduce_sum3A_1210 = vector.broadcast %reduce_sum3A_1209 : i1 to vector<16xi1>
      %reduce_sum3A_1211 = tpu.scan <sum>, %select_n3A_1208 masked %reduce_sum3A_1210 : vector<16xi32>, vector<16xi1> -> vector<16xi32>
      %reduce_sum3A_1212 = vector.extract %reduce_sum3A_1211[15] : i32 from vector<16xi32>
      %shift_right_logical3A_1213 = arith.constant 3 : i32
      %shift_right_logical3A_1214 = arith.shrui %reduce_sum3A_1212, %shift_right_logical3A_1213 : i32
      %dma_start3A_1215 = arith.constant 38 : i32
      %dma_start3A_1216 = arith.constant 0 : i32
      %dma_start3A_1217 = arith.constant 0 : i32
      %dma_start3A_1218 = tpu.memref_slice %arg7[%dma_start3A_1215, %dma_start3A_1216, %dma_start3A_1217] : memref<64x8x64xf32, #tpu.memory_space<vmem>> -> memref<1x8x64xf32, #tpu.memory_space<vmem>>
      %dma_start3A_1219 = tpu.memref_squeeze %dma_start3A_1218 : memref<1x8x64xf32, #tpu.memory_space<vmem>> -> memref<8x64xf32, #tpu.memory_space<vmem>>
      %dma_start3A_1220 = tpu.memref_reshape %arg4 : memref<1000000x64xf32, #tpu.memory_space<hbm>> -> memref<125000x8x64xf32, #tpu.memory_space<hbm>>
      %dma_start3A_1221 = arith.constant 0 : i32
      %dma_start3A_1222 = arith.constant 0 : i32
      %dma_start3A_1223 = tpu.memref_slice %dma_start3A_1220[%shift_right_logical3A_1214, %dma_start3A_1221, %dma_start3A_1222] : memref<125000x8x64xf32, #tpu.memory_space<hbm>> -> memref<1x8x64xf32, #tpu.memory_space<hbm>>
      %dma_start3A_1224 = tpu.memref_squeeze %dma_start3A_1223 : memref<1x8x64xf32, #tpu.memory_space<hbm>> -> memref<8x64xf32, #tpu.memory_space<hbm>>
      %dma_start3A_1225 = arith.constant 0 : i32
      %dma_start3A_1226 = arith.constant 0 : i32
      %dma_start3A_1227 = tpu.memref_slice %arg7[%dma_start3A_1215, %dma_start3A_1225, %dma_start3A_1226] : memref<64x8x64xf32, #tpu.memory_space<vmem>> -> memref<1x8x64xf32, #tpu.memory_space<vmem>>
      %dma_start3A_1228 = tpu.memref_squeeze %dma_start3A_1227 : memref<1x8x64xf32, #tpu.memory_space<vmem>> -> memref<8x64xf32, #tpu.memory_space<vmem>>
      %dma_start3A_1229 = tpu.memref_reshape %arg4 : memref<1000000x64xf32, #tpu.memory_space<hbm>> -> memref<125000x8x64xf32, #tpu.memory_space<hbm>>
      %dma_start3A_1230 = arith.constant 0 : i32
      %dma_start3A_1231 = arith.constant 0 : i32
      %dma_start3A_1232 = tpu.memref_slice %dma_start3A_1229[%shift_right_logical3A_1214, %dma_start3A_1230, %dma_start3A_1231] : memref<125000x8x64xf32, #tpu.memory_space<hbm>> -> memref<1x8x64xf32, #tpu.memory_space<hbm>>
      %dma_start3A_1233 = tpu.memref_squeeze %dma_start3A_1232 : memref<1x8x64xf32, #tpu.memory_space<hbm>> -> memref<8x64xf32, #tpu.memory_space<hbm>>
      tpu.enqueue_dma source(%dma_start3A_1233 : memref<8x64xf32, #tpu.memory_space<hbm>>) target(%dma_start3A_1228 : memref<8x64xf32, #tpu.memory_space<vmem>>) target_semaphore(%arg9 : memref<!tpu.dma_semaphore, #tpu.memory_space<semaphore_mem>>)
      %eq3A_1234 = arith.constant 7 : i32
      %eq3A_1235 = vector.broadcast %eq3A_1234 : i32 to vector<16xi32>
      %eq3A_1236 = arith.cmpi eq, %iota3A, %eq3A_1235 : vector<16xi32>
      %jit3A_1237 = arith.constant 0 : i32
      %broadcast_in_dim3A_1238 = vector.broadcast %jit3A_1237 : i32 to vector<16xi32>
      %select_n3A_1239 = arith.select %eq3A_1236, %get3A_1016, %broadcast_in_dim3A_1238 : vector<16xi1>, vector<16xi32>
      %reduce_sum3A_1240 = arith.constant true
      %reduce_sum3A_1241 = vector.broadcast %reduce_sum3A_1240 : i1 to vector<16xi1>
      %reduce_sum3A_1242 = tpu.scan <sum>, %select_n3A_1239 masked %reduce_sum3A_1241 : vector<16xi32>, vector<16xi1> -> vector<16xi32>
      %reduce_sum3A_1243 = vector.extract %reduce_sum3A_1242[15] : i32 from vector<16xi32>
      %shift_right_logical3A_1244 = arith.constant 3 : i32
      %shift_right_logical3A_1245 = arith.shrui %reduce_sum3A_1243, %shift_right_logical3A_1244 : i32
      %dma_start3A_1246 = arith.constant 39 : i32
      %dma_start3A_1247 = arith.constant 0 : i32
      %dma_start3A_1248 = arith.constant 0 : i32
      %dma_start3A_1249 = tpu.memref_slice %arg7[%dma_start3A_1246, %dma_start3A_1247, %dma_start3A_1248] : memref<64x8x64xf32, #tpu.memory_space<vmem>> -> memref<1x8x64xf32, #tpu.memory_space<vmem>>
      %dma_start3A_1250 = tpu.memref_squeeze %dma_start3A_1249 : memref<1x8x64xf32, #tpu.memory_space<vmem>> -> memref<8x64xf32, #tpu.memory_space<vmem>>
      %dma_start3A_1251 = tpu.memref_reshape %arg4 : memref<1000000x64xf32, #tpu.memory_space<hbm>> -> memref<125000x8x64xf32, #tpu.memory_space<hbm>>
      %dma_start3A_1252 = arith.constant 0 : i32
      %dma_start3A_1253 = arith.constant 0 : i32
      %dma_start3A_1254 = tpu.memref_slice %dma_start3A_1251[%shift_right_logical3A_1245, %dma_start3A_1252, %dma_start3A_1253] : memref<125000x8x64xf32, #tpu.memory_space<hbm>> -> memref<1x8x64xf32, #tpu.memory_space<hbm>>
      %dma_start3A_1255 = tpu.memref_squeeze %dma_start3A_1254 : memref<1x8x64xf32, #tpu.memory_space<hbm>> -> memref<8x64xf32, #tpu.memory_space<hbm>>
      %dma_start3A_1256 = arith.constant 0 : i32
      %dma_start3A_1257 = arith.constant 0 : i32
      %dma_start3A_1258 = tpu.memref_slice %arg7[%dma_start3A_1246, %dma_start3A_1256, %dma_start3A_1257] : memref<64x8x64xf32, #tpu.memory_space<vmem>> -> memref<1x8x64xf32, #tpu.memory_space<vmem>>
      %dma_start3A_1259 = tpu.memref_squeeze %dma_start3A_1258 : memref<1x8x64xf32, #tpu.memory_space<vmem>> -> memref<8x64xf32, #tpu.memory_space<vmem>>
      %dma_start3A_1260 = tpu.memref_reshape %arg4 : memref<1000000x64xf32, #tpu.memory_space<hbm>> -> memref<125000x8x64xf32, #tpu.memory_space<hbm>>
      %dma_start3A_1261 = arith.constant 0 : i32
      %dma_start3A_1262 = arith.constant 0 : i32
      %dma_start3A_1263 = tpu.memref_slice %dma_start3A_1260[%shift_right_logical3A_1245, %dma_start3A_1261, %dma_start3A_1262] : memref<125000x8x64xf32, #tpu.memory_space<hbm>> -> memref<1x8x64xf32, #tpu.memory_space<hbm>>
      %dma_start3A_1264 = tpu.memref_squeeze %dma_start3A_1263 : memref<1x8x64xf32, #tpu.memory_space<hbm>> -> memref<8x64xf32, #tpu.memory_space<hbm>>
      tpu.enqueue_dma source(%dma_start3A_1264 : memref<8x64xf32, #tpu.memory_space<hbm>>) target(%dma_start3A_1259 : memref<8x64xf32, #tpu.memory_space<vmem>>) target_semaphore(%arg9 : memref<!tpu.dma_semaphore, #tpu.memory_space<semaphore_mem>>)
      %eq3A_1265 = arith.constant 8 : i32
      %eq3A_1266 = vector.broadcast %eq3A_1265 : i32 to vector<16xi32>
      %eq3A_1267 = arith.cmpi eq, %iota3A, %eq3A_1266 : vector<16xi32>
      %jit3A_1268 = arith.constant 0 : i32
      %broadcast_in_dim3A_1269 = vector.broadcast %jit3A_1268 : i32 to vector<16xi32>
      %select_n3A_1270 = arith.select %eq3A_1267, %get3A_1016, %broadcast_in_dim3A_1269 : vector<16xi1>, vector<16xi32>
      %reduce_sum3A_1271 = arith.constant true
      %reduce_sum3A_1272 = vector.broadcast %reduce_sum3A_1271 : i1 to vector<16xi1>
      %reduce_sum3A_1273 = tpu.scan <sum>, %select_n3A_1270 masked %reduce_sum3A_1272 : vector<16xi32>, vector<16xi1> -> vector<16xi32>
      %reduce_sum3A_1274 = vector.extract %reduce_sum3A_1273[15] : i32 from vector<16xi32>
      %shift_right_logical3A_1275 = arith.constant 3 : i32
      %shift_right_logical3A_1276 = arith.shrui %reduce_sum3A_1274, %shift_right_logical3A_1275 : i32
      %dma_start3A_1277 = arith.constant 40 : i32
      %dma_start3A_1278 = arith.constant 0 : i32
      %dma_start3A_1279 = arith.constant 0 : i32
      %dma_start3A_1280 = tpu.memref_slice %arg7[%dma_start3A_1277, %dma_start3A_1278, %dma_start3A_1279] : memref<64x8x64xf32, #tpu.memory_space<vmem>> -> memref<1x8x64xf32, #tpu.memory_space<vmem>>
      %dma_start3A_1281 = tpu.memref_squeeze %dma_start3A_1280 : memref<1x8x64xf32, #tpu.memory_space<vmem>> -> memref<8x64xf32, #tpu.memory_space<vmem>>
      %dma_start3A_1282 = tpu.memref_reshape %arg4 : memref<1000000x64xf32, #tpu.memory_space<hbm>> -> memref<125000x8x64xf32, #tpu.memory_space<hbm>>
      %dma_start3A_1283 = arith.constant 0 : i32
      %dma_start3A_1284 = arith.constant 0 : i32
      %dma_start3A_1285 = tpu.memref_slice %dma_start3A_1282[%shift_right_logical3A_1276, %dma_start3A_1283, %dma_start3A_1284] : memref<125000x8x64xf32, #tpu.memory_space<hbm>> -> memref<1x8x64xf32, #tpu.memory_space<hbm>>
      %dma_start3A_1286 = tpu.memref_squeeze %dma_start3A_1285 : memref<1x8x64xf32, #tpu.memory_space<hbm>> -> memref<8x64xf32, #tpu.memory_space<hbm>>
      %dma_start3A_1287 = arith.constant 0 : i32
      %dma_start3A_1288 = arith.constant 0 : i32
      %dma_start3A_1289 = tpu.memref_slice %arg7[%dma_start3A_1277, %dma_start3A_1287, %dma_start3A_1288] : memref<64x8x64xf32, #tpu.memory_space<vmem>> -> memref<1x8x64xf32, #tpu.memory_space<vmem>>
      %dma_start3A_1290 = tpu.memref_squeeze %dma_start3A_1289 : memref<1x8x64xf32, #tpu.memory_space<vmem>> -> memref<8x64xf32, #tpu.memory_space<vmem>>
      %dma_start3A_1291 = tpu.memref_reshape %arg4 : memref<1000000x64xf32, #tpu.memory_space<hbm>> -> memref<125000x8x64xf32, #tpu.memory_space<hbm>>
      %dma_start3A_1292 = arith.constant 0 : i32
      %dma_start3A_1293 = arith.constant 0 : i32
      %dma_start3A_1294 = tpu.memref_slice %dma_start3A_1291[%shift_right_logical3A_1276, %dma_start3A_1292, %dma_start3A_1293] : memref<125000x8x64xf32, #tpu.memory_space<hbm>> -> memref<1x8x64xf32, #tpu.memory_space<hbm>>
      %dma_start3A_1295 = tpu.memref_squeeze %dma_start3A_1294 : memref<1x8x64xf32, #tpu.memory_space<hbm>> -> memref<8x64xf32, #tpu.memory_space<hbm>>
      tpu.enqueue_dma source(%dma_start3A_1295 : memref<8x64xf32, #tpu.memory_space<hbm>>) target(%dma_start3A_1290 : memref<8x64xf32, #tpu.memory_space<vmem>>) target_semaphore(%arg9 : memref<!tpu.dma_semaphore, #tpu.memory_space<semaphore_mem>>)
      %eq3A_1296 = arith.constant 9 : i32
      %eq3A_1297 = vector.broadcast %eq3A_1296 : i32 to vector<16xi32>
      %eq3A_1298 = arith.cmpi eq, %iota3A, %eq3A_1297 : vector<16xi32>
      %jit3A_1299 = arith.constant 0 : i32
      %broadcast_in_dim3A_1300 = vector.broadcast %jit3A_1299 : i32 to vector<16xi32>
      %select_n3A_1301 = arith.select %eq3A_1298, %get3A_1016, %broadcast_in_dim3A_1300 : vector<16xi1>, vector<16xi32>
      %reduce_sum3A_1302 = arith.constant true
      %reduce_sum3A_1303 = vector.broadcast %reduce_sum3A_1302 : i1 to vector<16xi1>
      %reduce_sum3A_1304 = tpu.scan <sum>, %select_n3A_1301 masked %reduce_sum3A_1303 : vector<16xi32>, vector<16xi1> -> vector<16xi32>
      %reduce_sum3A_1305 = vector.extract %reduce_sum3A_1304[15] : i32 from vector<16xi32>
      %shift_right_logical3A_1306 = arith.constant 3 : i32
      %shift_right_logical3A_1307 = arith.shrui %reduce_sum3A_1305, %shift_right_logical3A_1306 : i32
      %dma_start3A_1308 = arith.constant 41 : i32
      %dma_start3A_1309 = arith.constant 0 : i32
      %dma_start3A_1310 = arith.constant 0 : i32
      %dma_start3A_1311 = tpu.memref_slice %arg7[%dma_start3A_1308, %dma_start3A_1309, %dma_start3A_1310] : memref<64x8x64xf32, #tpu.memory_space<vmem>> -> memref<1x8x64xf32, #tpu.memory_space<vmem>>
      %dma_start3A_1312 = tpu.memref_squeeze %dma_start3A_1311 : memref<1x8x64xf32, #tpu.memory_space<vmem>> -> memref<8x64xf32, #tpu.memory_space<vmem>>
      %dma_start3A_1313 = tpu.memref_reshape %arg4 : memref<1000000x64xf32, #tpu.memory_space<hbm>> -> memref<125000x8x64xf32, #tpu.memory_space<hbm>>
      %dma_start3A_1314 = arith.constant 0 : i32
      %dma_start3A_1315 = arith.constant 0 : i32
      %dma_start3A_1316 = tpu.memref_slice %dma_start3A_1313[%shift_right_logical3A_1307, %dma_start3A_1314, %dma_start3A_1315] : memref<125000x8x64xf32, #tpu.memory_space<hbm>> -> memref<1x8x64xf32, #tpu.memory_space<hbm>>
      %dma_start3A_1317 = tpu.memref_squeeze %dma_start3A_1316 : memref<1x8x64xf32, #tpu.memory_space<hbm>> -> memref<8x64xf32, #tpu.memory_space<hbm>>
      %dma_start3A_1318 = arith.constant 0 : i32
      %dma_start3A_1319 = arith.constant 0 : i32
      %dma_start3A_1320 = tpu.memref_slice %arg7[%dma_start3A_1308, %dma_start3A_1318, %dma_start3A_1319] : memref<64x8x64xf32, #tpu.memory_space<vmem>> -> memref<1x8x64xf32, #tpu.memory_space<vmem>>
      %dma_start3A_1321 = tpu.memref_squeeze %dma_start3A_1320 : memref<1x8x64xf32, #tpu.memory_space<vmem>> -> memref<8x64xf32, #tpu.memory_space<vmem>>
      %dma_start3A_1322 = tpu.memref_reshape %arg4 : memref<1000000x64xf32, #tpu.memory_space<hbm>> -> memref<125000x8x64xf32, #tpu.memory_space<hbm>>
      %dma_start3A_1323 = arith.constant 0 : i32
      %dma_start3A_1324 = arith.constant 0 : i32
      %dma_start3A_1325 = tpu.memref_slice %dma_start3A_1322[%shift_right_logical3A_1307, %dma_start3A_1323, %dma_start3A_1324] : memref<125000x8x64xf32, #tpu.memory_space<hbm>> -> memref<1x8x64xf32, #tpu.memory_space<hbm>>
      %dma_start3A_1326 = tpu.memref_squeeze %dma_start3A_1325 : memref<1x8x64xf32, #tpu.memory_space<hbm>> -> memref<8x64xf32, #tpu.memory_space<hbm>>
      tpu.enqueue_dma source(%dma_start3A_1326 : memref<8x64xf32, #tpu.memory_space<hbm>>) target(%dma_start3A_1321 : memref<8x64xf32, #tpu.memory_space<vmem>>) target_semaphore(%arg9 : memref<!tpu.dma_semaphore, #tpu.memory_space<semaphore_mem>>)
      %eq3A_1327 = arith.constant 10 : i32
      %eq3A_1328 = vector.broadcast %eq3A_1327 : i32 to vector<16xi32>
      %eq3A_1329 = arith.cmpi eq, %iota3A, %eq3A_1328 : vector<16xi32>
      %jit3A_1330 = arith.constant 0 : i32
      %broadcast_in_dim3A_1331 = vector.broadcast %jit3A_1330 : i32 to vector<16xi32>
      %select_n3A_1332 = arith.select %eq3A_1329, %get3A_1016, %broadcast_in_dim3A_1331 : vector<16xi1>, vector<16xi32>
      %reduce_sum3A_1333 = arith.constant true
      %reduce_sum3A_1334 = vector.broadcast %reduce_sum3A_1333 : i1 to vector<16xi1>
      %reduce_sum3A_1335 = tpu.scan <sum>, %select_n3A_1332 masked %reduce_sum3A_1334 : vector<16xi32>, vector<16xi1> -> vector<16xi32>
      %reduce_sum3A_1336 = vector.extract %reduce_sum3A_1335[15] : i32 from vector<16xi32>
      %shift_right_logical3A_1337 = arith.constant 3 : i32
      %shift_right_logical3A_1338 = arith.shrui %reduce_sum3A_1336, %shift_right_logical3A_1337 : i32
      %dma_start3A_1339 = arith.constant 42 : i32
      %dma_start3A_1340 = arith.constant 0 : i32
      %dma_start3A_1341 = arith.constant 0 : i32
      %dma_start3A_1342 = tpu.memref_slice %arg7[%dma_start3A_1339, %dma_start3A_1340, %dma_start3A_1341] : memref<64x8x64xf32, #tpu.memory_space<vmem>> -> memref<1x8x64xf32, #tpu.memory_space<vmem>>
      %dma_start3A_1343 = tpu.memref_squeeze %dma_start3A_1342 : memref<1x8x64xf32, #tpu.memory_space<vmem>> -> memref<8x64xf32, #tpu.memory_space<vmem>>
      %dma_start3A_1344 = tpu.memref_reshape %arg4 : memref<1000000x64xf32, #tpu.memory_space<hbm>> -> memref<125000x8x64xf32, #tpu.memory_space<hbm>>
      %dma_start3A_1345 = arith.constant 0 : i32
      %dma_start3A_1346 = arith.constant 0 : i32
      %dma_start3A_1347 = tpu.memref_slice %dma_start3A_1344[%shift_right_logical3A_1338, %dma_start3A_1345, %dma_start3A_1346] : memref<125000x8x64xf32, #tpu.memory_space<hbm>> -> memref<1x8x64xf32, #tpu.memory_space<hbm>>
      %dma_start3A_1348 = tpu.memref_squeeze %dma_start3A_1347 : memref<1x8x64xf32, #tpu.memory_space<hbm>> -> memref<8x64xf32, #tpu.memory_space<hbm>>
      %dma_start3A_1349 = arith.constant 0 : i32
      %dma_start3A_1350 = arith.constant 0 : i32
      %dma_start3A_1351 = tpu.memref_slice %arg7[%dma_start3A_1339, %dma_start3A_1349, %dma_start3A_1350] : memref<64x8x64xf32, #tpu.memory_space<vmem>> -> memref<1x8x64xf32, #tpu.memory_space<vmem>>
      %dma_start3A_1352 = tpu.memref_squeeze %dma_start3A_1351 : memref<1x8x64xf32, #tpu.memory_space<vmem>> -> memref<8x64xf32, #tpu.memory_space<vmem>>
      %dma_start3A_1353 = tpu.memref_reshape %arg4 : memref<1000000x64xf32, #tpu.memory_space<hbm>> -> memref<125000x8x64xf32, #tpu.memory_space<hbm>>
      %dma_start3A_1354 = arith.constant 0 : i32
      %dma_start3A_1355 = arith.constant 0 : i32
      %dma_start3A_1356 = tpu.memref_slice %dma_start3A_1353[%shift_right_logical3A_1338, %dma_start3A_1354, %dma_start3A_1355] : memref<125000x8x64xf32, #tpu.memory_space<hbm>> -> memref<1x8x64xf32, #tpu.memory_space<hbm>>
      %dma_start3A_1357 = tpu.memref_squeeze %dma_start3A_1356 : memref<1x8x64xf32, #tpu.memory_space<hbm>> -> memref<8x64xf32, #tpu.memory_space<hbm>>
      tpu.enqueue_dma source(%dma_start3A_1357 : memref<8x64xf32, #tpu.memory_space<hbm>>) target(%dma_start3A_1352 : memref<8x64xf32, #tpu.memory_space<vmem>>) target_semaphore(%arg9 : memref<!tpu.dma_semaphore, #tpu.memory_space<semaphore_mem>>)
      %eq3A_1358 = arith.constant 11 : i32
      %eq3A_1359 = vector.broadcast %eq3A_1358 : i32 to vector<16xi32>
      %eq3A_1360 = arith.cmpi eq, %iota3A, %eq3A_1359 : vector<16xi32>
      %jit3A_1361 = arith.constant 0 : i32
      %broadcast_in_dim3A_1362 = vector.broadcast %jit3A_1361 : i32 to vector<16xi32>
      %select_n3A_1363 = arith.select %eq3A_1360, %get3A_1016, %broadcast_in_dim3A_1362 : vector<16xi1>, vector<16xi32>
      %reduce_sum3A_1364 = arith.constant true
      %reduce_sum3A_1365 = vector.broadcast %reduce_sum3A_1364 : i1 to vector<16xi1>
      %reduce_sum3A_1366 = tpu.scan <sum>, %select_n3A_1363 masked %reduce_sum3A_1365 : vector<16xi32>, vector<16xi1> -> vector<16xi32>
      %reduce_sum3A_1367 = vector.extract %reduce_sum3A_1366[15] : i32 from vector<16xi32>
      %shift_right_logical3A_1368 = arith.constant 3 : i32
      %shift_right_logical3A_1369 = arith.shrui %reduce_sum3A_1367, %shift_right_logical3A_1368 : i32
      %dma_start3A_1370 = arith.constant 43 : i32
      %dma_start3A_1371 = arith.constant 0 : i32
      %dma_start3A_1372 = arith.constant 0 : i32
      %dma_start3A_1373 = tpu.memref_slice %arg7[%dma_start3A_1370, %dma_start3A_1371, %dma_start3A_1372] : memref<64x8x64xf32, #tpu.memory_space<vmem>> -> memref<1x8x64xf32, #tpu.memory_space<vmem>>
      %dma_start3A_1374 = tpu.memref_squeeze %dma_start3A_1373 : memref<1x8x64xf32, #tpu.memory_space<vmem>> -> memref<8x64xf32, #tpu.memory_space<vmem>>
      %dma_start3A_1375 = tpu.memref_reshape %arg4 : memref<1000000x64xf32, #tpu.memory_space<hbm>> -> memref<125000x8x64xf32, #tpu.memory_space<hbm>>
      %dma_start3A_1376 = arith.constant 0 : i32
      %dma_start3A_1377 = arith.constant 0 : i32
      %dma_start3A_1378 = tpu.memref_slice %dma_start3A_1375[%shift_right_logical3A_1369, %dma_start3A_1376, %dma_start3A_1377] : memref<125000x8x64xf32, #tpu.memory_space<hbm>> -> memref<1x8x64xf32, #tpu.memory_space<hbm>>
      %dma_start3A_1379 = tpu.memref_squeeze %dma_start3A_1378 : memref<1x8x64xf32, #tpu.memory_space<hbm>> -> memref<8x64xf32, #tpu.memory_space<hbm>>
      %dma_start3A_1380 = arith.constant 0 : i32
      %dma_start3A_1381 = arith.constant 0 : i32
      %dma_start3A_1382 = tpu.memref_slice %arg7[%dma_start3A_1370, %dma_start3A_1380, %dma_start3A_1381] : memref<64x8x64xf32, #tpu.memory_space<vmem>> -> memref<1x8x64xf32, #tpu.memory_space<vmem>>
      %dma_start3A_1383 = tpu.memref_squeeze %dma_start3A_1382 : memref<1x8x64xf32, #tpu.memory_space<vmem>> -> memref<8x64xf32, #tpu.memory_space<vmem>>
      %dma_start3A_1384 = tpu.memref_reshape %arg4 : memref<1000000x64xf32, #tpu.memory_space<hbm>> -> memref<125000x8x64xf32, #tpu.memory_space<hbm>>
      %dma_start3A_1385 = arith.constant 0 : i32
      %dma_start3A_1386 = arith.constant 0 : i32
      %dma_start3A_1387 = tpu.memref_slice %dma_start3A_1384[%shift_right_logical3A_1369, %dma_start3A_1385, %dma_start3A_1386] : memref<125000x8x64xf32, #tpu.memory_space<hbm>> -> memref<1x8x64xf32, #tpu.memory_space<hbm>>
      %dma_start3A_1388 = tpu.memref_squeeze %dma_start3A_1387 : memref<1x8x64xf32, #tpu.memory_space<hbm>> -> memref<8x64xf32, #tpu.memory_space<hbm>>
      tpu.enqueue_dma source(%dma_start3A_1388 : memref<8x64xf32, #tpu.memory_space<hbm>>) target(%dma_start3A_1383 : memref<8x64xf32, #tpu.memory_space<vmem>>) target_semaphore(%arg9 : memref<!tpu.dma_semaphore, #tpu.memory_space<semaphore_mem>>)
      %eq3A_1389 = arith.constant 12 : i32
      %eq3A_1390 = vector.broadcast %eq3A_1389 : i32 to vector<16xi32>
      %eq3A_1391 = arith.cmpi eq, %iota3A, %eq3A_1390 : vector<16xi32>
      %jit3A_1392 = arith.constant 0 : i32
      %broadcast_in_dim3A_1393 = vector.broadcast %jit3A_1392 : i32 to vector<16xi32>
      %select_n3A_1394 = arith.select %eq3A_1391, %get3A_1016, %broadcast_in_dim3A_1393 : vector<16xi1>, vector<16xi32>
      %reduce_sum3A_1395 = arith.constant true
      %reduce_sum3A_1396 = vector.broadcast %reduce_sum3A_1395 : i1 to vector<16xi1>
      %reduce_sum3A_1397 = tpu.scan <sum>, %select_n3A_1394 masked %reduce_sum3A_1396 : vector<16xi32>, vector<16xi1> -> vector<16xi32>
      %reduce_sum3A_1398 = vector.extract %reduce_sum3A_1397[15] : i32 from vector<16xi32>
      %shift_right_logical3A_1399 = arith.constant 3 : i32
      %shift_right_logical3A_1400 = arith.shrui %reduce_sum3A_1398, %shift_right_logical3A_1399 : i32
      %dma_start3A_1401 = arith.constant 44 : i32
      %dma_start3A_1402 = arith.constant 0 : i32
      %dma_start3A_1403 = arith.constant 0 : i32
      %dma_start3A_1404 = tpu.memref_slice %arg7[%dma_start3A_1401, %dma_start3A_1402, %dma_start3A_1403] : memref<64x8x64xf32, #tpu.memory_space<vmem>> -> memref<1x8x64xf32, #tpu.memory_space<vmem>>
      %dma_start3A_1405 = tpu.memref_squeeze %dma_start3A_1404 : memref<1x8x64xf32, #tpu.memory_space<vmem>> -> memref<8x64xf32, #tpu.memory_space<vmem>>
      %dma_start3A_1406 = tpu.memref_reshape %arg4 : memref<1000000x64xf32, #tpu.memory_space<hbm>> -> memref<125000x8x64xf32, #tpu.memory_space<hbm>>
      %dma_start3A_1407 = arith.constant 0 : i32
      %dma_start3A_1408 = arith.constant 0 : i32
      %dma_start3A_1409 = tpu.memref_slice %dma_start3A_1406[%shift_right_logical3A_1400, %dma_start3A_1407, %dma_start3A_1408] : memref<125000x8x64xf32, #tpu.memory_space<hbm>> -> memref<1x8x64xf32, #tpu.memory_space<hbm>>
      %dma_start3A_1410 = tpu.memref_squeeze %dma_start3A_1409 : memref<1x8x64xf32, #tpu.memory_space<hbm>> -> memref<8x64xf32, #tpu.memory_space<hbm>>
      %dma_start3A_1411 = arith.constant 0 : i32
      %dma_start3A_1412 = arith.constant 0 : i32
      %dma_start3A_1413 = tpu.memref_slice %arg7[%dma_start3A_1401, %dma_start3A_1411, %dma_start3A_1412] : memref<64x8x64xf32, #tpu.memory_space<vmem>> -> memref<1x8x64xf32, #tpu.memory_space<vmem>>
      %dma_start3A_1414 = tpu.memref_squeeze %dma_start3A_1413 : memref<1x8x64xf32, #tpu.memory_space<vmem>> -> memref<8x64xf32, #tpu.memory_space<vmem>>
      %dma_start3A_1415 = tpu.memref_reshape %arg4 : memref<1000000x64xf32, #tpu.memory_space<hbm>> -> memref<125000x8x64xf32, #tpu.memory_space<hbm>>
      %dma_start3A_1416 = arith.constant 0 : i32
      %dma_start3A_1417 = arith.constant 0 : i32
      %dma_start3A_1418 = tpu.memref_slice %dma_start3A_1415[%shift_right_logical3A_1400, %dma_start3A_1416, %dma_start3A_1417] : memref<125000x8x64xf32, #tpu.memory_space<hbm>> -> memref<1x8x64xf32, #tpu.memory_space<hbm>>
      %dma_start3A_1419 = tpu.memref_squeeze %dma_start3A_1418 : memref<1x8x64xf32, #tpu.memory_space<hbm>> -> memref<8x64xf32, #tpu.memory_space<hbm>>
      tpu.enqueue_dma source(%dma_start3A_1419 : memref<8x64xf32, #tpu.memory_space<hbm>>) target(%dma_start3A_1414 : memref<8x64xf32, #tpu.memory_space<vmem>>) target_semaphore(%arg9 : memref<!tpu.dma_semaphore, #tpu.memory_space<semaphore_mem>>)
      %eq3A_1420 = arith.constant 13 : i32
      %eq3A_1421 = vector.broadcast %eq3A_1420 : i32 to vector<16xi32>
      %eq3A_1422 = arith.cmpi eq, %iota3A, %eq3A_1421 : vector<16xi32>
      %jit3A_1423 = arith.constant 0 : i32
      %broadcast_in_dim3A_1424 = vector.broadcast %jit3A_1423 : i32 to vector<16xi32>
      %select_n3A_1425 = arith.select %eq3A_1422, %get3A_1016, %broadcast_in_dim3A_1424 : vector<16xi1>, vector<16xi32>
      %reduce_sum3A_1426 = arith.constant true
      %reduce_sum3A_1427 = vector.broadcast %reduce_sum3A_1426 : i1 to vector<16xi1>
      %reduce_sum3A_1428 = tpu.scan <sum>, %select_n3A_1425 masked %reduce_sum3A_1427 : vector<16xi32>, vector<16xi1> -> vector<16xi32>
      %reduce_sum3A_1429 = vector.extract %reduce_sum3A_1428[15] : i32 from vector<16xi32>
      %shift_right_logical3A_1430 = arith.constant 3 : i32
      %shift_right_logical3A_1431 = arith.shrui %reduce_sum3A_1429, %shift_right_logical3A_1430 : i32
      %dma_start3A_1432 = arith.constant 45 : i32
      %dma_start3A_1433 = arith.constant 0 : i32
      %dma_start3A_1434 = arith.constant 0 : i32
      %dma_start3A_1435 = tpu.memref_slice %arg7[%dma_start3A_1432, %dma_start3A_1433, %dma_start3A_1434] : memref<64x8x64xf32, #tpu.memory_space<vmem>> -> memref<1x8x64xf32, #tpu.memory_space<vmem>>
      %dma_start3A_1436 = tpu.memref_squeeze %dma_start3A_1435 : memref<1x8x64xf32, #tpu.memory_space<vmem>> -> memref<8x64xf32, #tpu.memory_space<vmem>>
      %dma_start3A_1437 = tpu.memref_reshape %arg4 : memref<1000000x64xf32, #tpu.memory_space<hbm>> -> memref<125000x8x64xf32, #tpu.memory_space<hbm>>
      %dma_start3A_1438 = arith.constant 0 : i32
      %dma_start3A_1439 = arith.constant 0 : i32
      %dma_start3A_1440 = tpu.memref_slice %dma_start3A_1437[%shift_right_logical3A_1431, %dma_start3A_1438, %dma_start3A_1439] : memref<125000x8x64xf32, #tpu.memory_space<hbm>> -> memref<1x8x64xf32, #tpu.memory_space<hbm>>
      %dma_start3A_1441 = tpu.memref_squeeze %dma_start3A_1440 : memref<1x8x64xf32, #tpu.memory_space<hbm>> -> memref<8x64xf32, #tpu.memory_space<hbm>>
      %dma_start3A_1442 = arith.constant 0 : i32
      %dma_start3A_1443 = arith.constant 0 : i32
      %dma_start3A_1444 = tpu.memref_slice %arg7[%dma_start3A_1432, %dma_start3A_1442, %dma_start3A_1443] : memref<64x8x64xf32, #tpu.memory_space<vmem>> -> memref<1x8x64xf32, #tpu.memory_space<vmem>>
      %dma_start3A_1445 = tpu.memref_squeeze %dma_start3A_1444 : memref<1x8x64xf32, #tpu.memory_space<vmem>> -> memref<8x64xf32, #tpu.memory_space<vmem>>
      %dma_start3A_1446 = tpu.memref_reshape %arg4 : memref<1000000x64xf32, #tpu.memory_space<hbm>> -> memref<125000x8x64xf32, #tpu.memory_space<hbm>>
      %dma_start3A_1447 = arith.constant 0 : i32
      %dma_start3A_1448 = arith.constant 0 : i32
      %dma_start3A_1449 = tpu.memref_slice %dma_start3A_1446[%shift_right_logical3A_1431, %dma_start3A_1447, %dma_start3A_1448] : memref<125000x8x64xf32, #tpu.memory_space<hbm>> -> memref<1x8x64xf32, #tpu.memory_space<hbm>>
      %dma_start3A_1450 = tpu.memref_squeeze %dma_start3A_1449 : memref<1x8x64xf32, #tpu.memory_space<hbm>> -> memref<8x64xf32, #tpu.memory_space<hbm>>
      tpu.enqueue_dma source(%dma_start3A_1450 : memref<8x64xf32, #tpu.memory_space<hbm>>) target(%dma_start3A_1445 : memref<8x64xf32, #tpu.memory_space<vmem>>) target_semaphore(%arg9 : memref<!tpu.dma_semaphore, #tpu.memory_space<semaphore_mem>>)
      %eq3A_1451 = arith.constant 14 : i32
      %eq3A_1452 = vector.broadcast %eq3A_1451 : i32 to vector<16xi32>
      %eq3A_1453 = arith.cmpi eq, %iota3A, %eq3A_1452 : vector<16xi32>
      %jit3A_1454 = arith.constant 0 : i32
      %broadcast_in_dim3A_1455 = vector.broadcast %jit3A_1454 : i32 to vector<16xi32>
      %select_n3A_1456 = arith.select %eq3A_1453, %get3A_1016, %broadcast_in_dim3A_1455 : vector<16xi1>, vector<16xi32>
      %reduce_sum3A_1457 = arith.constant true
      %reduce_sum3A_1458 = vector.broadcast %reduce_sum3A_1457 : i1 to vector<16xi1>
      %reduce_sum3A_1459 = tpu.scan <sum>, %select_n3A_1456 masked %reduce_sum3A_1458 : vector<16xi32>, vector<16xi1> -> vector<16xi32>
      %reduce_sum3A_1460 = vector.extract %reduce_sum3A_1459[15] : i32 from vector<16xi32>
      %shift_right_logical3A_1461 = arith.constant 3 : i32
      %shift_right_logical3A_1462 = arith.shrui %reduce_sum3A_1460, %shift_right_logical3A_1461 : i32
      %dma_start3A_1463 = arith.constant 46 : i32
      %dma_start3A_1464 = arith.constant 0 : i32
      %dma_start3A_1465 = arith.constant 0 : i32
      %dma_start3A_1466 = tpu.memref_slice %arg7[%dma_start3A_1463, %dma_start3A_1464, %dma_start3A_1465] : memref<64x8x64xf32, #tpu.memory_space<vmem>> -> memref<1x8x64xf32, #tpu.memory_space<vmem>>
      %dma_start3A_1467 = tpu.memref_squeeze %dma_start3A_1466 : memref<1x8x64xf32, #tpu.memory_space<vmem>> -> memref<8x64xf32, #tpu.memory_space<vmem>>
      %dma_start3A_1468 = tpu.memref_reshape %arg4 : memref<1000000x64xf32, #tpu.memory_space<hbm>> -> memref<125000x8x64xf32, #tpu.memory_space<hbm>>
      %dma_start3A_1469 = arith.constant 0 : i32
      %dma_start3A_1470 = arith.constant 0 : i32
      %dma_start3A_1471 = tpu.memref_slice %dma_start3A_1468[%shift_right_logical3A_1462, %dma_start3A_1469, %dma_start3A_1470] : memref<125000x8x64xf32, #tpu.memory_space<hbm>> -> memref<1x8x64xf32, #tpu.memory_space<hbm>>
      %dma_start3A_1472 = tpu.memref_squeeze %dma_start3A_1471 : memref<1x8x64xf32, #tpu.memory_space<hbm>> -> memref<8x64xf32, #tpu.memory_space<hbm>>
      %dma_start3A_1473 = arith.constant 0 : i32
      %dma_start3A_1474 = arith.constant 0 : i32
      %dma_start3A_1475 = tpu.memref_slice %arg7[%dma_start3A_1463, %dma_start3A_1473, %dma_start3A_1474] : memref<64x8x64xf32, #tpu.memory_space<vmem>> -> memref<1x8x64xf32, #tpu.memory_space<vmem>>
      %dma_start3A_1476 = tpu.memref_squeeze %dma_start3A_1475 : memref<1x8x64xf32, #tpu.memory_space<vmem>> -> memref<8x64xf32, #tpu.memory_space<vmem>>
      %dma_start3A_1477 = tpu.memref_reshape %arg4 : memref<1000000x64xf32, #tpu.memory_space<hbm>> -> memref<125000x8x64xf32, #tpu.memory_space<hbm>>
      %dma_start3A_1478 = arith.constant 0 : i32
      %dma_start3A_1479 = arith.constant 0 : i32
      %dma_start3A_1480 = tpu.memref_slice %dma_start3A_1477[%shift_right_logical3A_1462, %dma_start3A_1478, %dma_start3A_1479] : memref<125000x8x64xf32, #tpu.memory_space<hbm>> -> memref<1x8x64xf32, #tpu.memory_space<hbm>>
      %dma_start3A_1481 = tpu.memref_squeeze %dma_start3A_1480 : memref<1x8x64xf32, #tpu.memory_space<hbm>> -> memref<8x64xf32, #tpu.memory_space<hbm>>
      tpu.enqueue_dma source(%dma_start3A_1481 : memref<8x64xf32, #tpu.memory_space<hbm>>) target(%dma_start3A_1476 : memref<8x64xf32, #tpu.memory_space<vmem>>) target_semaphore(%arg9 : memref<!tpu.dma_semaphore, #tpu.memory_space<semaphore_mem>>)
      %eq3A_1482 = arith.constant 15 : i32
      %eq3A_1483 = vector.broadcast %eq3A_1482 : i32 to vector<16xi32>
      %eq3A_1484 = arith.cmpi eq, %iota3A, %eq3A_1483 : vector<16xi32>
      %jit3A_1485 = arith.constant 0 : i32
      %broadcast_in_dim3A_1486 = vector.broadcast %jit3A_1485 : i32 to vector<16xi32>
      %select_n3A_1487 = arith.select %eq3A_1484, %get3A_1016, %broadcast_in_dim3A_1486 : vector<16xi1>, vector<16xi32>
      %reduce_sum3A_1488 = arith.constant true
      %reduce_sum3A_1489 = vector.broadcast %reduce_sum3A_1488 : i1 to vector<16xi1>
      %reduce_sum3A_1490 = tpu.scan <sum>, %select_n3A_1487 masked %reduce_sum3A_1489 : vector<16xi32>, vector<16xi1> -> vector<16xi32>
      %reduce_sum3A_1491 = vector.extract %reduce_sum3A_1490[15] : i32 from vector<16xi32>
      %shift_right_logical3A_1492 = arith.constant 3 : i32
      %shift_right_logical3A_1493 = arith.shrui %reduce_sum3A_1491, %shift_right_logical3A_1492 : i32
      %dma_start3A_1494 = arith.constant 47 : i32
      %dma_start3A_1495 = arith.constant 0 : i32
      %dma_start3A_1496 = arith.constant 0 : i32
      %dma_start3A_1497 = tpu.memref_slice %arg7[%dma_start3A_1494, %dma_start3A_1495, %dma_start3A_1496] : memref<64x8x64xf32, #tpu.memory_space<vmem>> -> memref<1x8x64xf32, #tpu.memory_space<vmem>>
      %dma_start3A_1498 = tpu.memref_squeeze %dma_start3A_1497 : memref<1x8x64xf32, #tpu.memory_space<vmem>> -> memref<8x64xf32, #tpu.memory_space<vmem>>
      %dma_start3A_1499 = tpu.memref_reshape %arg4 : memref<1000000x64xf32, #tpu.memory_space<hbm>> -> memref<125000x8x64xf32, #tpu.memory_space<hbm>>
      %dma_start3A_1500 = arith.constant 0 : i32
      %dma_start3A_1501 = arith.constant 0 : i32
      %dma_start3A_1502 = tpu.memref_slice %dma_start3A_1499[%shift_right_logical3A_1493, %dma_start3A_1500, %dma_start3A_1501] : memref<125000x8x64xf32, #tpu.memory_space<hbm>> -> memref<1x8x64xf32, #tpu.memory_space<hbm>>
      %dma_start3A_1503 = tpu.memref_squeeze %dma_start3A_1502 : memref<1x8x64xf32, #tpu.memory_space<hbm>> -> memref<8x64xf32, #tpu.memory_space<hbm>>
      %dma_start3A_1504 = arith.constant 0 : i32
      %dma_start3A_1505 = arith.constant 0 : i32
      %dma_start3A_1506 = tpu.memref_slice %arg7[%dma_start3A_1494, %dma_start3A_1504, %dma_start3A_1505] : memref<64x8x64xf32, #tpu.memory_space<vmem>> -> memref<1x8x64xf32, #tpu.memory_space<vmem>>
      %dma_start3A_1507 = tpu.memref_squeeze %dma_start3A_1506 : memref<1x8x64xf32, #tpu.memory_space<vmem>> -> memref<8x64xf32, #tpu.memory_space<vmem>>
      %dma_start3A_1508 = tpu.memref_reshape %arg4 : memref<1000000x64xf32, #tpu.memory_space<hbm>> -> memref<125000x8x64xf32, #tpu.memory_space<hbm>>
      %dma_start3A_1509 = arith.constant 0 : i32
      %dma_start3A_1510 = arith.constant 0 : i32
      %dma_start3A_1511 = tpu.memref_slice %dma_start3A_1508[%shift_right_logical3A_1493, %dma_start3A_1509, %dma_start3A_1510] : memref<125000x8x64xf32, #tpu.memory_space<hbm>> -> memref<1x8x64xf32, #tpu.memory_space<hbm>>
      %dma_start3A_1512 = tpu.memref_squeeze %dma_start3A_1511 : memref<1x8x64xf32, #tpu.memory_space<hbm>> -> memref<8x64xf32, #tpu.memory_space<hbm>>
      tpu.enqueue_dma source(%dma_start3A_1512 : memref<8x64xf32, #tpu.memory_space<hbm>>) target(%dma_start3A_1507 : memref<8x64xf32, #tpu.memory_space<vmem>>) target_semaphore(%arg9 : memref<!tpu.dma_semaphore, #tpu.memory_space<semaphore_mem>>)
      %mul3A_1513 = arith.constant 32 : i32
      %mul3A_1514 = arith.muli %scan3A_8, %mul3A_1513 : i32
      %add3A_1515 = arith.constant 512 : i32
      %add3A_1516 = arith.addi %add3A_1515, %mul3A_1514 : i32
      %add3A_1517 = arith.constant 16 : i32
      %add3A_1518 = arith.addi %add3A_1516, %add3A_1517 : i32
      %get3A_1519 = arith.index_cast %add3A_1518 : i32 to index
      %get3A_1520 = tpu.vector_load %arg6[%get3A_1519] {strides = array<i32>} : memref<1024xi32, #tpu.memory_space<vmem>>, vector<16xi32>,
      %eq3A_1521 = arith.constant 0 : i32
      %eq3A_1522 = vector.broadcast %eq3A_1521 : i32 to vector<16xi32>
      %eq3A_1523 = arith.cmpi eq, %iota3A, %eq3A_1522 : vector<16xi32>
      %jit3A_1524 = arith.constant 0 : i32
      %broadcast_in_dim3A_1525 = vector.broadcast %jit3A_1524 : i32 to vector<16xi32>
      %select_n3A_1526 = arith.select %eq3A_1523, %get3A_1520, %broadcast_in_dim3A_1525 : vector<16xi1>, vector<16xi32>
      %reduce_sum3A_1527 = arith.constant true
      %reduce_sum3A_1528 = vector.broadcast %reduce_sum3A_1527 : i1 to vector<16xi1>
      %reduce_sum3A_1529 = tpu.scan <sum>, %select_n3A_1526 masked %reduce_sum3A_1528 : vector<16xi32>, vector<16xi1> -> vector<16xi32>
      %reduce_sum3A_1530 = vector.extract %reduce_sum3A_1529[15] : i32 from vector<16xi32>
      %shift_right_logical3A_1531 = arith.constant 3 : i32
      %shift_right_logical3A_1532 = arith.shrui %reduce_sum3A_1530, %shift_right_logical3A_1531 : i32
      %dma_start3A_1533 = arith.constant 48 : i32
      %dma_start3A_1534 = arith.constant 0 : i32
      %dma_start3A_1535 = arith.constant 0 : i32
      %dma_start3A_1536 = tpu.memref_slice %arg7[%dma_start3A_1533, %dma_start3A_1534, %dma_start3A_1535] : memref<64x8x64xf32, #tpu.memory_space<vmem>> -> memref<1x8x64xf32, #tpu.memory_space<vmem>>
      %dma_start3A_1537 = tpu.memref_squeeze %dma_start3A_1536 : memref<1x8x64xf32, #tpu.memory_space<vmem>> -> memref<8x64xf32, #tpu.memory_space<vmem>>
      %dma_start3A_1538 = tpu.memref_reshape %arg4 : memref<1000000x64xf32, #tpu.memory_space<hbm>> -> memref<125000x8x64xf32, #tpu.memory_space<hbm>>
      %dma_start3A_1539 = arith.constant 0 : i32
      %dma_start3A_1540 = arith.constant 0 : i32
      %dma_start3A_1541 = tpu.memref_slice %dma_start3A_1538[%shift_right_logical3A_1532, %dma_start3A_1539, %dma_start3A_1540] : memref<125000x8x64xf32, #tpu.memory_space<hbm>> -> memref<1x8x64xf32, #tpu.memory_space<hbm>>
      %dma_start3A_1542 = tpu.memref_squeeze %dma_start3A_1541 : memref<1x8x64xf32, #tpu.memory_space<hbm>> -> memref<8x64xf32, #tpu.memory_space<hbm>>
      %dma_start3A_1543 = arith.constant 0 : i32
      %dma_start3A_1544 = arith.constant 0 : i32
      %dma_start3A_1545 = tpu.memref_slice %arg7[%dma_start3A_1533, %dma_start3A_1543, %dma_start3A_1544] : memref<64x8x64xf32, #tpu.memory_space<vmem>> -> memref<1x8x64xf32, #tpu.memory_space<vmem>>
      %dma_start3A_1546 = tpu.memref_squeeze %dma_start3A_1545 : memref<1x8x64xf32, #tpu.memory_space<vmem>> -> memref<8x64xf32, #tpu.memory_space<vmem>>
      %dma_start3A_1547 = tpu.memref_reshape %arg4 : memref<1000000x64xf32, #tpu.memory_space<hbm>> -> memref<125000x8x64xf32, #tpu.memory_space<hbm>>
      %dma_start3A_1548 = arith.constant 0 : i32
      %dma_start3A_1549 = arith.constant 0 : i32
      %dma_start3A_1550 = tpu.memref_slice %dma_start3A_1547[%shift_right_logical3A_1532, %dma_start3A_1548, %dma_start3A_1549] : memref<125000x8x64xf32, #tpu.memory_space<hbm>> -> memref<1x8x64xf32, #tpu.memory_space<hbm>>
      %dma_start3A_1551 = tpu.memref_squeeze %dma_start3A_1550 : memref<1x8x64xf32, #tpu.memory_space<hbm>> -> memref<8x64xf32, #tpu.memory_space<hbm>>
      tpu.enqueue_dma source(%dma_start3A_1551 : memref<8x64xf32, #tpu.memory_space<hbm>>) target(%dma_start3A_1546 : memref<8x64xf32, #tpu.memory_space<vmem>>) target_semaphore(%arg9 : memref<!tpu.dma_semaphore, #tpu.memory_space<semaphore_mem>>)
      %eq3A_1552 = arith.constant 1 : i32
      %eq3A_1553 = vector.broadcast %eq3A_1552 : i32 to vector<16xi32>
      %eq3A_1554 = arith.cmpi eq, %iota3A, %eq3A_1553 : vector<16xi32>
      %jit3A_1555 = arith.constant 0 : i32
      %broadcast_in_dim3A_1556 = vector.broadcast %jit3A_1555 : i32 to vector<16xi32>
      %select_n3A_1557 = arith.select %eq3A_1554, %get3A_1520, %broadcast_in_dim3A_1556 : vector<16xi1>, vector<16xi32>
      %reduce_sum3A_1558 = arith.constant true
      %reduce_sum3A_1559 = vector.broadcast %reduce_sum3A_1558 : i1 to vector<16xi1>
      %reduce_sum3A_1560 = tpu.scan <sum>, %select_n3A_1557 masked %reduce_sum3A_1559 : vector<16xi32>, vector<16xi1> -> vector<16xi32>
      %reduce_sum3A_1561 = vector.extract %reduce_sum3A_1560[15] : i32 from vector<16xi32>
      %shift_right_logical3A_1562 = arith.constant 3 : i32
      %shift_right_logical3A_1563 = arith.shrui %reduce_sum3A_1561, %shift_right_logical3A_1562 : i32
      %dma_start3A_1564 = arith.constant 49 : i32
      %dma_start3A_1565 = arith.constant 0 : i32
      %dma_start3A_1566 = arith.constant 0 : i32
      %dma_start3A_1567 = tpu.memref_slice %arg7[%dma_start3A_1564, %dma_start3A_1565, %dma_start3A_1566] : memref<64x8x64xf32, #tpu.memory_space<vmem>> -> memref<1x8x64xf32, #tpu.memory_space<vmem>>
      %dma_start3A_1568 = tpu.memref_squeeze %dma_start3A_1567 : memref<1x8x64xf32, #tpu.memory_space<vmem>> -> memref<8x64xf32, #tpu.memory_space<vmem>>
      %dma_start3A_1569 = tpu.memref_reshape %arg4 : memref<1000000x64xf32, #tpu.memory_space<hbm>> -> memref<125000x8x64xf32, #tpu.memory_space<hbm>>
      %dma_start3A_1570 = arith.constant 0 : i32
      %dma_start3A_1571 = arith.constant 0 : i32
      %dma_start3A_1572 = tpu.memref_slice %dma_start3A_1569[%shift_right_logical3A_1563, %dma_start3A_1570, %dma_start3A_1571] : memref<125000x8x64xf32, #tpu.memory_space<hbm>> -> memref<1x8x64xf32, #tpu.memory_space<hbm>>
      %dma_start3A_1573 = tpu.memref_squeeze %dma_start3A_1572 : memref<1x8x64xf32, #tpu.memory_space<hbm>> -> memref<8x64xf32, #tpu.memory_space<hbm>>
      %dma_start3A_1574 = arith.constant 0 : i32
      %dma_start3A_1575 = arith.constant 0 : i32
      %dma_start3A_1576 = tpu.memref_slice %arg7[%dma_start3A_1564, %dma_start3A_1574, %dma_start3A_1575] : memref<64x8x64xf32, #tpu.memory_space<vmem>> -> memref<1x8x64xf32, #tpu.memory_space<vmem>>
      %dma_start3A_1577 = tpu.memref_squeeze %dma_start3A_1576 : memref<1x8x64xf32, #tpu.memory_space<vmem>> -> memref<8x64xf32, #tpu.memory_space<vmem>>
      %dma_start3A_1578 = tpu.memref_reshape %arg4 : memref<1000000x64xf32, #tpu.memory_space<hbm>> -> memref<125000x8x64xf32, #tpu.memory_space<hbm>>
      %dma_start3A_1579 = arith.constant 0 : i32
      %dma_start3A_1580 = arith.constant 0 : i32
      %dma_start3A_1581 = tpu.memref_slice %dma_start3A_1578[%shift_right_logical3A_1563, %dma_start3A_1579, %dma_start3A_1580] : memref<125000x8x64xf32, #tpu.memory_space<hbm>> -> memref<1x8x64xf32, #tpu.memory_space<hbm>>
      %dma_start3A_1582 = tpu.memref_squeeze %dma_start3A_1581 : memref<1x8x64xf32, #tpu.memory_space<hbm>> -> memref<8x64xf32, #tpu.memory_space<hbm>>
      tpu.enqueue_dma source(%dma_start3A_1582 : memref<8x64xf32, #tpu.memory_space<hbm>>) target(%dma_start3A_1577 : memref<8x64xf32, #tpu.memory_space<vmem>>) target_semaphore(%arg9 : memref<!tpu.dma_semaphore, #tpu.memory_space<semaphore_mem>>)
      %eq3A_1583 = arith.constant 2 : i32
      %eq3A_1584 = vector.broadcast %eq3A_1583 : i32 to vector<16xi32>
      %eq3A_1585 = arith.cmpi eq, %iota3A, %eq3A_1584 : vector<16xi32>
      %jit3A_1586 = arith.constant 0 : i32
      %broadcast_in_dim3A_1587 = vector.broadcast %jit3A_1586 : i32 to vector<16xi32>
      %select_n3A_1588 = arith.select %eq3A_1585, %get3A_1520, %broadcast_in_dim3A_1587 : vector<16xi1>, vector<16xi32>
      %reduce_sum3A_1589 = arith.constant true
      %reduce_sum3A_1590 = vector.broadcast %reduce_sum3A_1589 : i1 to vector<16xi1>
      %reduce_sum3A_1591 = tpu.scan <sum>, %select_n3A_1588 masked %reduce_sum3A_1590 : vector<16xi32>, vector<16xi1> -> vector<16xi32>
      %reduce_sum3A_1592 = vector.extract %reduce_sum3A_1591[15] : i32 from vector<16xi32>
      %shift_right_logical3A_1593 = arith.constant 3 : i32
      %shift_right_logical3A_1594 = arith.shrui %reduce_sum3A_1592, %shift_right_logical3A_1593 : i32
      %dma_start3A_1595 = arith.constant 50 : i32
      %dma_start3A_1596 = arith.constant 0 : i32
      %dma_start3A_1597 = arith.constant 0 : i32
      %dma_start3A_1598 = tpu.memref_slice %arg7[%dma_start3A_1595, %dma_start3A_1596, %dma_start3A_1597] : memref<64x8x64xf32, #tpu.memory_space<vmem>> -> memref<1x8x64xf32, #tpu.memory_space<vmem>>
      %dma_start3A_1599 = tpu.memref_squeeze %dma_start3A_1598 : memref<1x8x64xf32, #tpu.memory_space<vmem>> -> memref<8x64xf32, #tpu.memory_space<vmem>>
      %dma_start3A_1600 = tpu.memref_reshape %arg4 : memref<1000000x64xf32, #tpu.memory_space<hbm>> -> memref<125000x8x64xf32, #tpu.memory_space<hbm>>
      %dma_start3A_1601 = arith.constant 0 : i32
      %dma_start3A_1602 = arith.constant 0 : i32
      %dma_start3A_1603 = tpu.memref_slice %dma_start3A_1600[%shift_right_logical3A_1594, %dma_start3A_1601, %dma_start3A_1602] : memref<125000x8x64xf32, #tpu.memory_space<hbm>> -> memref<1x8x64xf32, #tpu.memory_space<hbm>>
      %dma_start3A_1604 = tpu.memref_squeeze %dma_start3A_1603 : memref<1x8x64xf32, #tpu.memory_space<hbm>> -> memref<8x64xf32, #tpu.memory_space<hbm>>
      %dma_start3A_1605 = arith.constant 0 : i32
      %dma_start3A_1606 = arith.constant 0 : i32
      %dma_start3A_1607 = tpu.memref_slice %arg7[%dma_start3A_1595, %dma_start3A_1605, %dma_start3A_1606] : memref<64x8x64xf32, #tpu.memory_space<vmem>> -> memref<1x8x64xf32, #tpu.memory_space<vmem>>
      %dma_start3A_1608 = tpu.memref_squeeze %dma_start3A_1607 : memref<1x8x64xf32, #tpu.memory_space<vmem>> -> memref<8x64xf32, #tpu.memory_space<vmem>>
      %dma_start3A_1609 = tpu.memref_reshape %arg4 : memref<1000000x64xf32, #tpu.memory_space<hbm>> -> memref<125000x8x64xf32, #tpu.memory_space<hbm>>
      %dma_start3A_1610 = arith.constant 0 : i32
      %dma_start3A_1611 = arith.constant 0 : i32
      %dma_start3A_1612 = tpu.memref_slice %dma_start3A_1609[%shift_right_logical3A_1594, %dma_start3A_1610, %dma_start3A_1611] : memref<125000x8x64xf32, #tpu.memory_space<hbm>> -> memref<1x8x64xf32, #tpu.memory_space<hbm>>
      %dma_start3A_1613 = tpu.memref_squeeze %dma_start3A_1612 : memref<1x8x64xf32, #tpu.memory_space<hbm>> -> memref<8x64xf32, #tpu.memory_space<hbm>>
      tpu.enqueue_dma source(%dma_start3A_1613 : memref<8x64xf32, #tpu.memory_space<hbm>>) target(%dma_start3A_1608 : memref<8x64xf32, #tpu.memory_space<vmem>>) target_semaphore(%arg9 : memref<!tpu.dma_semaphore, #tpu.memory_space<semaphore_mem>>)
      %eq3A_1614 = arith.constant 3 : i32
      %eq3A_1615 = vector.broadcast %eq3A_1614 : i32 to vector<16xi32>
      %eq3A_1616 = arith.cmpi eq, %iota3A, %eq3A_1615 : vector<16xi32>
      %jit3A_1617 = arith.constant 0 : i32
      %broadcast_in_dim3A_1618 = vector.broadcast %jit3A_1617 : i32 to vector<16xi32>
      %select_n3A_1619 = arith.select %eq3A_1616, %get3A_1520, %broadcast_in_dim3A_1618 : vector<16xi1>, vector<16xi32>
      %reduce_sum3A_1620 = arith.constant true
      %reduce_sum3A_1621 = vector.broadcast %reduce_sum3A_1620 : i1 to vector<16xi1>
      %reduce_sum3A_1622 = tpu.scan <sum>, %select_n3A_1619 masked %reduce_sum3A_1621 : vector<16xi32>, vector<16xi1> -> vector<16xi32>
      %reduce_sum3A_1623 = vector.extract %reduce_sum3A_1622[15] : i32 from vector<16xi32>
      %shift_right_logical3A_1624 = arith.constant 3 : i32
      %shift_right_logical3A_1625 = arith.shrui %reduce_sum3A_1623, %shift_right_logical3A_1624 : i32
      %dma_start3A_1626 = arith.constant 51 : i32
      %dma_start3A_1627 = arith.constant 0 : i32
      %dma_start3A_1628 = arith.constant 0 : i32
      %dma_start3A_1629 = tpu.memref_slice %arg7[%dma_start3A_1626, %dma_start3A_1627, %dma_start3A_1628] : memref<64x8x64xf32, #tpu.memory_space<vmem>> -> memref<1x8x64xf32, #tpu.memory_space<vmem>>
      %dma_start3A_1630 = tpu.memref_squeeze %dma_start3A_1629 : memref<1x8x64xf32, #tpu.memory_space<vmem>> -> memref<8x64xf32, #tpu.memory_space<vmem>>
      %dma_start3A_1631 = tpu.memref_reshape %arg4 : memref<1000000x64xf32, #tpu.memory_space<hbm>> -> memref<125000x8x64xf32, #tpu.memory_space<hbm>>
      %dma_start3A_1632 = arith.constant 0 : i32
      %dma_start3A_1633 = arith.constant 0 : i32
      %dma_start3A_1634 = tpu.memref_slice %dma_start3A_1631[%shift_right_logical3A_1625, %dma_start3A_1632, %dma_start3A_1633] : memref<125000x8x64xf32, #tpu.memory_space<hbm>> -> memref<1x8x64xf32, #tpu.memory_space<hbm>>
      %dma_start3A_1635 = tpu.memref_squeeze %dma_start3A_1634 : memref<1x8x64xf32, #tpu.memory_space<hbm>> -> memref<8x64xf32, #tpu.memory_space<hbm>>
      %dma_start3A_1636 = arith.constant 0 : i32
      %dma_start3A_1637 = arith.constant 0 : i32
      %dma_start3A_1638 = tpu.memref_slice %arg7[%dma_start3A_1626, %dma_start3A_1636, %dma_start3A_1637] : memref<64x8x64xf32, #tpu.memory_space<vmem>> -> memref<1x8x64xf32, #tpu.memory_space<vmem>>
      %dma_start3A_1639 = tpu.memref_squeeze %dma_start3A_1638 : memref<1x8x64xf32, #tpu.memory_space<vmem>> -> memref<8x64xf32, #tpu.memory_space<vmem>>
      %dma_start3A_1640 = tpu.memref_reshape %arg4 : memref<1000000x64xf32, #tpu.memory_space<hbm>> -> memref<125000x8x64xf32, #tpu.memory_space<hbm>>
      %dma_start3A_1641 = arith.constant 0 : i32
      %dma_start3A_1642 = arith.constant 0 : i32
      %dma_start3A_1643 = tpu.memref_slice %dma_start3A_1640[%shift_right_logical3A_1625, %dma_start3A_1641, %dma_start3A_1642] : memref<125000x8x64xf32, #tpu.memory_space<hbm>> -> memref<1x8x64xf32, #tpu.memory_space<hbm>>
      %dma_start3A_1644 = tpu.memref_squeeze %dma_start3A_1643 : memref<1x8x64xf32, #tpu.memory_space<hbm>> -> memref<8x64xf32, #tpu.memory_space<hbm>>
      tpu.enqueue_dma source(%dma_start3A_1644 : memref<8x64xf32, #tpu.memory_space<hbm>>) target(%dma_start3A_1639 : memref<8x64xf32, #tpu.memory_space<vmem>>) target_semaphore(%arg9 : memref<!tpu.dma_semaphore, #tpu.memory_space<semaphore_mem>>)
      %eq3A_1645 = arith.constant 4 : i32
      %eq3A_1646 = vector.broadcast %eq3A_1645 : i32 to vector<16xi32>
      %eq3A_1647 = arith.cmpi eq, %iota3A, %eq3A_1646 : vector<16xi32>
      %jit3A_1648 = arith.constant 0 : i32
      %broadcast_in_dim3A_1649 = vector.broadcast %jit3A_1648 : i32 to vector<16xi32>
      %select_n3A_1650 = arith.select %eq3A_1647, %get3A_1520, %broadcast_in_dim3A_1649 : vector<16xi1>, vector<16xi32>
      %reduce_sum3A_1651 = arith.constant true
      %reduce_sum3A_1652 = vector.broadcast %reduce_sum3A_1651 : i1 to vector<16xi1>
      %reduce_sum3A_1653 = tpu.scan <sum>, %select_n3A_1650 masked %reduce_sum3A_1652 : vector<16xi32>, vector<16xi1> -> vector<16xi32>
      %reduce_sum3A_1654 = vector.extract %reduce_sum3A_1653[15] : i32 from vector<16xi32>
      %shift_right_logical3A_1655 = arith.constant 3 : i32
      %shift_right_logical3A_1656 = arith.shrui %reduce_sum3A_1654, %shift_right_logical3A_1655 : i32
      %dma_start3A_1657 = arith.constant 52 : i32
      %dma_start3A_1658 = arith.constant 0 : i32
      %dma_start3A_1659 = arith.constant 0 : i32
      %dma_start3A_1660 = tpu.memref_slice %arg7[%dma_start3A_1657, %dma_start3A_1658, %dma_start3A_1659] : memref<64x8x64xf32, #tpu.memory_space<vmem>> -> memref<1x8x64xf32, #tpu.memory_space<vmem>>
      %dma_start3A_1661 = tpu.memref_squeeze %dma_start3A_1660 : memref<1x8x64xf32, #tpu.memory_space<vmem>> -> memref<8x64xf32, #tpu.memory_space<vmem>>
      %dma_start3A_1662 = tpu.memref_reshape %arg4 : memref<1000000x64xf32, #tpu.memory_space<hbm>> -> memref<125000x8x64xf32, #tpu.memory_space<hbm>>
      %dma_start3A_1663 = arith.constant 0 : i32
      %dma_start3A_1664 = arith.constant 0 : i32
      %dma_start3A_1665 = tpu.memref_slice %dma_start3A_1662[%shift_right_logical3A_1656, %dma_start3A_1663, %dma_start3A_1664] : memref<125000x8x64xf32, #tpu.memory_space<hbm>> -> memref<1x8x64xf32, #tpu.memory_space<hbm>>
      %dma_start3A_1666 = tpu.memref_squeeze %dma_start3A_1665 : memref<1x8x64xf32, #tpu.memory_space<hbm>> -> memref<8x64xf32, #tpu.memory_space<hbm>>
      %dma_start3A_1667 = arith.constant 0 : i32
      %dma_start3A_1668 = arith.constant 0 : i32
      %dma_start3A_1669 = tpu.memref_slice %arg7[%dma_start3A_1657, %dma_start3A_1667, %dma_start3A_1668] : memref<64x8x64xf32, #tpu.memory_space<vmem>> -> memref<1x8x64xf32, #tpu.memory_space<vmem>>
      %dma_start3A_1670 = tpu.memref_squeeze %dma_start3A_1669 : memref<1x8x64xf32, #tpu.memory_space<vmem>> -> memref<8x64xf32, #tpu.memory_space<vmem>>
      %dma_start3A_1671 = tpu.memref_reshape %arg4 : memref<1000000x64xf32, #tpu.memory_space<hbm>> -> memref<125000x8x64xf32, #tpu.memory_space<hbm>>
      %dma_start3A_1672 = arith.constant 0 : i32
      %dma_start3A_1673 = arith.constant 0 : i32
      %dma_start3A_1674 = tpu.memref_slice %dma_start3A_1671[%shift_right_logical3A_1656, %dma_start3A_1672, %dma_start3A_1673] : memref<125000x8x64xf32, #tpu.memory_space<hbm>> -> memref<1x8x64xf32, #tpu.memory_space<hbm>>
      %dma_start3A_1675 = tpu.memref_squeeze %dma_start3A_1674 : memref<1x8x64xf32, #tpu.memory_space<hbm>> -> memref<8x64xf32, #tpu.memory_space<hbm>>
      tpu.enqueue_dma source(%dma_start3A_1675 : memref<8x64xf32, #tpu.memory_space<hbm>>) target(%dma_start3A_1670 : memref<8x64xf32, #tpu.memory_space<vmem>>) target_semaphore(%arg9 : memref<!tpu.dma_semaphore, #tpu.memory_space<semaphore_mem>>)
      %eq3A_1676 = arith.constant 5 : i32
      %eq3A_1677 = vector.broadcast %eq3A_1676 : i32 to vector<16xi32>
      %eq3A_1678 = arith.cmpi eq, %iota3A, %eq3A_1677 : vector<16xi32>
      %jit3A_1679 = arith.constant 0 : i32
      %broadcast_in_dim3A_1680 = vector.broadcast %jit3A_1679 : i32 to vector<16xi32>
      %select_n3A_1681 = arith.select %eq3A_1678, %get3A_1520, %broadcast_in_dim3A_1680 : vector<16xi1>, vector<16xi32>
      %reduce_sum3A_1682 = arith.constant true
      %reduce_sum3A_1683 = vector.broadcast %reduce_sum3A_1682 : i1 to vector<16xi1>
      %reduce_sum3A_1684 = tpu.scan <sum>, %select_n3A_1681 masked %reduce_sum3A_1683 : vector<16xi32>, vector<16xi1> -> vector<16xi32>
      %reduce_sum3A_1685 = vector.extract %reduce_sum3A_1684[15] : i32 from vector<16xi32>
      %shift_right_logical3A_1686 = arith.constant 3 : i32
      %shift_right_logical3A_1687 = arith.shrui %reduce_sum3A_1685, %shift_right_logical3A_1686 : i32
      %dma_start3A_1688 = arith.constant 53 : i32
      %dma_start3A_1689 = arith.constant 0 : i32
      %dma_start3A_1690 = arith.constant 0 : i32
      %dma_start3A_1691 = tpu.memref_slice %arg7[%dma_start3A_1688, %dma_start3A_1689, %dma_start3A_1690] : memref<64x8x64xf32, #tpu.memory_space<vmem>> -> memref<1x8x64xf32, #tpu.memory_space<vmem>>
      %dma_start3A_1692 = tpu.memref_squeeze %dma_start3A_1691 : memref<1x8x64xf32, #tpu.memory_space<vmem>> -> memref<8x64xf32, #tpu.memory_space<vmem>>
      %dma_start3A_1693 = tpu.memref_reshape %arg4 : memref<1000000x64xf32, #tpu.memory_space<hbm>> -> memref<125000x8x64xf32, #tpu.memory_space<hbm>>
      %dma_start3A_1694 = arith.constant 0 : i32
      %dma_start3A_1695 = arith.constant 0 : i32
      %dma_start3A_1696 = tpu.memref_slice %dma_start3A_1693[%shift_right_logical3A_1687, %dma_start3A_1694, %dma_start3A_1695] : memref<125000x8x64xf32, #tpu.memory_space<hbm>> -> memref<1x8x64xf32, #tpu.memory_space<hbm>>
      %dma_start3A_1697 = tpu.memref_squeeze %dma_start3A_1696 : memref<1x8x64xf32, #tpu.memory_space<hbm>> -> memref<8x64xf32, #tpu.memory_space<hbm>>
      %dma_start3A_1698 = arith.constant 0 : i32
      %dma_start3A_1699 = arith.constant 0 : i32
      %dma_start3A_1700 = tpu.memref_slice %arg7[%dma_start3A_1688, %dma_start3A_1698, %dma_start3A_1699] : memref<64x8x64xf32, #tpu.memory_space<vmem>> -> memref<1x8x64xf32, #tpu.memory_space<vmem>>
      %dma_start3A_1701 = tpu.memref_squeeze %dma_start3A_1700 : memref<1x8x64xf32, #tpu.memory_space<vmem>> -> memref<8x64xf32, #tpu.memory_space<vmem>>
      %dma_start3A_1702 = tpu.memref_reshape %arg4 : memref<1000000x64xf32, #tpu.memory_space<hbm>> -> memref<125000x8x64xf32, #tpu.memory_space<hbm>>
      %dma_start3A_1703 = arith.constant 0 : i32
      %dma_start3A_1704 = arith.constant 0 : i32
      %dma_start3A_1705 = tpu.memref_slice %dma_start3A_1702[%shift_right_logical3A_1687, %dma_start3A_1703, %dma_start3A_1704] : memref<125000x8x64xf32, #tpu.memory_space<hbm>> -> memref<1x8x64xf32, #tpu.memory_space<hbm>>
      %dma_start3A_1706 = tpu.memref_squeeze %dma_start3A_1705 : memref<1x8x64xf32, #tpu.memory_space<hbm>> -> memref<8x64xf32, #tpu.memory_space<hbm>>
      tpu.enqueue_dma source(%dma_start3A_1706 : memref<8x64xf32, #tpu.memory_space<hbm>>) target(%dma_start3A_1701 : memref<8x64xf32, #tpu.memory_space<vmem>>) target_semaphore(%arg9 : memref<!tpu.dma_semaphore, #tpu.memory_space<semaphore_mem>>)
      %eq3A_1707 = arith.constant 6 : i32
      %eq3A_1708 = vector.broadcast %eq3A_1707 : i32 to vector<16xi32>
      %eq3A_1709 = arith.cmpi eq, %iota3A, %eq3A_1708 : vector<16xi32>
      %jit3A_1710 = arith.constant 0 : i32
      %broadcast_in_dim3A_1711 = vector.broadcast %jit3A_1710 : i32 to vector<16xi32>
      %select_n3A_1712 = arith.select %eq3A_1709, %get3A_1520, %broadcast_in_dim3A_1711 : vector<16xi1>, vector<16xi32>
      %reduce_sum3A_1713 = arith.constant true
      %reduce_sum3A_1714 = vector.broadcast %reduce_sum3A_1713 : i1 to vector<16xi1>
      %reduce_sum3A_1715 = tpu.scan <sum>, %select_n3A_1712 masked %reduce_sum3A_1714 : vector<16xi32>, vector<16xi1> -> vector<16xi32>
      %reduce_sum3A_1716 = vector.extract %reduce_sum3A_1715[15] : i32 from vector<16xi32>
      %shift_right_logical3A_1717 = arith.constant 3 : i32
      %shift_right_logical3A_1718 = arith.shrui %reduce_sum3A_1716, %shift_right_logical3A_1717 : i32
      %dma_start3A_1719 = arith.constant 54 : i32
      %dma_start3A_1720 = arith.constant 0 : i32
      %dma_start3A_1721 = arith.constant 0 : i32
      %dma_start3A_1722 = tpu.memref_slice %arg7[%dma_start3A_1719, %dma_start3A_1720, %dma_start3A_1721] : memref<64x8x64xf32, #tpu.memory_space<vmem>> -> memref<1x8x64xf32, #tpu.memory_space<vmem>>
      %dma_start3A_1723 = tpu.memref_squeeze %dma_start3A_1722 : memref<1x8x64xf32, #tpu.memory_space<vmem>> -> memref<8x64xf32, #tpu.memory_space<vmem>>
      %dma_start3A_1724 = tpu.memref_reshape %arg4 : memref<1000000x64xf32, #tpu.memory_space<hbm>> -> memref<125000x8x64xf32, #tpu.memory_space<hbm>>
      %dma_start3A_1725 = arith.constant 0 : i32
      %dma_start3A_1726 = arith.constant 0 : i32
      %dma_start3A_1727 = tpu.memref_slice %dma_start3A_1724[%shift_right_logical3A_1718, %dma_start3A_1725, %dma_start3A_1726] : memref<125000x8x64xf32, #tpu.memory_space<hbm>> -> memref<1x8x64xf32, #tpu.memory_space<hbm>>
      %dma_start3A_1728 = tpu.memref_squeeze %dma_start3A_1727 : memref<1x8x64xf32, #tpu.memory_space<hbm>> -> memref<8x64xf32, #tpu.memory_space<hbm>>
      %dma_start3A_1729 = arith.constant 0 : i32
      %dma_start3A_1730 = arith.constant 0 : i32
      %dma_start3A_1731 = tpu.memref_slice %arg7[%dma_start3A_1719, %dma_start3A_1729, %dma_start3A_1730] : memref<64x8x64xf32, #tpu.memory_space<vmem>> -> memref<1x8x64xf32, #tpu.memory_space<vmem>>
      %dma_start3A_1732 = tpu.memref_squeeze %dma_start3A_1731 : memref<1x8x64xf32, #tpu.memory_space<vmem>> -> memref<8x64xf32, #tpu.memory_space<vmem>>
      %dma_start3A_1733 = tpu.memref_reshape %arg4 : memref<1000000x64xf32, #tpu.memory_space<hbm>> -> memref<125000x8x64xf32, #tpu.memory_space<hbm>>
      %dma_start3A_1734 = arith.constant 0 : i32
      %dma_start3A_1735 = arith.constant 0 : i32
      %dma_start3A_1736 = tpu.memref_slice %dma_start3A_1733[%shift_right_logical3A_1718, %dma_start3A_1734, %dma_start3A_1735] : memref<125000x8x64xf32, #tpu.memory_space<hbm>> -> memref<1x8x64xf32, #tpu.memory_space<hbm>>
      %dma_start3A_1737 = tpu.memref_squeeze %dma_start3A_1736 : memref<1x8x64xf32, #tpu.memory_space<hbm>> -> memref<8x64xf32, #tpu.memory_space<hbm>>
      tpu.enqueue_dma source(%dma_start3A_1737 : memref<8x64xf32, #tpu.memory_space<hbm>>) target(%dma_start3A_1732 : memref<8x64xf32, #tpu.memory_space<vmem>>) target_semaphore(%arg9 : memref<!tpu.dma_semaphore, #tpu.memory_space<semaphore_mem>>)
      %eq3A_1738 = arith.constant 7 : i32
      %eq3A_1739 = vector.broadcast %eq3A_1738 : i32 to vector<16xi32>
      %eq3A_1740 = arith.cmpi eq, %iota3A, %eq3A_1739 : vector<16xi32>
      %jit3A_1741 = arith.constant 0 : i32
      %broadcast_in_dim3A_1742 = vector.broadcast %jit3A_1741 : i32 to vector<16xi32>
      %select_n3A_1743 = arith.select %eq3A_1740, %get3A_1520, %broadcast_in_dim3A_1742 : vector<16xi1>, vector<16xi32>
      %reduce_sum3A_1744 = arith.constant true
      %reduce_sum3A_1745 = vector.broadcast %reduce_sum3A_1744 : i1 to vector<16xi1>
      %reduce_sum3A_1746 = tpu.scan <sum>, %select_n3A_1743 masked %reduce_sum3A_1745 : vector<16xi32>, vector<16xi1> -> vector<16xi32>
      %reduce_sum3A_1747 = vector.extract %reduce_sum3A_1746[15] : i32 from vector<16xi32>
      %shift_right_logical3A_1748 = arith.constant 3 : i32
      %shift_right_logical3A_1749 = arith.shrui %reduce_sum3A_1747, %shift_right_logical3A_1748 : i32
      %dma_start3A_1750 = arith.constant 55 : i32
      %dma_start3A_1751 = arith.constant 0 : i32
      %dma_start3A_1752 = arith.constant 0 : i32
      %dma_start3A_1753 = tpu.memref_slice %arg7[%dma_start3A_1750, %dma_start3A_1751, %dma_start3A_1752] : memref<64x8x64xf32, #tpu.memory_space<vmem>> -> memref<1x8x64xf32, #tpu.memory_space<vmem>>
      %dma_start3A_1754 = tpu.memref_squeeze %dma_start3A_1753 : memref<1x8x64xf32, #tpu.memory_space<vmem>> -> memref<8x64xf32, #tpu.memory_space<vmem>>
      %dma_start3A_1755 = tpu.memref_reshape %arg4 : memref<1000000x64xf32, #tpu.memory_space<hbm>> -> memref<125000x8x64xf32, #tpu.memory_space<hbm>>
      %dma_start3A_1756 = arith.constant 0 : i32
      %dma_start3A_1757 = arith.constant 0 : i32
      %dma_start3A_1758 = tpu.memref_slice %dma_start3A_1755[%shift_right_logical3A_1749, %dma_start3A_1756, %dma_start3A_1757] : memref<125000x8x64xf32, #tpu.memory_space<hbm>> -> memref<1x8x64xf32, #tpu.memory_space<hbm>>
      %dma_start3A_1759 = tpu.memref_squeeze %dma_start3A_1758 : memref<1x8x64xf32, #tpu.memory_space<hbm>> -> memref<8x64xf32, #tpu.memory_space<hbm>>
      %dma_start3A_1760 = arith.constant 0 : i32
      %dma_start3A_1761 = arith.constant 0 : i32
      %dma_start3A_1762 = tpu.memref_slice %arg7[%dma_start3A_1750, %dma_start3A_1760, %dma_start3A_1761] : memref<64x8x64xf32, #tpu.memory_space<vmem>> -> memref<1x8x64xf32, #tpu.memory_space<vmem>>
      %dma_start3A_1763 = tpu.memref_squeeze %dma_start3A_1762 : memref<1x8x64xf32, #tpu.memory_space<vmem>> -> memref<8x64xf32, #tpu.memory_space<vmem>>
      %dma_start3A_1764 = tpu.memref_reshape %arg4 : memref<1000000x64xf32, #tpu.memory_space<hbm>> -> memref<125000x8x64xf32, #tpu.memory_space<hbm>>
      %dma_start3A_1765 = arith.constant 0 : i32
      %dma_start3A_1766 = arith.constant 0 : i32
      %dma_start3A_1767 = tpu.memref_slice %dma_start3A_1764[%shift_right_logical3A_1749, %dma_start3A_1765, %dma_start3A_1766] : memref<125000x8x64xf32, #tpu.memory_space<hbm>> -> memref<1x8x64xf32, #tpu.memory_space<hbm>>
      %dma_start3A_1768 = tpu.memref_squeeze %dma_start3A_1767 : memref<1x8x64xf32, #tpu.memory_space<hbm>> -> memref<8x64xf32, #tpu.memory_space<hbm>>
      tpu.enqueue_dma source(%dma_start3A_1768 : memref<8x64xf32, #tpu.memory_space<hbm>>) target(%dma_start3A_1763 : memref<8x64xf32, #tpu.memory_space<vmem>>) target_semaphore(%arg9 : memref<!tpu.dma_semaphore, #tpu.memory_space<semaphore_mem>>)
      %eq3A_1769 = arith.constant 8 : i32
      %eq3A_1770 = vector.broadcast %eq3A_1769 : i32 to vector<16xi32>
      %eq3A_1771 = arith.cmpi eq, %iota3A, %eq3A_1770 : vector<16xi32>
      %jit3A_1772 = arith.constant 0 : i32
      %broadcast_in_dim3A_1773 = vector.broadcast %jit3A_1772 : i32 to vector<16xi32>
      %select_n3A_1774 = arith.select %eq3A_1771, %get3A_1520, %broadcast_in_dim3A_1773 : vector<16xi1>, vector<16xi32>
      %reduce_sum3A_1775 = arith.constant true
      %reduce_sum3A_1776 = vector.broadcast %reduce_sum3A_1775 : i1 to vector<16xi1>
      %reduce_sum3A_1777 = tpu.scan <sum>, %select_n3A_1774 masked %reduce_sum3A_1776 : vector<16xi32>, vector<16xi1> -> vector<16xi32>
      %reduce_sum3A_1778 = vector.extract %reduce_sum3A_1777[15] : i32 from vector<16xi32>
      %shift_right_logical3A_1779 = arith.constant 3 : i32
      %shift_right_logical3A_1780 = arith.shrui %reduce_sum3A_1778, %shift_right_logical3A_1779 : i32
      %dma_start3A_1781 = arith.constant 56 : i32
      %dma_start3A_1782 = arith.constant 0 : i32
      %dma_start3A_1783 = arith.constant 0 : i32
      %dma_start3A_1784 = tpu.memref_slice %arg7[%dma_start3A_1781, %dma_start3A_1782, %dma_start3A_1783] : memref<64x8x64xf32, #tpu.memory_space<vmem>> -> memref<1x8x64xf32, #tpu.memory_space<vmem>>
      %dma_start3A_1785 = tpu.memref_squeeze %dma_start3A_1784 : memref<1x8x64xf32, #tpu.memory_space<vmem>> -> memref<8x64xf32, #tpu.memory_space<vmem>>
      %dma_start3A_1786 = tpu.memref_reshape %arg4 : memref<1000000x64xf32, #tpu.memory_space<hbm>> -> memref<125000x8x64xf32, #tpu.memory_space<hbm>>
      %dma_start3A_1787 = arith.constant 0 : i32
      %dma_start3A_1788 = arith.constant 0 : i32
      %dma_start3A_1789 = tpu.memref_slice %dma_start3A_1786[%shift_right_logical3A_1780, %dma_start3A_1787, %dma_start3A_1788] : memref<125000x8x64xf32, #tpu.memory_space<hbm>> -> memref<1x8x64xf32, #tpu.memory_space<hbm>>
      %dma_start3A_1790 = tpu.memref_squeeze %dma_start3A_1789 : memref<1x8x64xf32, #tpu.memory_space<hbm>> -> memref<8x64xf32, #tpu.memory_space<hbm>>
      %dma_start3A_1791 = arith.constant 0 : i32
      %dma_start3A_1792 = arith.constant 0 : i32
      %dma_start3A_1793 = tpu.memref_slice %arg7[%dma_start3A_1781, %dma_start3A_1791, %dma_start3A_1792] : memref<64x8x64xf32, #tpu.memory_space<vmem>> -> memref<1x8x64xf32, #tpu.memory_space<vmem>>
      %dma_start3A_1794 = tpu.memref_squeeze %dma_start3A_1793 : memref<1x8x64xf32, #tpu.memory_space<vmem>> -> memref<8x64xf32, #tpu.memory_space<vmem>>
      %dma_start3A_1795 = tpu.memref_reshape %arg4 : memref<1000000x64xf32, #tpu.memory_space<hbm>> -> memref<125000x8x64xf32, #tpu.memory_space<hbm>>
      %dma_start3A_1796 = arith.constant 0 : i32
      %dma_start3A_1797 = arith.constant 0 : i32
      %dma_start3A_1798 = tpu.memref_slice %dma_start3A_1795[%shift_right_logical3A_1780, %dma_start3A_1796, %dma_start3A_1797] : memref<125000x8x64xf32, #tpu.memory_space<hbm>> -> memref<1x8x64xf32, #tpu.memory_space<hbm>>
      %dma_start3A_1799 = tpu.memref_squeeze %dma_start3A_1798 : memref<1x8x64xf32, #tpu.memory_space<hbm>> -> memref<8x64xf32, #tpu.memory_space<hbm>>
      tpu.enqueue_dma source(%dma_start3A_1799 : memref<8x64xf32, #tpu.memory_space<hbm>>) target(%dma_start3A_1794 : memref<8x64xf32, #tpu.memory_space<vmem>>) target_semaphore(%arg9 : memref<!tpu.dma_semaphore, #tpu.memory_space<semaphore_mem>>)
      %eq3A_1800 = arith.constant 9 : i32
      %eq3A_1801 = vector.broadcast %eq3A_1800 : i32 to vector<16xi32>
      %eq3A_1802 = arith.cmpi eq, %iota3A, %eq3A_1801 : vector<16xi32>
      %jit3A_1803 = arith.constant 0 : i32
      %broadcast_in_dim3A_1804 = vector.broadcast %jit3A_1803 : i32 to vector<16xi32>
      %select_n3A_1805 = arith.select %eq3A_1802, %get3A_1520, %broadcast_in_dim3A_1804 : vector<16xi1>, vector<16xi32>
      %reduce_sum3A_1806 = arith.constant true
      %reduce_sum3A_1807 = vector.broadcast %reduce_sum3A_1806 : i1 to vector<16xi1>
      %reduce_sum3A_1808 = tpu.scan <sum>, %select_n3A_1805 masked %reduce_sum3A_1807 : vector<16xi32>, vector<16xi1> -> vector<16xi32>
      %reduce_sum3A_1809 = vector.extract %reduce_sum3A_1808[15] : i32 from vector<16xi32>
      %shift_right_logical3A_1810 = arith.constant 3 : i32
      %shift_right_logical3A_1811 = arith.shrui %reduce_sum3A_1809, %shift_right_logical3A_1810 : i32
      %dma_start3A_1812 = arith.constant 57 : i32
      %dma_start3A_1813 = arith.constant 0 : i32
      %dma_start3A_1814 = arith.constant 0 : i32
      %dma_start3A_1815 = tpu.memref_slice %arg7[%dma_start3A_1812, %dma_start3A_1813, %dma_start3A_1814] : memref<64x8x64xf32, #tpu.memory_space<vmem>> -> memref<1x8x64xf32, #tpu.memory_space<vmem>>
      %dma_start3A_1816 = tpu.memref_squeeze %dma_start3A_1815 : memref<1x8x64xf32, #tpu.memory_space<vmem>> -> memref<8x64xf32, #tpu.memory_space<vmem>>
      %dma_start3A_1817 = tpu.memref_reshape %arg4 : memref<1000000x64xf32, #tpu.memory_space<hbm>> -> memref<125000x8x64xf32, #tpu.memory_space<hbm>>
      %dma_start3A_1818 = arith.constant 0 : i32
      %dma_start3A_1819 = arith.constant 0 : i32
      %dma_start3A_1820 = tpu.memref_slice %dma_start3A_1817[%shift_right_logical3A_1811, %dma_start3A_1818, %dma_start3A_1819] : memref<125000x8x64xf32, #tpu.memory_space<hbm>> -> memref<1x8x64xf32, #tpu.memory_space<hbm>>
      %dma_start3A_1821 = tpu.memref_squeeze %dma_start3A_1820 : memref<1x8x64xf32, #tpu.memory_space<hbm>> -> memref<8x64xf32, #tpu.memory_space<hbm>>
      %dma_start3A_1822 = arith.constant 0 : i32
      %dma_start3A_1823 = arith.constant 0 : i32
      %dma_start3A_1824 = tpu.memref_slice %arg7[%dma_start3A_1812, %dma_start3A_1822, %dma_start3A_1823] : memref<64x8x64xf32, #tpu.memory_space<vmem>> -> memref<1x8x64xf32, #tpu.memory_space<vmem>>
      %dma_start3A_1825 = tpu.memref_squeeze %dma_start3A_1824 : memref<1x8x64xf32, #tpu.memory_space<vmem>> -> memref<8x64xf32, #tpu.memory_space<vmem>>
      %dma_start3A_1826 = tpu.memref_reshape %arg4 : memref<1000000x64xf32, #tpu.memory_space<hbm>> -> memref<125000x8x64xf32, #tpu.memory_space<hbm>>
      %dma_start3A_1827 = arith.constant 0 : i32
      %dma_start3A_1828 = arith.constant 0 : i32
      %dma_start3A_1829 = tpu.memref_slice %dma_start3A_1826[%shift_right_logical3A_1811, %dma_start3A_1827, %dma_start3A_1828] : memref<125000x8x64xf32, #tpu.memory_space<hbm>> -> memref<1x8x64xf32, #tpu.memory_space<hbm>>
      %dma_start3A_1830 = tpu.memref_squeeze %dma_start3A_1829 : memref<1x8x64xf32, #tpu.memory_space<hbm>> -> memref<8x64xf32, #tpu.memory_space<hbm>>
      tpu.enqueue_dma source(%dma_start3A_1830 : memref<8x64xf32, #tpu.memory_space<hbm>>) target(%dma_start3A_1825 : memref<8x64xf32, #tpu.memory_space<vmem>>) target_semaphore(%arg9 : memref<!tpu.dma_semaphore, #tpu.memory_space<semaphore_mem>>)
      %eq3A_1831 = arith.constant 10 : i32
      %eq3A_1832 = vector.broadcast %eq3A_1831 : i32 to vector<16xi32>
      %eq3A_1833 = arith.cmpi eq, %iota3A, %eq3A_1832 : vector<16xi32>
      %jit3A_1834 = arith.constant 0 : i32
      %broadcast_in_dim3A_1835 = vector.broadcast %jit3A_1834 : i32 to vector<16xi32>
      %select_n3A_1836 = arith.select %eq3A_1833, %get3A_1520, %broadcast_in_dim3A_1835 : vector<16xi1>, vector<16xi32>
      %reduce_sum3A_1837 = arith.constant true
      %reduce_sum3A_1838 = vector.broadcast %reduce_sum3A_1837 : i1 to vector<16xi1>
      %reduce_sum3A_1839 = tpu.scan <sum>, %select_n3A_1836 masked %reduce_sum3A_1838 : vector<16xi32>, vector<16xi1> -> vector<16xi32>
      %reduce_sum3A_1840 = vector.extract %reduce_sum3A_1839[15] : i32 from vector<16xi32>
      %shift_right_logical3A_1841 = arith.constant 3 : i32
      %shift_right_logical3A_1842 = arith.shrui %reduce_sum3A_1840, %shift_right_logical3A_1841 : i32
      %dma_start3A_1843 = arith.constant 58 : i32
      %dma_start3A_1844 = arith.constant 0 : i32
      %dma_start3A_1845 = arith.constant 0 : i32
      %dma_start3A_1846 = tpu.memref_slice %arg7[%dma_start3A_1843, %dma_start3A_1844, %dma_start3A_1845] : memref<64x8x64xf32, #tpu.memory_space<vmem>> -> memref<1x8x64xf32, #tpu.memory_space<vmem>>
      %dma_start3A_1847 = tpu.memref_squeeze %dma_start3A_1846 : memref<1x8x64xf32, #tpu.memory_space<vmem>> -> memref<8x64xf32, #tpu.memory_space<vmem>>
      %dma_start3A_1848 = tpu.memref_reshape %arg4 : memref<1000000x64xf32, #tpu.memory_space<hbm>> -> memref<125000x8x64xf32, #tpu.memory_space<hbm>>
      %dma_start3A_1849 = arith.constant 0 : i32
      %dma_start3A_1850 = arith.constant 0 : i32
      %dma_start3A_1851 = tpu.memref_slice %dma_start3A_1848[%shift_right_logical3A_1842, %dma_start3A_1849, %dma_start3A_1850] : memref<125000x8x64xf32, #tpu.memory_space<hbm>> -> memref<1x8x64xf32, #tpu.memory_space<hbm>>
      %dma_start3A_1852 = tpu.memref_squeeze %dma_start3A_1851 : memref<1x8x64xf32, #tpu.memory_space<hbm>> -> memref<8x64xf32, #tpu.memory_space<hbm>>
      %dma_start3A_1853 = arith.constant 0 : i32
      %dma_start3A_1854 = arith.constant 0 : i32
      %dma_start3A_1855 = tpu.memref_slice %arg7[%dma_start3A_1843, %dma_start3A_1853, %dma_start3A_1854] : memref<64x8x64xf32, #tpu.memory_space<vmem>> -> memref<1x8x64xf32, #tpu.memory_space<vmem>>
      %dma_start3A_1856 = tpu.memref_squeeze %dma_start3A_1855 : memref<1x8x64xf32, #tpu.memory_space<vmem>> -> memref<8x64xf32, #tpu.memory_space<vmem>>
      %dma_start3A_1857 = tpu.memref_reshape %arg4 : memref<1000000x64xf32, #tpu.memory_space<hbm>> -> memref<125000x8x64xf32, #tpu.memory_space<hbm>>
      %dma_start3A_1858 = arith.constant 0 : i32
      %dma_start3A_1859 = arith.constant 0 : i32
      %dma_start3A_1860 = tpu.memref_slice %dma_start3A_1857[%shift_right_logical3A_1842, %dma_start3A_1858, %dma_start3A_1859] : memref<125000x8x64xf32, #tpu.memory_space<hbm>> -> memref<1x8x64xf32, #tpu.memory_space<hbm>>
      %dma_start3A_1861 = tpu.memref_squeeze %dma_start3A_1860 : memref<1x8x64xf32, #tpu.memory_space<hbm>> -> memref<8x64xf32, #tpu.memory_space<hbm>>
      tpu.enqueue_dma source(%dma_start3A_1861 : memref<8x64xf32, #tpu.memory_space<hbm>>) target(%dma_start3A_1856 : memref<8x64xf32, #tpu.memory_space<vmem>>) target_semaphore(%arg9 : memref<!tpu.dma_semaphore, #tpu.memory_space<semaphore_mem>>)
      %eq3A_1862 = arith.constant 11 : i32
      %eq3A_1863 = vector.broadcast %eq3A_1862 : i32 to vector<16xi32>
      %eq3A_1864 = arith.cmpi eq, %iota3A, %eq3A_1863 : vector<16xi32>
      %jit3A_1865 = arith.constant 0 : i32
      %broadcast_in_dim3A_1866 = vector.broadcast %jit3A_1865 : i32 to vector<16xi32>
      %select_n3A_1867 = arith.select %eq3A_1864, %get3A_1520, %broadcast_in_dim3A_1866 : vector<16xi1>, vector<16xi32>
      %reduce_sum3A_1868 = arith.constant true
      %reduce_sum3A_1869 = vector.broadcast %reduce_sum3A_1868 : i1 to vector<16xi1>
      %reduce_sum3A_1870 = tpu.scan <sum>, %select_n3A_1867 masked %reduce_sum3A_1869 : vector<16xi32>, vector<16xi1> -> vector<16xi32>
      %reduce_sum3A_1871 = vector.extract %reduce_sum3A_1870[15] : i32 from vector<16xi32>
      %shift_right_logical3A_1872 = arith.constant 3 : i32
      %shift_right_logical3A_1873 = arith.shrui %reduce_sum3A_1871, %shift_right_logical3A_1872 : i32
      %dma_start3A_1874 = arith.constant 59 : i32
      %dma_start3A_1875 = arith.constant 0 : i32
      %dma_start3A_1876 = arith.constant 0 : i32
      %dma_start3A_1877 = tpu.memref_slice %arg7[%dma_start3A_1874, %dma_start3A_1875, %dma_start3A_1876] : memref<64x8x64xf32, #tpu.memory_space<vmem>> -> memref<1x8x64xf32, #tpu.memory_space<vmem>>
      %dma_start3A_1878 = tpu.memref_squeeze %dma_start3A_1877 : memref<1x8x64xf32, #tpu.memory_space<vmem>> -> memref<8x64xf32, #tpu.memory_space<vmem>>
      %dma_start3A_1879 = tpu.memref_reshape %arg4 : memref<1000000x64xf32, #tpu.memory_space<hbm>> -> memref<125000x8x64xf32, #tpu.memory_space<hbm>>
      %dma_start3A_1880 = arith.constant 0 : i32
      %dma_start3A_1881 = arith.constant 0 : i32
      %dma_start3A_1882 = tpu.memref_slice %dma_start3A_1879[%shift_right_logical3A_1873, %dma_start3A_1880, %dma_start3A_1881] : memref<125000x8x64xf32, #tpu.memory_space<hbm>> -> memref<1x8x64xf32, #tpu.memory_space<hbm>>
      %dma_start3A_1883 = tpu.memref_squeeze %dma_start3A_1882 : memref<1x8x64xf32, #tpu.memory_space<hbm>> -> memref<8x64xf32, #tpu.memory_space<hbm>>
      %dma_start3A_1884 = arith.constant 0 : i32
      %dma_start3A_1885 = arith.constant 0 : i32
      %dma_start3A_1886 = tpu.memref_slice %arg7[%dma_start3A_1874, %dma_start3A_1884, %dma_start3A_1885] : memref<64x8x64xf32, #tpu.memory_space<vmem>> -> memref<1x8x64xf32, #tpu.memory_space<vmem>>
      %dma_start3A_1887 = tpu.memref_squeeze %dma_start3A_1886 : memref<1x8x64xf32, #tpu.memory_space<vmem>> -> memref<8x64xf32, #tpu.memory_space<vmem>>
      %dma_start3A_1888 = tpu.memref_reshape %arg4 : memref<1000000x64xf32, #tpu.memory_space<hbm>> -> memref<125000x8x64xf32, #tpu.memory_space<hbm>>
      %dma_start3A_1889 = arith.constant 0 : i32
      %dma_start3A_1890 = arith.constant 0 : i32
      %dma_start3A_1891 = tpu.memref_slice %dma_start3A_1888[%shift_right_logical3A_1873, %dma_start3A_1889, %dma_start3A_1890] : memref<125000x8x64xf32, #tpu.memory_space<hbm>> -> memref<1x8x64xf32, #tpu.memory_space<hbm>>
      %dma_start3A_1892 = tpu.memref_squeeze %dma_start3A_1891 : memref<1x8x64xf32, #tpu.memory_space<hbm>> -> memref<8x64xf32, #tpu.memory_space<hbm>>
      tpu.enqueue_dma source(%dma_start3A_1892 : memref<8x64xf32, #tpu.memory_space<hbm>>) target(%dma_start3A_1887 : memref<8x64xf32, #tpu.memory_space<vmem>>) target_semaphore(%arg9 : memref<!tpu.dma_semaphore, #tpu.memory_space<semaphore_mem>>)
      %eq3A_1893 = arith.constant 12 : i32
      %eq3A_1894 = vector.broadcast %eq3A_1893 : i32 to vector<16xi32>
      %eq3A_1895 = arith.cmpi eq, %iota3A, %eq3A_1894 : vector<16xi32>
      %jit3A_1896 = arith.constant 0 : i32
      %broadcast_in_dim3A_1897 = vector.broadcast %jit3A_1896 : i32 to vector<16xi32>
      %select_n3A_1898 = arith.select %eq3A_1895, %get3A_1520, %broadcast_in_dim3A_1897 : vector<16xi1>, vector<16xi32>
      %reduce_sum3A_1899 = arith.constant true
      %reduce_sum3A_1900 = vector.broadcast %reduce_sum3A_1899 : i1 to vector<16xi1>
      %reduce_sum3A_1901 = tpu.scan <sum>, %select_n3A_1898 masked %reduce_sum3A_1900 : vector<16xi32>, vector<16xi1> -> vector<16xi32>
      %reduce_sum3A_1902 = vector.extract %reduce_sum3A_1901[15] : i32 from vector<16xi32>
      %shift_right_logical3A_1903 = arith.constant 3 : i32
      %shift_right_logical3A_1904 = arith.shrui %reduce_sum3A_1902, %shift_right_logical3A_1903 : i32
      %dma_start3A_1905 = arith.constant 60 : i32
      %dma_start3A_1906 = arith.constant 0 : i32
      %dma_start3A_1907 = arith.constant 0 : i32
      %dma_start3A_1908 = tpu.memref_slice %arg7[%dma_start3A_1905, %dma_start3A_1906, %dma_start3A_1907] : memref<64x8x64xf32, #tpu.memory_space<vmem>> -> memref<1x8x64xf32, #tpu.memory_space<vmem>>
      %dma_start3A_1909 = tpu.memref_squeeze %dma_start3A_1908 : memref<1x8x64xf32, #tpu.memory_space<vmem>> -> memref<8x64xf32, #tpu.memory_space<vmem>>
      %dma_start3A_1910 = tpu.memref_reshape %arg4 : memref<1000000x64xf32, #tpu.memory_space<hbm>> -> memref<125000x8x64xf32, #tpu.memory_space<hbm>>
      %dma_start3A_1911 = arith.constant 0 : i32
      %dma_start3A_1912 = arith.constant 0 : i32
      %dma_start3A_1913 = tpu.memref_slice %dma_start3A_1910[%shift_right_logical3A_1904, %dma_start3A_1911, %dma_start3A_1912] : memref<125000x8x64xf32, #tpu.memory_space<hbm>> -> memref<1x8x64xf32, #tpu.memory_space<hbm>>
      %dma_start3A_1914 = tpu.memref_squeeze %dma_start3A_1913 : memref<1x8x64xf32, #tpu.memory_space<hbm>> -> memref<8x64xf32, #tpu.memory_space<hbm>>
      %dma_start3A_1915 = arith.constant 0 : i32
      %dma_start3A_1916 = arith.constant 0 : i32
      %dma_start3A_1917 = tpu.memref_slice %arg7[%dma_start3A_1905, %dma_start3A_1915, %dma_start3A_1916] : memref<64x8x64xf32, #tpu.memory_space<vmem>> -> memref<1x8x64xf32, #tpu.memory_space<vmem>>
      %dma_start3A_1918 = tpu.memref_squeeze %dma_start3A_1917 : memref<1x8x64xf32, #tpu.memory_space<vmem>> -> memref<8x64xf32, #tpu.memory_space<vmem>>
      %dma_start3A_1919 = tpu.memref_reshape %arg4 : memref<1000000x64xf32, #tpu.memory_space<hbm>> -> memref<125000x8x64xf32, #tpu.memory_space<hbm>>
      %dma_start3A_1920 = arith.constant 0 : i32
      %dma_start3A_1921 = arith.constant 0 : i32
      %dma_start3A_1922 = tpu.memref_slice %dma_start3A_1919[%shift_right_logical3A_1904, %dma_start3A_1920, %dma_start3A_1921] : memref<125000x8x64xf32, #tpu.memory_space<hbm>> -> memref<1x8x64xf32, #tpu.memory_space<hbm>>
      %dma_start3A_1923 = tpu.memref_squeeze %dma_start3A_1922 : memref<1x8x64xf32, #tpu.memory_space<hbm>> -> memref<8x64xf32, #tpu.memory_space<hbm>>
      tpu.enqueue_dma source(%dma_start3A_1923 : memref<8x64xf32, #tpu.memory_space<hbm>>) target(%dma_start3A_1918 : memref<8x64xf32, #tpu.memory_space<vmem>>) target_semaphore(%arg9 : memref<!tpu.dma_semaphore, #tpu.memory_space<semaphore_mem>>)
      %eq3A_1924 = arith.constant 13 : i32
      %eq3A_1925 = vector.broadcast %eq3A_1924 : i32 to vector<16xi32>
      %eq3A_1926 = arith.cmpi eq, %iota3A, %eq3A_1925 : vector<16xi32>
      %jit3A_1927 = arith.constant 0 : i32
      %broadcast_in_dim3A_1928 = vector.broadcast %jit3A_1927 : i32 to vector<16xi32>
      %select_n3A_1929 = arith.select %eq3A_1926, %get3A_1520, %broadcast_in_dim3A_1928 : vector<16xi1>, vector<16xi32>
      %reduce_sum3A_1930 = arith.constant true
      %reduce_sum3A_1931 = vector.broadcast %reduce_sum3A_1930 : i1 to vector<16xi1>
      %reduce_sum3A_1932 = tpu.scan <sum>, %select_n3A_1929 masked %reduce_sum3A_1931 : vector<16xi32>, vector<16xi1> -> vector<16xi32>
      %reduce_sum3A_1933 = vector.extract %reduce_sum3A_1932[15] : i32 from vector<16xi32>
      %shift_right_logical3A_1934 = arith.constant 3 : i32
      %shift_right_logical3A_1935 = arith.shrui %reduce_sum3A_1933, %shift_right_logical3A_1934 : i32
      %dma_start3A_1936 = arith.constant 61 : i32
      %dma_start3A_1937 = arith.constant 0 : i32
      %dma_start3A_1938 = arith.constant 0 : i32
      %dma_start3A_1939 = tpu.memref_slice %arg7[%dma_start3A_1936, %dma_start3A_1937, %dma_start3A_1938] : memref<64x8x64xf32, #tpu.memory_space<vmem>> -> memref<1x8x64xf32, #tpu.memory_space<vmem>>
      %dma_start3A_1940 = tpu.memref_squeeze %dma_start3A_1939 : memref<1x8x64xf32, #tpu.memory_space<vmem>> -> memref<8x64xf32, #tpu.memory_space<vmem>>
      %dma_start3A_1941 = tpu.memref_reshape %arg4 : memref<1000000x64xf32, #tpu.memory_space<hbm>> -> memref<125000x8x64xf32, #tpu.memory_space<hbm>>
      %dma_start3A_1942 = arith.constant 0 : i32
      %dma_start3A_1943 = arith.constant 0 : i32
      %dma_start3A_1944 = tpu.memref_slice %dma_start3A_1941[%shift_right_logical3A_1935, %dma_start3A_1942, %dma_start3A_1943] : memref<125000x8x64xf32, #tpu.memory_space<hbm>> -> memref<1x8x64xf32, #tpu.memory_space<hbm>>
      %dma_start3A_1945 = tpu.memref_squeeze %dma_start3A_1944 : memref<1x8x64xf32, #tpu.memory_space<hbm>> -> memref<8x64xf32, #tpu.memory_space<hbm>>
      %dma_start3A_1946 = arith.constant 0 : i32
      %dma_start3A_1947 = arith.constant 0 : i32
      %dma_start3A_1948 = tpu.memref_slice %arg7[%dma_start3A_1936, %dma_start3A_1946, %dma_start3A_1947] : memref<64x8x64xf32, #tpu.memory_space<vmem>> -> memref<1x8x64xf32, #tpu.memory_space<vmem>>
      %dma_start3A_1949 = tpu.memref_squeeze %dma_start3A_1948 : memref<1x8x64xf32, #tpu.memory_space<vmem>> -> memref<8x64xf32, #tpu.memory_space<vmem>>
      %dma_start3A_1950 = tpu.memref_reshape %arg4 : memref<1000000x64xf32, #tpu.memory_space<hbm>> -> memref<125000x8x64xf32, #tpu.memory_space<hbm>>
      %dma_start3A_1951 = arith.constant 0 : i32
      %dma_start3A_1952 = arith.constant 0 : i32
      %dma_start3A_1953 = tpu.memref_slice %dma_start3A_1950[%shift_right_logical3A_1935, %dma_start3A_1951, %dma_start3A_1952] : memref<125000x8x64xf32, #tpu.memory_space<hbm>> -> memref<1x8x64xf32, #tpu.memory_space<hbm>>
      %dma_start3A_1954 = tpu.memref_squeeze %dma_start3A_1953 : memref<1x8x64xf32, #tpu.memory_space<hbm>> -> memref<8x64xf32, #tpu.memory_space<hbm>>
      tpu.enqueue_dma source(%dma_start3A_1954 : memref<8x64xf32, #tpu.memory_space<hbm>>) target(%dma_start3A_1949 : memref<8x64xf32, #tpu.memory_space<vmem>>) target_semaphore(%arg9 : memref<!tpu.dma_semaphore, #tpu.memory_space<semaphore_mem>>)
      %eq3A_1955 = arith.constant 14 : i32
      %eq3A_1956 = vector.broadcast %eq3A_1955 : i32 to vector<16xi32>
      %eq3A_1957 = arith.cmpi eq, %iota3A, %eq3A_1956 : vector<16xi32>
      %jit3A_1958 = arith.constant 0 : i32
      %broadcast_in_dim3A_1959 = vector.broadcast %jit3A_1958 : i32 to vector<16xi32>
      %select_n3A_1960 = arith.select %eq3A_1957, %get3A_1520, %broadcast_in_dim3A_1959 : vector<16xi1>, vector<16xi32>
      %reduce_sum3A_1961 = arith.constant true
      %reduce_sum3A_1962 = vector.broadcast %reduce_sum3A_1961 : i1 to vector<16xi1>
      %reduce_sum3A_1963 = tpu.scan <sum>, %select_n3A_1960 masked %reduce_sum3A_1962 : vector<16xi32>, vector<16xi1> -> vector<16xi32>
      %reduce_sum3A_1964 = vector.extract %reduce_sum3A_1963[15] : i32 from vector<16xi32>
      %shift_right_logical3A_1965 = arith.constant 3 : i32
      %shift_right_logical3A_1966 = arith.shrui %reduce_sum3A_1964, %shift_right_logical3A_1965 : i32
      %dma_start3A_1967 = arith.constant 62 : i32
      %dma_start3A_1968 = arith.constant 0 : i32
      %dma_start3A_1969 = arith.constant 0 : i32
      %dma_start3A_1970 = tpu.memref_slice %arg7[%dma_start3A_1967, %dma_start3A_1968, %dma_start3A_1969] : memref<64x8x64xf32, #tpu.memory_space<vmem>> -> memref<1x8x64xf32, #tpu.memory_space<vmem>>
      %dma_start3A_1971 = tpu.memref_squeeze %dma_start3A_1970 : memref<1x8x64xf32, #tpu.memory_space<vmem>> -> memref<8x64xf32, #tpu.memory_space<vmem>>
      %dma_start3A_1972 = tpu.memref_reshape %arg4 : memref<1000000x64xf32, #tpu.memory_space<hbm>> -> memref<125000x8x64xf32, #tpu.memory_space<hbm>>
      %dma_start3A_1973 = arith.constant 0 : i32
      %dma_start3A_1974 = arith.constant 0 : i32
      %dma_start3A_1975 = tpu.memref_slice %dma_start3A_1972[%shift_right_logical3A_1966, %dma_start3A_1973, %dma_start3A_1974] : memref<125000x8x64xf32, #tpu.memory_space<hbm>> -> memref<1x8x64xf32, #tpu.memory_space<hbm>>
      %dma_start3A_1976 = tpu.memref_squeeze %dma_start3A_1975 : memref<1x8x64xf32, #tpu.memory_space<hbm>> -> memref<8x64xf32, #tpu.memory_space<hbm>>
      %dma_start3A_1977 = arith.constant 0 : i32
      %dma_start3A_1978 = arith.constant 0 : i32
      %dma_start3A_1979 = tpu.memref_slice %arg7[%dma_start3A_1967, %dma_start3A_1977, %dma_start3A_1978] : memref<64x8x64xf32, #tpu.memory_space<vmem>> -> memref<1x8x64xf32, #tpu.memory_space<vmem>>
      %dma_start3A_1980 = tpu.memref_squeeze %dma_start3A_1979 : memref<1x8x64xf32, #tpu.memory_space<vmem>> -> memref<8x64xf32, #tpu.memory_space<vmem>>
      %dma_start3A_1981 = tpu.memref_reshape %arg4 : memref<1000000x64xf32, #tpu.memory_space<hbm>> -> memref<125000x8x64xf32, #tpu.memory_space<hbm>>
      %dma_start3A_1982 = arith.constant 0 : i32
      %dma_start3A_1983 = arith.constant 0 : i32
      %dma_start3A_1984 = tpu.memref_slice %dma_start3A_1981[%shift_right_logical3A_1966, %dma_start3A_1982, %dma_start3A_1983] : memref<125000x8x64xf32, #tpu.memory_space<hbm>> -> memref<1x8x64xf32, #tpu.memory_space<hbm>>
      %dma_start3A_1985 = tpu.memref_squeeze %dma_start3A_1984 : memref<1x8x64xf32, #tpu.memory_space<hbm>> -> memref<8x64xf32, #tpu.memory_space<hbm>>
      tpu.enqueue_dma source(%dma_start3A_1985 : memref<8x64xf32, #tpu.memory_space<hbm>>) target(%dma_start3A_1980 : memref<8x64xf32, #tpu.memory_space<vmem>>) target_semaphore(%arg9 : memref<!tpu.dma_semaphore, #tpu.memory_space<semaphore_mem>>)
      %eq3A_1986 = arith.constant 15 : i32
      %eq3A_1987 = vector.broadcast %eq3A_1986 : i32 to vector<16xi32>
      %eq3A_1988 = arith.cmpi eq, %iota3A, %eq3A_1987 : vector<16xi32>
      %jit3A_1989 = arith.constant 0 : i32
      %broadcast_in_dim3A_1990 = vector.broadcast %jit3A_1989 : i32 to vector<16xi32>
      %select_n3A_1991 = arith.select %eq3A_1988, %get3A_1520, %broadcast_in_dim3A_1990 : vector<16xi1>, vector<16xi32>
      %reduce_sum3A_1992 = arith.constant true
      %reduce_sum3A_1993 = vector.broadcast %reduce_sum3A_1992 : i1 to vector<16xi1>
      %reduce_sum3A_1994 = tpu.scan <sum>, %select_n3A_1991 masked %reduce_sum3A_1993 : vector<16xi32>, vector<16xi1> -> vector<16xi32>
      %reduce_sum3A_1995 = vector.extract %reduce_sum3A_1994[15] : i32 from vector<16xi32>
      %shift_right_logical3A_1996 = arith.constant 3 : i32
      %shift_right_logical3A_1997 = arith.shrui %reduce_sum3A_1995, %shift_right_logical3A_1996 : i32
      %dma_start3A_1998 = arith.constant 63 : i32
      %dma_start3A_1999 = arith.constant 0 : i32
      %dma_start3A_2000 = arith.constant 0 : i32
      %dma_start3A_2001 = tpu.memref_slice %arg7[%dma_start3A_1998, %dma_start3A_1999, %dma_start3A_2000] : memref<64x8x64xf32, #tpu.memory_space<vmem>> -> memref<1x8x64xf32, #tpu.memory_space<vmem>>
      %dma_start3A_2002 = tpu.memref_squeeze %dma_start3A_2001 : memref<1x8x64xf32, #tpu.memory_space<vmem>> -> memref<8x64xf32, #tpu.memory_space<vmem>>
      %dma_start3A_2003 = tpu.memref_reshape %arg4 : memref<1000000x64xf32, #tpu.memory_space<hbm>> -> memref<125000x8x64xf32, #tpu.memory_space<hbm>>
      %dma_start3A_2004 = arith.constant 0 : i32
      %dma_start3A_2005 = arith.constant 0 : i32
      %dma_start3A_2006 = tpu.memref_slice %dma_start3A_2003[%shift_right_logical3A_1997, %dma_start3A_2004, %dma_start3A_2005] : memref<125000x8x64xf32, #tpu.memory_space<hbm>> -> memref<1x8x64xf32, #tpu.memory_space<hbm>>
      %dma_start3A_2007 = tpu.memref_squeeze %dma_start3A_2006 : memref<1x8x64xf32, #tpu.memory_space<hbm>> -> memref<8x64xf32, #tpu.memory_space<hbm>>
      %dma_start3A_2008 = arith.constant 0 : i32
      %dma_start3A_2009 = arith.constant 0 : i32
      %dma_start3A_2010 = tpu.memref_slice %arg7[%dma_start3A_1998, %dma_start3A_2008, %dma_start3A_2009] : memref<64x8x64xf32, #tpu.memory_space<vmem>> -> memref<1x8x64xf32, #tpu.memory_space<vmem>>
      %dma_start3A_2011 = tpu.memref_squeeze %dma_start3A_2010 : memref<1x8x64xf32, #tpu.memory_space<vmem>> -> memref<8x64xf32, #tpu.memory_space<vmem>>
      %dma_start3A_2012 = tpu.memref_reshape %arg4 : memref<1000000x64xf32, #tpu.memory_space<hbm>> -> memref<125000x8x64xf32, #tpu.memory_space<hbm>>
      %dma_start3A_2013 = arith.constant 0 : i32
      %dma_start3A_2014 = arith.constant 0 : i32
      %dma_start3A_2015 = tpu.memref_slice %dma_start3A_2012[%shift_right_logical3A_1997, %dma_start3A_2013, %dma_start3A_2014] : memref<125000x8x64xf32, #tpu.memory_space<hbm>> -> memref<1x8x64xf32, #tpu.memory_space<hbm>>
      %dma_start3A_2016 = tpu.memref_squeeze %dma_start3A_2015 : memref<1x8x64xf32, #tpu.memory_space<hbm>> -> memref<8x64xf32, #tpu.memory_space<hbm>>
      tpu.enqueue_dma source(%dma_start3A_2016 : memref<8x64xf32, #tpu.memory_space<hbm>>) target(%dma_start3A_2011 : memref<8x64xf32, #tpu.memory_space<vmem>>) target_semaphore(%arg9 : memref<!tpu.dma_semaphore, #tpu.memory_space<semaphore_mem>>)
      %dma_wait3A = tpu.memref_reshape %arg4 : memref<1000000x64xf32, #tpu.memory_space<hbm>> -> memref<125000x8x64xf32, #tpu.memory_space<hbm>>
      %dma_wait3A_2017 = arith.constant 0 : i32
      %dma_wait3A_2018 = arith.constant 0 : i32
      %dma_wait3A_2019 = arith.constant 0 : i32
      %dma_wait3A_2020 = tpu.memref_slice %dma_wait3A[%dma_wait3A_2017, %dma_wait3A_2018, %dma_wait3A_2019] : memref<125000x8x64xf32, #tpu.memory_space<hbm>> -> memref<64x8x64xf32, #tpu.memory_space<hbm>>
      %dma_wait3A_2021 = tpu.memref_reshape %arg4 : memref<1000000x64xf32, #tpu.memory_space<hbm>> -> memref<125000x8x64xf32, #tpu.memory_space<hbm>>
      %dma_wait3A_2022 = arith.constant 0 : i32
      %dma_wait3A_2023 = arith.constant 0 : i32
      %dma_wait3A_2024 = arith.constant 0 : i32
      %dma_wait3A_2025 = tpu.memref_slice %dma_wait3A_2021[%dma_wait3A_2022, %dma_wait3A_2023, %dma_wait3A_2024] : memref<125000x8x64xf32, #tpu.memory_space<hbm>> -> memref<64x8x64xf32, #tpu.memory_space<hbm>>
      tpu.wait_dma2 semaphore(%arg9 : memref<!tpu.dma_semaphore, #tpu.memory_space<semaphore_mem>>) src(%dma_wait3A_2025 : memref<64x8x64xf32, #tpu.memory_space<hbm>>) dst(%arg7 : memref<64x8x64xf32, #tpu.memory_space<vmem>>)
      %mul3A_2026 = arith.constant 32 : i32
      %mul3A_2027 = arith.muli %scan3A_8, %mul3A_2026 : i32
      %add3A_2028 = arith.constant 0 : i32
      %add3A_2029 = arith.addi %add3A_2028, %mul3A_2027 : i32
      %add3A_2030 = arith.constant 0 : i32
      %add3A_2031 = arith.addi %add3A_2029, %add3A_2030 : i32
      %get3A_2032 = arith.index_cast %add3A_2031 : i32 to index
      %get3A_2033 = tpu.vector_load %arg6[%get3A_2032] {strides = array<i32>} : memref<1024xi32, #tpu.memory_space<vmem>>, vector<16xi32>,
      %and3A = arith.constant 7 : i32
      %and3A_2034 = vector.broadcast %and3A : i32 to vector<16xi32>
      %and3A_2035 = arith.andi %get3A_2033, %and3A_2034 : vector<16xi32>
      %add3A_2036 = arith.constant 0 : i32
      %add3A_2037 = vector.broadcast %add3A_2036 : i32 to vector<16xi32>
      %add3A_2038 = arith.addi %iota3A, %add3A_2037 : vector<16xi32>
      %add3A_2039 = arith.constant 0 : i32
      %add3A_2040 = vector.broadcast %add3A_2039 : i32 to vector<16xi32>
      %add3A_2041 = arith.addi %add3A_2038, %add3A_2040 : vector<16xi32>
      %broadcast_in_dim3A_2042 = arith.constant 0 : i32
      %broadcast_in_dim3A_2043 = vector.broadcast %broadcast_in_dim3A_2042 : i32 to vector<16xi32>
      %gather3A = tpu.vector_load_idx %arg7[%add3A_2041, %and3A_2035, %broadcast_in_dim3A_2043] : memref<64x8x64xf32, #tpu.memory_space<vmem>>[vector<16xi32>, vector<16xi32>, vector<16xi32>], vector<16xf32>,
      %broadcast_in_dim3A_2044 = arith.constant 0 : i32
      %broadcast_in_dim3A_2045 = vector.broadcast %broadcast_in_dim3A_2044 : i32 to vector<16xi32>
      tpu.vector_store_idx %arg8[%add3A_2038, %broadcast_in_dim3A_2045], %gather3A : memref<32x128xf32, #tpu.memory_space<vmem>>[vector<16xi32>, vector<16xi32>], vector<16xf32>,
      %broadcast_in_dim3A_2046 = arith.constant 1 : i32
      %broadcast_in_dim3A_2047 = vector.broadcast %broadcast_in_dim3A_2046 : i32 to vector<16xi32>
      %gather3A_2048 = tpu.vector_load_idx %arg7[%add3A_2041, %and3A_2035, %broadcast_in_dim3A_2047] : memref<64x8x64xf32, #tpu.memory_space<vmem>>[vector<16xi32>, vector<16xi32>, vector<16xi32>], vector<16xf32>,
      %broadcast_in_dim3A_2049 = arith.constant 1 : i32
      %broadcast_in_dim3A_2050 = vector.broadcast %broadcast_in_dim3A_2049 : i32 to vector<16xi32>
      tpu.vector_store_idx %arg8[%add3A_2038, %broadcast_in_dim3A_2050], %gather3A_2048 : memref<32x128xf32, #tpu.memory_space<vmem>>[vector<16xi32>, vector<16xi32>], vector<16xf32>,
      %broadcast_in_dim3A_2051 = arith.constant 2 : i32
      %broadcast_in_dim3A_2052 = vector.broadcast %broadcast_in_dim3A_2051 : i32 to vector<16xi32>
      %gather3A_2053 = tpu.vector_load_idx %arg7[%add3A_2041, %and3A_2035, %broadcast_in_dim3A_2052] : memref<64x8x64xf32, #tpu.memory_space<vmem>>[vector<16xi32>, vector<16xi32>, vector<16xi32>], vector<16xf32>,
      %broadcast_in_dim3A_2054 = arith.constant 2 : i32
      %broadcast_in_dim3A_2055 = vector.broadcast %broadcast_in_dim3A_2054 : i32 to vector<16xi32>
      tpu.vector_store_idx %arg8[%add3A_2038, %broadcast_in_dim3A_2055], %gather3A_2053 : memref<32x128xf32, #tpu.memory_space<vmem>>[vector<16xi32>, vector<16xi32>], vector<16xf32>,
      %broadcast_in_dim3A_2056 = arith.constant 3 : i32
      %broadcast_in_dim3A_2057 = vector.broadcast %broadcast_in_dim3A_2056 : i32 to vector<16xi32>
      %gather3A_2058 = tpu.vector_load_idx %arg7[%add3A_2041, %and3A_2035, %broadcast_in_dim3A_2057] : memref<64x8x64xf32, #tpu.memory_space<vmem>>[vector<16xi32>, vector<16xi32>, vector<16xi32>], vector<16xf32>,
      %broadcast_in_dim3A_2059 = arith.constant 3 : i32
      %broadcast_in_dim3A_2060 = vector.broadcast %broadcast_in_dim3A_2059 : i32 to vector<16xi32>
      tpu.vector_store_idx %arg8[%add3A_2038, %broadcast_in_dim3A_2060], %gather3A_2058 : memref<32x128xf32, #tpu.memory_space<vmem>>[vector<16xi32>, vector<16xi32>], vector<16xf32>,
      %broadcast_in_dim3A_2061 = arith.constant 4 : i32
      %broadcast_in_dim3A_2062 = vector.broadcast %broadcast_in_dim3A_2061 : i32 to vector<16xi32>
      %gather3A_2063 = tpu.vector_load_idx %arg7[%add3A_2041, %and3A_2035, %broadcast_in_dim3A_2062] : memref<64x8x64xf32, #tpu.memory_space<vmem>>[vector<16xi32>, vector<16xi32>, vector<16xi32>], vector<16xf32>,
      %broadcast_in_dim3A_2064 = arith.constant 4 : i32
      %broadcast_in_dim3A_2065 = vector.broadcast %broadcast_in_dim3A_2064 : i32 to vector<16xi32>
      tpu.vector_store_idx %arg8[%add3A_2038, %broadcast_in_dim3A_2065], %gather3A_2063 : memref<32x128xf32, #tpu.memory_space<vmem>>[vector<16xi32>, vector<16xi32>], vector<16xf32>,
      %broadcast_in_dim3A_2066 = arith.constant 5 : i32
      %broadcast_in_dim3A_2067 = vector.broadcast %broadcast_in_dim3A_2066 : i32 to vector<16xi32>
      %gather3A_2068 = tpu.vector_load_idx %arg7[%add3A_2041, %and3A_2035, %broadcast_in_dim3A_2067] : memref<64x8x64xf32, #tpu.memory_space<vmem>>[vector<16xi32>, vector<16xi32>, vector<16xi32>], vector<16xf32>,
      %broadcast_in_dim3A_2069 = arith.constant 5 : i32
      %broadcast_in_dim3A_2070 = vector.broadcast %broadcast_in_dim3A_2069 : i32 to vector<16xi32>
      tpu.vector_store_idx %arg8[%add3A_2038, %broadcast_in_dim3A_2070], %gather3A_2068 : memref<32x128xf32, #tpu.memory_space<vmem>>[vector<16xi32>, vector<16xi32>], vector<16xf32>,
      %broadcast_in_dim3A_2071 = arith.constant 6 : i32
      %broadcast_in_dim3A_2072 = vector.broadcast %broadcast_in_dim3A_2071 : i32 to vector<16xi32>
      %gather3A_2073 = tpu.vector_load_idx %arg7[%add3A_2041, %and3A_2035, %broadcast_in_dim3A_2072] : memref<64x8x64xf32, #tpu.memory_space<vmem>>[vector<16xi32>, vector<16xi32>, vector<16xi32>], vector<16xf32>,
      %broadcast_in_dim3A_2074 = arith.constant 6 : i32
      %broadcast_in_dim3A_2075 = vector.broadcast %broadcast_in_dim3A_2074 : i32 to vector<16xi32>
      tpu.vector_store_idx %arg8[%add3A_2038, %broadcast_in_dim3A_2075], %gather3A_2073 : memref<32x128xf32, #tpu.memory_space<vmem>>[vector<16xi32>, vector<16xi32>], vector<16xf32>,
      %broadcast_in_dim3A_2076 = arith.constant 7 : i32
      %broadcast_in_dim3A_2077 = vector.broadcast %broadcast_in_dim3A_2076 : i32 to vector<16xi32>
      %gather3A_2078 = tpu.vector_load_idx %arg7[%add3A_2041, %and3A_2035, %broadcast_in_dim3A_2077] : memref<64x8x64xf32, #tpu.memory_space<vmem>>[vector<16xi32>, vector<16xi32>, vector<16xi32>], vector<16xf32>,
      %broadcast_in_dim3A_2079 = arith.constant 7 : i32
      %broadcast_in_dim3A_2080 = vector.broadcast %broadcast_in_dim3A_2079 : i32 to vector<16xi32>
      tpu.vector_store_idx %arg8[%add3A_2038, %broadcast_in_dim3A_2080], %gather3A_2078 : memref<32x128xf32, #tpu.memory_space<vmem>>[vector<16xi32>, vector<16xi32>], vector<16xf32>,
      %broadcast_in_dim3A_2081 = arith.constant 8 : i32
      %broadcast_in_dim3A_2082 = vector.broadcast %broadcast_in_dim3A_2081 : i32 to vector<16xi32>
      %gather3A_2083 = tpu.vector_load_idx %arg7[%add3A_2041, %and3A_2035, %broadcast_in_dim3A_2082] : memref<64x8x64xf32, #tpu.memory_space<vmem>>[vector<16xi32>, vector<16xi32>, vector<16xi32>], vector<16xf32>,
      %broadcast_in_dim3A_2084 = arith.constant 8 : i32
      %broadcast_in_dim3A_2085 = vector.broadcast %broadcast_in_dim3A_2084 : i32 to vector<16xi32>
      tpu.vector_store_idx %arg8[%add3A_2038, %broadcast_in_dim3A_2085], %gather3A_2083 : memref<32x128xf32, #tpu.memory_space<vmem>>[vector<16xi32>, vector<16xi32>], vector<16xf32>,
      %broadcast_in_dim3A_2086 = arith.constant 9 : i32
      %broadcast_in_dim3A_2087 = vector.broadcast %broadcast_in_dim3A_2086 : i32 to vector<16xi32>
      %gather3A_2088 = tpu.vector_load_idx %arg7[%add3A_2041, %and3A_2035, %broadcast_in_dim3A_2087] : memref<64x8x64xf32, #tpu.memory_space<vmem>>[vector<16xi32>, vector<16xi32>, vector<16xi32>], vector<16xf32>,
      %broadcast_in_dim3A_2089 = arith.constant 9 : i32
      %broadcast_in_dim3A_2090 = vector.broadcast %broadcast_in_dim3A_2089 : i32 to vector<16xi32>
      tpu.vector_store_idx %arg8[%add3A_2038, %broadcast_in_dim3A_2090], %gather3A_2088 : memref<32x128xf32, #tpu.memory_space<vmem>>[vector<16xi32>, vector<16xi32>], vector<16xf32>,
      %broadcast_in_dim3A_2091 = arith.constant 10 : i32
      %broadcast_in_dim3A_2092 = vector.broadcast %broadcast_in_dim3A_2091 : i32 to vector<16xi32>
      %gather3A_2093 = tpu.vector_load_idx %arg7[%add3A_2041, %and3A_2035, %broadcast_in_dim3A_2092] : memref<64x8x64xf32, #tpu.memory_space<vmem>>[vector<16xi32>, vector<16xi32>, vector<16xi32>], vector<16xf32>,
      %broadcast_in_dim3A_2094 = arith.constant 10 : i32
      %broadcast_in_dim3A_2095 = vector.broadcast %broadcast_in_dim3A_2094 : i32 to vector<16xi32>
      tpu.vector_store_idx %arg8[%add3A_2038, %broadcast_in_dim3A_2095], %gather3A_2093 : memref<32x128xf32, #tpu.memory_space<vmem>>[vector<16xi32>, vector<16xi32>], vector<16xf32>,
      %broadcast_in_dim3A_2096 = arith.constant 11 : i32
      %broadcast_in_dim3A_2097 = vector.broadcast %broadcast_in_dim3A_2096 : i32 to vector<16xi32>
      %gather3A_2098 = tpu.vector_load_idx %arg7[%add3A_2041, %and3A_2035, %broadcast_in_dim3A_2097] : memref<64x8x64xf32, #tpu.memory_space<vmem>>[vector<16xi32>, vector<16xi32>, vector<16xi32>], vector<16xf32>,
      %broadcast_in_dim3A_2099 = arith.constant 11 : i32
      %broadcast_in_dim3A_2100 = vector.broadcast %broadcast_in_dim3A_2099 : i32 to vector<16xi32>
      tpu.vector_store_idx %arg8[%add3A_2038, %broadcast_in_dim3A_2100], %gather3A_2098 : memref<32x128xf32, #tpu.memory_space<vmem>>[vector<16xi32>, vector<16xi32>], vector<16xf32>,
      %broadcast_in_dim3A_2101 = arith.constant 12 : i32
      %broadcast_in_dim3A_2102 = vector.broadcast %broadcast_in_dim3A_2101 : i32 to vector<16xi32>
      %gather3A_2103 = tpu.vector_load_idx %arg7[%add3A_2041, %and3A_2035, %broadcast_in_dim3A_2102] : memref<64x8x64xf32, #tpu.memory_space<vmem>>[vector<16xi32>, vector<16xi32>, vector<16xi32>], vector<16xf32>,
      %broadcast_in_dim3A_2104 = arith.constant 12 : i32
      %broadcast_in_dim3A_2105 = vector.broadcast %broadcast_in_dim3A_2104 : i32 to vector<16xi32>
      tpu.vector_store_idx %arg8[%add3A_2038, %broadcast_in_dim3A_2105], %gather3A_2103 : memref<32x128xf32, #tpu.memory_space<vmem>>[vector<16xi32>, vector<16xi32>], vector<16xf32>,
      %broadcast_in_dim3A_2106 = arith.constant 13 : i32
      %broadcast_in_dim3A_2107 = vector.broadcast %broadcast_in_dim3A_2106 : i32 to vector<16xi32>
      %gather3A_2108 = tpu.vector_load_idx %arg7[%add3A_2041, %and3A_2035, %broadcast_in_dim3A_2107] : memref<64x8x64xf32, #tpu.memory_space<vmem>>[vector<16xi32>, vector<16xi32>, vector<16xi32>], vector<16xf32>,
      %broadcast_in_dim3A_2109 = arith.constant 13 : i32
      %broadcast_in_dim3A_2110 = vector.broadcast %broadcast_in_dim3A_2109 : i32 to vector<16xi32>
      tpu.vector_store_idx %arg8[%add3A_2038, %broadcast_in_dim3A_2110], %gather3A_2108 : memref<32x128xf32, #tpu.memory_space<vmem>>[vector<16xi32>, vector<16xi32>], vector<16xf32>,
      %broadcast_in_dim3A_2111 = arith.constant 14 : i32
      %broadcast_in_dim3A_2112 = vector.broadcast %broadcast_in_dim3A_2111 : i32 to vector<16xi32>
      %gather3A_2113 = tpu.vector_load_idx %arg7[%add3A_2041, %and3A_2035, %broadcast_in_dim3A_2112] : memref<64x8x64xf32, #tpu.memory_space<vmem>>[vector<16xi32>, vector<16xi32>, vector<16xi32>], vector<16xf32>,
      %broadcast_in_dim3A_2114 = arith.constant 14 : i32
      %broadcast_in_dim3A_2115 = vector.broadcast %broadcast_in_dim3A_2114 : i32 to vector<16xi32>
      tpu.vector_store_idx %arg8[%add3A_2038, %broadcast_in_dim3A_2115], %gather3A_2113 : memref<32x128xf32, #tpu.memory_space<vmem>>[vector<16xi32>, vector<16xi32>], vector<16xf32>,
      %broadcast_in_dim3A_2116 = arith.constant 15 : i32
      %broadcast_in_dim3A_2117 = vector.broadcast %broadcast_in_dim3A_2116 : i32 to vector<16xi32>
      %gather3A_2118 = tpu.vector_load_idx %arg7[%add3A_2041, %and3A_2035, %broadcast_in_dim3A_2117] : memref<64x8x64xf32, #tpu.memory_space<vmem>>[vector<16xi32>, vector<16xi32>, vector<16xi32>], vector<16xf32>,
      %broadcast_in_dim3A_2119 = arith.constant 15 : i32
      %broadcast_in_dim3A_2120 = vector.broadcast %broadcast_in_dim3A_2119 : i32 to vector<16xi32>
      tpu.vector_store_idx %arg8[%add3A_2038, %broadcast_in_dim3A_2120], %gather3A_2118 : memref<32x128xf32, #tpu.memory_space<vmem>>[vector<16xi32>, vector<16xi32>], vector<16xf32>,
      %broadcast_in_dim3A_2121 = arith.constant 16 : i32
      %broadcast_in_dim3A_2122 = vector.broadcast %broadcast_in_dim3A_2121 : i32 to vector<16xi32>
      %gather3A_2123 = tpu.vector_load_idx %arg7[%add3A_2041, %and3A_2035, %broadcast_in_dim3A_2122] : memref<64x8x64xf32, #tpu.memory_space<vmem>>[vector<16xi32>, vector<16xi32>, vector<16xi32>], vector<16xf32>,
      %broadcast_in_dim3A_2124 = arith.constant 16 : i32
      %broadcast_in_dim3A_2125 = vector.broadcast %broadcast_in_dim3A_2124 : i32 to vector<16xi32>
      tpu.vector_store_idx %arg8[%add3A_2038, %broadcast_in_dim3A_2125], %gather3A_2123 : memref<32x128xf32, #tpu.memory_space<vmem>>[vector<16xi32>, vector<16xi32>], vector<16xf32>,
      %broadcast_in_dim3A_2126 = arith.constant 17 : i32
      %broadcast_in_dim3A_2127 = vector.broadcast %broadcast_in_dim3A_2126 : i32 to vector<16xi32>
      %gather3A_2128 = tpu.vector_load_idx %arg7[%add3A_2041, %and3A_2035, %broadcast_in_dim3A_2127] : memref<64x8x64xf32, #tpu.memory_space<vmem>>[vector<16xi32>, vector<16xi32>, vector<16xi32>], vector<16xf32>,
      %broadcast_in_dim3A_2129 = arith.constant 17 : i32
      %broadcast_in_dim3A_2130 = vector.broadcast %broadcast_in_dim3A_2129 : i32 to vector<16xi32>
      tpu.vector_store_idx %arg8[%add3A_2038, %broadcast_in_dim3A_2130], %gather3A_2128 : memref<32x128xf32, #tpu.memory_space<vmem>>[vector<16xi32>, vector<16xi32>], vector<16xf32>,
      %broadcast_in_dim3A_2131 = arith.constant 18 : i32
      %broadcast_in_dim3A_2132 = vector.broadcast %broadcast_in_dim3A_2131 : i32 to vector<16xi32>
      %gather3A_2133 = tpu.vector_load_idx %arg7[%add3A_2041, %and3A_2035, %broadcast_in_dim3A_2132] : memref<64x8x64xf32, #tpu.memory_space<vmem>>[vector<16xi32>, vector<16xi32>, vector<16xi32>], vector<16xf32>,
      %broadcast_in_dim3A_2134 = arith.constant 18 : i32
      %broadcast_in_dim3A_2135 = vector.broadcast %broadcast_in_dim3A_2134 : i32 to vector<16xi32>
      tpu.vector_store_idx %arg8[%add3A_2038, %broadcast_in_dim3A_2135], %gather3A_2133 : memref<32x128xf32, #tpu.memory_space<vmem>>[vector<16xi32>, vector<16xi32>], vector<16xf32>,
      %broadcast_in_dim3A_2136 = arith.constant 19 : i32
      %broadcast_in_dim3A_2137 = vector.broadcast %broadcast_in_dim3A_2136 : i32 to vector<16xi32>
      %gather3A_2138 = tpu.vector_load_idx %arg7[%add3A_2041, %and3A_2035, %broadcast_in_dim3A_2137] : memref<64x8x64xf32, #tpu.memory_space<vmem>>[vector<16xi32>, vector<16xi32>, vector<16xi32>], vector<16xf32>,
      %broadcast_in_dim3A_2139 = arith.constant 19 : i32
      %broadcast_in_dim3A_2140 = vector.broadcast %broadcast_in_dim3A_2139 : i32 to vector<16xi32>
      tpu.vector_store_idx %arg8[%add3A_2038, %broadcast_in_dim3A_2140], %gather3A_2138 : memref<32x128xf32, #tpu.memory_space<vmem>>[vector<16xi32>, vector<16xi32>], vector<16xf32>,
      %broadcast_in_dim3A_2141 = arith.constant 20 : i32
      %broadcast_in_dim3A_2142 = vector.broadcast %broadcast_in_dim3A_2141 : i32 to vector<16xi32>
      %gather3A_2143 = tpu.vector_load_idx %arg7[%add3A_2041, %and3A_2035, %broadcast_in_dim3A_2142] : memref<64x8x64xf32, #tpu.memory_space<vmem>>[vector<16xi32>, vector<16xi32>, vector<16xi32>], vector<16xf32>,
      %broadcast_in_dim3A_2144 = arith.constant 20 : i32
      %broadcast_in_dim3A_2145 = vector.broadcast %broadcast_in_dim3A_2144 : i32 to vector<16xi32>
      tpu.vector_store_idx %arg8[%add3A_2038, %broadcast_in_dim3A_2145], %gather3A_2143 : memref<32x128xf32, #tpu.memory_space<vmem>>[vector<16xi32>, vector<16xi32>], vector<16xf32>,
      %broadcast_in_dim3A_2146 = arith.constant 21 : i32
      %broadcast_in_dim3A_2147 = vector.broadcast %broadcast_in_dim3A_2146 : i32 to vector<16xi32>
      %gather3A_2148 = tpu.vector_load_idx %arg7[%add3A_2041, %and3A_2035, %broadcast_in_dim3A_2147] : memref<64x8x64xf32, #tpu.memory_space<vmem>>[vector<16xi32>, vector<16xi32>, vector<16xi32>], vector<16xf32>,
      %broadcast_in_dim3A_2149 = arith.constant 21 : i32
      %broadcast_in_dim3A_2150 = vector.broadcast %broadcast_in_dim3A_2149 : i32 to vector<16xi32>
      tpu.vector_store_idx %arg8[%add3A_2038, %broadcast_in_dim3A_2150], %gather3A_2148 : memref<32x128xf32, #tpu.memory_space<vmem>>[vector<16xi32>, vector<16xi32>], vector<16xf32>,
      %broadcast_in_dim3A_2151 = arith.constant 22 : i32
      %broadcast_in_dim3A_2152 = vector.broadcast %broadcast_in_dim3A_2151 : i32 to vector<16xi32>
      %gather3A_2153 = tpu.vector_load_idx %arg7[%add3A_2041, %and3A_2035, %broadcast_in_dim3A_2152] : memref<64x8x64xf32, #tpu.memory_space<vmem>>[vector<16xi32>, vector<16xi32>, vector<16xi32>], vector<16xf32>,
      %broadcast_in_dim3A_2154 = arith.constant 22 : i32
      %broadcast_in_dim3A_2155 = vector.broadcast %broadcast_in_dim3A_2154 : i32 to vector<16xi32>
      tpu.vector_store_idx %arg8[%add3A_2038, %broadcast_in_dim3A_2155], %gather3A_2153 : memref<32x128xf32, #tpu.memory_space<vmem>>[vector<16xi32>, vector<16xi32>], vector<16xf32>,
      %broadcast_in_dim3A_2156 = arith.constant 23 : i32
      %broadcast_in_dim3A_2157 = vector.broadcast %broadcast_in_dim3A_2156 : i32 to vector<16xi32>
      %gather3A_2158 = tpu.vector_load_idx %arg7[%add3A_2041, %and3A_2035, %broadcast_in_dim3A_2157] : memref<64x8x64xf32, #tpu.memory_space<vmem>>[vector<16xi32>, vector<16xi32>, vector<16xi32>], vector<16xf32>,
      %broadcast_in_dim3A_2159 = arith.constant 23 : i32
      %broadcast_in_dim3A_2160 = vector.broadcast %broadcast_in_dim3A_2159 : i32 to vector<16xi32>
      tpu.vector_store_idx %arg8[%add3A_2038, %broadcast_in_dim3A_2160], %gather3A_2158 : memref<32x128xf32, #tpu.memory_space<vmem>>[vector<16xi32>, vector<16xi32>], vector<16xf32>,
      %broadcast_in_dim3A_2161 = arith.constant 24 : i32
      %broadcast_in_dim3A_2162 = vector.broadcast %broadcast_in_dim3A_2161 : i32 to vector<16xi32>
      %gather3A_2163 = tpu.vector_load_idx %arg7[%add3A_2041, %and3A_2035, %broadcast_in_dim3A_2162] : memref<64x8x64xf32, #tpu.memory_space<vmem>>[vector<16xi32>, vector<16xi32>, vector<16xi32>], vector<16xf32>,
      %broadcast_in_dim3A_2164 = arith.constant 24 : i32
      %broadcast_in_dim3A_2165 = vector.broadcast %broadcast_in_dim3A_2164 : i32 to vector<16xi32>
      tpu.vector_store_idx %arg8[%add3A_2038, %broadcast_in_dim3A_2165], %gather3A_2163 : memref<32x128xf32, #tpu.memory_space<vmem>>[vector<16xi32>, vector<16xi32>], vector<16xf32>,
      %broadcast_in_dim3A_2166 = arith.constant 25 : i32
      %broadcast_in_dim3A_2167 = vector.broadcast %broadcast_in_dim3A_2166 : i32 to vector<16xi32>
      %gather3A_2168 = tpu.vector_load_idx %arg7[%add3A_2041, %and3A_2035, %broadcast_in_dim3A_2167] : memref<64x8x64xf32, #tpu.memory_space<vmem>>[vector<16xi32>, vector<16xi32>, vector<16xi32>], vector<16xf32>,
      %broadcast_in_dim3A_2169 = arith.constant 25 : i32
      %broadcast_in_dim3A_2170 = vector.broadcast %broadcast_in_dim3A_2169 : i32 to vector<16xi32>
      tpu.vector_store_idx %arg8[%add3A_2038, %broadcast_in_dim3A_2170], %gather3A_2168 : memref<32x128xf32, #tpu.memory_space<vmem>>[vector<16xi32>, vector<16xi32>], vector<16xf32>,
      %broadcast_in_dim3A_2171 = arith.constant 26 : i32
      %broadcast_in_dim3A_2172 = vector.broadcast %broadcast_in_dim3A_2171 : i32 to vector<16xi32>
      %gather3A_2173 = tpu.vector_load_idx %arg7[%add3A_2041, %and3A_2035, %broadcast_in_dim3A_2172] : memref<64x8x64xf32, #tpu.memory_space<vmem>>[vector<16xi32>, vector<16xi32>, vector<16xi32>], vector<16xf32>,
      %broadcast_in_dim3A_2174 = arith.constant 26 : i32
      %broadcast_in_dim3A_2175 = vector.broadcast %broadcast_in_dim3A_2174 : i32 to vector<16xi32>
      tpu.vector_store_idx %arg8[%add3A_2038, %broadcast_in_dim3A_2175], %gather3A_2173 : memref<32x128xf32, #tpu.memory_space<vmem>>[vector<16xi32>, vector<16xi32>], vector<16xf32>,
      %broadcast_in_dim3A_2176 = arith.constant 27 : i32
      %broadcast_in_dim3A_2177 = vector.broadcast %broadcast_in_dim3A_2176 : i32 to vector<16xi32>
      %gather3A_2178 = tpu.vector_load_idx %arg7[%add3A_2041, %and3A_2035, %broadcast_in_dim3A_2177] : memref<64x8x64xf32, #tpu.memory_space<vmem>>[vector<16xi32>, vector<16xi32>, vector<16xi32>], vector<16xf32>,
      %broadcast_in_dim3A_2179 = arith.constant 27 : i32
      %broadcast_in_dim3A_2180 = vector.broadcast %broadcast_in_dim3A_2179 : i32 to vector<16xi32>
      tpu.vector_store_idx %arg8[%add3A_2038, %broadcast_in_dim3A_2180], %gather3A_2178 : memref<32x128xf32, #tpu.memory_space<vmem>>[vector<16xi32>, vector<16xi32>], vector<16xf32>,
      %broadcast_in_dim3A_2181 = arith.constant 28 : i32
      %broadcast_in_dim3A_2182 = vector.broadcast %broadcast_in_dim3A_2181 : i32 to vector<16xi32>
      %gather3A_2183 = tpu.vector_load_idx %arg7[%add3A_2041, %and3A_2035, %broadcast_in_dim3A_2182] : memref<64x8x64xf32, #tpu.memory_space<vmem>>[vector<16xi32>, vector<16xi32>, vector<16xi32>], vector<16xf32>,
      %broadcast_in_dim3A_2184 = arith.constant 28 : i32
      %broadcast_in_dim3A_2185 = vector.broadcast %broadcast_in_dim3A_2184 : i32 to vector<16xi32>
      tpu.vector_store_idx %arg8[%add3A_2038, %broadcast_in_dim3A_2185], %gather3A_2183 : memref<32x128xf32, #tpu.memory_space<vmem>>[vector<16xi32>, vector<16xi32>], vector<16xf32>,
      %broadcast_in_dim3A_2186 = arith.constant 29 : i32
      %broadcast_in_dim3A_2187 = vector.broadcast %broadcast_in_dim3A_2186 : i32 to vector<16xi32>
      %gather3A_2188 = tpu.vector_load_idx %arg7[%add3A_2041, %and3A_2035, %broadcast_in_dim3A_2187] : memref<64x8x64xf32, #tpu.memory_space<vmem>>[vector<16xi32>, vector<16xi32>, vector<16xi32>], vector<16xf32>,
      %broadcast_in_dim3A_2189 = arith.constant 29 : i32
      %broadcast_in_dim3A_2190 = vector.broadcast %broadcast_in_dim3A_2189 : i32 to vector<16xi32>
      tpu.vector_store_idx %arg8[%add3A_2038, %broadcast_in_dim3A_2190], %gather3A_2188 : memref<32x128xf32, #tpu.memory_space<vmem>>[vector<16xi32>, vector<16xi32>], vector<16xf32>,
      %broadcast_in_dim3A_2191 = arith.constant 30 : i32
      %broadcast_in_dim3A_2192 = vector.broadcast %broadcast_in_dim3A_2191 : i32 to vector<16xi32>
      %gather3A_2193 = tpu.vector_load_idx %arg7[%add3A_2041, %and3A_2035, %broadcast_in_dim3A_2192] : memref<64x8x64xf32, #tpu.memory_space<vmem>>[vector<16xi32>, vector<16xi32>, vector<16xi32>], vector<16xf32>,
      %broadcast_in_dim3A_2194 = arith.constant 30 : i32
      %broadcast_in_dim3A_2195 = vector.broadcast %broadcast_in_dim3A_2194 : i32 to vector<16xi32>
      tpu.vector_store_idx %arg8[%add3A_2038, %broadcast_in_dim3A_2195], %gather3A_2193 : memref<32x128xf32, #tpu.memory_space<vmem>>[vector<16xi32>, vector<16xi32>], vector<16xf32>,
      %broadcast_in_dim3A_2196 = arith.constant 31 : i32
      %broadcast_in_dim3A_2197 = vector.broadcast %broadcast_in_dim3A_2196 : i32 to vector<16xi32>
      %gather3A_2198 = tpu.vector_load_idx %arg7[%add3A_2041, %and3A_2035, %broadcast_in_dim3A_2197] : memref<64x8x64xf32, #tpu.memory_space<vmem>>[vector<16xi32>, vector<16xi32>, vector<16xi32>], vector<16xf32>,
      %broadcast_in_dim3A_2199 = arith.constant 31 : i32
      %broadcast_in_dim3A_2200 = vector.broadcast %broadcast_in_dim3A_2199 : i32 to vector<16xi32>
      tpu.vector_store_idx %arg8[%add3A_2038, %broadcast_in_dim3A_2200], %gather3A_2198 : memref<32x128xf32, #tpu.memory_space<vmem>>[vector<16xi32>, vector<16xi32>], vector<16xf32>,
      %broadcast_in_dim3A_2201 = arith.constant 32 : i32
      %broadcast_in_dim3A_2202 = vector.broadcast %broadcast_in_dim3A_2201 : i32 to vector<16xi32>
      %gather3A_2203 = tpu.vector_load_idx %arg7[%add3A_2041, %and3A_2035, %broadcast_in_dim3A_2202] : memref<64x8x64xf32, #tpu.memory_space<vmem>>[vector<16xi32>, vector<16xi32>, vector<16xi32>], vector<16xf32>,
      %broadcast_in_dim3A_2204 = arith.constant 32 : i32
      %broadcast_in_dim3A_2205 = vector.broadcast %broadcast_in_dim3A_2204 : i32 to vector<16xi32>
      tpu.vector_store_idx %arg8[%add3A_2038, %broadcast_in_dim3A_2205], %gather3A_2203 : memref<32x128xf32, #tpu.memory_space<vmem>>[vector<16xi32>, vector<16xi32>], vector<16xf32>,
      %broadcast_in_dim3A_2206 = arith.constant 33 : i32
      %broadcast_in_dim3A_2207 = vector.broadcast %broadcast_in_dim3A_2206 : i32 to vector<16xi32>
      %gather3A_2208 = tpu.vector_load_idx %arg7[%add3A_2041, %and3A_2035, %broadcast_in_dim3A_2207] : memref<64x8x64xf32, #tpu.memory_space<vmem>>[vector<16xi32>, vector<16xi32>, vector<16xi32>], vector<16xf32>,
      %broadcast_in_dim3A_2209 = arith.constant 33 : i32
      %broadcast_in_dim3A_2210 = vector.broadcast %broadcast_in_dim3A_2209 : i32 to vector<16xi32>
      tpu.vector_store_idx %arg8[%add3A_2038, %broadcast_in_dim3A_2210], %gather3A_2208 : memref<32x128xf32, #tpu.memory_space<vmem>>[vector<16xi32>, vector<16xi32>], vector<16xf32>,
      %broadcast_in_dim3A_2211 = arith.constant 34 : i32
      %broadcast_in_dim3A_2212 = vector.broadcast %broadcast_in_dim3A_2211 : i32 to vector<16xi32>
      %gather3A_2213 = tpu.vector_load_idx %arg7[%add3A_2041, %and3A_2035, %broadcast_in_dim3A_2212] : memref<64x8x64xf32, #tpu.memory_space<vmem>>[vector<16xi32>, vector<16xi32>, vector<16xi32>], vector<16xf32>,
      %broadcast_in_dim3A_2214 = arith.constant 34 : i32
      %broadcast_in_dim3A_2215 = vector.broadcast %broadcast_in_dim3A_2214 : i32 to vector<16xi32>
      tpu.vector_store_idx %arg8[%add3A_2038, %broadcast_in_dim3A_2215], %gather3A_2213 : memref<32x128xf32, #tpu.memory_space<vmem>>[vector<16xi32>, vector<16xi32>], vector<16xf32>,
      %broadcast_in_dim3A_2216 = arith.constant 35 : i32
      %broadcast_in_dim3A_2217 = vector.broadcast %broadcast_in_dim3A_2216 : i32 to vector<16xi32>
      %gather3A_2218 = tpu.vector_load_idx %arg7[%add3A_2041, %and3A_2035, %broadcast_in_dim3A_2217] : memref<64x8x64xf32, #tpu.memory_space<vmem>>[vector<16xi32>, vector<16xi32>, vector<16xi32>], vector<16xf32>,
      %broadcast_in_dim3A_2219 = arith.constant 35 : i32
      %broadcast_in_dim3A_2220 = vector.broadcast %broadcast_in_dim3A_2219 : i32 to vector<16xi32>
      tpu.vector_store_idx %arg8[%add3A_2038, %broadcast_in_dim3A_2220], %gather3A_2218 : memref<32x128xf32, #tpu.memory_space<vmem>>[vector<16xi32>, vector<16xi32>], vector<16xf32>,
      %broadcast_in_dim3A_2221 = arith.constant 36 : i32
      %broadcast_in_dim3A_2222 = vector.broadcast %broadcast_in_dim3A_2221 : i32 to vector<16xi32>
      %gather3A_2223 = tpu.vector_load_idx %arg7[%add3A_2041, %and3A_2035, %broadcast_in_dim3A_2222] : memref<64x8x64xf32, #tpu.memory_space<vmem>>[vector<16xi32>, vector<16xi32>, vector<16xi32>], vector<16xf32>,
      %broadcast_in_dim3A_2224 = arith.constant 36 : i32
      %broadcast_in_dim3A_2225 = vector.broadcast %broadcast_in_dim3A_2224 : i32 to vector<16xi32>
      tpu.vector_store_idx %arg8[%add3A_2038, %broadcast_in_dim3A_2225], %gather3A_2223 : memref<32x128xf32, #tpu.memory_space<vmem>>[vector<16xi32>, vector<16xi32>], vector<16xf32>,
      %broadcast_in_dim3A_2226 = arith.constant 37 : i32
      %broadcast_in_dim3A_2227 = vector.broadcast %broadcast_in_dim3A_2226 : i32 to vector<16xi32>
      %gather3A_2228 = tpu.vector_load_idx %arg7[%add3A_2041, %and3A_2035, %broadcast_in_dim3A_2227] : memref<64x8x64xf32, #tpu.memory_space<vmem>>[vector<16xi32>, vector<16xi32>, vector<16xi32>], vector<16xf32>,
      %broadcast_in_dim3A_2229 = arith.constant 37 : i32
      %broadcast_in_dim3A_2230 = vector.broadcast %broadcast_in_dim3A_2229 : i32 to vector<16xi32>
      tpu.vector_store_idx %arg8[%add3A_2038, %broadcast_in_dim3A_2230], %gather3A_2228 : memref<32x128xf32, #tpu.memory_space<vmem>>[vector<16xi32>, vector<16xi32>], vector<16xf32>,
      %broadcast_in_dim3A_2231 = arith.constant 38 : i32
      %broadcast_in_dim3A_2232 = vector.broadcast %broadcast_in_dim3A_2231 : i32 to vector<16xi32>
      %gather3A_2233 = tpu.vector_load_idx %arg7[%add3A_2041, %and3A_2035, %broadcast_in_dim3A_2232] : memref<64x8x64xf32, #tpu.memory_space<vmem>>[vector<16xi32>, vector<16xi32>, vector<16xi32>], vector<16xf32>,
      %broadcast_in_dim3A_2234 = arith.constant 38 : i32
      %broadcast_in_dim3A_2235 = vector.broadcast %broadcast_in_dim3A_2234 : i32 to vector<16xi32>
      tpu.vector_store_idx %arg8[%add3A_2038, %broadcast_in_dim3A_2235], %gather3A_2233 : memref<32x128xf32, #tpu.memory_space<vmem>>[vector<16xi32>, vector<16xi32>], vector<16xf32>,
      %broadcast_in_dim3A_2236 = arith.constant 39 : i32
      %broadcast_in_dim3A_2237 = vector.broadcast %broadcast_in_dim3A_2236 : i32 to vector<16xi32>
      %gather3A_2238 = tpu.vector_load_idx %arg7[%add3A_2041, %and3A_2035, %broadcast_in_dim3A_2237] : memref<64x8x64xf32, #tpu.memory_space<vmem>>[vector<16xi32>, vector<16xi32>, vector<16xi32>], vector<16xf32>,
      %broadcast_in_dim3A_2239 = arith.constant 39 : i32
      %broadcast_in_dim3A_2240 = vector.broadcast %broadcast_in_dim3A_2239 : i32 to vector<16xi32>
      tpu.vector_store_idx %arg8[%add3A_2038, %broadcast_in_dim3A_2240], %gather3A_2238 : memref<32x128xf32, #tpu.memory_space<vmem>>[vector<16xi32>, vector<16xi32>], vector<16xf32>,
      %broadcast_in_dim3A_2241 = arith.constant 40 : i32
      %broadcast_in_dim3A_2242 = vector.broadcast %broadcast_in_dim3A_2241 : i32 to vector<16xi32>
      %gather3A_2243 = tpu.vector_load_idx %arg7[%add3A_2041, %and3A_2035, %broadcast_in_dim3A_2242] : memref<64x8x64xf32, #tpu.memory_space<vmem>>[vector<16xi32>, vector<16xi32>, vector<16xi32>], vector<16xf32>,
      %broadcast_in_dim3A_2244 = arith.constant 40 : i32
      %broadcast_in_dim3A_2245 = vector.broadcast %broadcast_in_dim3A_2244 : i32 to vector<16xi32>
      tpu.vector_store_idx %arg8[%add3A_2038, %broadcast_in_dim3A_2245], %gather3A_2243 : memref<32x128xf32, #tpu.memory_space<vmem>>[vector<16xi32>, vector<16xi32>], vector<16xf32>,
      %broadcast_in_dim3A_2246 = arith.constant 41 : i32
      %broadcast_in_dim3A_2247 = vector.broadcast %broadcast_in_dim3A_2246 : i32 to vector<16xi32>
      %gather3A_2248 = tpu.vector_load_idx %arg7[%add3A_2041, %and3A_2035, %broadcast_in_dim3A_2247] : memref<64x8x64xf32, #tpu.memory_space<vmem>>[vector<16xi32>, vector<16xi32>, vector<16xi32>], vector<16xf32>,
      %broadcast_in_dim3A_2249 = arith.constant 41 : i32
      %broadcast_in_dim3A_2250 = vector.broadcast %broadcast_in_dim3A_2249 : i32 to vector<16xi32>
      tpu.vector_store_idx %arg8[%add3A_2038, %broadcast_in_dim3A_2250], %gather3A_2248 : memref<32x128xf32, #tpu.memory_space<vmem>>[vector<16xi32>, vector<16xi32>], vector<16xf32>,
      %broadcast_in_dim3A_2251 = arith.constant 42 : i32
      %broadcast_in_dim3A_2252 = vector.broadcast %broadcast_in_dim3A_2251 : i32 to vector<16xi32>
      %gather3A_2253 = tpu.vector_load_idx %arg7[%add3A_2041, %and3A_2035, %broadcast_in_dim3A_2252] : memref<64x8x64xf32, #tpu.memory_space<vmem>>[vector<16xi32>, vector<16xi32>, vector<16xi32>], vector<16xf32>,
      %broadcast_in_dim3A_2254 = arith.constant 42 : i32
      %broadcast_in_dim3A_2255 = vector.broadcast %broadcast_in_dim3A_2254 : i32 to vector<16xi32>
      tpu.vector_store_idx %arg8[%add3A_2038, %broadcast_in_dim3A_2255], %gather3A_2253 : memref<32x128xf32, #tpu.memory_space<vmem>>[vector<16xi32>, vector<16xi32>], vector<16xf32>,
      %broadcast_in_dim3A_2256 = arith.constant 43 : i32
      %broadcast_in_dim3A_2257 = vector.broadcast %broadcast_in_dim3A_2256 : i32 to vector<16xi32>
      %gather3A_2258 = tpu.vector_load_idx %arg7[%add3A_2041, %and3A_2035, %broadcast_in_dim3A_2257] : memref<64x8x64xf32, #tpu.memory_space<vmem>>[vector<16xi32>, vector<16xi32>, vector<16xi32>], vector<16xf32>,
      %broadcast_in_dim3A_2259 = arith.constant 43 : i32
      %broadcast_in_dim3A_2260 = vector.broadcast %broadcast_in_dim3A_2259 : i32 to vector<16xi32>
      tpu.vector_store_idx %arg8[%add3A_2038, %broadcast_in_dim3A_2260], %gather3A_2258 : memref<32x128xf32, #tpu.memory_space<vmem>>[vector<16xi32>, vector<16xi32>], vector<16xf32>,
      %broadcast_in_dim3A_2261 = arith.constant 44 : i32
      %broadcast_in_dim3A_2262 = vector.broadcast %broadcast_in_dim3A_2261 : i32 to vector<16xi32>
      %gather3A_2263 = tpu.vector_load_idx %arg7[%add3A_2041, %and3A_2035, %broadcast_in_dim3A_2262] : memref<64x8x64xf32, #tpu.memory_space<vmem>>[vector<16xi32>, vector<16xi32>, vector<16xi32>], vector<16xf32>,
      %broadcast_in_dim3A_2264 = arith.constant 44 : i32
      %broadcast_in_dim3A_2265 = vector.broadcast %broadcast_in_dim3A_2264 : i32 to vector<16xi32>
      tpu.vector_store_idx %arg8[%add3A_2038, %broadcast_in_dim3A_2265], %gather3A_2263 : memref<32x128xf32, #tpu.memory_space<vmem>>[vector<16xi32>, vector<16xi32>], vector<16xf32>,
      %broadcast_in_dim3A_2266 = arith.constant 45 : i32
      %broadcast_in_dim3A_2267 = vector.broadcast %broadcast_in_dim3A_2266 : i32 to vector<16xi32>
      %gather3A_2268 = tpu.vector_load_idx %arg7[%add3A_2041, %and3A_2035, %broadcast_in_dim3A_2267] : memref<64x8x64xf32, #tpu.memory_space<vmem>>[vector<16xi32>, vector<16xi32>, vector<16xi32>], vector<16xf32>,
      %broadcast_in_dim3A_2269 = arith.constant 45 : i32
      %broadcast_in_dim3A_2270 = vector.broadcast %broadcast_in_dim3A_2269 : i32 to vector<16xi32>
      tpu.vector_store_idx %arg8[%add3A_2038, %broadcast_in_dim3A_2270], %gather3A_2268 : memref<32x128xf32, #tpu.memory_space<vmem>>[vector<16xi32>, vector<16xi32>], vector<16xf32>,
      %broadcast_in_dim3A_2271 = arith.constant 46 : i32
      %broadcast_in_dim3A_2272 = vector.broadcast %broadcast_in_dim3A_2271 : i32 to vector<16xi32>
      %gather3A_2273 = tpu.vector_load_idx %arg7[%add3A_2041, %and3A_2035, %broadcast_in_dim3A_2272] : memref<64x8x64xf32, #tpu.memory_space<vmem>>[vector<16xi32>, vector<16xi32>, vector<16xi32>], vector<16xf32>,
      %broadcast_in_dim3A_2274 = arith.constant 46 : i32
      %broadcast_in_dim3A_2275 = vector.broadcast %broadcast_in_dim3A_2274 : i32 to vector<16xi32>
      tpu.vector_store_idx %arg8[%add3A_2038, %broadcast_in_dim3A_2275], %gather3A_2273 : memref<32x128xf32, #tpu.memory_space<vmem>>[vector<16xi32>, vector<16xi32>], vector<16xf32>,
      %broadcast_in_dim3A_2276 = arith.constant 47 : i32
      %broadcast_in_dim3A_2277 = vector.broadcast %broadcast_in_dim3A_2276 : i32 to vector<16xi32>
      %gather3A_2278 = tpu.vector_load_idx %arg7[%add3A_2041, %and3A_2035, %broadcast_in_dim3A_2277] : memref<64x8x64xf32, #tpu.memory_space<vmem>>[vector<16xi32>, vector<16xi32>, vector<16xi32>], vector<16xf32>,
      %broadcast_in_dim3A_2279 = arith.constant 47 : i32
      %broadcast_in_dim3A_2280 = vector.broadcast %broadcast_in_dim3A_2279 : i32 to vector<16xi32>
      tpu.vector_store_idx %arg8[%add3A_2038, %broadcast_in_dim3A_2280], %gather3A_2278 : memref<32x128xf32, #tpu.memory_space<vmem>>[vector<16xi32>, vector<16xi32>], vector<16xf32>,
      %broadcast_in_dim3A_2281 = arith.constant 48 : i32
      %broadcast_in_dim3A_2282 = vector.broadcast %broadcast_in_dim3A_2281 : i32 to vector<16xi32>
      %gather3A_2283 = tpu.vector_load_idx %arg7[%add3A_2041, %and3A_2035, %broadcast_in_dim3A_2282] : memref<64x8x64xf32, #tpu.memory_space<vmem>>[vector<16xi32>, vector<16xi32>, vector<16xi32>], vector<16xf32>,
      %broadcast_in_dim3A_2284 = arith.constant 48 : i32
      %broadcast_in_dim3A_2285 = vector.broadcast %broadcast_in_dim3A_2284 : i32 to vector<16xi32>
      tpu.vector_store_idx %arg8[%add3A_2038, %broadcast_in_dim3A_2285], %gather3A_2283 : memref<32x128xf32, #tpu.memory_space<vmem>>[vector<16xi32>, vector<16xi32>], vector<16xf32>,
      %broadcast_in_dim3A_2286 = arith.constant 49 : i32
      %broadcast_in_dim3A_2287 = vector.broadcast %broadcast_in_dim3A_2286 : i32 to vector<16xi32>
      %gather3A_2288 = tpu.vector_load_idx %arg7[%add3A_2041, %and3A_2035, %broadcast_in_dim3A_2287] : memref<64x8x64xf32, #tpu.memory_space<vmem>>[vector<16xi32>, vector<16xi32>, vector<16xi32>], vector<16xf32>,
      %broadcast_in_dim3A_2289 = arith.constant 49 : i32
      %broadcast_in_dim3A_2290 = vector.broadcast %broadcast_in_dim3A_2289 : i32 to vector<16xi32>
      tpu.vector_store_idx %arg8[%add3A_2038, %broadcast_in_dim3A_2290], %gather3A_2288 : memref<32x128xf32, #tpu.memory_space<vmem>>[vector<16xi32>, vector<16xi32>], vector<16xf32>,
      %broadcast_in_dim3A_2291 = arith.constant 50 : i32
      %broadcast_in_dim3A_2292 = vector.broadcast %broadcast_in_dim3A_2291 : i32 to vector<16xi32>
      %gather3A_2293 = tpu.vector_load_idx %arg7[%add3A_2041, %and3A_2035, %broadcast_in_dim3A_2292] : memref<64x8x64xf32, #tpu.memory_space<vmem>>[vector<16xi32>, vector<16xi32>, vector<16xi32>], vector<16xf32>,
      %broadcast_in_dim3A_2294 = arith.constant 50 : i32
      %broadcast_in_dim3A_2295 = vector.broadcast %broadcast_in_dim3A_2294 : i32 to vector<16xi32>
      tpu.vector_store_idx %arg8[%add3A_2038, %broadcast_in_dim3A_2295], %gather3A_2293 : memref<32x128xf32, #tpu.memory_space<vmem>>[vector<16xi32>, vector<16xi32>], vector<16xf32>,
      %broadcast_in_dim3A_2296 = arith.constant 51 : i32
      %broadcast_in_dim3A_2297 = vector.broadcast %broadcast_in_dim3A_2296 : i32 to vector<16xi32>
      %gather3A_2298 = tpu.vector_load_idx %arg7[%add3A_2041, %and3A_2035, %broadcast_in_dim3A_2297] : memref<64x8x64xf32, #tpu.memory_space<vmem>>[vector<16xi32>, vector<16xi32>, vector<16xi32>], vector<16xf32>,
      %broadcast_in_dim3A_2299 = arith.constant 51 : i32
      %broadcast_in_dim3A_2300 = vector.broadcast %broadcast_in_dim3A_2299 : i32 to vector<16xi32>
      tpu.vector_store_idx %arg8[%add3A_2038, %broadcast_in_dim3A_2300], %gather3A_2298 : memref<32x128xf32, #tpu.memory_space<vmem>>[vector<16xi32>, vector<16xi32>], vector<16xf32>,
      %broadcast_in_dim3A_2301 = arith.constant 52 : i32
      %broadcast_in_dim3A_2302 = vector.broadcast %broadcast_in_dim3A_2301 : i32 to vector<16xi32>
      %gather3A_2303 = tpu.vector_load_idx %arg7[%add3A_2041, %and3A_2035, %broadcast_in_dim3A_2302] : memref<64x8x64xf32, #tpu.memory_space<vmem>>[vector<16xi32>, vector<16xi32>, vector<16xi32>], vector<16xf32>,
      %broadcast_in_dim3A_2304 = arith.constant 52 : i32
      %broadcast_in_dim3A_2305 = vector.broadcast %broadcast_in_dim3A_2304 : i32 to vector<16xi32>
      tpu.vector_store_idx %arg8[%add3A_2038, %broadcast_in_dim3A_2305], %gather3A_2303 : memref<32x128xf32, #tpu.memory_space<vmem>>[vector<16xi32>, vector<16xi32>], vector<16xf32>,
      %broadcast_in_dim3A_2306 = arith.constant 53 : i32
      %broadcast_in_dim3A_2307 = vector.broadcast %broadcast_in_dim3A_2306 : i32 to vector<16xi32>
      %gather3A_2308 = tpu.vector_load_idx %arg7[%add3A_2041, %and3A_2035, %broadcast_in_dim3A_2307] : memref<64x8x64xf32, #tpu.memory_space<vmem>>[vector<16xi32>, vector<16xi32>, vector<16xi32>], vector<16xf32>,
      %broadcast_in_dim3A_2309 = arith.constant 53 : i32
      %broadcast_in_dim3A_2310 = vector.broadcast %broadcast_in_dim3A_2309 : i32 to vector<16xi32>
      tpu.vector_store_idx %arg8[%add3A_2038, %broadcast_in_dim3A_2310], %gather3A_2308 : memref<32x128xf32, #tpu.memory_space<vmem>>[vector<16xi32>, vector<16xi32>], vector<16xf32>,
      %broadcast_in_dim3A_2311 = arith.constant 54 : i32
      %broadcast_in_dim3A_2312 = vector.broadcast %broadcast_in_dim3A_2311 : i32 to vector<16xi32>
      %gather3A_2313 = tpu.vector_load_idx %arg7[%add3A_2041, %and3A_2035, %broadcast_in_dim3A_2312] : memref<64x8x64xf32, #tpu.memory_space<vmem>>[vector<16xi32>, vector<16xi32>, vector<16xi32>], vector<16xf32>,
      %broadcast_in_dim3A_2314 = arith.constant 54 : i32
      %broadcast_in_dim3A_2315 = vector.broadcast %broadcast_in_dim3A_2314 : i32 to vector<16xi32>
      tpu.vector_store_idx %arg8[%add3A_2038, %broadcast_in_dim3A_2315], %gather3A_2313 : memref<32x128xf32, #tpu.memory_space<vmem>>[vector<16xi32>, vector<16xi32>], vector<16xf32>,
      %broadcast_in_dim3A_2316 = arith.constant 55 : i32
      %broadcast_in_dim3A_2317 = vector.broadcast %broadcast_in_dim3A_2316 : i32 to vector<16xi32>
      %gather3A_2318 = tpu.vector_load_idx %arg7[%add3A_2041, %and3A_2035, %broadcast_in_dim3A_2317] : memref<64x8x64xf32, #tpu.memory_space<vmem>>[vector<16xi32>, vector<16xi32>, vector<16xi32>], vector<16xf32>,
      %broadcast_in_dim3A_2319 = arith.constant 55 : i32
      %broadcast_in_dim3A_2320 = vector.broadcast %broadcast_in_dim3A_2319 : i32 to vector<16xi32>
      tpu.vector_store_idx %arg8[%add3A_2038, %broadcast_in_dim3A_2320], %gather3A_2318 : memref<32x128xf32, #tpu.memory_space<vmem>>[vector<16xi32>, vector<16xi32>], vector<16xf32>,
      %broadcast_in_dim3A_2321 = arith.constant 56 : i32
      %broadcast_in_dim3A_2322 = vector.broadcast %broadcast_in_dim3A_2321 : i32 to vector<16xi32>
      %gather3A_2323 = tpu.vector_load_idx %arg7[%add3A_2041, %and3A_2035, %broadcast_in_dim3A_2322] : memref<64x8x64xf32, #tpu.memory_space<vmem>>[vector<16xi32>, vector<16xi32>, vector<16xi32>], vector<16xf32>,
      %broadcast_in_dim3A_2324 = arith.constant 56 : i32
      %broadcast_in_dim3A_2325 = vector.broadcast %broadcast_in_dim3A_2324 : i32 to vector<16xi32>
      tpu.vector_store_idx %arg8[%add3A_2038, %broadcast_in_dim3A_2325], %gather3A_2323 : memref<32x128xf32, #tpu.memory_space<vmem>>[vector<16xi32>, vector<16xi32>], vector<16xf32>,
      %broadcast_in_dim3A_2326 = arith.constant 57 : i32
      %broadcast_in_dim3A_2327 = vector.broadcast %broadcast_in_dim3A_2326 : i32 to vector<16xi32>
      %gather3A_2328 = tpu.vector_load_idx %arg7[%add3A_2041, %and3A_2035, %broadcast_in_dim3A_2327] : memref<64x8x64xf32, #tpu.memory_space<vmem>>[vector<16xi32>, vector<16xi32>, vector<16xi32>], vector<16xf32>,
      %broadcast_in_dim3A_2329 = arith.constant 57 : i32
      %broadcast_in_dim3A_2330 = vector.broadcast %broadcast_in_dim3A_2329 : i32 to vector<16xi32>
      tpu.vector_store_idx %arg8[%add3A_2038, %broadcast_in_dim3A_2330], %gather3A_2328 : memref<32x128xf32, #tpu.memory_space<vmem>>[vector<16xi32>, vector<16xi32>], vector<16xf32>,
      %broadcast_in_dim3A_2331 = arith.constant 58 : i32
      %broadcast_in_dim3A_2332 = vector.broadcast %broadcast_in_dim3A_2331 : i32 to vector<16xi32>
      %gather3A_2333 = tpu.vector_load_idx %arg7[%add3A_2041, %and3A_2035, %broadcast_in_dim3A_2332] : memref<64x8x64xf32, #tpu.memory_space<vmem>>[vector<16xi32>, vector<16xi32>, vector<16xi32>], vector<16xf32>,
      %broadcast_in_dim3A_2334 = arith.constant 58 : i32
      %broadcast_in_dim3A_2335 = vector.broadcast %broadcast_in_dim3A_2334 : i32 to vector<16xi32>
      tpu.vector_store_idx %arg8[%add3A_2038, %broadcast_in_dim3A_2335], %gather3A_2333 : memref<32x128xf32, #tpu.memory_space<vmem>>[vector<16xi32>, vector<16xi32>], vector<16xf32>,
      %broadcast_in_dim3A_2336 = arith.constant 59 : i32
      %broadcast_in_dim3A_2337 = vector.broadcast %broadcast_in_dim3A_2336 : i32 to vector<16xi32>
      %gather3A_2338 = tpu.vector_load_idx %arg7[%add3A_2041, %and3A_2035, %broadcast_in_dim3A_2337] : memref<64x8x64xf32, #tpu.memory_space<vmem>>[vector<16xi32>, vector<16xi32>, vector<16xi32>], vector<16xf32>,
      %broadcast_in_dim3A_2339 = arith.constant 59 : i32
      %broadcast_in_dim3A_2340 = vector.broadcast %broadcast_in_dim3A_2339 : i32 to vector<16xi32>
      tpu.vector_store_idx %arg8[%add3A_2038, %broadcast_in_dim3A_2340], %gather3A_2338 : memref<32x128xf32, #tpu.memory_space<vmem>>[vector<16xi32>, vector<16xi32>], vector<16xf32>,
      %broadcast_in_dim3A_2341 = arith.constant 60 : i32
      %broadcast_in_dim3A_2342 = vector.broadcast %broadcast_in_dim3A_2341 : i32 to vector<16xi32>
      %gather3A_2343 = tpu.vector_load_idx %arg7[%add3A_2041, %and3A_2035, %broadcast_in_dim3A_2342] : memref<64x8x64xf32, #tpu.memory_space<vmem>>[vector<16xi32>, vector<16xi32>, vector<16xi32>], vector<16xf32>,
      %broadcast_in_dim3A_2344 = arith.constant 60 : i32
      %broadcast_in_dim3A_2345 = vector.broadcast %broadcast_in_dim3A_2344 : i32 to vector<16xi32>
      tpu.vector_store_idx %arg8[%add3A_2038, %broadcast_in_dim3A_2345], %gather3A_2343 : memref<32x128xf32, #tpu.memory_space<vmem>>[vector<16xi32>, vector<16xi32>], vector<16xf32>,
      %broadcast_in_dim3A_2346 = arith.constant 61 : i32
      %broadcast_in_dim3A_2347 = vector.broadcast %broadcast_in_dim3A_2346 : i32 to vector<16xi32>
      %gather3A_2348 = tpu.vector_load_idx %arg7[%add3A_2041, %and3A_2035, %broadcast_in_dim3A_2347] : memref<64x8x64xf32, #tpu.memory_space<vmem>>[vector<16xi32>, vector<16xi32>, vector<16xi32>], vector<16xf32>,
      %broadcast_in_dim3A_2349 = arith.constant 61 : i32
      %broadcast_in_dim3A_2350 = vector.broadcast %broadcast_in_dim3A_2349 : i32 to vector<16xi32>
      tpu.vector_store_idx %arg8[%add3A_2038, %broadcast_in_dim3A_2350], %gather3A_2348 : memref<32x128xf32, #tpu.memory_space<vmem>>[vector<16xi32>, vector<16xi32>], vector<16xf32>,
      %broadcast_in_dim3A_2351 = arith.constant 62 : i32
      %broadcast_in_dim3A_2352 = vector.broadcast %broadcast_in_dim3A_2351 : i32 to vector<16xi32>
      %gather3A_2353 = tpu.vector_load_idx %arg7[%add3A_2041, %and3A_2035, %broadcast_in_dim3A_2352] : memref<64x8x64xf32, #tpu.memory_space<vmem>>[vector<16xi32>, vector<16xi32>, vector<16xi32>], vector<16xf32>,
      %broadcast_in_dim3A_2354 = arith.constant 62 : i32
      %broadcast_in_dim3A_2355 = vector.broadcast %broadcast_in_dim3A_2354 : i32 to vector<16xi32>
      tpu.vector_store_idx %arg8[%add3A_2038, %broadcast_in_dim3A_2355], %gather3A_2353 : memref<32x128xf32, #tpu.memory_space<vmem>>[vector<16xi32>, vector<16xi32>], vector<16xf32>,
      %broadcast_in_dim3A_2356 = arith.constant 63 : i32
      %broadcast_in_dim3A_2357 = vector.broadcast %broadcast_in_dim3A_2356 : i32 to vector<16xi32>
      %gather3A_2358 = tpu.vector_load_idx %arg7[%add3A_2041, %and3A_2035, %broadcast_in_dim3A_2357] : memref<64x8x64xf32, #tpu.memory_space<vmem>>[vector<16xi32>, vector<16xi32>, vector<16xi32>], vector<16xf32>,
      %broadcast_in_dim3A_2359 = arith.constant 63 : i32
      %broadcast_in_dim3A_2360 = vector.broadcast %broadcast_in_dim3A_2359 : i32 to vector<16xi32>
      tpu.vector_store_idx %arg8[%add3A_2038, %broadcast_in_dim3A_2360], %gather3A_2358 : memref<32x128xf32, #tpu.memory_space<vmem>>[vector<16xi32>, vector<16xi32>], vector<16xf32>,
      %mul3A_2361 = arith.constant 32 : i32
      %mul3A_2362 = arith.muli %scan3A_8, %mul3A_2361 : i32
      %add3A_2363 = arith.constant 0 : i32
      %add3A_2364 = arith.addi %add3A_2363, %mul3A_2362 : i32
      %add3A_2365 = arith.constant 16 : i32
      %add3A_2366 = arith.addi %add3A_2364, %add3A_2365 : i32
      %get3A_2367 = arith.index_cast %add3A_2366 : i32 to index
      %get3A_2368 = tpu.vector_load %arg6[%get3A_2367] {strides = array<i32>} : memref<1024xi32, #tpu.memory_space<vmem>>, vector<16xi32>,
      %and3A_2369 = arith.constant 7 : i32
      %and3A_2370 = vector.broadcast %and3A_2369 : i32 to vector<16xi32>
      %and3A_2371 = arith.andi %get3A_2368, %and3A_2370 : vector<16xi32>
      %add3A_2372 = arith.constant 16 : i32
      %add3A_2373 = vector.broadcast %add3A_2372 : i32 to vector<16xi32>
      %add3A_2374 = arith.addi %iota3A, %add3A_2373 : vector<16xi32>
      %add3A_2375 = arith.constant 0 : i32
      %add3A_2376 = vector.broadcast %add3A_2375 : i32 to vector<16xi32>
      %add3A_2377 = arith.addi %add3A_2374, %add3A_2376 : vector<16xi32>
      %broadcast_in_dim3A_2378 = arith.constant 0 : i32
      %broadcast_in_dim3A_2379 = vector.broadcast %broadcast_in_dim3A_2378 : i32 to vector<16xi32>
      %gather3A_2380 = tpu.vector_load_idx %arg7[%add3A_2377, %and3A_2371, %broadcast_in_dim3A_2379] : memref<64x8x64xf32, #tpu.memory_space<vmem>>[vector<16xi32>, vector<16xi32>, vector<16xi32>], vector<16xf32>,
      %broadcast_in_dim3A_2381 = arith.constant 0 : i32
      %broadcast_in_dim3A_2382 = vector.broadcast %broadcast_in_dim3A_2381 : i32 to vector<16xi32>
      tpu.vector_store_idx %arg8[%add3A_2374, %broadcast_in_dim3A_2382], %gather3A_2380 : memref<32x128xf32, #tpu.memory_space<vmem>>[vector<16xi32>, vector<16xi32>], vector<16xf32>,
      %broadcast_in_dim3A_2383 = arith.constant 1 : i32
      %broadcast_in_dim3A_2384 = vector.broadcast %broadcast_in_dim3A_2383 : i32 to vector<16xi32>
      %gather3A_2385 = tpu.vector_load_idx %arg7[%add3A_2377, %and3A_2371, %broadcast_in_dim3A_2384] : memref<64x8x64xf32, #tpu.memory_space<vmem>>[vector<16xi32>, vector<16xi32>, vector<16xi32>], vector<16xf32>,
      %broadcast_in_dim3A_2386 = arith.constant 1 : i32
      %broadcast_in_dim3A_2387 = vector.broadcast %broadcast_in_dim3A_2386 : i32 to vector<16xi32>
      tpu.vector_store_idx %arg8[%add3A_2374, %broadcast_in_dim3A_2387], %gather3A_2385 : memref<32x128xf32, #tpu.memory_space<vmem>>[vector<16xi32>, vector<16xi32>], vector<16xf32>,
      %broadcast_in_dim3A_2388 = arith.constant 2 : i32
      %broadcast_in_dim3A_2389 = vector.broadcast %broadcast_in_dim3A_2388 : i32 to vector<16xi32>
      %gather3A_2390 = tpu.vector_load_idx %arg7[%add3A_2377, %and3A_2371, %broadcast_in_dim3A_2389] : memref<64x8x64xf32, #tpu.memory_space<vmem>>[vector<16xi32>, vector<16xi32>, vector<16xi32>], vector<16xf32>,
      %broadcast_in_dim3A_2391 = arith.constant 2 : i32
      %broadcast_in_dim3A_2392 = vector.broadcast %broadcast_in_dim3A_2391 : i32 to vector<16xi32>
      tpu.vector_store_idx %arg8[%add3A_2374, %broadcast_in_dim3A_2392], %gather3A_2390 : memref<32x128xf32, #tpu.memory_space<vmem>>[vector<16xi32>, vector<16xi32>], vector<16xf32>,
      %broadcast_in_dim3A_2393 = arith.constant 3 : i32
      %broadcast_in_dim3A_2394 = vector.broadcast %broadcast_in_dim3A_2393 : i32 to vector<16xi32>
      %gather3A_2395 = tpu.vector_load_idx %arg7[%add3A_2377, %and3A_2371, %broadcast_in_dim3A_2394] : memref<64x8x64xf32, #tpu.memory_space<vmem>>[vector<16xi32>, vector<16xi32>, vector<16xi32>], vector<16xf32>,
      %broadcast_in_dim3A_2396 = arith.constant 3 : i32
      %broadcast_in_dim3A_2397 = vector.broadcast %broadcast_in_dim3A_2396 : i32 to vector<16xi32>
      tpu.vector_store_idx %arg8[%add3A_2374, %broadcast_in_dim3A_2397], %gather3A_2395 : memref<32x128xf32, #tpu.memory_space<vmem>>[vector<16xi32>, vector<16xi32>], vector<16xf32>,
      %broadcast_in_dim3A_2398 = arith.constant 4 : i32
      %broadcast_in_dim3A_2399 = vector.broadcast %broadcast_in_dim3A_2398 : i32 to vector<16xi32>
      %gather3A_2400 = tpu.vector_load_idx %arg7[%add3A_2377, %and3A_2371, %broadcast_in_dim3A_2399] : memref<64x8x64xf32, #tpu.memory_space<vmem>>[vector<16xi32>, vector<16xi32>, vector<16xi32>], vector<16xf32>,
      %broadcast_in_dim3A_2401 = arith.constant 4 : i32
      %broadcast_in_dim3A_2402 = vector.broadcast %broadcast_in_dim3A_2401 : i32 to vector<16xi32>
      tpu.vector_store_idx %arg8[%add3A_2374, %broadcast_in_dim3A_2402], %gather3A_2400 : memref<32x128xf32, #tpu.memory_space<vmem>>[vector<16xi32>, vector<16xi32>], vector<16xf32>,
      %broadcast_in_dim3A_2403 = arith.constant 5 : i32
      %broadcast_in_dim3A_2404 = vector.broadcast %broadcast_in_dim3A_2403 : i32 to vector<16xi32>
      %gather3A_2405 = tpu.vector_load_idx %arg7[%add3A_2377, %and3A_2371, %broadcast_in_dim3A_2404] : memref<64x8x64xf32, #tpu.memory_space<vmem>>[vector<16xi32>, vector<16xi32>, vector<16xi32>], vector<16xf32>,
      %broadcast_in_dim3A_2406 = arith.constant 5 : i32
      %broadcast_in_dim3A_2407 = vector.broadcast %broadcast_in_dim3A_2406 : i32 to vector<16xi32>
      tpu.vector_store_idx %arg8[%add3A_2374, %broadcast_in_dim3A_2407], %gather3A_2405 : memref<32x128xf32, #tpu.memory_space<vmem>>[vector<16xi32>, vector<16xi32>], vector<16xf32>,
      %broadcast_in_dim3A_2408 = arith.constant 6 : i32
      %broadcast_in_dim3A_2409 = vector.broadcast %broadcast_in_dim3A_2408 : i32 to vector<16xi32>
      %gather3A_2410 = tpu.vector_load_idx %arg7[%add3A_2377, %and3A_2371, %broadcast_in_dim3A_2409] : memref<64x8x64xf32, #tpu.memory_space<vmem>>[vector<16xi32>, vector<16xi32>, vector<16xi32>], vector<16xf32>,
      %broadcast_in_dim3A_2411 = arith.constant 6 : i32
      %broadcast_in_dim3A_2412 = vector.broadcast %broadcast_in_dim3A_2411 : i32 to vector<16xi32>
      tpu.vector_store_idx %arg8[%add3A_2374, %broadcast_in_dim3A_2412], %gather3A_2410 : memref<32x128xf32, #tpu.memory_space<vmem>>[vector<16xi32>, vector<16xi32>], vector<16xf32>,
      %broadcast_in_dim3A_2413 = arith.constant 7 : i32
      %broadcast_in_dim3A_2414 = vector.broadcast %broadcast_in_dim3A_2413 : i32 to vector<16xi32>
      %gather3A_2415 = tpu.vector_load_idx %arg7[%add3A_2377, %and3A_2371, %broadcast_in_dim3A_2414] : memref<64x8x64xf32, #tpu.memory_space<vmem>>[vector<16xi32>, vector<16xi32>, vector<16xi32>], vector<16xf32>,
      %broadcast_in_dim3A_2416 = arith.constant 7 : i32
      %broadcast_in_dim3A_2417 = vector.broadcast %broadcast_in_dim3A_2416 : i32 to vector<16xi32>
      tpu.vector_store_idx %arg8[%add3A_2374, %broadcast_in_dim3A_2417], %gather3A_2415 : memref<32x128xf32, #tpu.memory_space<vmem>>[vector<16xi32>, vector<16xi32>], vector<16xf32>,
      %broadcast_in_dim3A_2418 = arith.constant 8 : i32
      %broadcast_in_dim3A_2419 = vector.broadcast %broadcast_in_dim3A_2418 : i32 to vector<16xi32>
      %gather3A_2420 = tpu.vector_load_idx %arg7[%add3A_2377, %and3A_2371, %broadcast_in_dim3A_2419] : memref<64x8x64xf32, #tpu.memory_space<vmem>>[vector<16xi32>, vector<16xi32>, vector<16xi32>], vector<16xf32>,
      %broadcast_in_dim3A_2421 = arith.constant 8 : i32
      %broadcast_in_dim3A_2422 = vector.broadcast %broadcast_in_dim3A_2421 : i32 to vector<16xi32>
      tpu.vector_store_idx %arg8[%add3A_2374, %broadcast_in_dim3A_2422], %gather3A_2420 : memref<32x128xf32, #tpu.memory_space<vmem>>[vector<16xi32>, vector<16xi32>], vector<16xf32>,
      %broadcast_in_dim3A_2423 = arith.constant 9 : i32
      %broadcast_in_dim3A_2424 = vector.broadcast %broadcast_in_dim3A_2423 : i32 to vector<16xi32>
      %gather3A_2425 = tpu.vector_load_idx %arg7[%add3A_2377, %and3A_2371, %broadcast_in_dim3A_2424] : memref<64x8x64xf32, #tpu.memory_space<vmem>>[vector<16xi32>, vector<16xi32>, vector<16xi32>], vector<16xf32>,
      %broadcast_in_dim3A_2426 = arith.constant 9 : i32
      %broadcast_in_dim3A_2427 = vector.broadcast %broadcast_in_dim3A_2426 : i32 to vector<16xi32>
      tpu.vector_store_idx %arg8[%add3A_2374, %broadcast_in_dim3A_2427], %gather3A_2425 : memref<32x128xf32, #tpu.memory_space<vmem>>[vector<16xi32>, vector<16xi32>], vector<16xf32>,
      %broadcast_in_dim3A_2428 = arith.constant 10 : i32
      %broadcast_in_dim3A_2429 = vector.broadcast %broadcast_in_dim3A_2428 : i32 to vector<16xi32>
      %gather3A_2430 = tpu.vector_load_idx %arg7[%add3A_2377, %and3A_2371, %broadcast_in_dim3A_2429] : memref<64x8x64xf32, #tpu.memory_space<vmem>>[vector<16xi32>, vector<16xi32>, vector<16xi32>], vector<16xf32>,
      %broadcast_in_dim3A_2431 = arith.constant 10 : i32
      %broadcast_in_dim3A_2432 = vector.broadcast %broadcast_in_dim3A_2431 : i32 to vector<16xi32>
      tpu.vector_store_idx %arg8[%add3A_2374, %broadcast_in_dim3A_2432], %gather3A_2430 : memref<32x128xf32, #tpu.memory_space<vmem>>[vector<16xi32>, vector<16xi32>], vector<16xf32>,
      %broadcast_in_dim3A_2433 = arith.constant 11 : i32
      %broadcast_in_dim3A_2434 = vector.broadcast %broadcast_in_dim3A_2433 : i32 to vector<16xi32>
      %gather3A_2435 = tpu.vector_load_idx %arg7[%add3A_2377, %and3A_2371, %broadcast_in_dim3A_2434] : memref<64x8x64xf32, #tpu.memory_space<vmem>>[vector<16xi32>, vector<16xi32>, vector<16xi32>], vector<16xf32>,
      %broadcast_in_dim3A_2436 = arith.constant 11 : i32
      %broadcast_in_dim3A_2437 = vector.broadcast %broadcast_in_dim3A_2436 : i32 to vector<16xi32>
      tpu.vector_store_idx %arg8[%add3A_2374, %broadcast_in_dim3A_2437], %gather3A_2435 : memref<32x128xf32, #tpu.memory_space<vmem>>[vector<16xi32>, vector<16xi32>], vector<16xf32>,
      %broadcast_in_dim3A_2438 = arith.constant 12 : i32
      %broadcast_in_dim3A_2439 = vector.broadcast %broadcast_in_dim3A_2438 : i32 to vector<16xi32>
      %gather3A_2440 = tpu.vector_load_idx %arg7[%add3A_2377, %and3A_2371, %broadcast_in_dim3A_2439] : memref<64x8x64xf32, #tpu.memory_space<vmem>>[vector<16xi32>, vector<16xi32>, vector<16xi32>], vector<16xf32>,
      %broadcast_in_dim3A_2441 = arith.constant 12 : i32
      %broadcast_in_dim3A_2442 = vector.broadcast %broadcast_in_dim3A_2441 : i32 to vector<16xi32>
      tpu.vector_store_idx %arg8[%add3A_2374, %broadcast_in_dim3A_2442], %gather3A_2440 : memref<32x128xf32, #tpu.memory_space<vmem>>[vector<16xi32>, vector<16xi32>], vector<16xf32>,
      %broadcast_in_dim3A_2443 = arith.constant 13 : i32
      %broadcast_in_dim3A_2444 = vector.broadcast %broadcast_in_dim3A_2443 : i32 to vector<16xi32>
      %gather3A_2445 = tpu.vector_load_idx %arg7[%add3A_2377, %and3A_2371, %broadcast_in_dim3A_2444] : memref<64x8x64xf32, #tpu.memory_space<vmem>>[vector<16xi32>, vector<16xi32>, vector<16xi32>], vector<16xf32>,
      %broadcast_in_dim3A_2446 = arith.constant 13 : i32
      %broadcast_in_dim3A_2447 = vector.broadcast %broadcast_in_dim3A_2446 : i32 to vector<16xi32>
      tpu.vector_store_idx %arg8[%add3A_2374, %broadcast_in_dim3A_2447], %gather3A_2445 : memref<32x128xf32, #tpu.memory_space<vmem>>[vector<16xi32>, vector<16xi32>], vector<16xf32>,
      %broadcast_in_dim3A_2448 = arith.constant 14 : i32
      %broadcast_in_dim3A_2449 = vector.broadcast %broadcast_in_dim3A_2448 : i32 to vector<16xi32>
      %gather3A_2450 = tpu.vector_load_idx %arg7[%add3A_2377, %and3A_2371, %broadcast_in_dim3A_2449] : memref<64x8x64xf32, #tpu.memory_space<vmem>>[vector<16xi32>, vector<16xi32>, vector<16xi32>], vector<16xf32>,
      %broadcast_in_dim3A_2451 = arith.constant 14 : i32
      %broadcast_in_dim3A_2452 = vector.broadcast %broadcast_in_dim3A_2451 : i32 to vector<16xi32>
      tpu.vector_store_idx %arg8[%add3A_2374, %broadcast_in_dim3A_2452], %gather3A_2450 : memref<32x128xf32, #tpu.memory_space<vmem>>[vector<16xi32>, vector<16xi32>], vector<16xf32>,
      %broadcast_in_dim3A_2453 = arith.constant 15 : i32
      %broadcast_in_dim3A_2454 = vector.broadcast %broadcast_in_dim3A_2453 : i32 to vector<16xi32>
      %gather3A_2455 = tpu.vector_load_idx %arg7[%add3A_2377, %and3A_2371, %broadcast_in_dim3A_2454] : memref<64x8x64xf32, #tpu.memory_space<vmem>>[vector<16xi32>, vector<16xi32>, vector<16xi32>], vector<16xf32>,
      %broadcast_in_dim3A_2456 = arith.constant 15 : i32
      %broadcast_in_dim3A_2457 = vector.broadcast %broadcast_in_dim3A_2456 : i32 to vector<16xi32>
      tpu.vector_store_idx %arg8[%add3A_2374, %broadcast_in_dim3A_2457], %gather3A_2455 : memref<32x128xf32, #tpu.memory_space<vmem>>[vector<16xi32>, vector<16xi32>], vector<16xf32>,
      %broadcast_in_dim3A_2458 = arith.constant 16 : i32
      %broadcast_in_dim3A_2459 = vector.broadcast %broadcast_in_dim3A_2458 : i32 to vector<16xi32>
      %gather3A_2460 = tpu.vector_load_idx %arg7[%add3A_2377, %and3A_2371, %broadcast_in_dim3A_2459] : memref<64x8x64xf32, #tpu.memory_space<vmem>>[vector<16xi32>, vector<16xi32>, vector<16xi32>], vector<16xf32>,
      %broadcast_in_dim3A_2461 = arith.constant 16 : i32
      %broadcast_in_dim3A_2462 = vector.broadcast %broadcast_in_dim3A_2461 : i32 to vector<16xi32>
      tpu.vector_store_idx %arg8[%add3A_2374, %broadcast_in_dim3A_2462], %gather3A_2460 : memref<32x128xf32, #tpu.memory_space<vmem>>[vector<16xi32>, vector<16xi32>], vector<16xf32>,
      %broadcast_in_dim3A_2463 = arith.constant 17 : i32
      %broadcast_in_dim3A_2464 = vector.broadcast %broadcast_in_dim3A_2463 : i32 to vector<16xi32>
      %gather3A_2465 = tpu.vector_load_idx %arg7[%add3A_2377, %and3A_2371, %broadcast_in_dim3A_2464] : memref<64x8x64xf32, #tpu.memory_space<vmem>>[vector<16xi32>, vector<16xi32>, vector<16xi32>], vector<16xf32>,
      %broadcast_in_dim3A_2466 = arith.constant 17 : i32
      %broadcast_in_dim3A_2467 = vector.broadcast %broadcast_in_dim3A_2466 : i32 to vector<16xi32>
      tpu.vector_store_idx %arg8[%add3A_2374, %broadcast_in_dim3A_2467], %gather3A_2465 : memref<32x128xf32, #tpu.memory_space<vmem>>[vector<16xi32>, vector<16xi32>], vector<16xf32>,
      %broadcast_in_dim3A_2468 = arith.constant 18 : i32
      %broadcast_in_dim3A_2469 = vector.broadcast %broadcast_in_dim3A_2468 : i32 to vector<16xi32>
      %gather3A_2470 = tpu.vector_load_idx %arg7[%add3A_2377, %and3A_2371, %broadcast_in_dim3A_2469] : memref<64x8x64xf32, #tpu.memory_space<vmem>>[vector<16xi32>, vector<16xi32>, vector<16xi32>], vector<16xf32>,
      %broadcast_in_dim3A_2471 = arith.constant 18 : i32
      %broadcast_in_dim3A_2472 = vector.broadcast %broadcast_in_dim3A_2471 : i32 to vector<16xi32>
      tpu.vector_store_idx %arg8[%add3A_2374, %broadcast_in_dim3A_2472], %gather3A_2470 : memref<32x128xf32, #tpu.memory_space<vmem>>[vector<16xi32>, vector<16xi32>], vector<16xf32>,
      %broadcast_in_dim3A_2473 = arith.constant 19 : i32
      %broadcast_in_dim3A_2474 = vector.broadcast %broadcast_in_dim3A_2473 : i32 to vector<16xi32>
      %gather3A_2475 = tpu.vector_load_idx %arg7[%add3A_2377, %and3A_2371, %broadcast_in_dim3A_2474] : memref<64x8x64xf32, #tpu.memory_space<vmem>>[vector<16xi32>, vector<16xi32>, vector<16xi32>], vector<16xf32>,
      %broadcast_in_dim3A_2476 = arith.constant 19 : i32
      %broadcast_in_dim3A_2477 = vector.broadcast %broadcast_in_dim3A_2476 : i32 to vector<16xi32>
      tpu.vector_store_idx %arg8[%add3A_2374, %broadcast_in_dim3A_2477], %gather3A_2475 : memref<32x128xf32, #tpu.memory_space<vmem>>[vector<16xi32>, vector<16xi32>], vector<16xf32>,
      %broadcast_in_dim3A_2478 = arith.constant 20 : i32
      %broadcast_in_dim3A_2479 = vector.broadcast %broadcast_in_dim3A_2478 : i32 to vector<16xi32>
      %gather3A_2480 = tpu.vector_load_idx %arg7[%add3A_2377, %and3A_2371, %broadcast_in_dim3A_2479] : memref<64x8x64xf32, #tpu.memory_space<vmem>>[vector<16xi32>, vector<16xi32>, vector<16xi32>], vector<16xf32>,
      %broadcast_in_dim3A_2481 = arith.constant 20 : i32
      %broadcast_in_dim3A_2482 = vector.broadcast %broadcast_in_dim3A_2481 : i32 to vector<16xi32>
      tpu.vector_store_idx %arg8[%add3A_2374, %broadcast_in_dim3A_2482], %gather3A_2480 : memref<32x128xf32, #tpu.memory_space<vmem>>[vector<16xi32>, vector<16xi32>], vector<16xf32>,
      %broadcast_in_dim3A_2483 = arith.constant 21 : i32
      %broadcast_in_dim3A_2484 = vector.broadcast %broadcast_in_dim3A_2483 : i32 to vector<16xi32>
      %gather3A_2485 = tpu.vector_load_idx %arg7[%add3A_2377, %and3A_2371, %broadcast_in_dim3A_2484] : memref<64x8x64xf32, #tpu.memory_space<vmem>>[vector<16xi32>, vector<16xi32>, vector<16xi32>], vector<16xf32>,
      %broadcast_in_dim3A_2486 = arith.constant 21 : i32
      %broadcast_in_dim3A_2487 = vector.broadcast %broadcast_in_dim3A_2486 : i32 to vector<16xi32>
      tpu.vector_store_idx %arg8[%add3A_2374, %broadcast_in_dim3A_2487], %gather3A_2485 : memref<32x128xf32, #tpu.memory_space<vmem>>[vector<16xi32>, vector<16xi32>], vector<16xf32>,
      %broadcast_in_dim3A_2488 = arith.constant 22 : i32
      %broadcast_in_dim3A_2489 = vector.broadcast %broadcast_in_dim3A_2488 : i32 to vector<16xi32>
      %gather3A_2490 = tpu.vector_load_idx %arg7[%add3A_2377, %and3A_2371, %broadcast_in_dim3A_2489] : memref<64x8x64xf32, #tpu.memory_space<vmem>>[vector<16xi32>, vector<16xi32>, vector<16xi32>], vector<16xf32>,
      %broadcast_in_dim3A_2491 = arith.constant 22 : i32
      %broadcast_in_dim3A_2492 = vector.broadcast %broadcast_in_dim3A_2491 : i32 to vector<16xi32>
      tpu.vector_store_idx %arg8[%add3A_2374, %broadcast_in_dim3A_2492], %gather3A_2490 : memref<32x128xf32, #tpu.memory_space<vmem>>[vector<16xi32>, vector<16xi32>], vector<16xf32>,
      %broadcast_in_dim3A_2493 = arith.constant 23 : i32
      %broadcast_in_dim3A_2494 = vector.broadcast %broadcast_in_dim3A_2493 : i32 to vector<16xi32>
      %gather3A_2495 = tpu.vector_load_idx %arg7[%add3A_2377, %and3A_2371, %broadcast_in_dim3A_2494] : memref<64x8x64xf32, #tpu.memory_space<vmem>>[vector<16xi32>, vector<16xi32>, vector<16xi32>], vector<16xf32>,
      %broadcast_in_dim3A_2496 = arith.constant 23 : i32
      %broadcast_in_dim3A_2497 = vector.broadcast %broadcast_in_dim3A_2496 : i32 to vector<16xi32>
      tpu.vector_store_idx %arg8[%add3A_2374, %broadcast_in_dim3A_2497], %gather3A_2495 : memref<32x128xf32, #tpu.memory_space<vmem>>[vector<16xi32>, vector<16xi32>], vector<16xf32>,
      %broadcast_in_dim3A_2498 = arith.constant 24 : i32
      %broadcast_in_dim3A_2499 = vector.broadcast %broadcast_in_dim3A_2498 : i32 to vector<16xi32>
      %gather3A_2500 = tpu.vector_load_idx %arg7[%add3A_2377, %and3A_2371, %broadcast_in_dim3A_2499] : memref<64x8x64xf32, #tpu.memory_space<vmem>>[vector<16xi32>, vector<16xi32>, vector<16xi32>], vector<16xf32>,
      %broadcast_in_dim3A_2501 = arith.constant 24 : i32
      %broadcast_in_dim3A_2502 = vector.broadcast %broadcast_in_dim3A_2501 : i32 to vector<16xi32>
      tpu.vector_store_idx %arg8[%add3A_2374, %broadcast_in_dim3A_2502], %gather3A_2500 : memref<32x128xf32, #tpu.memory_space<vmem>>[vector<16xi32>, vector<16xi32>], vector<16xf32>,
      %broadcast_in_dim3A_2503 = arith.constant 25 : i32
      %broadcast_in_dim3A_2504 = vector.broadcast %broadcast_in_dim3A_2503 : i32 to vector<16xi32>
      %gather3A_2505 = tpu.vector_load_idx %arg7[%add3A_2377, %and3A_2371, %broadcast_in_dim3A_2504] : memref<64x8x64xf32, #tpu.memory_space<vmem>>[vector<16xi32>, vector<16xi32>, vector<16xi32>], vector<16xf32>,
      %broadcast_in_dim3A_2506 = arith.constant 25 : i32
      %broadcast_in_dim3A_2507 = vector.broadcast %broadcast_in_dim3A_2506 : i32 to vector<16xi32>
      tpu.vector_store_idx %arg8[%add3A_2374, %broadcast_in_dim3A_2507], %gather3A_2505 : memref<32x128xf32, #tpu.memory_space<vmem>>[vector<16xi32>, vector<16xi32>], vector<16xf32>,
      %broadcast_in_dim3A_2508 = arith.constant 26 : i32
      %broadcast_in_dim3A_2509 = vector.broadcast %broadcast_in_dim3A_2508 : i32 to vector<16xi32>
      %gather3A_2510 = tpu.vector_load_idx %arg7[%add3A_2377, %and3A_2371, %broadcast_in_dim3A_2509] : memref<64x8x64xf32, #tpu.memory_space<vmem>>[vector<16xi32>, vector<16xi32>, vector<16xi32>], vector<16xf32>,
      %broadcast_in_dim3A_2511 = arith.constant 26 : i32
      %broadcast_in_dim3A_2512 = vector.broadcast %broadcast_in_dim3A_2511 : i32 to vector<16xi32>
      tpu.vector_store_idx %arg8[%add3A_2374, %broadcast_in_dim3A_2512], %gather3A_2510 : memref<32x128xf32, #tpu.memory_space<vmem>>[vector<16xi32>, vector<16xi32>], vector<16xf32>,
      %broadcast_in_dim3A_2513 = arith.constant 27 : i32
      %broadcast_in_dim3A_2514 = vector.broadcast %broadcast_in_dim3A_2513 : i32 to vector<16xi32>
      %gather3A_2515 = tpu.vector_load_idx %arg7[%add3A_2377, %and3A_2371, %broadcast_in_dim3A_2514] : memref<64x8x64xf32, #tpu.memory_space<vmem>>[vector<16xi32>, vector<16xi32>, vector<16xi32>], vector<16xf32>,
      %broadcast_in_dim3A_2516 = arith.constant 27 : i32
      %broadcast_in_dim3A_2517 = vector.broadcast %broadcast_in_dim3A_2516 : i32 to vector<16xi32>
      tpu.vector_store_idx %arg8[%add3A_2374, %broadcast_in_dim3A_2517], %gather3A_2515 : memref<32x128xf32, #tpu.memory_space<vmem>>[vector<16xi32>, vector<16xi32>], vector<16xf32>,
      %broadcast_in_dim3A_2518 = arith.constant 28 : i32
      %broadcast_in_dim3A_2519 = vector.broadcast %broadcast_in_dim3A_2518 : i32 to vector<16xi32>
      %gather3A_2520 = tpu.vector_load_idx %arg7[%add3A_2377, %and3A_2371, %broadcast_in_dim3A_2519] : memref<64x8x64xf32, #tpu.memory_space<vmem>>[vector<16xi32>, vector<16xi32>, vector<16xi32>], vector<16xf32>,
      %broadcast_in_dim3A_2521 = arith.constant 28 : i32
      %broadcast_in_dim3A_2522 = vector.broadcast %broadcast_in_dim3A_2521 : i32 to vector<16xi32>
      tpu.vector_store_idx %arg8[%add3A_2374, %broadcast_in_dim3A_2522], %gather3A_2520 : memref<32x128xf32, #tpu.memory_space<vmem>>[vector<16xi32>, vector<16xi32>], vector<16xf32>,
      %broadcast_in_dim3A_2523 = arith.constant 29 : i32
      %broadcast_in_dim3A_2524 = vector.broadcast %broadcast_in_dim3A_2523 : i32 to vector<16xi32>
      %gather3A_2525 = tpu.vector_load_idx %arg7[%add3A_2377, %and3A_2371, %broadcast_in_dim3A_2524] : memref<64x8x64xf32, #tpu.memory_space<vmem>>[vector<16xi32>, vector<16xi32>, vector<16xi32>], vector<16xf32>,
      %broadcast_in_dim3A_2526 = arith.constant 29 : i32
      %broadcast_in_dim3A_2527 = vector.broadcast %broadcast_in_dim3A_2526 : i32 to vector<16xi32>
      tpu.vector_store_idx %arg8[%add3A_2374, %broadcast_in_dim3A_2527], %gather3A_2525 : memref<32x128xf32, #tpu.memory_space<vmem>>[vector<16xi32>, vector<16xi32>], vector<16xf32>,
      %broadcast_in_dim3A_2528 = arith.constant 30 : i32
      %broadcast_in_dim3A_2529 = vector.broadcast %broadcast_in_dim3A_2528 : i32 to vector<16xi32>
      %gather3A_2530 = tpu.vector_load_idx %arg7[%add3A_2377, %and3A_2371, %broadcast_in_dim3A_2529] : memref<64x8x64xf32, #tpu.memory_space<vmem>>[vector<16xi32>, vector<16xi32>, vector<16xi32>], vector<16xf32>,
      %broadcast_in_dim3A_2531 = arith.constant 30 : i32
      %broadcast_in_dim3A_2532 = vector.broadcast %broadcast_in_dim3A_2531 : i32 to vector<16xi32>
      tpu.vector_store_idx %arg8[%add3A_2374, %broadcast_in_dim3A_2532], %gather3A_2530 : memref<32x128xf32, #tpu.memory_space<vmem>>[vector<16xi32>, vector<16xi32>], vector<16xf32>,
      %broadcast_in_dim3A_2533 = arith.constant 31 : i32
      %broadcast_in_dim3A_2534 = vector.broadcast %broadcast_in_dim3A_2533 : i32 to vector<16xi32>
      %gather3A_2535 = tpu.vector_load_idx %arg7[%add3A_2377, %and3A_2371, %broadcast_in_dim3A_2534] : memref<64x8x64xf32, #tpu.memory_space<vmem>>[vector<16xi32>, vector<16xi32>, vector<16xi32>], vector<16xf32>,
      %broadcast_in_dim3A_2536 = arith.constant 31 : i32
      %broadcast_in_dim3A_2537 = vector.broadcast %broadcast_in_dim3A_2536 : i32 to vector<16xi32>
      tpu.vector_store_idx %arg8[%add3A_2374, %broadcast_in_dim3A_2537], %gather3A_2535 : memref<32x128xf32, #tpu.memory_space<vmem>>[vector<16xi32>, vector<16xi32>], vector<16xf32>,
      %broadcast_in_dim3A_2538 = arith.constant 32 : i32
      %broadcast_in_dim3A_2539 = vector.broadcast %broadcast_in_dim3A_2538 : i32 to vector<16xi32>
      %gather3A_2540 = tpu.vector_load_idx %arg7[%add3A_2377, %and3A_2371, %broadcast_in_dim3A_2539] : memref<64x8x64xf32, #tpu.memory_space<vmem>>[vector<16xi32>, vector<16xi32>, vector<16xi32>], vector<16xf32>,
      %broadcast_in_dim3A_2541 = arith.constant 32 : i32
      %broadcast_in_dim3A_2542 = vector.broadcast %broadcast_in_dim3A_2541 : i32 to vector<16xi32>
      tpu.vector_store_idx %arg8[%add3A_2374, %broadcast_in_dim3A_2542], %gather3A_2540 : memref<32x128xf32, #tpu.memory_space<vmem>>[vector<16xi32>, vector<16xi32>], vector<16xf32>,
      %broadcast_in_dim3A_2543 = arith.constant 33 : i32
      %broadcast_in_dim3A_2544 = vector.broadcast %broadcast_in_dim3A_2543 : i32 to vector<16xi32>
      %gather3A_2545 = tpu.vector_load_idx %arg7[%add3A_2377, %and3A_2371, %broadcast_in_dim3A_2544] : memref<64x8x64xf32, #tpu.memory_space<vmem>>[vector<16xi32>, vector<16xi32>, vector<16xi32>], vector<16xf32>,
      %broadcast_in_dim3A_2546 = arith.constant 33 : i32
      %broadcast_in_dim3A_2547 = vector.broadcast %broadcast_in_dim3A_2546 : i32 to vector<16xi32>
      tpu.vector_store_idx %arg8[%add3A_2374, %broadcast_in_dim3A_2547], %gather3A_2545 : memref<32x128xf32, #tpu.memory_space<vmem>>[vector<16xi32>, vector<16xi32>], vector<16xf32>,
      %broadcast_in_dim3A_2548 = arith.constant 34 : i32
      %broadcast_in_dim3A_2549 = vector.broadcast %broadcast_in_dim3A_2548 : i32 to vector<16xi32>
      %gather3A_2550 = tpu.vector_load_idx %arg7[%add3A_2377, %and3A_2371, %broadcast_in_dim3A_2549] : memref<64x8x64xf32, #tpu.memory_space<vmem>>[vector<16xi32>, vector<16xi32>, vector<16xi32>], vector<16xf32>,
      %broadcast_in_dim3A_2551 = arith.constant 34 : i32
      %broadcast_in_dim3A_2552 = vector.broadcast %broadcast_in_dim3A_2551 : i32 to vector<16xi32>
      tpu.vector_store_idx %arg8[%add3A_2374, %broadcast_in_dim3A_2552], %gather3A_2550 : memref<32x128xf32, #tpu.memory_space<vmem>>[vector<16xi32>, vector<16xi32>], vector<16xf32>,
      %broadcast_in_dim3A_2553 = arith.constant 35 : i32
      %broadcast_in_dim3A_2554 = vector.broadcast %broadcast_in_dim3A_2553 : i32 to vector<16xi32>
      %gather3A_2555 = tpu.vector_load_idx %arg7[%add3A_2377, %and3A_2371, %broadcast_in_dim3A_2554] : memref<64x8x64xf32, #tpu.memory_space<vmem>>[vector<16xi32>, vector<16xi32>, vector<16xi32>], vector<16xf32>,
      %broadcast_in_dim3A_2556 = arith.constant 35 : i32
      %broadcast_in_dim3A_2557 = vector.broadcast %broadcast_in_dim3A_2556 : i32 to vector<16xi32>
      tpu.vector_store_idx %arg8[%add3A_2374, %broadcast_in_dim3A_2557], %gather3A_2555 : memref<32x128xf32, #tpu.memory_space<vmem>>[vector<16xi32>, vector<16xi32>], vector<16xf32>,
      %broadcast_in_dim3A_2558 = arith.constant 36 : i32
      %broadcast_in_dim3A_2559 = vector.broadcast %broadcast_in_dim3A_2558 : i32 to vector<16xi32>
      %gather3A_2560 = tpu.vector_load_idx %arg7[%add3A_2377, %and3A_2371, %broadcast_in_dim3A_2559] : memref<64x8x64xf32, #tpu.memory_space<vmem>>[vector<16xi32>, vector<16xi32>, vector<16xi32>], vector<16xf32>,
      %broadcast_in_dim3A_2561 = arith.constant 36 : i32
      %broadcast_in_dim3A_2562 = vector.broadcast %broadcast_in_dim3A_2561 : i32 to vector<16xi32>
      tpu.vector_store_idx %arg8[%add3A_2374, %broadcast_in_dim3A_2562], %gather3A_2560 : memref<32x128xf32, #tpu.memory_space<vmem>>[vector<16xi32>, vector<16xi32>], vector<16xf32>,
      %broadcast_in_dim3A_2563 = arith.constant 37 : i32
      %broadcast_in_dim3A_2564 = vector.broadcast %broadcast_in_dim3A_2563 : i32 to vector<16xi32>
      %gather3A_2565 = tpu.vector_load_idx %arg7[%add3A_2377, %and3A_2371, %broadcast_in_dim3A_2564] : memref<64x8x64xf32, #tpu.memory_space<vmem>>[vector<16xi32>, vector<16xi32>, vector<16xi32>], vector<16xf32>,
      %broadcast_in_dim3A_2566 = arith.constant 37 : i32
      %broadcast_in_dim3A_2567 = vector.broadcast %broadcast_in_dim3A_2566 : i32 to vector<16xi32>
      tpu.vector_store_idx %arg8[%add3A_2374, %broadcast_in_dim3A_2567], %gather3A_2565 : memref<32x128xf32, #tpu.memory_space<vmem>>[vector<16xi32>, vector<16xi32>], vector<16xf32>,
      %broadcast_in_dim3A_2568 = arith.constant 38 : i32
      %broadcast_in_dim3A_2569 = vector.broadcast %broadcast_in_dim3A_2568 : i32 to vector<16xi32>
      %gather3A_2570 = tpu.vector_load_idx %arg7[%add3A_2377, %and3A_2371, %broadcast_in_dim3A_2569] : memref<64x8x64xf32, #tpu.memory_space<vmem>>[vector<16xi32>, vector<16xi32>, vector<16xi32>], vector<16xf32>,
      %broadcast_in_dim3A_2571 = arith.constant 38 : i32
      %broadcast_in_dim3A_2572 = vector.broadcast %broadcast_in_dim3A_2571 : i32 to vector<16xi32>
      tpu.vector_store_idx %arg8[%add3A_2374, %broadcast_in_dim3A_2572], %gather3A_2570 : memref<32x128xf32, #tpu.memory_space<vmem>>[vector<16xi32>, vector<16xi32>], vector<16xf32>,
      %broadcast_in_dim3A_2573 = arith.constant 39 : i32
      %broadcast_in_dim3A_2574 = vector.broadcast %broadcast_in_dim3A_2573 : i32 to vector<16xi32>
      %gather3A_2575 = tpu.vector_load_idx %arg7[%add3A_2377, %and3A_2371, %broadcast_in_dim3A_2574] : memref<64x8x64xf32, #tpu.memory_space<vmem>>[vector<16xi32>, vector<16xi32>, vector<16xi32>], vector<16xf32>,
      %broadcast_in_dim3A_2576 = arith.constant 39 : i32
      %broadcast_in_dim3A_2577 = vector.broadcast %broadcast_in_dim3A_2576 : i32 to vector<16xi32>
      tpu.vector_store_idx %arg8[%add3A_2374, %broadcast_in_dim3A_2577], %gather3A_2575 : memref<32x128xf32, #tpu.memory_space<vmem>>[vector<16xi32>, vector<16xi32>], vector<16xf32>,
      %broadcast_in_dim3A_2578 = arith.constant 40 : i32
      %broadcast_in_dim3A_2579 = vector.broadcast %broadcast_in_dim3A_2578 : i32 to vector<16xi32>
      %gather3A_2580 = tpu.vector_load_idx %arg7[%add3A_2377, %and3A_2371, %broadcast_in_dim3A_2579] : memref<64x8x64xf32, #tpu.memory_space<vmem>>[vector<16xi32>, vector<16xi32>, vector<16xi32>], vector<16xf32>,
      %broadcast_in_dim3A_2581 = arith.constant 40 : i32
      %broadcast_in_dim3A_2582 = vector.broadcast %broadcast_in_dim3A_2581 : i32 to vector<16xi32>
      tpu.vector_store_idx %arg8[%add3A_2374, %broadcast_in_dim3A_2582], %gather3A_2580 : memref<32x128xf32, #tpu.memory_space<vmem>>[vector<16xi32>, vector<16xi32>], vector<16xf32>,
      %broadcast_in_dim3A_2583 = arith.constant 41 : i32
      %broadcast_in_dim3A_2584 = vector.broadcast %broadcast_in_dim3A_2583 : i32 to vector<16xi32>
      %gather3A_2585 = tpu.vector_load_idx %arg7[%add3A_2377, %and3A_2371, %broadcast_in_dim3A_2584] : memref<64x8x64xf32, #tpu.memory_space<vmem>>[vector<16xi32>, vector<16xi32>, vector<16xi32>], vector<16xf32>,
      %broadcast_in_dim3A_2586 = arith.constant 41 : i32
      %broadcast_in_dim3A_2587 = vector.broadcast %broadcast_in_dim3A_2586 : i32 to vector<16xi32>
      tpu.vector_store_idx %arg8[%add3A_2374, %broadcast_in_dim3A_2587], %gather3A_2585 : memref<32x128xf32, #tpu.memory_space<vmem>>[vector<16xi32>, vector<16xi32>], vector<16xf32>,
      %broadcast_in_dim3A_2588 = arith.constant 42 : i32
      %broadcast_in_dim3A_2589 = vector.broadcast %broadcast_in_dim3A_2588 : i32 to vector<16xi32>
      %gather3A_2590 = tpu.vector_load_idx %arg7[%add3A_2377, %and3A_2371, %broadcast_in_dim3A_2589] : memref<64x8x64xf32, #tpu.memory_space<vmem>>[vector<16xi32>, vector<16xi32>, vector<16xi32>], vector<16xf32>,
      %broadcast_in_dim3A_2591 = arith.constant 42 : i32
      %broadcast_in_dim3A_2592 = vector.broadcast %broadcast_in_dim3A_2591 : i32 to vector<16xi32>
      tpu.vector_store_idx %arg8[%add3A_2374, %broadcast_in_dim3A_2592], %gather3A_2590 : memref<32x128xf32, #tpu.memory_space<vmem>>[vector<16xi32>, vector<16xi32>], vector<16xf32>,
      %broadcast_in_dim3A_2593 = arith.constant 43 : i32
      %broadcast_in_dim3A_2594 = vector.broadcast %broadcast_in_dim3A_2593 : i32 to vector<16xi32>
      %gather3A_2595 = tpu.vector_load_idx %arg7[%add3A_2377, %and3A_2371, %broadcast_in_dim3A_2594] : memref<64x8x64xf32, #tpu.memory_space<vmem>>[vector<16xi32>, vector<16xi32>, vector<16xi32>], vector<16xf32>,
      %broadcast_in_dim3A_2596 = arith.constant 43 : i32
      %broadcast_in_dim3A_2597 = vector.broadcast %broadcast_in_dim3A_2596 : i32 to vector<16xi32>
      tpu.vector_store_idx %arg8[%add3A_2374, %broadcast_in_dim3A_2597], %gather3A_2595 : memref<32x128xf32, #tpu.memory_space<vmem>>[vector<16xi32>, vector<16xi32>], vector<16xf32>,
      %broadcast_in_dim3A_2598 = arith.constant 44 : i32
      %broadcast_in_dim3A_2599 = vector.broadcast %broadcast_in_dim3A_2598 : i32 to vector<16xi32>
      %gather3A_2600 = tpu.vector_load_idx %arg7[%add3A_2377, %and3A_2371, %broadcast_in_dim3A_2599] : memref<64x8x64xf32, #tpu.memory_space<vmem>>[vector<16xi32>, vector<16xi32>, vector<16xi32>], vector<16xf32>,
      %broadcast_in_dim3A_2601 = arith.constant 44 : i32
      %broadcast_in_dim3A_2602 = vector.broadcast %broadcast_in_dim3A_2601 : i32 to vector<16xi32>
      tpu.vector_store_idx %arg8[%add3A_2374, %broadcast_in_dim3A_2602], %gather3A_2600 : memref<32x128xf32, #tpu.memory_space<vmem>>[vector<16xi32>, vector<16xi32>], vector<16xf32>,
      %broadcast_in_dim3A_2603 = arith.constant 45 : i32
      %broadcast_in_dim3A_2604 = vector.broadcast %broadcast_in_dim3A_2603 : i32 to vector<16xi32>
      %gather3A_2605 = tpu.vector_load_idx %arg7[%add3A_2377, %and3A_2371, %broadcast_in_dim3A_2604] : memref<64x8x64xf32, #tpu.memory_space<vmem>>[vector<16xi32>, vector<16xi32>, vector<16xi32>], vector<16xf32>,
      %broadcast_in_dim3A_2606 = arith.constant 45 : i32
      %broadcast_in_dim3A_2607 = vector.broadcast %broadcast_in_dim3A_2606 : i32 to vector<16xi32>
      tpu.vector_store_idx %arg8[%add3A_2374, %broadcast_in_dim3A_2607], %gather3A_2605 : memref<32x128xf32, #tpu.memory_space<vmem>>[vector<16xi32>, vector<16xi32>], vector<16xf32>,
      %broadcast_in_dim3A_2608 = arith.constant 46 : i32
      %broadcast_in_dim3A_2609 = vector.broadcast %broadcast_in_dim3A_2608 : i32 to vector<16xi32>
      %gather3A_2610 = tpu.vector_load_idx %arg7[%add3A_2377, %and3A_2371, %broadcast_in_dim3A_2609] : memref<64x8x64xf32, #tpu.memory_space<vmem>>[vector<16xi32>, vector<16xi32>, vector<16xi32>], vector<16xf32>,
      %broadcast_in_dim3A_2611 = arith.constant 46 : i32
      %broadcast_in_dim3A_2612 = vector.broadcast %broadcast_in_dim3A_2611 : i32 to vector<16xi32>
      tpu.vector_store_idx %arg8[%add3A_2374, %broadcast_in_dim3A_2612], %gather3A_2610 : memref<32x128xf32, #tpu.memory_space<vmem>>[vector<16xi32>, vector<16xi32>], vector<16xf32>,
      %broadcast_in_dim3A_2613 = arith.constant 47 : i32
      %broadcast_in_dim3A_2614 = vector.broadcast %broadcast_in_dim3A_2613 : i32 to vector<16xi32>
      %gather3A_2615 = tpu.vector_load_idx %arg7[%add3A_2377, %and3A_2371, %broadcast_in_dim3A_2614] : memref<64x8x64xf32, #tpu.memory_space<vmem>>[vector<16xi32>, vector<16xi32>, vector<16xi32>], vector<16xf32>,
      %broadcast_in_dim3A_2616 = arith.constant 47 : i32
      %broadcast_in_dim3A_2617 = vector.broadcast %broadcast_in_dim3A_2616 : i32 to vector<16xi32>
      tpu.vector_store_idx %arg8[%add3A_2374, %broadcast_in_dim3A_2617], %gather3A_2615 : memref<32x128xf32, #tpu.memory_space<vmem>>[vector<16xi32>, vector<16xi32>], vector<16xf32>,
      %broadcast_in_dim3A_2618 = arith.constant 48 : i32
      %broadcast_in_dim3A_2619 = vector.broadcast %broadcast_in_dim3A_2618 : i32 to vector<16xi32>
      %gather3A_2620 = tpu.vector_load_idx %arg7[%add3A_2377, %and3A_2371, %broadcast_in_dim3A_2619] : memref<64x8x64xf32, #tpu.memory_space<vmem>>[vector<16xi32>, vector<16xi32>, vector<16xi32>], vector<16xf32>,
      %broadcast_in_dim3A_2621 = arith.constant 48 : i32
      %broadcast_in_dim3A_2622 = vector.broadcast %broadcast_in_dim3A_2621 : i32 to vector<16xi32>
      tpu.vector_store_idx %arg8[%add3A_2374, %broadcast_in_dim3A_2622], %gather3A_2620 : memref<32x128xf32, #tpu.memory_space<vmem>>[vector<16xi32>, vector<16xi32>], vector<16xf32>,
      %broadcast_in_dim3A_2623 = arith.constant 49 : i32
      %broadcast_in_dim3A_2624 = vector.broadcast %broadcast_in_dim3A_2623 : i32 to vector<16xi32>
      %gather3A_2625 = tpu.vector_load_idx %arg7[%add3A_2377, %and3A_2371, %broadcast_in_dim3A_2624] : memref<64x8x64xf32, #tpu.memory_space<vmem>>[vector<16xi32>, vector<16xi32>, vector<16xi32>], vector<16xf32>,
      %broadcast_in_dim3A_2626 = arith.constant 49 : i32
      %broadcast_in_dim3A_2627 = vector.broadcast %broadcast_in_dim3A_2626 : i32 to vector<16xi32>
      tpu.vector_store_idx %arg8[%add3A_2374, %broadcast_in_dim3A_2627], %gather3A_2625 : memref<32x128xf32, #tpu.memory_space<vmem>>[vector<16xi32>, vector<16xi32>], vector<16xf32>,
      %broadcast_in_dim3A_2628 = arith.constant 50 : i32
      %broadcast_in_dim3A_2629 = vector.broadcast %broadcast_in_dim3A_2628 : i32 to vector<16xi32>
      %gather3A_2630 = tpu.vector_load_idx %arg7[%add3A_2377, %and3A_2371, %broadcast_in_dim3A_2629] : memref<64x8x64xf32, #tpu.memory_space<vmem>>[vector<16xi32>, vector<16xi32>, vector<16xi32>], vector<16xf32>,
      %broadcast_in_dim3A_2631 = arith.constant 50 : i32
      %broadcast_in_dim3A_2632 = vector.broadcast %broadcast_in_dim3A_2631 : i32 to vector<16xi32>
      tpu.vector_store_idx %arg8[%add3A_2374, %broadcast_in_dim3A_2632], %gather3A_2630 : memref<32x128xf32, #tpu.memory_space<vmem>>[vector<16xi32>, vector<16xi32>], vector<16xf32>,
      %broadcast_in_dim3A_2633 = arith.constant 51 : i32
      %broadcast_in_dim3A_2634 = vector.broadcast %broadcast_in_dim3A_2633 : i32 to vector<16xi32>
      %gather3A_2635 = tpu.vector_load_idx %arg7[%add3A_2377, %and3A_2371, %broadcast_in_dim3A_2634] : memref<64x8x64xf32, #tpu.memory_space<vmem>>[vector<16xi32>, vector<16xi32>, vector<16xi32>], vector<16xf32>,
      %broadcast_in_dim3A_2636 = arith.constant 51 : i32
      %broadcast_in_dim3A_2637 = vector.broadcast %broadcast_in_dim3A_2636 : i32 to vector<16xi32>
      tpu.vector_store_idx %arg8[%add3A_2374, %broadcast_in_dim3A_2637], %gather3A_2635 : memref<32x128xf32, #tpu.memory_space<vmem>>[vector<16xi32>, vector<16xi32>], vector<16xf32>,
      %broadcast_in_dim3A_2638 = arith.constant 52 : i32
      %broadcast_in_dim3A_2639 = vector.broadcast %broadcast_in_dim3A_2638 : i32 to vector<16xi32>
      %gather3A_2640 = tpu.vector_load_idx %arg7[%add3A_2377, %and3A_2371, %broadcast_in_dim3A_2639] : memref<64x8x64xf32, #tpu.memory_space<vmem>>[vector<16xi32>, vector<16xi32>, vector<16xi32>], vector<16xf32>,
      %broadcast_in_dim3A_2641 = arith.constant 52 : i32
      %broadcast_in_dim3A_2642 = vector.broadcast %broadcast_in_dim3A_2641 : i32 to vector<16xi32>
      tpu.vector_store_idx %arg8[%add3A_2374, %broadcast_in_dim3A_2642], %gather3A_2640 : memref<32x128xf32, #tpu.memory_space<vmem>>[vector<16xi32>, vector<16xi32>], vector<16xf32>,
      %broadcast_in_dim3A_2643 = arith.constant 53 : i32
      %broadcast_in_dim3A_2644 = vector.broadcast %broadcast_in_dim3A_2643 : i32 to vector<16xi32>
      %gather3A_2645 = tpu.vector_load_idx %arg7[%add3A_2377, %and3A_2371, %broadcast_in_dim3A_2644] : memref<64x8x64xf32, #tpu.memory_space<vmem>>[vector<16xi32>, vector<16xi32>, vector<16xi32>], vector<16xf32>,
      %broadcast_in_dim3A_2646 = arith.constant 53 : i32
      %broadcast_in_dim3A_2647 = vector.broadcast %broadcast_in_dim3A_2646 : i32 to vector<16xi32>
      tpu.vector_store_idx %arg8[%add3A_2374, %broadcast_in_dim3A_2647], %gather3A_2645 : memref<32x128xf32, #tpu.memory_space<vmem>>[vector<16xi32>, vector<16xi32>], vector<16xf32>,
      %broadcast_in_dim3A_2648 = arith.constant 54 : i32
      %broadcast_in_dim3A_2649 = vector.broadcast %broadcast_in_dim3A_2648 : i32 to vector<16xi32>
      %gather3A_2650 = tpu.vector_load_idx %arg7[%add3A_2377, %and3A_2371, %broadcast_in_dim3A_2649] : memref<64x8x64xf32, #tpu.memory_space<vmem>>[vector<16xi32>, vector<16xi32>, vector<16xi32>], vector<16xf32>,
      %broadcast_in_dim3A_2651 = arith.constant 54 : i32
      %broadcast_in_dim3A_2652 = vector.broadcast %broadcast_in_dim3A_2651 : i32 to vector<16xi32>
      tpu.vector_store_idx %arg8[%add3A_2374, %broadcast_in_dim3A_2652], %gather3A_2650 : memref<32x128xf32, #tpu.memory_space<vmem>>[vector<16xi32>, vector<16xi32>], vector<16xf32>,
      %broadcast_in_dim3A_2653 = arith.constant 55 : i32
      %broadcast_in_dim3A_2654 = vector.broadcast %broadcast_in_dim3A_2653 : i32 to vector<16xi32>
      %gather3A_2655 = tpu.vector_load_idx %arg7[%add3A_2377, %and3A_2371, %broadcast_in_dim3A_2654] : memref<64x8x64xf32, #tpu.memory_space<vmem>>[vector<16xi32>, vector<16xi32>, vector<16xi32>], vector<16xf32>,
      %broadcast_in_dim3A_2656 = arith.constant 55 : i32
      %broadcast_in_dim3A_2657 = vector.broadcast %broadcast_in_dim3A_2656 : i32 to vector<16xi32>
      tpu.vector_store_idx %arg8[%add3A_2374, %broadcast_in_dim3A_2657], %gather3A_2655 : memref<32x128xf32, #tpu.memory_space<vmem>>[vector<16xi32>, vector<16xi32>], vector<16xf32>,
      %broadcast_in_dim3A_2658 = arith.constant 56 : i32
      %broadcast_in_dim3A_2659 = vector.broadcast %broadcast_in_dim3A_2658 : i32 to vector<16xi32>
      %gather3A_2660 = tpu.vector_load_idx %arg7[%add3A_2377, %and3A_2371, %broadcast_in_dim3A_2659] : memref<64x8x64xf32, #tpu.memory_space<vmem>>[vector<16xi32>, vector<16xi32>, vector<16xi32>], vector<16xf32>,
      %broadcast_in_dim3A_2661 = arith.constant 56 : i32
      %broadcast_in_dim3A_2662 = vector.broadcast %broadcast_in_dim3A_2661 : i32 to vector<16xi32>
      tpu.vector_store_idx %arg8[%add3A_2374, %broadcast_in_dim3A_2662], %gather3A_2660 : memref<32x128xf32, #tpu.memory_space<vmem>>[vector<16xi32>, vector<16xi32>], vector<16xf32>,
      %broadcast_in_dim3A_2663 = arith.constant 57 : i32
      %broadcast_in_dim3A_2664 = vector.broadcast %broadcast_in_dim3A_2663 : i32 to vector<16xi32>
      %gather3A_2665 = tpu.vector_load_idx %arg7[%add3A_2377, %and3A_2371, %broadcast_in_dim3A_2664] : memref<64x8x64xf32, #tpu.memory_space<vmem>>[vector<16xi32>, vector<16xi32>, vector<16xi32>], vector<16xf32>,
      %broadcast_in_dim3A_2666 = arith.constant 57 : i32
      %broadcast_in_dim3A_2667 = vector.broadcast %broadcast_in_dim3A_2666 : i32 to vector<16xi32>
      tpu.vector_store_idx %arg8[%add3A_2374, %broadcast_in_dim3A_2667], %gather3A_2665 : memref<32x128xf32, #tpu.memory_space<vmem>>[vector<16xi32>, vector<16xi32>], vector<16xf32>,
      %broadcast_in_dim3A_2668 = arith.constant 58 : i32
      %broadcast_in_dim3A_2669 = vector.broadcast %broadcast_in_dim3A_2668 : i32 to vector<16xi32>
      %gather3A_2670 = tpu.vector_load_idx %arg7[%add3A_2377, %and3A_2371, %broadcast_in_dim3A_2669] : memref<64x8x64xf32, #tpu.memory_space<vmem>>[vector<16xi32>, vector<16xi32>, vector<16xi32>], vector<16xf32>,
      %broadcast_in_dim3A_2671 = arith.constant 58 : i32
      %broadcast_in_dim3A_2672 = vector.broadcast %broadcast_in_dim3A_2671 : i32 to vector<16xi32>
      tpu.vector_store_idx %arg8[%add3A_2374, %broadcast_in_dim3A_2672], %gather3A_2670 : memref<32x128xf32, #tpu.memory_space<vmem>>[vector<16xi32>, vector<16xi32>], vector<16xf32>,
      %broadcast_in_dim3A_2673 = arith.constant 59 : i32
      %broadcast_in_dim3A_2674 = vector.broadcast %broadcast_in_dim3A_2673 : i32 to vector<16xi32>
      %gather3A_2675 = tpu.vector_load_idx %arg7[%add3A_2377, %and3A_2371, %broadcast_in_dim3A_2674] : memref<64x8x64xf32, #tpu.memory_space<vmem>>[vector<16xi32>, vector<16xi32>, vector<16xi32>], vector<16xf32>,
      %broadcast_in_dim3A_2676 = arith.constant 59 : i32
      %broadcast_in_dim3A_2677 = vector.broadcast %broadcast_in_dim3A_2676 : i32 to vector<16xi32>
      tpu.vector_store_idx %arg8[%add3A_2374, %broadcast_in_dim3A_2677], %gather3A_2675 : memref<32x128xf32, #tpu.memory_space<vmem>>[vector<16xi32>, vector<16xi32>], vector<16xf32>,
      %broadcast_in_dim3A_2678 = arith.constant 60 : i32
      %broadcast_in_dim3A_2679 = vector.broadcast %broadcast_in_dim3A_2678 : i32 to vector<16xi32>
      %gather3A_2680 = tpu.vector_load_idx %arg7[%add3A_2377, %and3A_2371, %broadcast_in_dim3A_2679] : memref<64x8x64xf32, #tpu.memory_space<vmem>>[vector<16xi32>, vector<16xi32>, vector<16xi32>], vector<16xf32>,
      %broadcast_in_dim3A_2681 = arith.constant 60 : i32
      %broadcast_in_dim3A_2682 = vector.broadcast %broadcast_in_dim3A_2681 : i32 to vector<16xi32>
      tpu.vector_store_idx %arg8[%add3A_2374, %broadcast_in_dim3A_2682], %gather3A_2680 : memref<32x128xf32, #tpu.memory_space<vmem>>[vector<16xi32>, vector<16xi32>], vector<16xf32>,
      %broadcast_in_dim3A_2683 = arith.constant 61 : i32
      %broadcast_in_dim3A_2684 = vector.broadcast %broadcast_in_dim3A_2683 : i32 to vector<16xi32>
      %gather3A_2685 = tpu.vector_load_idx %arg7[%add3A_2377, %and3A_2371, %broadcast_in_dim3A_2684] : memref<64x8x64xf32, #tpu.memory_space<vmem>>[vector<16xi32>, vector<16xi32>, vector<16xi32>], vector<16xf32>,
      %broadcast_in_dim3A_2686 = arith.constant 61 : i32
      %broadcast_in_dim3A_2687 = vector.broadcast %broadcast_in_dim3A_2686 : i32 to vector<16xi32>
      tpu.vector_store_idx %arg8[%add3A_2374, %broadcast_in_dim3A_2687], %gather3A_2685 : memref<32x128xf32, #tpu.memory_space<vmem>>[vector<16xi32>, vector<16xi32>], vector<16xf32>,
      %broadcast_in_dim3A_2688 = arith.constant 62 : i32
      %broadcast_in_dim3A_2689 = vector.broadcast %broadcast_in_dim3A_2688 : i32 to vector<16xi32>
      %gather3A_2690 = tpu.vector_load_idx %arg7[%add3A_2377, %and3A_2371, %broadcast_in_dim3A_2689] : memref<64x8x64xf32, #tpu.memory_space<vmem>>[vector<16xi32>, vector<16xi32>, vector<16xi32>], vector<16xf32>,
      %broadcast_in_dim3A_2691 = arith.constant 62 : i32
      %broadcast_in_dim3A_2692 = vector.broadcast %broadcast_in_dim3A_2691 : i32 to vector<16xi32>
      tpu.vector_store_idx %arg8[%add3A_2374, %broadcast_in_dim3A_2692], %gather3A_2690 : memref<32x128xf32, #tpu.memory_space<vmem>>[vector<16xi32>, vector<16xi32>], vector<16xf32>,
      %broadcast_in_dim3A_2693 = arith.constant 63 : i32
      %broadcast_in_dim3A_2694 = vector.broadcast %broadcast_in_dim3A_2693 : i32 to vector<16xi32>
      %gather3A_2695 = tpu.vector_load_idx %arg7[%add3A_2377, %and3A_2371, %broadcast_in_dim3A_2694] : memref<64x8x64xf32, #tpu.memory_space<vmem>>[vector<16xi32>, vector<16xi32>, vector<16xi32>], vector<16xf32>,
      %broadcast_in_dim3A_2696 = arith.constant 63 : i32
      %broadcast_in_dim3A_2697 = vector.broadcast %broadcast_in_dim3A_2696 : i32 to vector<16xi32>
      tpu.vector_store_idx %arg8[%add3A_2374, %broadcast_in_dim3A_2697], %gather3A_2695 : memref<32x128xf32, #tpu.memory_space<vmem>>[vector<16xi32>, vector<16xi32>], vector<16xf32>,
      %mul3A_2698 = arith.constant 32 : i32
      %mul3A_2699 = arith.muli %scan3A_8, %mul3A_2698 : i32
      %add3A_2700 = arith.constant 512 : i32
      %add3A_2701 = arith.addi %add3A_2700, %mul3A_2699 : i32
      %add3A_2702 = arith.constant 0 : i32
      %add3A_2703 = arith.addi %add3A_2701, %add3A_2702 : i32
      %get3A_2704 = arith.index_cast %add3A_2703 : i32 to index
      %get3A_2705 = tpu.vector_load %arg6[%get3A_2704] {strides = array<i32>} : memref<1024xi32, #tpu.memory_space<vmem>>, vector<16xi32>,
      %and3A_2706 = arith.constant 7 : i32
      %and3A_2707 = vector.broadcast %and3A_2706 : i32 to vector<16xi32>
      %and3A_2708 = arith.andi %get3A_2705, %and3A_2707 : vector<16xi32>
      %add3A_2709 = arith.constant 0 : i32
      %add3A_2710 = vector.broadcast %add3A_2709 : i32 to vector<16xi32>
      %add3A_2711 = arith.addi %iota3A, %add3A_2710 : vector<16xi32>
      %add3A_2712 = arith.constant 32 : i32
      %add3A_2713 = vector.broadcast %add3A_2712 : i32 to vector<16xi32>
      %add3A_2714 = arith.addi %add3A_2711, %add3A_2713 : vector<16xi32>
      %broadcast_in_dim3A_2715 = arith.constant 0 : i32
      %broadcast_in_dim3A_2716 = vector.broadcast %broadcast_in_dim3A_2715 : i32 to vector<16xi32>
      %gather3A_2717 = tpu.vector_load_idx %arg7[%add3A_2714, %and3A_2708, %broadcast_in_dim3A_2716] : memref<64x8x64xf32, #tpu.memory_space<vmem>>[vector<16xi32>, vector<16xi32>, vector<16xi32>], vector<16xf32>,
      %broadcast_in_dim3A_2718 = arith.constant 64 : i32
      %broadcast_in_dim3A_2719 = vector.broadcast %broadcast_in_dim3A_2718 : i32 to vector<16xi32>
      tpu.vector_store_idx %arg8[%add3A_2711, %broadcast_in_dim3A_2719], %gather3A_2717 : memref<32x128xf32, #tpu.memory_space<vmem>>[vector<16xi32>, vector<16xi32>], vector<16xf32>,
      %broadcast_in_dim3A_2720 = arith.constant 1 : i32
      %broadcast_in_dim3A_2721 = vector.broadcast %broadcast_in_dim3A_2720 : i32 to vector<16xi32>
      %gather3A_2722 = tpu.vector_load_idx %arg7[%add3A_2714, %and3A_2708, %broadcast_in_dim3A_2721] : memref<64x8x64xf32, #tpu.memory_space<vmem>>[vector<16xi32>, vector<16xi32>, vector<16xi32>], vector<16xf32>,
      %broadcast_in_dim3A_2723 = arith.constant 65 : i32
      %broadcast_in_dim3A_2724 = vector.broadcast %broadcast_in_dim3A_2723 : i32 to vector<16xi32>
      tpu.vector_store_idx %arg8[%add3A_2711, %broadcast_in_dim3A_2724], %gather3A_2722 : memref<32x128xf32, #tpu.memory_space<vmem>>[vector<16xi32>, vector<16xi32>], vector<16xf32>,
      %broadcast_in_dim3A_2725 = arith.constant 2 : i32
      %broadcast_in_dim3A_2726 = vector.broadcast %broadcast_in_dim3A_2725 : i32 to vector<16xi32>
      %gather3A_2727 = tpu.vector_load_idx %arg7[%add3A_2714, %and3A_2708, %broadcast_in_dim3A_2726] : memref<64x8x64xf32, #tpu.memory_space<vmem>>[vector<16xi32>, vector<16xi32>, vector<16xi32>], vector<16xf32>,
      %broadcast_in_dim3A_2728 = arith.constant 66 : i32
      %broadcast_in_dim3A_2729 = vector.broadcast %broadcast_in_dim3A_2728 : i32 to vector<16xi32>
      tpu.vector_store_idx %arg8[%add3A_2711, %broadcast_in_dim3A_2729], %gather3A_2727 : memref<32x128xf32, #tpu.memory_space<vmem>>[vector<16xi32>, vector<16xi32>], vector<16xf32>,
      %broadcast_in_dim3A_2730 = arith.constant 3 : i32
      %broadcast_in_dim3A_2731 = vector.broadcast %broadcast_in_dim3A_2730 : i32 to vector<16xi32>
      %gather3A_2732 = tpu.vector_load_idx %arg7[%add3A_2714, %and3A_2708, %broadcast_in_dim3A_2731] : memref<64x8x64xf32, #tpu.memory_space<vmem>>[vector<16xi32>, vector<16xi32>, vector<16xi32>], vector<16xf32>,
      %broadcast_in_dim3A_2733 = arith.constant 67 : i32
      %broadcast_in_dim3A_2734 = vector.broadcast %broadcast_in_dim3A_2733 : i32 to vector<16xi32>
      tpu.vector_store_idx %arg8[%add3A_2711, %broadcast_in_dim3A_2734], %gather3A_2732 : memref<32x128xf32, #tpu.memory_space<vmem>>[vector<16xi32>, vector<16xi32>], vector<16xf32>,
      %broadcast_in_dim3A_2735 = arith.constant 4 : i32
      %broadcast_in_dim3A_2736 = vector.broadcast %broadcast_in_dim3A_2735 : i32 to vector<16xi32>
      %gather3A_2737 = tpu.vector_load_idx %arg7[%add3A_2714, %and3A_2708, %broadcast_in_dim3A_2736] : memref<64x8x64xf32, #tpu.memory_space<vmem>>[vector<16xi32>, vector<16xi32>, vector<16xi32>], vector<16xf32>,
      %broadcast_in_dim3A_2738 = arith.constant 68 : i32
      %broadcast_in_dim3A_2739 = vector.broadcast %broadcast_in_dim3A_2738 : i32 to vector<16xi32>
      tpu.vector_store_idx %arg8[%add3A_2711, %broadcast_in_dim3A_2739], %gather3A_2737 : memref<32x128xf32, #tpu.memory_space<vmem>>[vector<16xi32>, vector<16xi32>], vector<16xf32>,
      %broadcast_in_dim3A_2740 = arith.constant 5 : i32
      %broadcast_in_dim3A_2741 = vector.broadcast %broadcast_in_dim3A_2740 : i32 to vector<16xi32>
      %gather3A_2742 = tpu.vector_load_idx %arg7[%add3A_2714, %and3A_2708, %broadcast_in_dim3A_2741] : memref<64x8x64xf32, #tpu.memory_space<vmem>>[vector<16xi32>, vector<16xi32>, vector<16xi32>], vector<16xf32>,
      %broadcast_in_dim3A_2743 = arith.constant 69 : i32
      %broadcast_in_dim3A_2744 = vector.broadcast %broadcast_in_dim3A_2743 : i32 to vector<16xi32>
      tpu.vector_store_idx %arg8[%add3A_2711, %broadcast_in_dim3A_2744], %gather3A_2742 : memref<32x128xf32, #tpu.memory_space<vmem>>[vector<16xi32>, vector<16xi32>], vector<16xf32>,
      %broadcast_in_dim3A_2745 = arith.constant 6 : i32
      %broadcast_in_dim3A_2746 = vector.broadcast %broadcast_in_dim3A_2745 : i32 to vector<16xi32>
      %gather3A_2747 = tpu.vector_load_idx %arg7[%add3A_2714, %and3A_2708, %broadcast_in_dim3A_2746] : memref<64x8x64xf32, #tpu.memory_space<vmem>>[vector<16xi32>, vector<16xi32>, vector<16xi32>], vector<16xf32>,
      %broadcast_in_dim3A_2748 = arith.constant 70 : i32
      %broadcast_in_dim3A_2749 = vector.broadcast %broadcast_in_dim3A_2748 : i32 to vector<16xi32>
      tpu.vector_store_idx %arg8[%add3A_2711, %broadcast_in_dim3A_2749], %gather3A_2747 : memref<32x128xf32, #tpu.memory_space<vmem>>[vector<16xi32>, vector<16xi32>], vector<16xf32>,
      %broadcast_in_dim3A_2750 = arith.constant 7 : i32
      %broadcast_in_dim3A_2751 = vector.broadcast %broadcast_in_dim3A_2750 : i32 to vector<16xi32>
      %gather3A_2752 = tpu.vector_load_idx %arg7[%add3A_2714, %and3A_2708, %broadcast_in_dim3A_2751] : memref<64x8x64xf32, #tpu.memory_space<vmem>>[vector<16xi32>, vector<16xi32>, vector<16xi32>], vector<16xf32>,
      %broadcast_in_dim3A_2753 = arith.constant 71 : i32
      %broadcast_in_dim3A_2754 = vector.broadcast %broadcast_in_dim3A_2753 : i32 to vector<16xi32>
      tpu.vector_store_idx %arg8[%add3A_2711, %broadcast_in_dim3A_2754], %gather3A_2752 : memref<32x128xf32, #tpu.memory_space<vmem>>[vector<16xi32>, vector<16xi32>], vector<16xf32>,
      %broadcast_in_dim3A_2755 = arith.constant 8 : i32
      %broadcast_in_dim3A_2756 = vector.broadcast %broadcast_in_dim3A_2755 : i32 to vector<16xi32>
      %gather3A_2757 = tpu.vector_load_idx %arg7[%add3A_2714, %and3A_2708, %broadcast_in_dim3A_2756] : memref<64x8x64xf32, #tpu.memory_space<vmem>>[vector<16xi32>, vector<16xi32>, vector<16xi32>], vector<16xf32>,
      %broadcast_in_dim3A_2758 = arith.constant 72 : i32
      %broadcast_in_dim3A_2759 = vector.broadcast %broadcast_in_dim3A_2758 : i32 to vector<16xi32>
      tpu.vector_store_idx %arg8[%add3A_2711, %broadcast_in_dim3A_2759], %gather3A_2757 : memref<32x128xf32, #tpu.memory_space<vmem>>[vector<16xi32>, vector<16xi32>], vector<16xf32>,
      %broadcast_in_dim3A_2760 = arith.constant 9 : i32
      %broadcast_in_dim3A_2761 = vector.broadcast %broadcast_in_dim3A_2760 : i32 to vector<16xi32>
      %gather3A_2762 = tpu.vector_load_idx %arg7[%add3A_2714, %and3A_2708, %broadcast_in_dim3A_2761] : memref<64x8x64xf32, #tpu.memory_space<vmem>>[vector<16xi32>, vector<16xi32>, vector<16xi32>], vector<16xf32>,
      %broadcast_in_dim3A_2763 = arith.constant 73 : i32
      %broadcast_in_dim3A_2764 = vector.broadcast %broadcast_in_dim3A_2763 : i32 to vector<16xi32>
      tpu.vector_store_idx %arg8[%add3A_2711, %broadcast_in_dim3A_2764], %gather3A_2762 : memref<32x128xf32, #tpu.memory_space<vmem>>[vector<16xi32>, vector<16xi32>], vector<16xf32>,
      %broadcast_in_dim3A_2765 = arith.constant 10 : i32
      %broadcast_in_dim3A_2766 = vector.broadcast %broadcast_in_dim3A_2765 : i32 to vector<16xi32>
      %gather3A_2767 = tpu.vector_load_idx %arg7[%add3A_2714, %and3A_2708, %broadcast_in_dim3A_2766] : memref<64x8x64xf32, #tpu.memory_space<vmem>>[vector<16xi32>, vector<16xi32>, vector<16xi32>], vector<16xf32>,
      %broadcast_in_dim3A_2768 = arith.constant 74 : i32
      %broadcast_in_dim3A_2769 = vector.broadcast %broadcast_in_dim3A_2768 : i32 to vector<16xi32>
      tpu.vector_store_idx %arg8[%add3A_2711, %broadcast_in_dim3A_2769], %gather3A_2767 : memref<32x128xf32, #tpu.memory_space<vmem>>[vector<16xi32>, vector<16xi32>], vector<16xf32>,
      %broadcast_in_dim3A_2770 = arith.constant 11 : i32
      %broadcast_in_dim3A_2771 = vector.broadcast %broadcast_in_dim3A_2770 : i32 to vector<16xi32>
      %gather3A_2772 = tpu.vector_load_idx %arg7[%add3A_2714, %and3A_2708, %broadcast_in_dim3A_2771] : memref<64x8x64xf32, #tpu.memory_space<vmem>>[vector<16xi32>, vector<16xi32>, vector<16xi32>], vector<16xf32>,
      %broadcast_in_dim3A_2773 = arith.constant 75 : i32
      %broadcast_in_dim3A_2774 = vector.broadcast %broadcast_in_dim3A_2773 : i32 to vector<16xi32>
      tpu.vector_store_idx %arg8[%add3A_2711, %broadcast_in_dim3A_2774], %gather3A_2772 : memref<32x128xf32, #tpu.memory_space<vmem>>[vector<16xi32>, vector<16xi32>], vector<16xf32>,
      %broadcast_in_dim3A_2775 = arith.constant 12 : i32
      %broadcast_in_dim3A_2776 = vector.broadcast %broadcast_in_dim3A_2775 : i32 to vector<16xi32>
      %gather3A_2777 = tpu.vector_load_idx %arg7[%add3A_2714, %and3A_2708, %broadcast_in_dim3A_2776] : memref<64x8x64xf32, #tpu.memory_space<vmem>>[vector<16xi32>, vector<16xi32>, vector<16xi32>], vector<16xf32>,
      %broadcast_in_dim3A_2778 = arith.constant 76 : i32
      %broadcast_in_dim3A_2779 = vector.broadcast %broadcast_in_dim3A_2778 : i32 to vector<16xi32>
      tpu.vector_store_idx %arg8[%add3A_2711, %broadcast_in_dim3A_2779], %gather3A_2777 : memref<32x128xf32, #tpu.memory_space<vmem>>[vector<16xi32>, vector<16xi32>], vector<16xf32>,
      %broadcast_in_dim3A_2780 = arith.constant 13 : i32
      %broadcast_in_dim3A_2781 = vector.broadcast %broadcast_in_dim3A_2780 : i32 to vector<16xi32>
      %gather3A_2782 = tpu.vector_load_idx %arg7[%add3A_2714, %and3A_2708, %broadcast_in_dim3A_2781] : memref<64x8x64xf32, #tpu.memory_space<vmem>>[vector<16xi32>, vector<16xi32>, vector<16xi32>], vector<16xf32>,
      %broadcast_in_dim3A_2783 = arith.constant 77 : i32
      %broadcast_in_dim3A_2784 = vector.broadcast %broadcast_in_dim3A_2783 : i32 to vector<16xi32>
      tpu.vector_store_idx %arg8[%add3A_2711, %broadcast_in_dim3A_2784], %gather3A_2782 : memref<32x128xf32, #tpu.memory_space<vmem>>[vector<16xi32>, vector<16xi32>], vector<16xf32>,
      %broadcast_in_dim3A_2785 = arith.constant 14 : i32
      %broadcast_in_dim3A_2786 = vector.broadcast %broadcast_in_dim3A_2785 : i32 to vector<16xi32>
      %gather3A_2787 = tpu.vector_load_idx %arg7[%add3A_2714, %and3A_2708, %broadcast_in_dim3A_2786] : memref<64x8x64xf32, #tpu.memory_space<vmem>>[vector<16xi32>, vector<16xi32>, vector<16xi32>], vector<16xf32>,
      %broadcast_in_dim3A_2788 = arith.constant 78 : i32
      %broadcast_in_dim3A_2789 = vector.broadcast %broadcast_in_dim3A_2788 : i32 to vector<16xi32>
      tpu.vector_store_idx %arg8[%add3A_2711, %broadcast_in_dim3A_2789], %gather3A_2787 : memref<32x128xf32, #tpu.memory_space<vmem>>[vector<16xi32>, vector<16xi32>], vector<16xf32>,
      %broadcast_in_dim3A_2790 = arith.constant 15 : i32
      %broadcast_in_dim3A_2791 = vector.broadcast %broadcast_in_dim3A_2790 : i32 to vector<16xi32>
      %gather3A_2792 = tpu.vector_load_idx %arg7[%add3A_2714, %and3A_2708, %broadcast_in_dim3A_2791] : memref<64x8x64xf32, #tpu.memory_space<vmem>>[vector<16xi32>, vector<16xi32>, vector<16xi32>], vector<16xf32>,
      %broadcast_in_dim3A_2793 = arith.constant 79 : i32
      %broadcast_in_dim3A_2794 = vector.broadcast %broadcast_in_dim3A_2793 : i32 to vector<16xi32>
      tpu.vector_store_idx %arg8[%add3A_2711, %broadcast_in_dim3A_2794], %gather3A_2792 : memref<32x128xf32, #tpu.memory_space<vmem>>[vector<16xi32>, vector<16xi32>], vector<16xf32>,
      %broadcast_in_dim3A_2795 = arith.constant 16 : i32
      %broadcast_in_dim3A_2796 = vector.broadcast %broadcast_in_dim3A_2795 : i32 to vector<16xi32>
      %gather3A_2797 = tpu.vector_load_idx %arg7[%add3A_2714, %and3A_2708, %broadcast_in_dim3A_2796] : memref<64x8x64xf32, #tpu.memory_space<vmem>>[vector<16xi32>, vector<16xi32>, vector<16xi32>], vector<16xf32>,
      %broadcast_in_dim3A_2798 = arith.constant 80 : i32
      %broadcast_in_dim3A_2799 = vector.broadcast %broadcast_in_dim3A_2798 : i32 to vector<16xi32>
      tpu.vector_store_idx %arg8[%add3A_2711, %broadcast_in_dim3A_2799], %gather3A_2797 : memref<32x128xf32, #tpu.memory_space<vmem>>[vector<16xi32>, vector<16xi32>], vector<16xf32>,
      %broadcast_in_dim3A_2800 = arith.constant 17 : i32
      %broadcast_in_dim3A_2801 = vector.broadcast %broadcast_in_dim3A_2800 : i32 to vector<16xi32>
      %gather3A_2802 = tpu.vector_load_idx %arg7[%add3A_2714, %and3A_2708, %broadcast_in_dim3A_2801] : memref<64x8x64xf32, #tpu.memory_space<vmem>>[vector<16xi32>, vector<16xi32>, vector<16xi32>], vector<16xf32>,
      %broadcast_in_dim3A_2803 = arith.constant 81 : i32
      %broadcast_in_dim3A_2804 = vector.broadcast %broadcast_in_dim3A_2803 : i32 to vector<16xi32>
      tpu.vector_store_idx %arg8[%add3A_2711, %broadcast_in_dim3A_2804], %gather3A_2802 : memref<32x128xf32, #tpu.memory_space<vmem>>[vector<16xi32>, vector<16xi32>], vector<16xf32>,
      %broadcast_in_dim3A_2805 = arith.constant 18 : i32
      %broadcast_in_dim3A_2806 = vector.broadcast %broadcast_in_dim3A_2805 : i32 to vector<16xi32>
      %gather3A_2807 = tpu.vector_load_idx %arg7[%add3A_2714, %and3A_2708, %broadcast_in_dim3A_2806] : memref<64x8x64xf32, #tpu.memory_space<vmem>>[vector<16xi32>, vector<16xi32>, vector<16xi32>], vector<16xf32>,
      %broadcast_in_dim3A_2808 = arith.constant 82 : i32
      %broadcast_in_dim3A_2809 = vector.broadcast %broadcast_in_dim3A_2808 : i32 to vector<16xi32>
      tpu.vector_store_idx %arg8[%add3A_2711, %broadcast_in_dim3A_2809], %gather3A_2807 : memref<32x128xf32, #tpu.memory_space<vmem>>[vector<16xi32>, vector<16xi32>], vector<16xf32>,
      %broadcast_in_dim3A_2810 = arith.constant 19 : i32
      %broadcast_in_dim3A_2811 = vector.broadcast %broadcast_in_dim3A_2810 : i32 to vector<16xi32>
      %gather3A_2812 = tpu.vector_load_idx %arg7[%add3A_2714, %and3A_2708, %broadcast_in_dim3A_2811] : memref<64x8x64xf32, #tpu.memory_space<vmem>>[vector<16xi32>, vector<16xi32>, vector<16xi32>], vector<16xf32>,
      %broadcast_in_dim3A_2813 = arith.constant 83 : i32
      %broadcast_in_dim3A_2814 = vector.broadcast %broadcast_in_dim3A_2813 : i32 to vector<16xi32>
      tpu.vector_store_idx %arg8[%add3A_2711, %broadcast_in_dim3A_2814], %gather3A_2812 : memref<32x128xf32, #tpu.memory_space<vmem>>[vector<16xi32>, vector<16xi32>], vector<16xf32>,
      %broadcast_in_dim3A_2815 = arith.constant 20 : i32
      %broadcast_in_dim3A_2816 = vector.broadcast %broadcast_in_dim3A_2815 : i32 to vector<16xi32>
      %gather3A_2817 = tpu.vector_load_idx %arg7[%add3A_2714, %and3A_2708, %broadcast_in_dim3A_2816] : memref<64x8x64xf32, #tpu.memory_space<vmem>>[vector<16xi32>, vector<16xi32>, vector<16xi32>], vector<16xf32>,
      %broadcast_in_dim3A_2818 = arith.constant 84 : i32
      %broadcast_in_dim3A_2819 = vector.broadcast %broadcast_in_dim3A_2818 : i32 to vector<16xi32>
      tpu.vector_store_idx %arg8[%add3A_2711, %broadcast_in_dim3A_2819], %gather3A_2817 : memref<32x128xf32, #tpu.memory_space<vmem>>[vector<16xi32>, vector<16xi32>], vector<16xf32>,
      %broadcast_in_dim3A_2820 = arith.constant 21 : i32
      %broadcast_in_dim3A_2821 = vector.broadcast %broadcast_in_dim3A_2820 : i32 to vector<16xi32>
      %gather3A_2822 = tpu.vector_load_idx %arg7[%add3A_2714, %and3A_2708, %broadcast_in_dim3A_2821] : memref<64x8x64xf32, #tpu.memory_space<vmem>>[vector<16xi32>, vector<16xi32>, vector<16xi32>], vector<16xf32>,
      %broadcast_in_dim3A_2823 = arith.constant 85 : i32
      %broadcast_in_dim3A_2824 = vector.broadcast %broadcast_in_dim3A_2823 : i32 to vector<16xi32>
      tpu.vector_store_idx %arg8[%add3A_2711, %broadcast_in_dim3A_2824], %gather3A_2822 : memref<32x128xf32, #tpu.memory_space<vmem>>[vector<16xi32>, vector<16xi32>], vector<16xf32>,
      %broadcast_in_dim3A_2825 = arith.constant 22 : i32
      %broadcast_in_dim3A_2826 = vector.broadcast %broadcast_in_dim3A_2825 : i32 to vector<16xi32>
      %gather3A_2827 = tpu.vector_load_idx %arg7[%add3A_2714, %and3A_2708, %broadcast_in_dim3A_2826] : memref<64x8x64xf32, #tpu.memory_space<vmem>>[vector<16xi32>, vector<16xi32>, vector<16xi32>], vector<16xf32>,
      %broadcast_in_dim3A_2828 = arith.constant 86 : i32
      %broadcast_in_dim3A_2829 = vector.broadcast %broadcast_in_dim3A_2828 : i32 to vector<16xi32>
      tpu.vector_store_idx %arg8[%add3A_2711, %broadcast_in_dim3A_2829], %gather3A_2827 : memref<32x128xf32, #tpu.memory_space<vmem>>[vector<16xi32>, vector<16xi32>], vector<16xf32>,
      %broadcast_in_dim3A_2830 = arith.constant 23 : i32
      %broadcast_in_dim3A_2831 = vector.broadcast %broadcast_in_dim3A_2830 : i32 to vector<16xi32>
      %gather3A_2832 = tpu.vector_load_idx %arg7[%add3A_2714, %and3A_2708, %broadcast_in_dim3A_2831] : memref<64x8x64xf32, #tpu.memory_space<vmem>>[vector<16xi32>, vector<16xi32>, vector<16xi32>], vector<16xf32>,
      %broadcast_in_dim3A_2833 = arith.constant 87 : i32
      %broadcast_in_dim3A_2834 = vector.broadcast %broadcast_in_dim3A_2833 : i32 to vector<16xi32>
      tpu.vector_store_idx %arg8[%add3A_2711, %broadcast_in_dim3A_2834], %gather3A_2832 : memref<32x128xf32, #tpu.memory_space<vmem>>[vector<16xi32>, vector<16xi32>], vector<16xf32>,
      %broadcast_in_dim3A_2835 = arith.constant 24 : i32
      %broadcast_in_dim3A_2836 = vector.broadcast %broadcast_in_dim3A_2835 : i32 to vector<16xi32>
      %gather3A_2837 = tpu.vector_load_idx %arg7[%add3A_2714, %and3A_2708, %broadcast_in_dim3A_2836] : memref<64x8x64xf32, #tpu.memory_space<vmem>>[vector<16xi32>, vector<16xi32>, vector<16xi32>], vector<16xf32>,
      %broadcast_in_dim3A_2838 = arith.constant 88 : i32
      %broadcast_in_dim3A_2839 = vector.broadcast %broadcast_in_dim3A_2838 : i32 to vector<16xi32>
      tpu.vector_store_idx %arg8[%add3A_2711, %broadcast_in_dim3A_2839], %gather3A_2837 : memref<32x128xf32, #tpu.memory_space<vmem>>[vector<16xi32>, vector<16xi32>], vector<16xf32>,
      %broadcast_in_dim3A_2840 = arith.constant 25 : i32
      %broadcast_in_dim3A_2841 = vector.broadcast %broadcast_in_dim3A_2840 : i32 to vector<16xi32>
      %gather3A_2842 = tpu.vector_load_idx %arg7[%add3A_2714, %and3A_2708, %broadcast_in_dim3A_2841] : memref<64x8x64xf32, #tpu.memory_space<vmem>>[vector<16xi32>, vector<16xi32>, vector<16xi32>], vector<16xf32>,
      %broadcast_in_dim3A_2843 = arith.constant 89 : i32
      %broadcast_in_dim3A_2844 = vector.broadcast %broadcast_in_dim3A_2843 : i32 to vector<16xi32>
      tpu.vector_store_idx %arg8[%add3A_2711, %broadcast_in_dim3A_2844], %gather3A_2842 : memref<32x128xf32, #tpu.memory_space<vmem>>[vector<16xi32>, vector<16xi32>], vector<16xf32>,
      %broadcast_in_dim3A_2845 = arith.constant 26 : i32
      %broadcast_in_dim3A_2846 = vector.broadcast %broadcast_in_dim3A_2845 : i32 to vector<16xi32>
      %gather3A_2847 = tpu.vector_load_idx %arg7[%add3A_2714, %and3A_2708, %broadcast_in_dim3A_2846] : memref<64x8x64xf32, #tpu.memory_space<vmem>>[vector<16xi32>, vector<16xi32>, vector<16xi32>], vector<16xf32>,
      %broadcast_in_dim3A_2848 = arith.constant 90 : i32
      %broadcast_in_dim3A_2849 = vector.broadcast %broadcast_in_dim3A_2848 : i32 to vector<16xi32>
      tpu.vector_store_idx %arg8[%add3A_2711, %broadcast_in_dim3A_2849], %gather3A_2847 : memref<32x128xf32, #tpu.memory_space<vmem>>[vector<16xi32>, vector<16xi32>], vector<16xf32>,
      %broadcast_in_dim3A_2850 = arith.constant 27 : i32
      %broadcast_in_dim3A_2851 = vector.broadcast %broadcast_in_dim3A_2850 : i32 to vector<16xi32>
      %gather3A_2852 = tpu.vector_load_idx %arg7[%add3A_2714, %and3A_2708, %broadcast_in_dim3A_2851] : memref<64x8x64xf32, #tpu.memory_space<vmem>>[vector<16xi32>, vector<16xi32>, vector<16xi32>], vector<16xf32>,
      %broadcast_in_dim3A_2853 = arith.constant 91 : i32
      %broadcast_in_dim3A_2854 = vector.broadcast %broadcast_in_dim3A_2853 : i32 to vector<16xi32>
      tpu.vector_store_idx %arg8[%add3A_2711, %broadcast_in_dim3A_2854], %gather3A_2852 : memref<32x128xf32, #tpu.memory_space<vmem>>[vector<16xi32>, vector<16xi32>], vector<16xf32>,
      %broadcast_in_dim3A_2855 = arith.constant 28 : i32
      %broadcast_in_dim3A_2856 = vector.broadcast %broadcast_in_dim3A_2855 : i32 to vector<16xi32>
      %gather3A_2857 = tpu.vector_load_idx %arg7[%add3A_2714, %and3A_2708, %broadcast_in_dim3A_2856] : memref<64x8x64xf32, #tpu.memory_space<vmem>>[vector<16xi32>, vector<16xi32>, vector<16xi32>], vector<16xf32>,
      %broadcast_in_dim3A_2858 = arith.constant 92 : i32
      %broadcast_in_dim3A_2859 = vector.broadcast %broadcast_in_dim3A_2858 : i32 to vector<16xi32>
      tpu.vector_store_idx %arg8[%add3A_2711, %broadcast_in_dim3A_2859], %gather3A_2857 : memref<32x128xf32, #tpu.memory_space<vmem>>[vector<16xi32>, vector<16xi32>], vector<16xf32>,
      %broadcast_in_dim3A_2860 = arith.constant 29 : i32
      %broadcast_in_dim3A_2861 = vector.broadcast %broadcast_in_dim3A_2860 : i32 to vector<16xi32>
      %gather3A_2862 = tpu.vector_load_idx %arg7[%add3A_2714, %and3A_2708, %broadcast_in_dim3A_2861] : memref<64x8x64xf32, #tpu.memory_space<vmem>>[vector<16xi32>, vector<16xi32>, vector<16xi32>], vector<16xf32>,
      %broadcast_in_dim3A_2863 = arith.constant 93 : i32
      %broadcast_in_dim3A_2864 = vector.broadcast %broadcast_in_dim3A_2863 : i32 to vector<16xi32>
      tpu.vector_store_idx %arg8[%add3A_2711, %broadcast_in_dim3A_2864], %gather3A_2862 : memref<32x128xf32, #tpu.memory_space<vmem>>[vector<16xi32>, vector<16xi32>], vector<16xf32>,
      %broadcast_in_dim3A_2865 = arith.constant 30 : i32
      %broadcast_in_dim3A_2866 = vector.broadcast %broadcast_in_dim3A_2865 : i32 to vector<16xi32>
      %gather3A_2867 = tpu.vector_load_idx %arg7[%add3A_2714, %and3A_2708, %broadcast_in_dim3A_2866] : memref<64x8x64xf32, #tpu.memory_space<vmem>>[vector<16xi32>, vector<16xi32>, vector<16xi32>], vector<16xf32>,
      %broadcast_in_dim3A_2868 = arith.constant 94 : i32
      %broadcast_in_dim3A_2869 = vector.broadcast %broadcast_in_dim3A_2868 : i32 to vector<16xi32>
      tpu.vector_store_idx %arg8[%add3A_2711, %broadcast_in_dim3A_2869], %gather3A_2867 : memref<32x128xf32, #tpu.memory_space<vmem>>[vector<16xi32>, vector<16xi32>], vector<16xf32>,
      %broadcast_in_dim3A_2870 = arith.constant 31 : i32
      %broadcast_in_dim3A_2871 = vector.broadcast %broadcast_in_dim3A_2870 : i32 to vector<16xi32>
      %gather3A_2872 = tpu.vector_load_idx %arg7[%add3A_2714, %and3A_2708, %broadcast_in_dim3A_2871] : memref<64x8x64xf32, #tpu.memory_space<vmem>>[vector<16xi32>, vector<16xi32>, vector<16xi32>], vector<16xf32>,
      %broadcast_in_dim3A_2873 = arith.constant 95 : i32
      %broadcast_in_dim3A_2874 = vector.broadcast %broadcast_in_dim3A_2873 : i32 to vector<16xi32>
      tpu.vector_store_idx %arg8[%add3A_2711, %broadcast_in_dim3A_2874], %gather3A_2872 : memref<32x128xf32, #tpu.memory_space<vmem>>[vector<16xi32>, vector<16xi32>], vector<16xf32>,
      %broadcast_in_dim3A_2875 = arith.constant 32 : i32
      %broadcast_in_dim3A_2876 = vector.broadcast %broadcast_in_dim3A_2875 : i32 to vector<16xi32>
      %gather3A_2877 = tpu.vector_load_idx %arg7[%add3A_2714, %and3A_2708, %broadcast_in_dim3A_2876] : memref<64x8x64xf32, #tpu.memory_space<vmem>>[vector<16xi32>, vector<16xi32>, vector<16xi32>], vector<16xf32>,
      %broadcast_in_dim3A_2878 = arith.constant 96 : i32
      %broadcast_in_dim3A_2879 = vector.broadcast %broadcast_in_dim3A_2878 : i32 to vector<16xi32>
      tpu.vector_store_idx %arg8[%add3A_2711, %broadcast_in_dim3A_2879], %gather3A_2877 : memref<32x128xf32, #tpu.memory_space<vmem>>[vector<16xi32>, vector<16xi32>], vector<16xf32>,
      %broadcast_in_dim3A_2880 = arith.constant 33 : i32
      %broadcast_in_dim3A_2881 = vector.broadcast %broadcast_in_dim3A_2880 : i32 to vector<16xi32>
      %gather3A_2882 = tpu.vector_load_idx %arg7[%add3A_2714, %and3A_2708, %broadcast_in_dim3A_2881] : memref<64x8x64xf32, #tpu.memory_space<vmem>>[vector<16xi32>, vector<16xi32>, vector<16xi32>], vector<16xf32>,
      %broadcast_in_dim3A_2883 = arith.constant 97 : i32
      %broadcast_in_dim3A_2884 = vector.broadcast %broadcast_in_dim3A_2883 : i32 to vector<16xi32>
      tpu.vector_store_idx %arg8[%add3A_2711, %broadcast_in_dim3A_2884], %gather3A_2882 : memref<32x128xf32, #tpu.memory_space<vmem>>[vector<16xi32>, vector<16xi32>], vector<16xf32>,
      %broadcast_in_dim3A_2885 = arith.constant 34 : i32
      %broadcast_in_dim3A_2886 = vector.broadcast %broadcast_in_dim3A_2885 : i32 to vector<16xi32>
      %gather3A_2887 = tpu.vector_load_idx %arg7[%add3A_2714, %and3A_2708, %broadcast_in_dim3A_2886] : memref<64x8x64xf32, #tpu.memory_space<vmem>>[vector<16xi32>, vector<16xi32>, vector<16xi32>], vector<16xf32>,
      %broadcast_in_dim3A_2888 = arith.constant 98 : i32
      %broadcast_in_dim3A_2889 = vector.broadcast %broadcast_in_dim3A_2888 : i32 to vector<16xi32>
      tpu.vector_store_idx %arg8[%add3A_2711, %broadcast_in_dim3A_2889], %gather3A_2887 : memref<32x128xf32, #tpu.memory_space<vmem>>[vector<16xi32>, vector<16xi32>], vector<16xf32>,
      %broadcast_in_dim3A_2890 = arith.constant 35 : i32
      %broadcast_in_dim3A_2891 = vector.broadcast %broadcast_in_dim3A_2890 : i32 to vector<16xi32>
      %gather3A_2892 = tpu.vector_load_idx %arg7[%add3A_2714, %and3A_2708, %broadcast_in_dim3A_2891] : memref<64x8x64xf32, #tpu.memory_space<vmem>>[vector<16xi32>, vector<16xi32>, vector<16xi32>], vector<16xf32>,
      %broadcast_in_dim3A_2893 = arith.constant 99 : i32
      %broadcast_in_dim3A_2894 = vector.broadcast %broadcast_in_dim3A_2893 : i32 to vector<16xi32>
      tpu.vector_store_idx %arg8[%add3A_2711, %broadcast_in_dim3A_2894], %gather3A_2892 : memref<32x128xf32, #tpu.memory_space<vmem>>[vector<16xi32>, vector<16xi32>], vector<16xf32>,
      %broadcast_in_dim3A_2895 = arith.constant 36 : i32
      %broadcast_in_dim3A_2896 = vector.broadcast %broadcast_in_dim3A_2895 : i32 to vector<16xi32>
      %gather3A_2897 = tpu.vector_load_idx %arg7[%add3A_2714, %and3A_2708, %broadcast_in_dim3A_2896] : memref<64x8x64xf32, #tpu.memory_space<vmem>>[vector<16xi32>, vector<16xi32>, vector<16xi32>], vector<16xf32>,
      %broadcast_in_dim3A_2898 = arith.constant 100 : i32
      %broadcast_in_dim3A_2899 = vector.broadcast %broadcast_in_dim3A_2898 : i32 to vector<16xi32>
      tpu.vector_store_idx %arg8[%add3A_2711, %broadcast_in_dim3A_2899], %gather3A_2897 : memref<32x128xf32, #tpu.memory_space<vmem>>[vector<16xi32>, vector<16xi32>], vector<16xf32>,
      %broadcast_in_dim3A_2900 = arith.constant 37 : i32
      %broadcast_in_dim3A_2901 = vector.broadcast %broadcast_in_dim3A_2900 : i32 to vector<16xi32>
      %gather3A_2902 = tpu.vector_load_idx %arg7[%add3A_2714, %and3A_2708, %broadcast_in_dim3A_2901] : memref<64x8x64xf32, #tpu.memory_space<vmem>>[vector<16xi32>, vector<16xi32>, vector<16xi32>], vector<16xf32>,
      %broadcast_in_dim3A_2903 = arith.constant 101 : i32
      %broadcast_in_dim3A_2904 = vector.broadcast %broadcast_in_dim3A_2903 : i32 to vector<16xi32>
      tpu.vector_store_idx %arg8[%add3A_2711, %broadcast_in_dim3A_2904], %gather3A_2902 : memref<32x128xf32, #tpu.memory_space<vmem>>[vector<16xi32>, vector<16xi32>], vector<16xf32>,
      %broadcast_in_dim3A_2905 = arith.constant 38 : i32
      %broadcast_in_dim3A_2906 = vector.broadcast %broadcast_in_dim3A_2905 : i32 to vector<16xi32>
      %gather3A_2907 = tpu.vector_load_idx %arg7[%add3A_2714, %and3A_2708, %broadcast_in_dim3A_2906] : memref<64x8x64xf32, #tpu.memory_space<vmem>>[vector<16xi32>, vector<16xi32>, vector<16xi32>], vector<16xf32>,
      %broadcast_in_dim3A_2908 = arith.constant 102 : i32
      %broadcast_in_dim3A_2909 = vector.broadcast %broadcast_in_dim3A_2908 : i32 to vector<16xi32>
      tpu.vector_store_idx %arg8[%add3A_2711, %broadcast_in_dim3A_2909], %gather3A_2907 : memref<32x128xf32, #tpu.memory_space<vmem>>[vector<16xi32>, vector<16xi32>], vector<16xf32>,
      %broadcast_in_dim3A_2910 = arith.constant 39 : i32
      %broadcast_in_dim3A_2911 = vector.broadcast %broadcast_in_dim3A_2910 : i32 to vector<16xi32>
      %gather3A_2912 = tpu.vector_load_idx %arg7[%add3A_2714, %and3A_2708, %broadcast_in_dim3A_2911] : memref<64x8x64xf32, #tpu.memory_space<vmem>>[vector<16xi32>, vector<16xi32>, vector<16xi32>], vector<16xf32>,
      %broadcast_in_dim3A_2913 = arith.constant 103 : i32
      %broadcast_in_dim3A_2914 = vector.broadcast %broadcast_in_dim3A_2913 : i32 to vector<16xi32>
      tpu.vector_store_idx %arg8[%add3A_2711, %broadcast_in_dim3A_2914], %gather3A_2912 : memref<32x128xf32, #tpu.memory_space<vmem>>[vector<16xi32>, vector<16xi32>], vector<16xf32>,
      %broadcast_in_dim3A_2915 = arith.constant 40 : i32
      %broadcast_in_dim3A_2916 = vector.broadcast %broadcast_in_dim3A_2915 : i32 to vector<16xi32>
      %gather3A_2917 = tpu.vector_load_idx %arg7[%add3A_2714, %and3A_2708, %broadcast_in_dim3A_2916] : memref<64x8x64xf32, #tpu.memory_space<vmem>>[vector<16xi32>, vector<16xi32>, vector<16xi32>], vector<16xf32>,
      %broadcast_in_dim3A_2918 = arith.constant 104 : i32
      %broadcast_in_dim3A_2919 = vector.broadcast %broadcast_in_dim3A_2918 : i32 to vector<16xi32>
      tpu.vector_store_idx %arg8[%add3A_2711, %broadcast_in_dim3A_2919], %gather3A_2917 : memref<32x128xf32, #tpu.memory_space<vmem>>[vector<16xi32>, vector<16xi32>], vector<16xf32>,
      %broadcast_in_dim3A_2920 = arith.constant 41 : i32
      %broadcast_in_dim3A_2921 = vector.broadcast %broadcast_in_dim3A_2920 : i32 to vector<16xi32>
      %gather3A_2922 = tpu.vector_load_idx %arg7[%add3A_2714, %and3A_2708, %broadcast_in_dim3A_2921] : memref<64x8x64xf32, #tpu.memory_space<vmem>>[vector<16xi32>, vector<16xi32>, vector<16xi32>], vector<16xf32>,
      %broadcast_in_dim3A_2923 = arith.constant 105 : i32
      %broadcast_in_dim3A_2924 = vector.broadcast %broadcast_in_dim3A_2923 : i32 to vector<16xi32>
      tpu.vector_store_idx %arg8[%add3A_2711, %broadcast_in_dim3A_2924], %gather3A_2922 : memref<32x128xf32, #tpu.memory_space<vmem>>[vector<16xi32>, vector<16xi32>], vector<16xf32>,
      %broadcast_in_dim3A_2925 = arith.constant 42 : i32
      %broadcast_in_dim3A_2926 = vector.broadcast %broadcast_in_dim3A_2925 : i32 to vector<16xi32>
      %gather3A_2927 = tpu.vector_load_idx %arg7[%add3A_2714, %and3A_2708, %broadcast_in_dim3A_2926] : memref<64x8x64xf32, #tpu.memory_space<vmem>>[vector<16xi32>, vector<16xi32>, vector<16xi32>], vector<16xf32>,
      %broadcast_in_dim3A_2928 = arith.constant 106 : i32
      %broadcast_in_dim3A_2929 = vector.broadcast %broadcast_in_dim3A_2928 : i32 to vector<16xi32>
      tpu.vector_store_idx %arg8[%add3A_2711, %broadcast_in_dim3A_2929], %gather3A_2927 : memref<32x128xf32, #tpu.memory_space<vmem>>[vector<16xi32>, vector<16xi32>], vector<16xf32>,
      %broadcast_in_dim3A_2930 = arith.constant 43 : i32
      %broadcast_in_dim3A_2931 = vector.broadcast %broadcast_in_dim3A_2930 : i32 to vector<16xi32>
      %gather3A_2932 = tpu.vector_load_idx %arg7[%add3A_2714, %and3A_2708, %broadcast_in_dim3A_2931] : memref<64x8x64xf32, #tpu.memory_space<vmem>>[vector<16xi32>, vector<16xi32>, vector<16xi32>], vector<16xf32>,
      %broadcast_in_dim3A_2933 = arith.constant 107 : i32
      %broadcast_in_dim3A_2934 = vector.broadcast %broadcast_in_dim3A_2933 : i32 to vector<16xi32>
      tpu.vector_store_idx %arg8[%add3A_2711, %broadcast_in_dim3A_2934], %gather3A_2932 : memref<32x128xf32, #tpu.memory_space<vmem>>[vector<16xi32>, vector<16xi32>], vector<16xf32>,
      %broadcast_in_dim3A_2935 = arith.constant 44 : i32
      %broadcast_in_dim3A_2936 = vector.broadcast %broadcast_in_dim3A_2935 : i32 to vector<16xi32>
      %gather3A_2937 = tpu.vector_load_idx %arg7[%add3A_2714, %and3A_2708, %broadcast_in_dim3A_2936] : memref<64x8x64xf32, #tpu.memory_space<vmem>>[vector<16xi32>, vector<16xi32>, vector<16xi32>], vector<16xf32>,
      %broadcast_in_dim3A_2938 = arith.constant 108 : i32
      %broadcast_in_dim3A_2939 = vector.broadcast %broadcast_in_dim3A_2938 : i32 to vector<16xi32>
      tpu.vector_store_idx %arg8[%add3A_2711, %broadcast_in_dim3A_2939], %gather3A_2937 : memref<32x128xf32, #tpu.memory_space<vmem>>[vector<16xi32>, vector<16xi32>], vector<16xf32>,
      %broadcast_in_dim3A_2940 = arith.constant 45 : i32
      %broadcast_in_dim3A_2941 = vector.broadcast %broadcast_in_dim3A_2940 : i32 to vector<16xi32>
      %gather3A_2942 = tpu.vector_load_idx %arg7[%add3A_2714, %and3A_2708, %broadcast_in_dim3A_2941] : memref<64x8x64xf32, #tpu.memory_space<vmem>>[vector<16xi32>, vector<16xi32>, vector<16xi32>], vector<16xf32>,
      %broadcast_in_dim3A_2943 = arith.constant 109 : i32
      %broadcast_in_dim3A_2944 = vector.broadcast %broadcast_in_dim3A_2943 : i32 to vector<16xi32>
      tpu.vector_store_idx %arg8[%add3A_2711, %broadcast_in_dim3A_2944], %gather3A_2942 : memref<32x128xf32, #tpu.memory_space<vmem>>[vector<16xi32>, vector<16xi32>], vector<16xf32>,
      %broadcast_in_dim3A_2945 = arith.constant 46 : i32
      %broadcast_in_dim3A_2946 = vector.broadcast %broadcast_in_dim3A_2945 : i32 to vector<16xi32>
      %gather3A_2947 = tpu.vector_load_idx %arg7[%add3A_2714, %and3A_2708, %broadcast_in_dim3A_2946] : memref<64x8x64xf32, #tpu.memory_space<vmem>>[vector<16xi32>, vector<16xi32>, vector<16xi32>], vector<16xf32>,
      %broadcast_in_dim3A_2948 = arith.constant 110 : i32
      %broadcast_in_dim3A_2949 = vector.broadcast %broadcast_in_dim3A_2948 : i32 to vector<16xi32>
      tpu.vector_store_idx %arg8[%add3A_2711, %broadcast_in_dim3A_2949], %gather3A_2947 : memref<32x128xf32, #tpu.memory_space<vmem>>[vector<16xi32>, vector<16xi32>], vector<16xf32>,
      %broadcast_in_dim3A_2950 = arith.constant 47 : i32
      %broadcast_in_dim3A_2951 = vector.broadcast %broadcast_in_dim3A_2950 : i32 to vector<16xi32>
      %gather3A_2952 = tpu.vector_load_idx %arg7[%add3A_2714, %and3A_2708, %broadcast_in_dim3A_2951] : memref<64x8x64xf32, #tpu.memory_space<vmem>>[vector<16xi32>, vector<16xi32>, vector<16xi32>], vector<16xf32>,
      %broadcast_in_dim3A_2953 = arith.constant 111 : i32
      %broadcast_in_dim3A_2954 = vector.broadcast %broadcast_in_dim3A_2953 : i32 to vector<16xi32>
      tpu.vector_store_idx %arg8[%add3A_2711, %broadcast_in_dim3A_2954], %gather3A_2952 : memref<32x128xf32, #tpu.memory_space<vmem>>[vector<16xi32>, vector<16xi32>], vector<16xf32>,
      %broadcast_in_dim3A_2955 = arith.constant 48 : i32
      %broadcast_in_dim3A_2956 = vector.broadcast %broadcast_in_dim3A_2955 : i32 to vector<16xi32>
      %gather3A_2957 = tpu.vector_load_idx %arg7[%add3A_2714, %and3A_2708, %broadcast_in_dim3A_2956] : memref<64x8x64xf32, #tpu.memory_space<vmem>>[vector<16xi32>, vector<16xi32>, vector<16xi32>], vector<16xf32>,
      %broadcast_in_dim3A_2958 = arith.constant 112 : i32
      %broadcast_in_dim3A_2959 = vector.broadcast %broadcast_in_dim3A_2958 : i32 to vector<16xi32>
      tpu.vector_store_idx %arg8[%add3A_2711, %broadcast_in_dim3A_2959], %gather3A_2957 : memref<32x128xf32, #tpu.memory_space<vmem>>[vector<16xi32>, vector<16xi32>], vector<16xf32>,
      %broadcast_in_dim3A_2960 = arith.constant 49 : i32
      %broadcast_in_dim3A_2961 = vector.broadcast %broadcast_in_dim3A_2960 : i32 to vector<16xi32>
      %gather3A_2962 = tpu.vector_load_idx %arg7[%add3A_2714, %and3A_2708, %broadcast_in_dim3A_2961] : memref<64x8x64xf32, #tpu.memory_space<vmem>>[vector<16xi32>, vector<16xi32>, vector<16xi32>], vector<16xf32>,
      %broadcast_in_dim3A_2963 = arith.constant 113 : i32
      %broadcast_in_dim3A_2964 = vector.broadcast %broadcast_in_dim3A_2963 : i32 to vector<16xi32>
      tpu.vector_store_idx %arg8[%add3A_2711, %broadcast_in_dim3A_2964], %gather3A_2962 : memref<32x128xf32, #tpu.memory_space<vmem>>[vector<16xi32>, vector<16xi32>], vector<16xf32>,
      %broadcast_in_dim3A_2965 = arith.constant 50 : i32
      %broadcast_in_dim3A_2966 = vector.broadcast %broadcast_in_dim3A_2965 : i32 to vector<16xi32>
      %gather3A_2967 = tpu.vector_load_idx %arg7[%add3A_2714, %and3A_2708, %broadcast_in_dim3A_2966] : memref<64x8x64xf32, #tpu.memory_space<vmem>>[vector<16xi32>, vector<16xi32>, vector<16xi32>], vector<16xf32>,
      %broadcast_in_dim3A_2968 = arith.constant 114 : i32
      %broadcast_in_dim3A_2969 = vector.broadcast %broadcast_in_dim3A_2968 : i32 to vector<16xi32>
      tpu.vector_store_idx %arg8[%add3A_2711, %broadcast_in_dim3A_2969], %gather3A_2967 : memref<32x128xf32, #tpu.memory_space<vmem>>[vector<16xi32>, vector<16xi32>], vector<16xf32>,
      %broadcast_in_dim3A_2970 = arith.constant 51 : i32
      %broadcast_in_dim3A_2971 = vector.broadcast %broadcast_in_dim3A_2970 : i32 to vector<16xi32>
      %gather3A_2972 = tpu.vector_load_idx %arg7[%add3A_2714, %and3A_2708, %broadcast_in_dim3A_2971] : memref<64x8x64xf32, #tpu.memory_space<vmem>>[vector<16xi32>, vector<16xi32>, vector<16xi32>], vector<16xf32>,
      %broadcast_in_dim3A_2973 = arith.constant 115 : i32
      %broadcast_in_dim3A_2974 = vector.broadcast %broadcast_in_dim3A_2973 : i32 to vector<16xi32>
      tpu.vector_store_idx %arg8[%add3A_2711, %broadcast_in_dim3A_2974], %gather3A_2972 : memref<32x128xf32, #tpu.memory_space<vmem>>[vector<16xi32>, vector<16xi32>], vector<16xf32>,
      %broadcast_in_dim3A_2975 = arith.constant 52 : i32
      %broadcast_in_dim3A_2976 = vector.broadcast %broadcast_in_dim3A_2975 : i32 to vector<16xi32>
      %gather3A_2977 = tpu.vector_load_idx %arg7[%add3A_2714, %and3A_2708, %broadcast_in_dim3A_2976] : memref<64x8x64xf32, #tpu.memory_space<vmem>>[vector<16xi32>, vector<16xi32>, vector<16xi32>], vector<16xf32>,
      %broadcast_in_dim3A_2978 = arith.constant 116 : i32
      %broadcast_in_dim3A_2979 = vector.broadcast %broadcast_in_dim3A_2978 : i32 to vector<16xi32>
      tpu.vector_store_idx %arg8[%add3A_2711, %broadcast_in_dim3A_2979], %gather3A_2977 : memref<32x128xf32, #tpu.memory_space<vmem>>[vector<16xi32>, vector<16xi32>], vector<16xf32>,
      %broadcast_in_dim3A_2980 = arith.constant 53 : i32
      %broadcast_in_dim3A_2981 = vector.broadcast %broadcast_in_dim3A_2980 : i32 to vector<16xi32>
      %gather3A_2982 = tpu.vector_load_idx %arg7[%add3A_2714, %and3A_2708, %broadcast_in_dim3A_2981] : memref<64x8x64xf32, #tpu.memory_space<vmem>>[vector<16xi32>, vector<16xi32>, vector<16xi32>], vector<16xf32>,
      %broadcast_in_dim3A_2983 = arith.constant 117 : i32
      %broadcast_in_dim3A_2984 = vector.broadcast %broadcast_in_dim3A_2983 : i32 to vector<16xi32>
      tpu.vector_store_idx %arg8[%add3A_2711, %broadcast_in_dim3A_2984], %gather3A_2982 : memref<32x128xf32, #tpu.memory_space<vmem>>[vector<16xi32>, vector<16xi32>], vector<16xf32>,
      %broadcast_in_dim3A_2985 = arith.constant 54 : i32
      %broadcast_in_dim3A_2986 = vector.broadcast %broadcast_in_dim3A_2985 : i32 to vector<16xi32>
      %gather3A_2987 = tpu.vector_load_idx %arg7[%add3A_2714, %and3A_2708, %broadcast_in_dim3A_2986] : memref<64x8x64xf32, #tpu.memory_space<vmem>>[vector<16xi32>, vector<16xi32>, vector<16xi32>], vector<16xf32>,
      %broadcast_in_dim3A_2988 = arith.constant 118 : i32
      %broadcast_in_dim3A_2989 = vector.broadcast %broadcast_in_dim3A_2988 : i32 to vector<16xi32>
      tpu.vector_store_idx %arg8[%add3A_2711, %broadcast_in_dim3A_2989], %gather3A_2987 : memref<32x128xf32, #tpu.memory_space<vmem>>[vector<16xi32>, vector<16xi32>], vector<16xf32>,
      %broadcast_in_dim3A_2990 = arith.constant 55 : i32
      %broadcast_in_dim3A_2991 = vector.broadcast %broadcast_in_dim3A_2990 : i32 to vector<16xi32>
      %gather3A_2992 = tpu.vector_load_idx %arg7[%add3A_2714, %and3A_2708, %broadcast_in_dim3A_2991] : memref<64x8x64xf32, #tpu.memory_space<vmem>>[vector<16xi32>, vector<16xi32>, vector<16xi32>], vector<16xf32>,
      %broadcast_in_dim3A_2993 = arith.constant 119 : i32
      %broadcast_in_dim3A_2994 = vector.broadcast %broadcast_in_dim3A_2993 : i32 to vector<16xi32>
      tpu.vector_store_idx %arg8[%add3A_2711, %broadcast_in_dim3A_2994], %gather3A_2992 : memref<32x128xf32, #tpu.memory_space<vmem>>[vector<16xi32>, vector<16xi32>], vector<16xf32>,
      %broadcast_in_dim3A_2995 = arith.constant 56 : i32
      %broadcast_in_dim3A_2996 = vector.broadcast %broadcast_in_dim3A_2995 : i32 to vector<16xi32>
      %gather3A_2997 = tpu.vector_load_idx %arg7[%add3A_2714, %and3A_2708, %broadcast_in_dim3A_2996] : memref<64x8x64xf32, #tpu.memory_space<vmem>>[vector<16xi32>, vector<16xi32>, vector<16xi32>], vector<16xf32>,
      %broadcast_in_dim3A_2998 = arith.constant 120 : i32
      %broadcast_in_dim3A_2999 = vector.broadcast %broadcast_in_dim3A_2998 : i32 to vector<16xi32>
      tpu.vector_store_idx %arg8[%add3A_2711, %broadcast_in_dim3A_2999], %gather3A_2997 : memref<32x128xf32, #tpu.memory_space<vmem>>[vector<16xi32>, vector<16xi32>], vector<16xf32>,
      %broadcast_in_dim3A_3000 = arith.constant 57 : i32
      %broadcast_in_dim3A_3001 = vector.broadcast %broadcast_in_dim3A_3000 : i32 to vector<16xi32>
      %gather3A_3002 = tpu.vector_load_idx %arg7[%add3A_2714, %and3A_2708, %broadcast_in_dim3A_3001] : memref<64x8x64xf32, #tpu.memory_space<vmem>>[vector<16xi32>, vector<16xi32>, vector<16xi32>], vector<16xf32>,
      %broadcast_in_dim3A_3003 = arith.constant 121 : i32
      %broadcast_in_dim3A_3004 = vector.broadcast %broadcast_in_dim3A_3003 : i32 to vector<16xi32>
      tpu.vector_store_idx %arg8[%add3A_2711, %broadcast_in_dim3A_3004], %gather3A_3002 : memref<32x128xf32, #tpu.memory_space<vmem>>[vector<16xi32>, vector<16xi32>], vector<16xf32>,
      %broadcast_in_dim3A_3005 = arith.constant 58 : i32
      %broadcast_in_dim3A_3006 = vector.broadcast %broadcast_in_dim3A_3005 : i32 to vector<16xi32>
      %gather3A_3007 = tpu.vector_load_idx %arg7[%add3A_2714, %and3A_2708, %broadcast_in_dim3A_3006] : memref<64x8x64xf32, #tpu.memory_space<vmem>>[vector<16xi32>, vector<16xi32>, vector<16xi32>], vector<16xf32>,
      %broadcast_in_dim3A_3008 = arith.constant 122 : i32
      %broadcast_in_dim3A_3009 = vector.broadcast %broadcast_in_dim3A_3008 : i32 to vector<16xi32>
      tpu.vector_store_idx %arg8[%add3A_2711, %broadcast_in_dim3A_3009], %gather3A_3007 : memref<32x128xf32, #tpu.memory_space<vmem>>[vector<16xi32>, vector<16xi32>], vector<16xf32>,
      %broadcast_in_dim3A_3010 = arith.constant 59 : i32
      %broadcast_in_dim3A_3011 = vector.broadcast %broadcast_in_dim3A_3010 : i32 to vector<16xi32>
      %gather3A_3012 = tpu.vector_load_idx %arg7[%add3A_2714, %and3A_2708, %broadcast_in_dim3A_3011] : memref<64x8x64xf32, #tpu.memory_space<vmem>>[vector<16xi32>, vector<16xi32>, vector<16xi32>], vector<16xf32>,
      %broadcast_in_dim3A_3013 = arith.constant 123 : i32
      %broadcast_in_dim3A_3014 = vector.broadcast %broadcast_in_dim3A_3013 : i32 to vector<16xi32>
      tpu.vector_store_idx %arg8[%add3A_2711, %broadcast_in_dim3A_3014], %gather3A_3012 : memref<32x128xf32, #tpu.memory_space<vmem>>[vector<16xi32>, vector<16xi32>], vector<16xf32>,
      %broadcast_in_dim3A_3015 = arith.constant 60 : i32
      %broadcast_in_dim3A_3016 = vector.broadcast %broadcast_in_dim3A_3015 : i32 to vector<16xi32>
      %gather3A_3017 = tpu.vector_load_idx %arg7[%add3A_2714, %and3A_2708, %broadcast_in_dim3A_3016] : memref<64x8x64xf32, #tpu.memory_space<vmem>>[vector<16xi32>, vector<16xi32>, vector<16xi32>], vector<16xf32>,
      %broadcast_in_dim3A_3018 = arith.constant 124 : i32
      %broadcast_in_dim3A_3019 = vector.broadcast %broadcast_in_dim3A_3018 : i32 to vector<16xi32>
      tpu.vector_store_idx %arg8[%add3A_2711, %broadcast_in_dim3A_3019], %gather3A_3017 : memref<32x128xf32, #tpu.memory_space<vmem>>[vector<16xi32>, vector<16xi32>], vector<16xf32>,
      %broadcast_in_dim3A_3020 = arith.constant 61 : i32
      %broadcast_in_dim3A_3021 = vector.broadcast %broadcast_in_dim3A_3020 : i32 to vector<16xi32>
      %gather3A_3022 = tpu.vector_load_idx %arg7[%add3A_2714, %and3A_2708, %broadcast_in_dim3A_3021] : memref<64x8x64xf32, #tpu.memory_space<vmem>>[vector<16xi32>, vector<16xi32>, vector<16xi32>], vector<16xf32>,
      %broadcast_in_dim3A_3023 = arith.constant 125 : i32
      %broadcast_in_dim3A_3024 = vector.broadcast %broadcast_in_dim3A_3023 : i32 to vector<16xi32>
      tpu.vector_store_idx %arg8[%add3A_2711, %broadcast_in_dim3A_3024], %gather3A_3022 : memref<32x128xf32, #tpu.memory_space<vmem>>[vector<16xi32>, vector<16xi32>], vector<16xf32>,
      %broadcast_in_dim3A_3025 = arith.constant 62 : i32
      %broadcast_in_dim3A_3026 = vector.broadcast %broadcast_in_dim3A_3025 : i32 to vector<16xi32>
      %gather3A_3027 = tpu.vector_load_idx %arg7[%add3A_2714, %and3A_2708, %broadcast_in_dim3A_3026] : memref<64x8x64xf32, #tpu.memory_space<vmem>>[vector<16xi32>, vector<16xi32>, vector<16xi32>], vector<16xf32>,
      %broadcast_in_dim3A_3028 = arith.constant 126 : i32
      %broadcast_in_dim3A_3029 = vector.broadcast %broadcast_in_dim3A_3028 : i32 to vector<16xi32>
      tpu.vector_store_idx %arg8[%add3A_2711, %broadcast_in_dim3A_3029], %gather3A_3027 : memref<32x128xf32, #tpu.memory_space<vmem>>[vector<16xi32>, vector<16xi32>], vector<16xf32>,
      %broadcast_in_dim3A_3030 = arith.constant 63 : i32
      %broadcast_in_dim3A_3031 = vector.broadcast %broadcast_in_dim3A_3030 : i32 to vector<16xi32>
      %gather3A_3032 = tpu.vector_load_idx %arg7[%add3A_2714, %and3A_2708, %broadcast_in_dim3A_3031] : memref<64x8x64xf32, #tpu.memory_space<vmem>>[vector<16xi32>, vector<16xi32>, vector<16xi32>], vector<16xf32>,
      %broadcast_in_dim3A_3033 = arith.constant 127 : i32
      %broadcast_in_dim3A_3034 = vector.broadcast %broadcast_in_dim3A_3033 : i32 to vector<16xi32>
      tpu.vector_store_idx %arg8[%add3A_2711, %broadcast_in_dim3A_3034], %gather3A_3032 : memref<32x128xf32, #tpu.memory_space<vmem>>[vector<16xi32>, vector<16xi32>], vector<16xf32>,
      %mul3A_3035 = arith.constant 32 : i32
      %mul3A_3036 = arith.muli %scan3A_8, %mul3A_3035 : i32
      %add3A_3037 = arith.constant 512 : i32
      %add3A_3038 = arith.addi %add3A_3037, %mul3A_3036 : i32
      %add3A_3039 = arith.constant 16 : i32
      %add3A_3040 = arith.addi %add3A_3038, %add3A_3039 : i32
      %get3A_3041 = arith.index_cast %add3A_3040 : i32 to index
      %get3A_3042 = tpu.vector_load %arg6[%get3A_3041] {strides = array<i32>} : memref<1024xi32, #tpu.memory_space<vmem>>, vector<16xi32>,
      %and3A_3043 = arith.constant 7 : i32
      %and3A_3044 = vector.broadcast %and3A_3043 : i32 to vector<16xi32>
      %and3A_3045 = arith.andi %get3A_3042, %and3A_3044 : vector<16xi32>
      %add3A_3046 = arith.constant 16 : i32
      %add3A_3047 = vector.broadcast %add3A_3046 : i32 to vector<16xi32>
      %add3A_3048 = arith.addi %iota3A, %add3A_3047 : vector<16xi32>
      %add3A_3049 = arith.constant 32 : i32
      %add3A_3050 = vector.broadcast %add3A_3049 : i32 to vector<16xi32>
      %add3A_3051 = arith.addi %add3A_3048, %add3A_3050 : vector<16xi32>
      %broadcast_in_dim3A_3052 = arith.constant 0 : i32
      %broadcast_in_dim3A_3053 = vector.broadcast %broadcast_in_dim3A_3052 : i32 to vector<16xi32>
      %gather3A_3054 = tpu.vector_load_idx %arg7[%add3A_3051, %and3A_3045, %broadcast_in_dim3A_3053] : memref<64x8x64xf32, #tpu.memory_space<vmem>>[vector<16xi32>, vector<16xi32>, vector<16xi32>], vector<16xf32>,
      %broadcast_in_dim3A_3055 = arith.constant 64 : i32
      %broadcast_in_dim3A_3056 = vector.broadcast %broadcast_in_dim3A_3055 : i32 to vector<16xi32>
      tpu.vector_store_idx %arg8[%add3A_3048, %broadcast_in_dim3A_3056], %gather3A_3054 : memref<32x128xf32, #tpu.memory_space<vmem>>[vector<16xi32>, vector<16xi32>], vector<16xf32>,
      %broadcast_in_dim3A_3057 = arith.constant 1 : i32
      %broadcast_in_dim3A_3058 = vector.broadcast %broadcast_in_dim3A_3057 : i32 to vector<16xi32>
      %gather3A_3059 = tpu.vector_load_idx %arg7[%add3A_3051, %and3A_3045, %broadcast_in_dim3A_3058] : memref<64x8x64xf32, #tpu.memory_space<vmem>>[vector<16xi32>, vector<16xi32>, vector<16xi32>], vector<16xf32>,
      %broadcast_in_dim3A_3060 = arith.constant 65 : i32
      %broadcast_in_dim3A_3061 = vector.broadcast %broadcast_in_dim3A_3060 : i32 to vector<16xi32>
      tpu.vector_store_idx %arg8[%add3A_3048, %broadcast_in_dim3A_3061], %gather3A_3059 : memref<32x128xf32, #tpu.memory_space<vmem>>[vector<16xi32>, vector<16xi32>], vector<16xf32>,
      %broadcast_in_dim3A_3062 = arith.constant 2 : i32
      %broadcast_in_dim3A_3063 = vector.broadcast %broadcast_in_dim3A_3062 : i32 to vector<16xi32>
      %gather3A_3064 = tpu.vector_load_idx %arg7[%add3A_3051, %and3A_3045, %broadcast_in_dim3A_3063] : memref<64x8x64xf32, #tpu.memory_space<vmem>>[vector<16xi32>, vector<16xi32>, vector<16xi32>], vector<16xf32>,
      %broadcast_in_dim3A_3065 = arith.constant 66 : i32
      %broadcast_in_dim3A_3066 = vector.broadcast %broadcast_in_dim3A_3065 : i32 to vector<16xi32>
      tpu.vector_store_idx %arg8[%add3A_3048, %broadcast_in_dim3A_3066], %gather3A_3064 : memref<32x128xf32, #tpu.memory_space<vmem>>[vector<16xi32>, vector<16xi32>], vector<16xf32>,
      %broadcast_in_dim3A_3067 = arith.constant 3 : i32
      %broadcast_in_dim3A_3068 = vector.broadcast %broadcast_in_dim3A_3067 : i32 to vector<16xi32>
      %gather3A_3069 = tpu.vector_load_idx %arg7[%add3A_3051, %and3A_3045, %broadcast_in_dim3A_3068] : memref<64x8x64xf32, #tpu.memory_space<vmem>>[vector<16xi32>, vector<16xi32>, vector<16xi32>], vector<16xf32>,
      %broadcast_in_dim3A_3070 = arith.constant 67 : i32
      %broadcast_in_dim3A_3071 = vector.broadcast %broadcast_in_dim3A_3070 : i32 to vector<16xi32>
      tpu.vector_store_idx %arg8[%add3A_3048, %broadcast_in_dim3A_3071], %gather3A_3069 : memref<32x128xf32, #tpu.memory_space<vmem>>[vector<16xi32>, vector<16xi32>], vector<16xf32>,
      %broadcast_in_dim3A_3072 = arith.constant 4 : i32
      %broadcast_in_dim3A_3073 = vector.broadcast %broadcast_in_dim3A_3072 : i32 to vector<16xi32>
      %gather3A_3074 = tpu.vector_load_idx %arg7[%add3A_3051, %and3A_3045, %broadcast_in_dim3A_3073] : memref<64x8x64xf32, #tpu.memory_space<vmem>>[vector<16xi32>, vector<16xi32>, vector<16xi32>], vector<16xf32>,
      %broadcast_in_dim3A_3075 = arith.constant 68 : i32
      %broadcast_in_dim3A_3076 = vector.broadcast %broadcast_in_dim3A_3075 : i32 to vector<16xi32>
      tpu.vector_store_idx %arg8[%add3A_3048, %broadcast_in_dim3A_3076], %gather3A_3074 : memref<32x128xf32, #tpu.memory_space<vmem>>[vector<16xi32>, vector<16xi32>], vector<16xf32>,
      %broadcast_in_dim3A_3077 = arith.constant 5 : i32
      %broadcast_in_dim3A_3078 = vector.broadcast %broadcast_in_dim3A_3077 : i32 to vector<16xi32>
      %gather3A_3079 = tpu.vector_load_idx %arg7[%add3A_3051, %and3A_3045, %broadcast_in_dim3A_3078] : memref<64x8x64xf32, #tpu.memory_space<vmem>>[vector<16xi32>, vector<16xi32>, vector<16xi32>], vector<16xf32>,
      %broadcast_in_dim3A_3080 = arith.constant 69 : i32
      %broadcast_in_dim3A_3081 = vector.broadcast %broadcast_in_dim3A_3080 : i32 to vector<16xi32>
      tpu.vector_store_idx %arg8[%add3A_3048, %broadcast_in_dim3A_3081], %gather3A_3079 : memref<32x128xf32, #tpu.memory_space<vmem>>[vector<16xi32>, vector<16xi32>], vector<16xf32>,
      %broadcast_in_dim3A_3082 = arith.constant 6 : i32
      %broadcast_in_dim3A_3083 = vector.broadcast %broadcast_in_dim3A_3082 : i32 to vector<16xi32>
      %gather3A_3084 = tpu.vector_load_idx %arg7[%add3A_3051, %and3A_3045, %broadcast_in_dim3A_3083] : memref<64x8x64xf32, #tpu.memory_space<vmem>>[vector<16xi32>, vector<16xi32>, vector<16xi32>], vector<16xf32>,
      %broadcast_in_dim3A_3085 = arith.constant 70 : i32
      %broadcast_in_dim3A_3086 = vector.broadcast %broadcast_in_dim3A_3085 : i32 to vector<16xi32>
      tpu.vector_store_idx %arg8[%add3A_3048, %broadcast_in_dim3A_3086], %gather3A_3084 : memref<32x128xf32, #tpu.memory_space<vmem>>[vector<16xi32>, vector<16xi32>], vector<16xf32>,
      %broadcast_in_dim3A_3087 = arith.constant 7 : i32
      %broadcast_in_dim3A_3088 = vector.broadcast %broadcast_in_dim3A_3087 : i32 to vector<16xi32>
      %gather3A_3089 = tpu.vector_load_idx %arg7[%add3A_3051, %and3A_3045, %broadcast_in_dim3A_3088] : memref<64x8x64xf32, #tpu.memory_space<vmem>>[vector<16xi32>, vector<16xi32>, vector<16xi32>], vector<16xf32>,
      %broadcast_in_dim3A_3090 = arith.constant 71 : i32
      %broadcast_in_dim3A_3091 = vector.broadcast %broadcast_in_dim3A_3090 : i32 to vector<16xi32>
      tpu.vector_store_idx %arg8[%add3A_3048, %broadcast_in_dim3A_3091], %gather3A_3089 : memref<32x128xf32, #tpu.memory_space<vmem>>[vector<16xi32>, vector<16xi32>], vector<16xf32>,
      %broadcast_in_dim3A_3092 = arith.constant 8 : i32
      %broadcast_in_dim3A_3093 = vector.broadcast %broadcast_in_dim3A_3092 : i32 to vector<16xi32>
      %gather3A_3094 = tpu.vector_load_idx %arg7[%add3A_3051, %and3A_3045, %broadcast_in_dim3A_3093] : memref<64x8x64xf32, #tpu.memory_space<vmem>>[vector<16xi32>, vector<16xi32>, vector<16xi32>], vector<16xf32>,
      %broadcast_in_dim3A_3095 = arith.constant 72 : i32
      %broadcast_in_dim3A_3096 = vector.broadcast %broadcast_in_dim3A_3095 : i32 to vector<16xi32>
      tpu.vector_store_idx %arg8[%add3A_3048, %broadcast_in_dim3A_3096], %gather3A_3094 : memref<32x128xf32, #tpu.memory_space<vmem>>[vector<16xi32>, vector<16xi32>], vector<16xf32>,
      %broadcast_in_dim3A_3097 = arith.constant 9 : i32
      %broadcast_in_dim3A_3098 = vector.broadcast %broadcast_in_dim3A_3097 : i32 to vector<16xi32>
      %gather3A_3099 = tpu.vector_load_idx %arg7[%add3A_3051, %and3A_3045, %broadcast_in_dim3A_3098] : memref<64x8x64xf32, #tpu.memory_space<vmem>>[vector<16xi32>, vector<16xi32>, vector<16xi32>], vector<16xf32>,
      %broadcast_in_dim3A_3100 = arith.constant 73 : i32
      %broadcast_in_dim3A_3101 = vector.broadcast %broadcast_in_dim3A_3100 : i32 to vector<16xi32>
      tpu.vector_store_idx %arg8[%add3A_3048, %broadcast_in_dim3A_3101], %gather3A_3099 : memref<32x128xf32, #tpu.memory_space<vmem>>[vector<16xi32>, vector<16xi32>], vector<16xf32>,
      %broadcast_in_dim3A_3102 = arith.constant 10 : i32
      %broadcast_in_dim3A_3103 = vector.broadcast %broadcast_in_dim3A_3102 : i32 to vector<16xi32>
      %gather3A_3104 = tpu.vector_load_idx %arg7[%add3A_3051, %and3A_3045, %broadcast_in_dim3A_3103] : memref<64x8x64xf32, #tpu.memory_space<vmem>>[vector<16xi32>, vector<16xi32>, vector<16xi32>], vector<16xf32>,
      %broadcast_in_dim3A_3105 = arith.constant 74 : i32
      %broadcast_in_dim3A_3106 = vector.broadcast %broadcast_in_dim3A_3105 : i32 to vector<16xi32>
      tpu.vector_store_idx %arg8[%add3A_3048, %broadcast_in_dim3A_3106], %gather3A_3104 : memref<32x128xf32, #tpu.memory_space<vmem>>[vector<16xi32>, vector<16xi32>], vector<16xf32>,
      %broadcast_in_dim3A_3107 = arith.constant 11 : i32
      %broadcast_in_dim3A_3108 = vector.broadcast %broadcast_in_dim3A_3107 : i32 to vector<16xi32>
      %gather3A_3109 = tpu.vector_load_idx %arg7[%add3A_3051, %and3A_3045, %broadcast_in_dim3A_3108] : memref<64x8x64xf32, #tpu.memory_space<vmem>>[vector<16xi32>, vector<16xi32>, vector<16xi32>], vector<16xf32>,
      %broadcast_in_dim3A_3110 = arith.constant 75 : i32
      %broadcast_in_dim3A_3111 = vector.broadcast %broadcast_in_dim3A_3110 : i32 to vector<16xi32>
      tpu.vector_store_idx %arg8[%add3A_3048, %broadcast_in_dim3A_3111], %gather3A_3109 : memref<32x128xf32, #tpu.memory_space<vmem>>[vector<16xi32>, vector<16xi32>], vector<16xf32>,
      %broadcast_in_dim3A_3112 = arith.constant 12 : i32
      %broadcast_in_dim3A_3113 = vector.broadcast %broadcast_in_dim3A_3112 : i32 to vector<16xi32>
      %gather3A_3114 = tpu.vector_load_idx %arg7[%add3A_3051, %and3A_3045, %broadcast_in_dim3A_3113] : memref<64x8x64xf32, #tpu.memory_space<vmem>>[vector<16xi32>, vector<16xi32>, vector<16xi32>], vector<16xf32>,
      %broadcast_in_dim3A_3115 = arith.constant 76 : i32
      %broadcast_in_dim3A_3116 = vector.broadcast %broadcast_in_dim3A_3115 : i32 to vector<16xi32>
      tpu.vector_store_idx %arg8[%add3A_3048, %broadcast_in_dim3A_3116], %gather3A_3114 : memref<32x128xf32, #tpu.memory_space<vmem>>[vector<16xi32>, vector<16xi32>], vector<16xf32>,
      %broadcast_in_dim3A_3117 = arith.constant 13 : i32
      %broadcast_in_dim3A_3118 = vector.broadcast %broadcast_in_dim3A_3117 : i32 to vector<16xi32>
      %gather3A_3119 = tpu.vector_load_idx %arg7[%add3A_3051, %and3A_3045, %broadcast_in_dim3A_3118] : memref<64x8x64xf32, #tpu.memory_space<vmem>>[vector<16xi32>, vector<16xi32>, vector<16xi32>], vector<16xf32>,
      %broadcast_in_dim3A_3120 = arith.constant 77 : i32
      %broadcast_in_dim3A_3121 = vector.broadcast %broadcast_in_dim3A_3120 : i32 to vector<16xi32>
      tpu.vector_store_idx %arg8[%add3A_3048, %broadcast_in_dim3A_3121], %gather3A_3119 : memref<32x128xf32, #tpu.memory_space<vmem>>[vector<16xi32>, vector<16xi32>], vector<16xf32>,
      %broadcast_in_dim3A_3122 = arith.constant 14 : i32
      %broadcast_in_dim3A_3123 = vector.broadcast %broadcast_in_dim3A_3122 : i32 to vector<16xi32>
      %gather3A_3124 = tpu.vector_load_idx %arg7[%add3A_3051, %and3A_3045, %broadcast_in_dim3A_3123] : memref<64x8x64xf32, #tpu.memory_space<vmem>>[vector<16xi32>, vector<16xi32>, vector<16xi32>], vector<16xf32>,
      %broadcast_in_dim3A_3125 = arith.constant 78 : i32
      %broadcast_in_dim3A_3126 = vector.broadcast %broadcast_in_dim3A_3125 : i32 to vector<16xi32>
      tpu.vector_store_idx %arg8[%add3A_3048, %broadcast_in_dim3A_3126], %gather3A_3124 : memref<32x128xf32, #tpu.memory_space<vmem>>[vector<16xi32>, vector<16xi32>], vector<16xf32>,
      %broadcast_in_dim3A_3127 = arith.constant 15 : i32
      %broadcast_in_dim3A_3128 = vector.broadcast %broadcast_in_dim3A_3127 : i32 to vector<16xi32>
      %gather3A_3129 = tpu.vector_load_idx %arg7[%add3A_3051, %and3A_3045, %broadcast_in_dim3A_3128] : memref<64x8x64xf32, #tpu.memory_space<vmem>>[vector<16xi32>, vector<16xi32>, vector<16xi32>], vector<16xf32>,
      %broadcast_in_dim3A_3130 = arith.constant 79 : i32
      %broadcast_in_dim3A_3131 = vector.broadcast %broadcast_in_dim3A_3130 : i32 to vector<16xi32>
      tpu.vector_store_idx %arg8[%add3A_3048, %broadcast_in_dim3A_3131], %gather3A_3129 : memref<32x128xf32, #tpu.memory_space<vmem>>[vector<16xi32>, vector<16xi32>], vector<16xf32>,
      %broadcast_in_dim3A_3132 = arith.constant 16 : i32
      %broadcast_in_dim3A_3133 = vector.broadcast %broadcast_in_dim3A_3132 : i32 to vector<16xi32>
      %gather3A_3134 = tpu.vector_load_idx %arg7[%add3A_3051, %and3A_3045, %broadcast_in_dim3A_3133] : memref<64x8x64xf32, #tpu.memory_space<vmem>>[vector<16xi32>, vector<16xi32>, vector<16xi32>], vector<16xf32>,
      %broadcast_in_dim3A_3135 = arith.constant 80 : i32
      %broadcast_in_dim3A_3136 = vector.broadcast %broadcast_in_dim3A_3135 : i32 to vector<16xi32>
      tpu.vector_store_idx %arg8[%add3A_3048, %broadcast_in_dim3A_3136], %gather3A_3134 : memref<32x128xf32, #tpu.memory_space<vmem>>[vector<16xi32>, vector<16xi32>], vector<16xf32>,
      %broadcast_in_dim3A_3137 = arith.constant 17 : i32
      %broadcast_in_dim3A_3138 = vector.broadcast %broadcast_in_dim3A_3137 : i32 to vector<16xi32>
      %gather3A_3139 = tpu.vector_load_idx %arg7[%add3A_3051, %and3A_3045, %broadcast_in_dim3A_3138] : memref<64x8x64xf32, #tpu.memory_space<vmem>>[vector<16xi32>, vector<16xi32>, vector<16xi32>], vector<16xf32>,
      %broadcast_in_dim3A_3140 = arith.constant 81 : i32
      %broadcast_in_dim3A_3141 = vector.broadcast %broadcast_in_dim3A_3140 : i32 to vector<16xi32>
      tpu.vector_store_idx %arg8[%add3A_3048, %broadcast_in_dim3A_3141], %gather3A_3139 : memref<32x128xf32, #tpu.memory_space<vmem>>[vector<16xi32>, vector<16xi32>], vector<16xf32>,
      %broadcast_in_dim3A_3142 = arith.constant 18 : i32
      %broadcast_in_dim3A_3143 = vector.broadcast %broadcast_in_dim3A_3142 : i32 to vector<16xi32>
      %gather3A_3144 = tpu.vector_load_idx %arg7[%add3A_3051, %and3A_3045, %broadcast_in_dim3A_3143] : memref<64x8x64xf32, #tpu.memory_space<vmem>>[vector<16xi32>, vector<16xi32>, vector<16xi32>], vector<16xf32>,
      %broadcast_in_dim3A_3145 = arith.constant 82 : i32
      %broadcast_in_dim3A_3146 = vector.broadcast %broadcast_in_dim3A_3145 : i32 to vector<16xi32>
      tpu.vector_store_idx %arg8[%add3A_3048, %broadcast_in_dim3A_3146], %gather3A_3144 : memref<32x128xf32, #tpu.memory_space<vmem>>[vector<16xi32>, vector<16xi32>], vector<16xf32>,
      %broadcast_in_dim3A_3147 = arith.constant 19 : i32
      %broadcast_in_dim3A_3148 = vector.broadcast %broadcast_in_dim3A_3147 : i32 to vector<16xi32>
      %gather3A_3149 = tpu.vector_load_idx %arg7[%add3A_3051, %and3A_3045, %broadcast_in_dim3A_3148] : memref<64x8x64xf32, #tpu.memory_space<vmem>>[vector<16xi32>, vector<16xi32>, vector<16xi32>], vector<16xf32>,
      %broadcast_in_dim3A_3150 = arith.constant 83 : i32
      %broadcast_in_dim3A_3151 = vector.broadcast %broadcast_in_dim3A_3150 : i32 to vector<16xi32>
      tpu.vector_store_idx %arg8[%add3A_3048, %broadcast_in_dim3A_3151], %gather3A_3149 : memref<32x128xf32, #tpu.memory_space<vmem>>[vector<16xi32>, vector<16xi32>], vector<16xf32>,
      %broadcast_in_dim3A_3152 = arith.constant 20 : i32
      %broadcast_in_dim3A_3153 = vector.broadcast %broadcast_in_dim3A_3152 : i32 to vector<16xi32>
      %gather3A_3154 = tpu.vector_load_idx %arg7[%add3A_3051, %and3A_3045, %broadcast_in_dim3A_3153] : memref<64x8x64xf32, #tpu.memory_space<vmem>>[vector<16xi32>, vector<16xi32>, vector<16xi32>], vector<16xf32>,
      %broadcast_in_dim3A_3155 = arith.constant 84 : i32
      %broadcast_in_dim3A_3156 = vector.broadcast %broadcast_in_dim3A_3155 : i32 to vector<16xi32>
      tpu.vector_store_idx %arg8[%add3A_3048, %broadcast_in_dim3A_3156], %gather3A_3154 : memref<32x128xf32, #tpu.memory_space<vmem>>[vector<16xi32>, vector<16xi32>], vector<16xf32>,
      %broadcast_in_dim3A_3157 = arith.constant 21 : i32
      %broadcast_in_dim3A_3158 = vector.broadcast %broadcast_in_dim3A_3157 : i32 to vector<16xi32>
      %gather3A_3159 = tpu.vector_load_idx %arg7[%add3A_3051, %and3A_3045, %broadcast_in_dim3A_3158] : memref<64x8x64xf32, #tpu.memory_space<vmem>>[vector<16xi32>, vector<16xi32>, vector<16xi32>], vector<16xf32>,
      %broadcast_in_dim3A_3160 = arith.constant 85 : i32
      %broadcast_in_dim3A_3161 = vector.broadcast %broadcast_in_dim3A_3160 : i32 to vector<16xi32>
      tpu.vector_store_idx %arg8[%add3A_3048, %broadcast_in_dim3A_3161], %gather3A_3159 : memref<32x128xf32, #tpu.memory_space<vmem>>[vector<16xi32>, vector<16xi32>], vector<16xf32>,
      %broadcast_in_dim3A_3162 = arith.constant 22 : i32
      %broadcast_in_dim3A_3163 = vector.broadcast %broadcast_in_dim3A_3162 : i32 to vector<16xi32>
      %gather3A_3164 = tpu.vector_load_idx %arg7[%add3A_3051, %and3A_3045, %broadcast_in_dim3A_3163] : memref<64x8x64xf32, #tpu.memory_space<vmem>>[vector<16xi32>, vector<16xi32>, vector<16xi32>], vector<16xf32>,
      %broadcast_in_dim3A_3165 = arith.constant 86 : i32
      %broadcast_in_dim3A_3166 = vector.broadcast %broadcast_in_dim3A_3165 : i32 to vector<16xi32>
      tpu.vector_store_idx %arg8[%add3A_3048, %broadcast_in_dim3A_3166], %gather3A_3164 : memref<32x128xf32, #tpu.memory_space<vmem>>[vector<16xi32>, vector<16xi32>], vector<16xf32>,
      %broadcast_in_dim3A_3167 = arith.constant 23 : i32
      %broadcast_in_dim3A_3168 = vector.broadcast %broadcast_in_dim3A_3167 : i32 to vector<16xi32>
      %gather3A_3169 = tpu.vector_load_idx %arg7[%add3A_3051, %and3A_3045, %broadcast_in_dim3A_3168] : memref<64x8x64xf32, #tpu.memory_space<vmem>>[vector<16xi32>, vector<16xi32>, vector<16xi32>], vector<16xf32>,
      %broadcast_in_dim3A_3170 = arith.constant 87 : i32
      %broadcast_in_dim3A_3171 = vector.broadcast %broadcast_in_dim3A_3170 : i32 to vector<16xi32>
      tpu.vector_store_idx %arg8[%add3A_3048, %broadcast_in_dim3A_3171], %gather3A_3169 : memref<32x128xf32, #tpu.memory_space<vmem>>[vector<16xi32>, vector<16xi32>], vector<16xf32>,
      %broadcast_in_dim3A_3172 = arith.constant 24 : i32
      %broadcast_in_dim3A_3173 = vector.broadcast %broadcast_in_dim3A_3172 : i32 to vector<16xi32>
      %gather3A_3174 = tpu.vector_load_idx %arg7[%add3A_3051, %and3A_3045, %broadcast_in_dim3A_3173] : memref<64x8x64xf32, #tpu.memory_space<vmem>>[vector<16xi32>, vector<16xi32>, vector<16xi32>], vector<16xf32>,
      %broadcast_in_dim3A_3175 = arith.constant 88 : i32
      %broadcast_in_dim3A_3176 = vector.broadcast %broadcast_in_dim3A_3175 : i32 to vector<16xi32>
      tpu.vector_store_idx %arg8[%add3A_3048, %broadcast_in_dim3A_3176], %gather3A_3174 : memref<32x128xf32, #tpu.memory_space<vmem>>[vector<16xi32>, vector<16xi32>], vector<16xf32>,
      %broadcast_in_dim3A_3177 = arith.constant 25 : i32
      %broadcast_in_dim3A_3178 = vector.broadcast %broadcast_in_dim3A_3177 : i32 to vector<16xi32>
      %gather3A_3179 = tpu.vector_load_idx %arg7[%add3A_3051, %and3A_3045, %broadcast_in_dim3A_3178] : memref<64x8x64xf32, #tpu.memory_space<vmem>>[vector<16xi32>, vector<16xi32>, vector<16xi32>], vector<16xf32>,
      %broadcast_in_dim3A_3180 = arith.constant 89 : i32
      %broadcast_in_dim3A_3181 = vector.broadcast %broadcast_in_dim3A_3180 : i32 to vector<16xi32>
      tpu.vector_store_idx %arg8[%add3A_3048, %broadcast_in_dim3A_3181], %gather3A_3179 : memref<32x128xf32, #tpu.memory_space<vmem>>[vector<16xi32>, vector<16xi32>], vector<16xf32>,
      %broadcast_in_dim3A_3182 = arith.constant 26 : i32
      %broadcast_in_dim3A_3183 = vector.broadcast %broadcast_in_dim3A_3182 : i32 to vector<16xi32>
      %gather3A_3184 = tpu.vector_load_idx %arg7[%add3A_3051, %and3A_3045, %broadcast_in_dim3A_3183] : memref<64x8x64xf32, #tpu.memory_space<vmem>>[vector<16xi32>, vector<16xi32>, vector<16xi32>], vector<16xf32>,
      %broadcast_in_dim3A_3185 = arith.constant 90 : i32
      %broadcast_in_dim3A_3186 = vector.broadcast %broadcast_in_dim3A_3185 : i32 to vector<16xi32>
      tpu.vector_store_idx %arg8[%add3A_3048, %broadcast_in_dim3A_3186], %gather3A_3184 : memref<32x128xf32, #tpu.memory_space<vmem>>[vector<16xi32>, vector<16xi32>], vector<16xf32>,
      %broadcast_in_dim3A_3187 = arith.constant 27 : i32
      %broadcast_in_dim3A_3188 = vector.broadcast %broadcast_in_dim3A_3187 : i32 to vector<16xi32>
      %gather3A_3189 = tpu.vector_load_idx %arg7[%add3A_3051, %and3A_3045, %broadcast_in_dim3A_3188] : memref<64x8x64xf32, #tpu.memory_space<vmem>>[vector<16xi32>, vector<16xi32>, vector<16xi32>], vector<16xf32>,
      %broadcast_in_dim3A_3190 = arith.constant 91 : i32
      %broadcast_in_dim3A_3191 = vector.broadcast %broadcast_in_dim3A_3190 : i32 to vector<16xi32>
      tpu.vector_store_idx %arg8[%add3A_3048, %broadcast_in_dim3A_3191], %gather3A_3189 : memref<32x128xf32, #tpu.memory_space<vmem>>[vector<16xi32>, vector<16xi32>], vector<16xf32>,
      %broadcast_in_dim3A_3192 = arith.constant 28 : i32
      %broadcast_in_dim3A_3193 = vector.broadcast %broadcast_in_dim3A_3192 : i32 to vector<16xi32>
      %gather3A_3194 = tpu.vector_load_idx %arg7[%add3A_3051, %and3A_3045, %broadcast_in_dim3A_3193] : memref<64x8x64xf32, #tpu.memory_space<vmem>>[vector<16xi32>, vector<16xi32>, vector<16xi32>], vector<16xf32>,
      %broadcast_in_dim3A_3195 = arith.constant 92 : i32
      %broadcast_in_dim3A_3196 = vector.broadcast %broadcast_in_dim3A_3195 : i32 to vector<16xi32>
      tpu.vector_store_idx %arg8[%add3A_3048, %broadcast_in_dim3A_3196], %gather3A_3194 : memref<32x128xf32, #tpu.memory_space<vmem>>[vector<16xi32>, vector<16xi32>], vector<16xf32>,
      %broadcast_in_dim3A_3197 = arith.constant 29 : i32
      %broadcast_in_dim3A_3198 = vector.broadcast %broadcast_in_dim3A_3197 : i32 to vector<16xi32>
      %gather3A_3199 = tpu.vector_load_idx %arg7[%add3A_3051, %and3A_3045, %broadcast_in_dim3A_3198] : memref<64x8x64xf32, #tpu.memory_space<vmem>>[vector<16xi32>, vector<16xi32>, vector<16xi32>], vector<16xf32>,
      %broadcast_in_dim3A_3200 = arith.constant 93 : i32
      %broadcast_in_dim3A_3201 = vector.broadcast %broadcast_in_dim3A_3200 : i32 to vector<16xi32>
      tpu.vector_store_idx %arg8[%add3A_3048, %broadcast_in_dim3A_3201], %gather3A_3199 : memref<32x128xf32, #tpu.memory_space<vmem>>[vector<16xi32>, vector<16xi32>], vector<16xf32>,
      %broadcast_in_dim3A_3202 = arith.constant 30 : i32
      %broadcast_in_dim3A_3203 = vector.broadcast %broadcast_in_dim3A_3202 : i32 to vector<16xi32>
      %gather3A_3204 = tpu.vector_load_idx %arg7[%add3A_3051, %and3A_3045, %broadcast_in_dim3A_3203] : memref<64x8x64xf32, #tpu.memory_space<vmem>>[vector<16xi32>, vector<16xi32>, vector<16xi32>], vector<16xf32>,
      %broadcast_in_dim3A_3205 = arith.constant 94 : i32
      %broadcast_in_dim3A_3206 = vector.broadcast %broadcast_in_dim3A_3205 : i32 to vector<16xi32>
      tpu.vector_store_idx %arg8[%add3A_3048, %broadcast_in_dim3A_3206], %gather3A_3204 : memref<32x128xf32, #tpu.memory_space<vmem>>[vector<16xi32>, vector<16xi32>], vector<16xf32>,
      %broadcast_in_dim3A_3207 = arith.constant 31 : i32
      %broadcast_in_dim3A_3208 = vector.broadcast %broadcast_in_dim3A_3207 : i32 to vector<16xi32>
      %gather3A_3209 = tpu.vector_load_idx %arg7[%add3A_3051, %and3A_3045, %broadcast_in_dim3A_3208] : memref<64x8x64xf32, #tpu.memory_space<vmem>>[vector<16xi32>, vector<16xi32>, vector<16xi32>], vector<16xf32>,
      %broadcast_in_dim3A_3210 = arith.constant 95 : i32
      %broadcast_in_dim3A_3211 = vector.broadcast %broadcast_in_dim3A_3210 : i32 to vector<16xi32>
      tpu.vector_store_idx %arg8[%add3A_3048, %broadcast_in_dim3A_3211], %gather3A_3209 : memref<32x128xf32, #tpu.memory_space<vmem>>[vector<16xi32>, vector<16xi32>], vector<16xf32>,
      %broadcast_in_dim3A_3212 = arith.constant 32 : i32
      %broadcast_in_dim3A_3213 = vector.broadcast %broadcast_in_dim3A_3212 : i32 to vector<16xi32>
      %gather3A_3214 = tpu.vector_load_idx %arg7[%add3A_3051, %and3A_3045, %broadcast_in_dim3A_3213] : memref<64x8x64xf32, #tpu.memory_space<vmem>>[vector<16xi32>, vector<16xi32>, vector<16xi32>], vector<16xf32>,
      %broadcast_in_dim3A_3215 = arith.constant 96 : i32
      %broadcast_in_dim3A_3216 = vector.broadcast %broadcast_in_dim3A_3215 : i32 to vector<16xi32>
      tpu.vector_store_idx %arg8[%add3A_3048, %broadcast_in_dim3A_3216], %gather3A_3214 : memref<32x128xf32, #tpu.memory_space<vmem>>[vector<16xi32>, vector<16xi32>], vector<16xf32>,
      %broadcast_in_dim3A_3217 = arith.constant 33 : i32
      %broadcast_in_dim3A_3218 = vector.broadcast %broadcast_in_dim3A_3217 : i32 to vector<16xi32>
      %gather3A_3219 = tpu.vector_load_idx %arg7[%add3A_3051, %and3A_3045, %broadcast_in_dim3A_3218] : memref<64x8x64xf32, #tpu.memory_space<vmem>>[vector<16xi32>, vector<16xi32>, vector<16xi32>], vector<16xf32>,
      %broadcast_in_dim3A_3220 = arith.constant 97 : i32
      %broadcast_in_dim3A_3221 = vector.broadcast %broadcast_in_dim3A_3220 : i32 to vector<16xi32>
      tpu.vector_store_idx %arg8[%add3A_3048, %broadcast_in_dim3A_3221], %gather3A_3219 : memref<32x128xf32, #tpu.memory_space<vmem>>[vector<16xi32>, vector<16xi32>], vector<16xf32>,
      %broadcast_in_dim3A_3222 = arith.constant 34 : i32
      %broadcast_in_dim3A_3223 = vector.broadcast %broadcast_in_dim3A_3222 : i32 to vector<16xi32>
      %gather3A_3224 = tpu.vector_load_idx %arg7[%add3A_3051, %and3A_3045, %broadcast_in_dim3A_3223] : memref<64x8x64xf32, #tpu.memory_space<vmem>>[vector<16xi32>, vector<16xi32>, vector<16xi32>], vector<16xf32>,
      %broadcast_in_dim3A_3225 = arith.constant 98 : i32
      %broadcast_in_dim3A_3226 = vector.broadcast %broadcast_in_dim3A_3225 : i32 to vector<16xi32>
      tpu.vector_store_idx %arg8[%add3A_3048, %broadcast_in_dim3A_3226], %gather3A_3224 : memref<32x128xf32, #tpu.memory_space<vmem>>[vector<16xi32>, vector<16xi32>], vector<16xf32>,
      %broadcast_in_dim3A_3227 = arith.constant 35 : i32
      %broadcast_in_dim3A_3228 = vector.broadcast %broadcast_in_dim3A_3227 : i32 to vector<16xi32>
      %gather3A_3229 = tpu.vector_load_idx %arg7[%add3A_3051, %and3A_3045, %broadcast_in_dim3A_3228] : memref<64x8x64xf32, #tpu.memory_space<vmem>>[vector<16xi32>, vector<16xi32>, vector<16xi32>], vector<16xf32>,
      %broadcast_in_dim3A_3230 = arith.constant 99 : i32
      %broadcast_in_dim3A_3231 = vector.broadcast %broadcast_in_dim3A_3230 : i32 to vector<16xi32>
      tpu.vector_store_idx %arg8[%add3A_3048, %broadcast_in_dim3A_3231], %gather3A_3229 : memref<32x128xf32, #tpu.memory_space<vmem>>[vector<16xi32>, vector<16xi32>], vector<16xf32>,
      %broadcast_in_dim3A_3232 = arith.constant 36 : i32
      %broadcast_in_dim3A_3233 = vector.broadcast %broadcast_in_dim3A_3232 : i32 to vector<16xi32>
      %gather3A_3234 = tpu.vector_load_idx %arg7[%add3A_3051, %and3A_3045, %broadcast_in_dim3A_3233] : memref<64x8x64xf32, #tpu.memory_space<vmem>>[vector<16xi32>, vector<16xi32>, vector<16xi32>], vector<16xf32>,
      %broadcast_in_dim3A_3235 = arith.constant 100 : i32
      %broadcast_in_dim3A_3236 = vector.broadcast %broadcast_in_dim3A_3235 : i32 to vector<16xi32>
      tpu.vector_store_idx %arg8[%add3A_3048, %broadcast_in_dim3A_3236], %gather3A_3234 : memref<32x128xf32, #tpu.memory_space<vmem>>[vector<16xi32>, vector<16xi32>], vector<16xf32>,
      %broadcast_in_dim3A_3237 = arith.constant 37 : i32
      %broadcast_in_dim3A_3238 = vector.broadcast %broadcast_in_dim3A_3237 : i32 to vector<16xi32>
      %gather3A_3239 = tpu.vector_load_idx %arg7[%add3A_3051, %and3A_3045, %broadcast_in_dim3A_3238] : memref<64x8x64xf32, #tpu.memory_space<vmem>>[vector<16xi32>, vector<16xi32>, vector<16xi32>], vector<16xf32>,
      %broadcast_in_dim3A_3240 = arith.constant 101 : i32
      %broadcast_in_dim3A_3241 = vector.broadcast %broadcast_in_dim3A_3240 : i32 to vector<16xi32>
      tpu.vector_store_idx %arg8[%add3A_3048, %broadcast_in_dim3A_3241], %gather3A_3239 : memref<32x128xf32, #tpu.memory_space<vmem>>[vector<16xi32>, vector<16xi32>], vector<16xf32>,
      %broadcast_in_dim3A_3242 = arith.constant 38 : i32
      %broadcast_in_dim3A_3243 = vector.broadcast %broadcast_in_dim3A_3242 : i32 to vector<16xi32>
      %gather3A_3244 = tpu.vector_load_idx %arg7[%add3A_3051, %and3A_3045, %broadcast_in_dim3A_3243] : memref<64x8x64xf32, #tpu.memory_space<vmem>>[vector<16xi32>, vector<16xi32>, vector<16xi32>], vector<16xf32>,
      %broadcast_in_dim3A_3245 = arith.constant 102 : i32
      %broadcast_in_dim3A_3246 = vector.broadcast %broadcast_in_dim3A_3245 : i32 to vector<16xi32>
      tpu.vector_store_idx %arg8[%add3A_3048, %broadcast_in_dim3A_3246], %gather3A_3244 : memref<32x128xf32, #tpu.memory_space<vmem>>[vector<16xi32>, vector<16xi32>], vector<16xf32>,
      %broadcast_in_dim3A_3247 = arith.constant 39 : i32
      %broadcast_in_dim3A_3248 = vector.broadcast %broadcast_in_dim3A_3247 : i32 to vector<16xi32>
      %gather3A_3249 = tpu.vector_load_idx %arg7[%add3A_3051, %and3A_3045, %broadcast_in_dim3A_3248] : memref<64x8x64xf32, #tpu.memory_space<vmem>>[vector<16xi32>, vector<16xi32>, vector<16xi32>], vector<16xf32>,
      %broadcast_in_dim3A_3250 = arith.constant 103 : i32
      %broadcast_in_dim3A_3251 = vector.broadcast %broadcast_in_dim3A_3250 : i32 to vector<16xi32>
      tpu.vector_store_idx %arg8[%add3A_3048, %broadcast_in_dim3A_3251], %gather3A_3249 : memref<32x128xf32, #tpu.memory_space<vmem>>[vector<16xi32>, vector<16xi32>], vector<16xf32>,
      %broadcast_in_dim3A_3252 = arith.constant 40 : i32
      %broadcast_in_dim3A_3253 = vector.broadcast %broadcast_in_dim3A_3252 : i32 to vector<16xi32>
      %gather3A_3254 = tpu.vector_load_idx %arg7[%add3A_3051, %and3A_3045, %broadcast_in_dim3A_3253] : memref<64x8x64xf32, #tpu.memory_space<vmem>>[vector<16xi32>, vector<16xi32>, vector<16xi32>], vector<16xf32>,
      %broadcast_in_dim3A_3255 = arith.constant 104 : i32
      %broadcast_in_dim3A_3256 = vector.broadcast %broadcast_in_dim3A_3255 : i32 to vector<16xi32>
      tpu.vector_store_idx %arg8[%add3A_3048, %broadcast_in_dim3A_3256], %gather3A_3254 : memref<32x128xf32, #tpu.memory_space<vmem>>[vector<16xi32>, vector<16xi32>], vector<16xf32>,
      %broadcast_in_dim3A_3257 = arith.constant 41 : i32
      %broadcast_in_dim3A_3258 = vector.broadcast %broadcast_in_dim3A_3257 : i32 to vector<16xi32>
      %gather3A_3259 = tpu.vector_load_idx %arg7[%add3A_3051, %and3A_3045, %broadcast_in_dim3A_3258] : memref<64x8x64xf32, #tpu.memory_space<vmem>>[vector<16xi32>, vector<16xi32>, vector<16xi32>], vector<16xf32>,
      %broadcast_in_dim3A_3260 = arith.constant 105 : i32
      %broadcast_in_dim3A_3261 = vector.broadcast %broadcast_in_dim3A_3260 : i32 to vector<16xi32>
      tpu.vector_store_idx %arg8[%add3A_3048, %broadcast_in_dim3A_3261], %gather3A_3259 : memref<32x128xf32, #tpu.memory_space<vmem>>[vector<16xi32>, vector<16xi32>], vector<16xf32>,
      %broadcast_in_dim3A_3262 = arith.constant 42 : i32
      %broadcast_in_dim3A_3263 = vector.broadcast %broadcast_in_dim3A_3262 : i32 to vector<16xi32>
      %gather3A_3264 = tpu.vector_load_idx %arg7[%add3A_3051, %and3A_3045, %broadcast_in_dim3A_3263] : memref<64x8x64xf32, #tpu.memory_space<vmem>>[vector<16xi32>, vector<16xi32>, vector<16xi32>], vector<16xf32>,
      %broadcast_in_dim3A_3265 = arith.constant 106 : i32
      %broadcast_in_dim3A_3266 = vector.broadcast %broadcast_in_dim3A_3265 : i32 to vector<16xi32>
      tpu.vector_store_idx %arg8[%add3A_3048, %broadcast_in_dim3A_3266], %gather3A_3264 : memref<32x128xf32, #tpu.memory_space<vmem>>[vector<16xi32>, vector<16xi32>], vector<16xf32>,
      %broadcast_in_dim3A_3267 = arith.constant 43 : i32
      %broadcast_in_dim3A_3268 = vector.broadcast %broadcast_in_dim3A_3267 : i32 to vector<16xi32>
      %gather3A_3269 = tpu.vector_load_idx %arg7[%add3A_3051, %and3A_3045, %broadcast_in_dim3A_3268] : memref<64x8x64xf32, #tpu.memory_space<vmem>>[vector<16xi32>, vector<16xi32>, vector<16xi32>], vector<16xf32>,
      %broadcast_in_dim3A_3270 = arith.constant 107 : i32
      %broadcast_in_dim3A_3271 = vector.broadcast %broadcast_in_dim3A_3270 : i32 to vector<16xi32>
      tpu.vector_store_idx %arg8[%add3A_3048, %broadcast_in_dim3A_3271], %gather3A_3269 : memref<32x128xf32, #tpu.memory_space<vmem>>[vector<16xi32>, vector<16xi32>], vector<16xf32>,
      %broadcast_in_dim3A_3272 = arith.constant 44 : i32
      %broadcast_in_dim3A_3273 = vector.broadcast %broadcast_in_dim3A_3272 : i32 to vector<16xi32>
      %gather3A_3274 = tpu.vector_load_idx %arg7[%add3A_3051, %and3A_3045, %broadcast_in_dim3A_3273] : memref<64x8x64xf32, #tpu.memory_space<vmem>>[vector<16xi32>, vector<16xi32>, vector<16xi32>], vector<16xf32>,
      %broadcast_in_dim3A_3275 = arith.constant 108 : i32
      %broadcast_in_dim3A_3276 = vector.broadcast %broadcast_in_dim3A_3275 : i32 to vector<16xi32>
      tpu.vector_store_idx %arg8[%add3A_3048, %broadcast_in_dim3A_3276], %gather3A_3274 : memref<32x128xf32, #tpu.memory_space<vmem>>[vector<16xi32>, vector<16xi32>], vector<16xf32>,
      %broadcast_in_dim3A_3277 = arith.constant 45 : i32
      %broadcast_in_dim3A_3278 = vector.broadcast %broadcast_in_dim3A_3277 : i32 to vector<16xi32>
      %gather3A_3279 = tpu.vector_load_idx %arg7[%add3A_3051, %and3A_3045, %broadcast_in_dim3A_3278] : memref<64x8x64xf32, #tpu.memory_space<vmem>>[vector<16xi32>, vector<16xi32>, vector<16xi32>], vector<16xf32>,
      %broadcast_in_dim3A_3280 = arith.constant 109 : i32
      %broadcast_in_dim3A_3281 = vector.broadcast %broadcast_in_dim3A_3280 : i32 to vector<16xi32>
      tpu.vector_store_idx %arg8[%add3A_3048, %broadcast_in_dim3A_3281], %gather3A_3279 : memref<32x128xf32, #tpu.memory_space<vmem>>[vector<16xi32>, vector<16xi32>], vector<16xf32>,
      %broadcast_in_dim3A_3282 = arith.constant 46 : i32
      %broadcast_in_dim3A_3283 = vector.broadcast %broadcast_in_dim3A_3282 : i32 to vector<16xi32>
      %gather3A_3284 = tpu.vector_load_idx %arg7[%add3A_3051, %and3A_3045, %broadcast_in_dim3A_3283] : memref<64x8x64xf32, #tpu.memory_space<vmem>>[vector<16xi32>, vector<16xi32>, vector<16xi32>], vector<16xf32>,
      %broadcast_in_dim3A_3285 = arith.constant 110 : i32
      %broadcast_in_dim3A_3286 = vector.broadcast %broadcast_in_dim3A_3285 : i32 to vector<16xi32>
      tpu.vector_store_idx %arg8[%add3A_3048, %broadcast_in_dim3A_3286], %gather3A_3284 : memref<32x128xf32, #tpu.memory_space<vmem>>[vector<16xi32>, vector<16xi32>], vector<16xf32>,
      %broadcast_in_dim3A_3287 = arith.constant 47 : i32
      %broadcast_in_dim3A_3288 = vector.broadcast %broadcast_in_dim3A_3287 : i32 to vector<16xi32>
      %gather3A_3289 = tpu.vector_load_idx %arg7[%add3A_3051, %and3A_3045, %broadcast_in_dim3A_3288] : memref<64x8x64xf32, #tpu.memory_space<vmem>>[vector<16xi32>, vector<16xi32>, vector<16xi32>], vector<16xf32>,
      %broadcast_in_dim3A_3290 = arith.constant 111 : i32
      %broadcast_in_dim3A_3291 = vector.broadcast %broadcast_in_dim3A_3290 : i32 to vector<16xi32>
      tpu.vector_store_idx %arg8[%add3A_3048, %broadcast_in_dim3A_3291], %gather3A_3289 : memref<32x128xf32, #tpu.memory_space<vmem>>[vector<16xi32>, vector<16xi32>], vector<16xf32>,
      %broadcast_in_dim3A_3292 = arith.constant 48 : i32
      %broadcast_in_dim3A_3293 = vector.broadcast %broadcast_in_dim3A_3292 : i32 to vector<16xi32>
      %gather3A_3294 = tpu.vector_load_idx %arg7[%add3A_3051, %and3A_3045, %broadcast_in_dim3A_3293] : memref<64x8x64xf32, #tpu.memory_space<vmem>>[vector<16xi32>, vector<16xi32>, vector<16xi32>], vector<16xf32>,
      %broadcast_in_dim3A_3295 = arith.constant 112 : i32
      %broadcast_in_dim3A_3296 = vector.broadcast %broadcast_in_dim3A_3295 : i32 to vector<16xi32>
      tpu.vector_store_idx %arg8[%add3A_3048, %broadcast_in_dim3A_3296], %gather3A_3294 : memref<32x128xf32, #tpu.memory_space<vmem>>[vector<16xi32>, vector<16xi32>], vector<16xf32>,
      %broadcast_in_dim3A_3297 = arith.constant 49 : i32
      %broadcast_in_dim3A_3298 = vector.broadcast %broadcast_in_dim3A_3297 : i32 to vector<16xi32>
      %gather3A_3299 = tpu.vector_load_idx %arg7[%add3A_3051, %and3A_3045, %broadcast_in_dim3A_3298] : memref<64x8x64xf32, #tpu.memory_space<vmem>>[vector<16xi32>, vector<16xi32>, vector<16xi32>], vector<16xf32>,
      %broadcast_in_dim3A_3300 = arith.constant 113 : i32
      %broadcast_in_dim3A_3301 = vector.broadcast %broadcast_in_dim3A_3300 : i32 to vector<16xi32>
      tpu.vector_store_idx %arg8[%add3A_3048, %broadcast_in_dim3A_3301], %gather3A_3299 : memref<32x128xf32, #tpu.memory_space<vmem>>[vector<16xi32>, vector<16xi32>], vector<16xf32>,
      %broadcast_in_dim3A_3302 = arith.constant 50 : i32
      %broadcast_in_dim3A_3303 = vector.broadcast %broadcast_in_dim3A_3302 : i32 to vector<16xi32>
      %gather3A_3304 = tpu.vector_load_idx %arg7[%add3A_3051, %and3A_3045, %broadcast_in_dim3A_3303] : memref<64x8x64xf32, #tpu.memory_space<vmem>>[vector<16xi32>, vector<16xi32>, vector<16xi32>], vector<16xf32>,
      %broadcast_in_dim3A_3305 = arith.constant 114 : i32
      %broadcast_in_dim3A_3306 = vector.broadcast %broadcast_in_dim3A_3305 : i32 to vector<16xi32>
      tpu.vector_store_idx %arg8[%add3A_3048, %broadcast_in_dim3A_3306], %gather3A_3304 : memref<32x128xf32, #tpu.memory_space<vmem>>[vector<16xi32>, vector<16xi32>], vector<16xf32>,
      %broadcast_in_dim3A_3307 = arith.constant 51 : i32
      %broadcast_in_dim3A_3308 = vector.broadcast %broadcast_in_dim3A_3307 : i32 to vector<16xi32>
      %gather3A_3309 = tpu.vector_load_idx %arg7[%add3A_3051, %and3A_3045, %broadcast_in_dim3A_3308] : memref<64x8x64xf32, #tpu.memory_space<vmem>>[vector<16xi32>, vector<16xi32>, vector<16xi32>], vector<16xf32>,
      %broadcast_in_dim3A_3310 = arith.constant 115 : i32
      %broadcast_in_dim3A_3311 = vector.broadcast %broadcast_in_dim3A_3310 : i32 to vector<16xi32>
      tpu.vector_store_idx %arg8[%add3A_3048, %broadcast_in_dim3A_3311], %gather3A_3309 : memref<32x128xf32, #tpu.memory_space<vmem>>[vector<16xi32>, vector<16xi32>], vector<16xf32>,
      %broadcast_in_dim3A_3312 = arith.constant 52 : i32
      %broadcast_in_dim3A_3313 = vector.broadcast %broadcast_in_dim3A_3312 : i32 to vector<16xi32>
      %gather3A_3314 = tpu.vector_load_idx %arg7[%add3A_3051, %and3A_3045, %broadcast_in_dim3A_3313] : memref<64x8x64xf32, #tpu.memory_space<vmem>>[vector<16xi32>, vector<16xi32>, vector<16xi32>], vector<16xf32>,
      %broadcast_in_dim3A_3315 = arith.constant 116 : i32
      %broadcast_in_dim3A_3316 = vector.broadcast %broadcast_in_dim3A_3315 : i32 to vector<16xi32>
      tpu.vector_store_idx %arg8[%add3A_3048, %broadcast_in_dim3A_3316], %gather3A_3314 : memref<32x128xf32, #tpu.memory_space<vmem>>[vector<16xi32>, vector<16xi32>], vector<16xf32>,
      %broadcast_in_dim3A_3317 = arith.constant 53 : i32
      %broadcast_in_dim3A_3318 = vector.broadcast %broadcast_in_dim3A_3317 : i32 to vector<16xi32>
      %gather3A_3319 = tpu.vector_load_idx %arg7[%add3A_3051, %and3A_3045, %broadcast_in_dim3A_3318] : memref<64x8x64xf32, #tpu.memory_space<vmem>>[vector<16xi32>, vector<16xi32>, vector<16xi32>], vector<16xf32>,
      %broadcast_in_dim3A_3320 = arith.constant 117 : i32
      %broadcast_in_dim3A_3321 = vector.broadcast %broadcast_in_dim3A_3320 : i32 to vector<16xi32>
      tpu.vector_store_idx %arg8[%add3A_3048, %broadcast_in_dim3A_3321], %gather3A_3319 : memref<32x128xf32, #tpu.memory_space<vmem>>[vector<16xi32>, vector<16xi32>], vector<16xf32>,
      %broadcast_in_dim3A_3322 = arith.constant 54 : i32
      %broadcast_in_dim3A_3323 = vector.broadcast %broadcast_in_dim3A_3322 : i32 to vector<16xi32>
      %gather3A_3324 = tpu.vector_load_idx %arg7[%add3A_3051, %and3A_3045, %broadcast_in_dim3A_3323] : memref<64x8x64xf32, #tpu.memory_space<vmem>>[vector<16xi32>, vector<16xi32>, vector<16xi32>], vector<16xf32>,
      %broadcast_in_dim3A_3325 = arith.constant 118 : i32
      %broadcast_in_dim3A_3326 = vector.broadcast %broadcast_in_dim3A_3325 : i32 to vector<16xi32>
      tpu.vector_store_idx %arg8[%add3A_3048, %broadcast_in_dim3A_3326], %gather3A_3324 : memref<32x128xf32, #tpu.memory_space<vmem>>[vector<16xi32>, vector<16xi32>], vector<16xf32>,
      %broadcast_in_dim3A_3327 = arith.constant 55 : i32
      %broadcast_in_dim3A_3328 = vector.broadcast %broadcast_in_dim3A_3327 : i32 to vector<16xi32>
      %gather3A_3329 = tpu.vector_load_idx %arg7[%add3A_3051, %and3A_3045, %broadcast_in_dim3A_3328] : memref<64x8x64xf32, #tpu.memory_space<vmem>>[vector<16xi32>, vector<16xi32>, vector<16xi32>], vector<16xf32>,
      %broadcast_in_dim3A_3330 = arith.constant 119 : i32
      %broadcast_in_dim3A_3331 = vector.broadcast %broadcast_in_dim3A_3330 : i32 to vector<16xi32>
      tpu.vector_store_idx %arg8[%add3A_3048, %broadcast_in_dim3A_3331], %gather3A_3329 : memref<32x128xf32, #tpu.memory_space<vmem>>[vector<16xi32>, vector<16xi32>], vector<16xf32>,
      %broadcast_in_dim3A_3332 = arith.constant 56 : i32
      %broadcast_in_dim3A_3333 = vector.broadcast %broadcast_in_dim3A_3332 : i32 to vector<16xi32>
      %gather3A_3334 = tpu.vector_load_idx %arg7[%add3A_3051, %and3A_3045, %broadcast_in_dim3A_3333] : memref<64x8x64xf32, #tpu.memory_space<vmem>>[vector<16xi32>, vector<16xi32>, vector<16xi32>], vector<16xf32>,
      %broadcast_in_dim3A_3335 = arith.constant 120 : i32
      %broadcast_in_dim3A_3336 = vector.broadcast %broadcast_in_dim3A_3335 : i32 to vector<16xi32>
      tpu.vector_store_idx %arg8[%add3A_3048, %broadcast_in_dim3A_3336], %gather3A_3334 : memref<32x128xf32, #tpu.memory_space<vmem>>[vector<16xi32>, vector<16xi32>], vector<16xf32>,
      %broadcast_in_dim3A_3337 = arith.constant 57 : i32
      %broadcast_in_dim3A_3338 = vector.broadcast %broadcast_in_dim3A_3337 : i32 to vector<16xi32>
      %gather3A_3339 = tpu.vector_load_idx %arg7[%add3A_3051, %and3A_3045, %broadcast_in_dim3A_3338] : memref<64x8x64xf32, #tpu.memory_space<vmem>>[vector<16xi32>, vector<16xi32>, vector<16xi32>], vector<16xf32>,
      %broadcast_in_dim3A_3340 = arith.constant 121 : i32
      %broadcast_in_dim3A_3341 = vector.broadcast %broadcast_in_dim3A_3340 : i32 to vector<16xi32>
      tpu.vector_store_idx %arg8[%add3A_3048, %broadcast_in_dim3A_3341], %gather3A_3339 : memref<32x128xf32, #tpu.memory_space<vmem>>[vector<16xi32>, vector<16xi32>], vector<16xf32>,
      %broadcast_in_dim3A_3342 = arith.constant 58 : i32
      %broadcast_in_dim3A_3343 = vector.broadcast %broadcast_in_dim3A_3342 : i32 to vector<16xi32>
      %gather3A_3344 = tpu.vector_load_idx %arg7[%add3A_3051, %and3A_3045, %broadcast_in_dim3A_3343] : memref<64x8x64xf32, #tpu.memory_space<vmem>>[vector<16xi32>, vector<16xi32>, vector<16xi32>], vector<16xf32>,
      %broadcast_in_dim3A_3345 = arith.constant 122 : i32
      %broadcast_in_dim3A_3346 = vector.broadcast %broadcast_in_dim3A_3345 : i32 to vector<16xi32>
      tpu.vector_store_idx %arg8[%add3A_3048, %broadcast_in_dim3A_3346], %gather3A_3344 : memref<32x128xf32, #tpu.memory_space<vmem>>[vector<16xi32>, vector<16xi32>], vector<16xf32>,
      %broadcast_in_dim3A_3347 = arith.constant 59 : i32
      %broadcast_in_dim3A_3348 = vector.broadcast %broadcast_in_dim3A_3347 : i32 to vector<16xi32>
      %gather3A_3349 = tpu.vector_load_idx %arg7[%add3A_3051, %and3A_3045, %broadcast_in_dim3A_3348] : memref<64x8x64xf32, #tpu.memory_space<vmem>>[vector<16xi32>, vector<16xi32>, vector<16xi32>], vector<16xf32>,
      %broadcast_in_dim3A_3350 = arith.constant 123 : i32
      %broadcast_in_dim3A_3351 = vector.broadcast %broadcast_in_dim3A_3350 : i32 to vector<16xi32>
      tpu.vector_store_idx %arg8[%add3A_3048, %broadcast_in_dim3A_3351], %gather3A_3349 : memref<32x128xf32, #tpu.memory_space<vmem>>[vector<16xi32>, vector<16xi32>], vector<16xf32>,
      %broadcast_in_dim3A_3352 = arith.constant 60 : i32
      %broadcast_in_dim3A_3353 = vector.broadcast %broadcast_in_dim3A_3352 : i32 to vector<16xi32>
      %gather3A_3354 = tpu.vector_load_idx %arg7[%add3A_3051, %and3A_3045, %broadcast_in_dim3A_3353] : memref<64x8x64xf32, #tpu.memory_space<vmem>>[vector<16xi32>, vector<16xi32>, vector<16xi32>], vector<16xf32>,
      %broadcast_in_dim3A_3355 = arith.constant 124 : i32
      %broadcast_in_dim3A_3356 = vector.broadcast %broadcast_in_dim3A_3355 : i32 to vector<16xi32>
      tpu.vector_store_idx %arg8[%add3A_3048, %broadcast_in_dim3A_3356], %gather3A_3354 : memref<32x128xf32, #tpu.memory_space<vmem>>[vector<16xi32>, vector<16xi32>], vector<16xf32>,
      %broadcast_in_dim3A_3357 = arith.constant 61 : i32
      %broadcast_in_dim3A_3358 = vector.broadcast %broadcast_in_dim3A_3357 : i32 to vector<16xi32>
      %gather3A_3359 = tpu.vector_load_idx %arg7[%add3A_3051, %and3A_3045, %broadcast_in_dim3A_3358] : memref<64x8x64xf32, #tpu.memory_space<vmem>>[vector<16xi32>, vector<16xi32>, vector<16xi32>], vector<16xf32>,
      %broadcast_in_dim3A_3360 = arith.constant 125 : i32
      %broadcast_in_dim3A_3361 = vector.broadcast %broadcast_in_dim3A_3360 : i32 to vector<16xi32>
      tpu.vector_store_idx %arg8[%add3A_3048, %broadcast_in_dim3A_3361], %gather3A_3359 : memref<32x128xf32, #tpu.memory_space<vmem>>[vector<16xi32>, vector<16xi32>], vector<16xf32>,
      %broadcast_in_dim3A_3362 = arith.constant 62 : i32
      %broadcast_in_dim3A_3363 = vector.broadcast %broadcast_in_dim3A_3362 : i32 to vector<16xi32>
      %gather3A_3364 = tpu.vector_load_idx %arg7[%add3A_3051, %and3A_3045, %broadcast_in_dim3A_3363] : memref<64x8x64xf32, #tpu.memory_space<vmem>>[vector<16xi32>, vector<16xi32>, vector<16xi32>], vector<16xf32>,
      %broadcast_in_dim3A_3365 = arith.constant 126 : i32
      %broadcast_in_dim3A_3366 = vector.broadcast %broadcast_in_dim3A_3365 : i32 to vector<16xi32>
      tpu.vector_store_idx %arg8[%add3A_3048, %broadcast_in_dim3A_3366], %gather3A_3364 : memref<32x128xf32, #tpu.memory_space<vmem>>[vector<16xi32>, vector<16xi32>], vector<16xf32>,
      %broadcast_in_dim3A_3367 = arith.constant 63 : i32
      %broadcast_in_dim3A_3368 = vector.broadcast %broadcast_in_dim3A_3367 : i32 to vector<16xi32>
      %gather3A_3369 = tpu.vector_load_idx %arg7[%add3A_3051, %and3A_3045, %broadcast_in_dim3A_3368] : memref<64x8x64xf32, #tpu.memory_space<vmem>>[vector<16xi32>, vector<16xi32>, vector<16xi32>], vector<16xf32>,
      %broadcast_in_dim3A_3370 = arith.constant 127 : i32
      %broadcast_in_dim3A_3371 = vector.broadcast %broadcast_in_dim3A_3370 : i32 to vector<16xi32>
      tpu.vector_store_idx %arg8[%add3A_3048, %broadcast_in_dim3A_3371], %gather3A_3369 : memref<32x128xf32, #tpu.memory_space<vmem>>[vector<16xi32>, vector<16xi32>], vector<16xf32>,
      %mul3A_3372 = arith.constant 32 : i32
      %mul3A_3373 = arith.muli %scan3A_8, %mul3A_3372 : i32
      %add3A_3374 = arith.addi %mul3A_2, %mul3A_3373 : i32
      "tpu.region"() ({
        %run_scoped3A = tpu.sem_alloc : memref<!tpu.dma_semaphore, #tpu.memory_space<semaphore_mem>>
        %dma_start3A_3375 = arith.constant 0 : i32
        %dma_start3A_3376 = tpu.memref_slice %arg5[%add3A_3374, %dma_start3A_3375] : memref<16384x128xf32, #tpu.memory_space<hbm>> -> memref<32x128xf32, #tpu.memory_space<hbm>>
        %dma_start3A_3377 = arith.constant 0 : i32
        %dma_start3A_3378 = tpu.memref_slice %arg5[%add3A_3374, %dma_start3A_3377] : memref<16384x128xf32, #tpu.memory_space<hbm>> -> memref<32x128xf32, #tpu.memory_space<hbm>>
        tpu.enqueue_dma source(%arg8 : memref<32x128xf32, #tpu.memory_space<vmem>>) target(%dma_start3A_3378 : memref<32x128xf32, #tpu.memory_space<hbm>>) target_semaphore(%run_scoped3A : memref<!tpu.dma_semaphore, #tpu.memory_space<semaphore_mem>>)
        %dma_wait3A_3379 = arith.constant 0 : i32
        %dma_wait3A_3380 = tpu.memref_slice %arg5[%add3A_3374, %dma_wait3A_3379] : memref<16384x128xf32, #tpu.memory_space<hbm>> -> memref<32x128xf32, #tpu.memory_space<hbm>>
        %dma_wait3A_3381 = arith.constant 0 : i32
        %dma_wait3A_3382 = tpu.memref_slice %arg5[%add3A_3374, %dma_wait3A_3381] : memref<16384x128xf32, #tpu.memory_space<hbm>> -> memref<32x128xf32, #tpu.memory_space<hbm>>
        tpu.wait_dma2 semaphore(%run_scoped3A : memref<!tpu.dma_semaphore, #tpu.memory_space<semaphore_mem>>) src(%arg8 : memref<32x128xf32, #tpu.memory_space<vmem>>) dst(%dma_wait3A_3382 : memref<32x128xf32, #tpu.memory_space<hbm>>)
        tpu.yield
      }) : () -> ()
    }
    %scan3A_7 = arith.constant 16 : i32
    return
  }
}

module attributes {stable_mosaic.version = 14 : i64} {
  func.func @_mlp_body(%arg0: i32, %arg1: memref<2048x128xf32, #tpu.memory_space<vmem>>, %arg2: memref<64x64xf32, #tpu.memory_space<vmem>>, %arg3: memref<1x64xf32, #tpu.memory_space<vmem>>, %arg4: memref<1x64xf32, #tpu.memory_space<vmem>>, %arg5: memref<1x1xf32, #tpu.memory_space<vmem>>, %arg6: memref<2048x1xf32, #tpu.memory_space<vmem>>) attributes {dimension_semantics = [#tpu.dimension_semantics<arbitrary>], iteration_bounds = array<i64: 8>, scalar_prefetch = 0 : i64, scratch_operands = 0 : i64, tpu.core_type = #tpu.core_type<tc>, window_params = [{transform_indices = @transform_0, window_bounds = array<i64: 2048, 128>}, {pipeline_mode = #tpu.pipeline_mode<synchronous>, transform_indices = @transform_1, window_bounds = array<i64: 64, 64>}, {pipeline_mode = #tpu.pipeline_mode<synchronous>, transform_indices = @transform_2, window_bounds = array<i64: 1, 64>}, {pipeline_mode = #tpu.pipeline_mode<synchronous>, transform_indices = @transform_3, window_bounds = array<i64: 1, 64>}, {pipeline_mode = #tpu.pipeline_mode<synchronous>, transform_indices = @transform_4, window_bounds = array<i64: 1, 1>}, {transform_indices = @transform_5, window_bounds = array<i64: 2048, 1>}]} {
    %get3A = arith.constant 0 : index
    %get3A_0 = arith.constant 0 : index
    %get3A_1 = vector.load %arg1[%get3A, %get3A_0] : memref<2048x128xf32, #tpu.memory_space<vmem>>, vector<2048x128xf32>
    %slice3A = vector.extract_strided_slice %get3A_1 {offsets = [0, 0], sizes = [2048, 64], strides = [1, 1]} : vector<2048x128xf32> to vector<2048x64xf32>
    %slice3A_2 = vector.extract_strided_slice %get3A_1 {offsets = [0, 64], sizes = [2048, 64], strides = [1, 1]} : vector<2048x128xf32> to vector<2048x64xf32>
    %mul3A = arith.mulf %slice3A, %slice3A_2 : vector<2048x64xf32>
    %get3A_3 = arith.constant 0 : index
    %get3A_4 = arith.constant 0 : index
    %get3A_5 = vector.load %arg2[%get3A_3, %get3A_4] : memref<64x64xf32, #tpu.memory_space<vmem>>, vector<64x64xf32>
    %dot_general3A = arith.constant dense<0.000000e+00> : vector<2048x64xf32>
    %dot_general3A_6 = tpu.matmul %mul3A, %get3A_5, %dot_general3A {dimension_numbers = #tpu.dot_dimension_numbers<[1], [0], [0], [1], [0, 0, 1, 1], [], []>, transpose_lhs_hint = false} : vector<2048x64xf32>, vector<64x64xf32>, vector<2048x64xf32> -> vector<2048x64xf32>
    %get3A_7 = arith.constant 0 : index
    %get3A_8 = arith.constant 0 : index
    %get3A_9 = vector.load %arg3[%get3A_7, %get3A_8] : memref<1x64xf32, #tpu.memory_space<vmem>>, vector<1x64xf32>
    %add3A = vector.broadcast %get3A_9 : vector<1x64xf32> to vector<2048x64xf32>
    %add3A_10 = arith.addf %dot_general3A_6, %add3A : vector<2048x64xf32>
    %max3A = arith.constant 0.000000e+00 : f32
    %max3A_11 = vector.broadcast %max3A : f32 to vector<2048x64xf32>
    %max3A_12 = arith.maximumf %add3A_10, %max3A_11 : vector<2048x64xf32>
    %get3A_13 = arith.constant 0 : index
    %get3A_14 = arith.constant 0 : index
    %get3A_15 = vector.load %arg4[%get3A_13, %get3A_14] : memref<1x64xf32, #tpu.memory_space<vmem>>, vector<1x64xf32>
    %mul3A_16 = vector.broadcast %get3A_15 : vector<1x64xf32> to vector<2048x64xf32>
    %mul3A_17 = arith.mulf %max3A_12, %mul3A_16 : vector<2048x64xf32>
    %reduce_sum3A = arith.constant dense<0.000000e+00> : vector<2048xf32>
    %reduce_sum3A_18 = vector.multi_reduction <add>, %mul3A_17, %reduce_sum3A [1] : vector<2048x64xf32> to vector<2048xf32>
    %broadcast_in_dim3A = vector.shape_cast %reduce_sum3A_18 : vector<2048xf32> to vector<2048x1xf32>
    %get3A_19 = arith.constant 0 : index
    %get3A_20 = arith.constant 0 : index
    %get3A_21 = vector.load %arg5[%get3A_19, %get3A_20] : memref<1x1xf32, #tpu.memory_space<vmem>>, vector<1x1xf32>
    %add3A_22 = vector.broadcast %get3A_21 : vector<1x1xf32> to vector<2048x1xf32>
    %add3A_23 = arith.addf %broadcast_in_dim3A, %add3A_22 : vector<2048x1xf32>
    %logistic3A = arith.negf %add3A_23 : vector<2048x1xf32>
    %logistic3A_24 = math.exp %logistic3A : vector<2048x1xf32>
    %logistic3A_25 = arith.constant 1.000000e+00 : f32
    %logistic3A_26 = vector.broadcast %logistic3A_25 : f32 to vector<2048x1xf32>
    %logistic3A_27 = arith.addf %logistic3A_26, %logistic3A_24 : vector<2048x1xf32>
    %logistic3A_28 = arith.divf %logistic3A_26, %logistic3A_27 : vector<2048x1xf32>
    %swap3A = arith.constant 0 : index
    %swap3A_29 = arith.constant 0 : index
    %swap3A_30 = vector.load %arg6[%swap3A, %swap3A_29] : memref<2048x1xf32, #tpu.memory_space<vmem>>, vector<2048x1xf32>
    tpu.vector_store %arg6[%swap3A, %swap3A_29], %logistic3A_28 {strides = array<i32>} : memref<2048x1xf32, #tpu.memory_space<vmem>>, vector<2048x1xf32>,
    return
  }
  func.func @transform_0(%arg0: i32) -> (i32, i32) {
    %c0_i32 = arith.constant 0 : i32
    %c0_i32_0 = arith.constant 0 : i32
    return %arg0, %c0_i32 : i32, i32
  }
  func.func @transform_1(%arg0: i32) -> (i32, i32) {
    %c0_i32 = arith.constant 0 : i32
    %c0_i32_0 = arith.constant 0 : i32
    %c0_i32_1 = arith.constant 0 : i32
    return %c0_i32, %c0_i32_0 : i32, i32
  }
  func.func @transform_2(%arg0: i32) -> (i32, i32) {
    %c0_i32 = arith.constant 0 : i32
    %c0_i32_0 = arith.constant 0 : i32
    %c0_i32_1 = arith.constant 0 : i32
    return %c0_i32, %c0_i32_0 : i32, i32
  }
  func.func @transform_3(%arg0: i32) -> (i32, i32) {
    %c0_i32 = arith.constant 0 : i32
    %c0_i32_0 = arith.constant 0 : i32
    %c0_i32_1 = arith.constant 0 : i32
    return %c0_i32, %c0_i32_0 : i32, i32
  }
  func.func @transform_4(%arg0: i32) -> (i32, i32) {
    %c0_i32 = arith.constant 0 : i32
    %c0_i32_0 = arith.constant 0 : i32
    %c0_i32_1 = arith.constant 0 : i32
    return %c0_i32, %c0_i32_0 : i32, i32
  }
  func.func @transform_5(%arg0: i32) -> (i32, i32) {
    %c0_i32 = arith.constant 0 : i32
    %c0_i32_0 = arith.constant 0 : i32
    return %arg0, %c0_i32 : i32, i32
  }
}

</mosaic_0001>

<sc_bundles>
// kernel: kernel.4.cloned.1.call-start
scs
__scs_entry_jumppad:
0x0: {  	(pc) =	sbr.rel $0x88, $3  }
0x1: {  	(tag) =	ssettag $0x0;
	lr =	simm.s32 $0x1  }
0x2: {  	[smem:$0x3F9A] =	sst lr;
	_ =	strace $0xD0000000  }
0x3: {  	_ = 	snop  }
0x4: {  	_ = 	snop  }
0x5: {  	_ = 	snop  }
0x6: {  	_ = 	snop  }
0x7: {  	_ = 	snop  }
__scs_overlays_trampoline_lowered:
0x8: {  	[smem:$0x3FA9] =	sst s0  }
0x9: {  	[smem:$0x3FAA] =	sst s1  }
0xa: {  	[smem:$0x3FAB] =	sst s2  }
0xb: {  	[smem:$0x3FAC] =	sst s3  }
0xc: {  	[smem:$0x3FAD] =	sst s4  }
0xd: {  	[smem:$0x3FAE] =	sst s5  }
0xe: {  	[smem:$0x3FAF] =	sst s6  }
0xf: {  	[smem:$0x3FB0] =	sst s7  }
0x10: {  	[smem:$0x3FB1] =	sst s8  }
0x11: {  	[smem:$0x3FB2] =	sst s9;
	s0 =	simm.s32 @!p0 $0x0  }
0x12: {  	s1 =	sld [smem:$0x3F98];
	s0 =	simm.s32 @p0 $0x1  }
0x13: {  	[smem:$0x3FB3] =	sst s0;
	s0 =	simm.s32 @!p1 $0x0  }
0x14: {  	s2 =	sld [smem:$0x3F97];
	s0 =	simm.s32 @p1 $0x1  }
0x15: {  	[smem:$0x3FB4] =	sst s0;
	s0 =	simm.s32 @!p2 $0x0  }
0x16: {  	s3 =	sld [smem:$0x3FDB];
	s0 =	simm.s32 @p2 $0x1  }
0x17: {  	s4 =	simm.s32 $0x1BF5;
	[smem:$0x3FB6] =	sst s0  }
0x18: {  	s0 =	sld [smem:$0x3F99];
	_ =	swait.ge [sflag:s4], $0x0  }
0x19: {  	s7 =	sld [smem:$0x3F9A]  }
0x1a: {  	s8 =	sadd.s32 $0xFFFFE003, lr  }
0x1b: {  	s9 =	sadd.s32 $0xFFFFFEF7, lr;
	s5 =	simm.s32 $0xFFFFFFFF;
	p2 =	slt.u32 s8, $0xFFFFF086  }
0x1c: {  	p1 =	slt.u32 s9, $0xF7A;
	s5 =	simm.s32 @!p2 $0x0  }
0x1d: {  	s5 =	simm.s32 @p1 $0x1;
	p0 =	seq.s32 s7, s2  }
0x1e: {  	s7 =	smul.u32 @!p0 $0xF7A, s2;
	p2 =	seq.s32 @!p0 s5, $0x0  }
0x1f: {  	s9 =	smul.u32 $0xF7A, s1;
	s8 =	simm.s32 @!p0 $0x1BF5;
	p2 =	por !p2, p0  }
0x20: {  	[sflag:s8] =	ssyncset.s32 @!p0 $0xFFFFF086;
	s6 =	sadd.s32 @!p0 s3, s7;
	s7 =	simm.s32 @!p0 $0x108  }
0x21: {  	s3 =	sadd.s32 s3, s9;
	s6 =	sadd.s32 @!p0 $0x88, s6;
	s7 =	simm.s32 @p2 $0x1082  }
0x22: {  	[simem:s7], [sflag:s8] =	dma.local @!p0 [hbm:s6], $0xF7A  }
0x23: {  	s9 =	sor.u32 $0xD0000000, s2;
	s6 =	simm.s32 $0x108;
	_ =	swait.ge @!p0 [sflag:s8], $0x0  }
0x24: {  	s3 =	sadd.s32 $0x88, s3;
	s6 =	simm.s32 @!p1 $0x1082;
	[sflag:s4] =	ssyncset.s32 $0xFFFFF086  }
0x25: {  	[simem:s6], [sflag:s4] =	dma.local [hbm:s3], $0xF7A  }
0x26: {  	[smem:$0x3F9A] =	sst s1;
	(tag) =	ssettag s2;
	_ =	strace s9  }
0x27: {  	s1 =	sld [smem:$0x3FAA]  }
0x28: {  	s2 =	sld [smem:$0x3FAB]  }
0x29: {  	s4 =	sld [smem:$0x3FAD]  }
0x2a: {  	p0 =	seq.s32 s5, $0x0;
	s5 =	sld [smem:$0x3FAE]  }
0x2b: {  	s6 =	sld [smem:$0x3FAF]  }
0x2c: {  	s7 =	sld [smem:$0x3FB0]  }
0x2d: {  	s3 =	simm.s32 $0x108;
	s8 =	sld [smem:$0x3FB1]  }
0x2e: {  	s3 =	simm.s32 @!p0 $0x1082;
	s9 =	sld [smem:$0x3FB2]  }
0x2f: {  	lr =	sadd.s32 s0, s3;
	s0 =	sld [smem:$0x3FA9]  }
0x30: {  	s3 =	sld [smem:$0x3FAC]  }
0x31: {  	[smem:$0x3FB5] =	sst s10  }
0x32: {  	s10 =	sld [smem:$0x3FB3];
	_ =	sdelay $0x3  }
0x33: {  	p0 =	seq.s32 s10, $0x1;
	s10 =	sld [smem:$0x3FB5];
	_ =	sdelay $0x3  }
0x34: {  	[smem:$0x3FB5] =	sst s10  }
0x35: {  	s10 =	sld [smem:$0x3FB4];
	_ =	sdelay $0x3  }
0x36: {  	p1 =	seq.s32 s10, $0x1;
	s10 =	sld [smem:$0x3FB5];
	_ =	sdelay $0x3  }
0x37: {  	[smem:$0x3FB5] =	sst s10  }
0x38: {  	s10 =	sld [smem:$0x3FB6]  }
0x39: {  	_ = 	snop;
	(pc) =	sbr.ind lr, $3  }
0x3a: {  	_ = 	snop  }
0x3b: {  	_ = 	snop  }
0x3c: {  	p2 =	seq.s32 s10, $0x1;
	s10 =	sld [smem:$0x3FB5]  }
0x3d: {  	_ =	shalt  }
0x3e: {  	_ =	shalt  }
0x3f: {  	_ =	shalt  }
0x40: {  	_ =	shalt  }
0x41: {  	_ =	shalt  }
0x42: {  	_ =	shalt  }
0x43: {  	_ =	shalt  }
0x44: {  	_ =	shalt  }
0x45: {  	_ =	shalt  }
0x46: {  	_ =	shalt  }
0x47: {  	_ =	shalt  }
0x48: {  	_ =	shalt  }
0x49: {  	_ =	shalt  }
0x4a: {  	_ =	shalt  }
0x4b: {  	_ =	shalt  }
0x4c: {  	_ =	shalt  }
0x4d: {  	_ =	shalt  }
0x4e: {  	_ =	shalt  }
0x4f: {  	_ =	shalt  }
0x50: {  	_ =	shalt  }
0x51: {  	_ =	shalt  }
0x52: {  	_ =	shalt  }
0x53: {  	_ =	shalt  }
0x54: {  	_ =	shalt  }
0x55: {  	_ =	shalt  }
0x56: {  	_ =	shalt  }
0x57: {  	_ =	shalt  }
0x58: {  	_ =	shalt  }
0x59: {  	_ =	shalt  }
0x5a: {  	_ =	shalt  }
0x5b: {  	_ =	shalt  }
0x5c: {  	_ =	shalt  }
0x5d: {  	_ =	shalt  }
0x5e: {  	_ =	shalt  }
0x5f: {  	_ =	shalt  }
0x60: {  	_ =	shalt  }
0x61: {  	_ =	shalt  }
0x62: {  	_ =	shalt  }
0x63: {  	_ =	shalt  }
0x64: {  	_ =	shalt  }
0x65: {  	_ =	shalt  }
0x66: {  	_ =	shalt  }
0x67: {  	_ =	shalt  }
0x68: {  	_ =	shalt  }
0x69: {  	_ =	shalt  }
0x6a: {  	_ =	shalt  }
0x6b: {  	_ =	shalt  }
0x6c: {  	_ =	shalt  }
0x6d: {  	_ =	shalt  }
0x6e: {  	_ =	shalt  }
0x6f: {  	_ =	shalt  }
0x70: {  	_ =	shalt  }
0x71: {  	_ =	shalt  }
0x72: {  	_ =	shalt  }
0x73: {  	_ =	shalt  }
0x74: {  	_ =	shalt  }
0x75: {  	_ =	shalt  }
0x76: {  	_ =	shalt  }
0x77: {  	_ =	shalt  }
0x78: {  	_ =	shalt  }
0x79: {  	_ =	shalt  }
0x7a: {  	_ =	shalt  }
0x7b: {  	_ =	shalt  }
0x7c: {  	_ =	shalt  }
0x7d: {  	_ =	shalt  }
0x7e: {  	_ =	shalt  }
0x7f: {  	_ =	shalt  }
0x80: {  	_ =	shalt  }
0x81: {  	_ =	shalt  }
0x82: {  	_ =	shalt  }
0x83: {  	_ =	shalt  }
0x84: {  	_ =	shalt  }
0x85: {  	_ =	shalt  }
0x86: {  	_ =	shalt  }
0x87: {  	_ =	shalt  }
.Lfunc_end0:
.L_simem_size_0:
called_computation_lowered:
.L_overlay_start_0:
0x88: {  	s2 =	sld [smem:$0x3FD9]  }
0x89: {  	s3 =	sld [smem:$0x3FFE];
	_ =	sdelay $0x1  }
0x8a: {  	s1 =	srdreg.scid  }
0x8b: {  	s0 =	sand.u32 $0x1, s1  }
0x8c: {  	s17 =	sshll.u32 s0, $0xA;
	s2 =	sadd.s32 s3, s2  }
0x8d: {  	s2 =	sadd.s32 s2, s17  }
0x8e: {  	[smem:$0x3FC1] =	sst s2  }
0x8f: {  	_ = 	snop  }
0x90: {  	s2 =	sld [smem:$0x3FC9]  }
0x91: {  	s18 =	sld [smem:$0x3FC8];
	(tm) =	ssettm $0x1  }
0x92: {  	s4 =	sld [smem:$0x3FFB];
	_ =	sdelay $0x3  }
0x93: {  	_ =	strace s4  }
0x94: {  	s4 =	sld [smem:$0x3FFC];
	_ =	sdelay $0x3  }
0x95: {  	_ =	strace s4  }
0x96: {  	s4 =	sld [smem:$0x3FFD];
	_ =	sdelay $0x3  }
0x97: {  	_ =	strace s4  }
0x98: {  	_ =	strace $0x8FFFFFFF  }
0x99: {  	s19 =	sld [smem:$0x3FDB];
	_ =	sdelay $0x1  }
0x9a: {  	s5 =	simm.s32 $_scs_section_size  }
0x9b: {  	s6 =	simm.s32 $_size__tile_overlayer_lowered;
	s7 =	simm.s32 $_tile_overlayer_lowered  }
0x9c: {  	s22 =	simm.s32 $0x1BFF;
	s21 =	sshll.u32 s7, $0x1;
	s4 =	sadd.s32 s5, s19  }
0x9d: {  	s8 =	simm.s32 $0x0;
	s20 =	sshll.u32 s6, $0x1;
	s6 =	sadd.s32 s21, s4  }
0x9e: {  	[timem:s8], [sflag:s22] =	dma.local [hbm:s6], s20  }
0x9f: {  	_ =	swait.ge [sflag:s22], s20  }
0xa0: {  	s5 =	ssub.s32 $0x0, s20;
	[sflag:s22] =	ssyncset.done $0x0  }
0xa1: {  	[sflag:s22] =	ssyncadd.s32 s5;
	_ =	sdelay $0x1  }
0xa2: {  	s23 =	simm.s32 $0x1B8B  }
0xa3: {  	_ =	swait.ge [sflag:s23], $0x1  }
0xa4: {  	[sflag:s23] =	ssyncset.done $0x0  }
0xa5: {  	s25 =	simm.s32 $0x1B8E;
	s24 =	sld [smem:$0x3FFE];
	[sflag:s23] =	ssyncadd.s32 $0xFFFFFFFF  }
0xa6: {  	s26 =	simm.s32 $execute0_lowered;
	[smem:$0x3FD2] =	sst s25  }
0xa7: {  	s6 =	sshll.u32 s26, $0x1;
	_ =	strace $0x80000046;
	[dreg:$0x1] =	wrdreg $0xFFFFFFFF  }
0xa8: {  	s28 =	simm.s32 $_size_execute0_lowered;
	s4 =	sadd.s32 s4, s6;
	[dreg:$0x0] =	wrdreg $0x0  }
0xa9: {  	s6 =	sshll.u32 s28, $0x1;
	[dreg:$0x2] =	wrdreg s4  }
0xaa: {  	[dreg:$0x3] =	wrdreg s6  }
0xab: {  	[dreg:$0x4] =	wrdreg $0xC0  }
0xac: {  	_ =	task [dreg:s8], $0x5FFFF  }
0xad: {  	[dreg:$0x1] =	wrdreg $0xFFFFFFFF  }
0xae: {  	[dreg:$0x0] =	wrdreg $0x60  }
0xaf: {  	[dreg:$0x2] =	wrdreg s2  }
0xb0: {  	[dreg:$0x3] =	wrdreg s18  }
0xb1: {  	[dreg:$0x4] =	wrdreg s24  }
0xb2: {  	[dreg:$0x5] =	wrdreg $0x9  }
0xb3: {  	_ =	task.clear_ibuf [dreg:s8], $0x6FFFF;
	_ =	strace $0x90000046  }
0xb4: {  	s29 =	simm.s32 $0x9;
	_ =	strace $0x80000048  }
0xb5: {  	_ =	swait.ge [sflag:s29], $0x1  }
0xb6: {  	[sflag:s29] =	ssyncadd.s32 $0xFFFFFFFF  }
0xb7: {  	_ =	strace $0x90000048  }
0xb8: {  	_ =	sfence  }
0xb9: {  	s30 =	sld [smem:$0x0];
	_ =	sdelay $0x2  }
0xba: {  	s31 =	sshll.u32 s1, $0xD;
	s1 =	sshrl.u32 s1, $0x2  }
0xbb: {  	s3 =	sand.u32 $0x4000, s31;
	s1 =	sadd.s32 s1, s30  }
0xbc: {  	s0 =	sor.u32 s3, s0;
	s1 =	sshll.u32 s1, $0x11  }
0xbd: {  	s0 =	sor.u32 s1, s0  }
0xbe: {  	s0 =	sadd.s32 $0x8F2B, s0  }
0xbf: {  	[sflag:s0] =	ssyncadd.remote.s32 $0x1  }
0xc0: {  	_ =	sfence.sel $0xFFFF  }
0xc1: {  	[dreg:$0x0] =	wrdreg $0xFFFFFFFF;
	(pc) =	sbr.abs _section_cstart, $3  }
0xc2: {  	[dreg:$0x1] =	wrdreg $0xFFFFFFFF  }
0xc3: {  	_ =	task.clear_ibuf [dreg:s8], $0x2FFFF;
	_ =	strace $0x9FFFFFFF  }
0xc4: {  	(tm) =	ssettm $0x7FFFFFFF  }
0xc5: {  	_ =	shalt  }
tec
execute0_lowered:
.L_overlay_start_1:
0x0: {  	(tag) =	ssettag $0x1  }
0x1: {  	s4 =	rddreg [dreg:$0x0]  }
0x2: {  	s5 =	rddreg [dreg:$0x1]  }
0x3: {  	s6 =	rddreg [dreg:$0x2]  }
0x4: {  	s0 =	rddreg [dreg:$0x3];
	s1 =	simm.s32 $0x0  }
0x5: {  	s2 =	simm.s32 $0x800;
	[smem:$0x7FF] =	sst s1  }
0x6: {  	s13 =	simm.s32 $0xC00;
	_ =	strace $0x80000047;
	[dreg:$0x4] =	wrdreg s2  }
0x7: {  	s14 =	simm.s32 $0x1000;
	[dreg:$0x5] =	wrdreg s13  }
0x8: {  	s15 =	simm.s32 $0x1400;
	[dreg:$0x6] =	wrdreg s14  }
0x9: {  	s16 =	simm.s32 $0x1800;
	[dreg:$0x7] =	wrdreg s15  }
0xa: {  	s17 =	simm.s32 $0x1C00;
	[dreg:$0x8] =	wrdreg s16  }
0xb: {  	s18 =	simm.s32 $0x2000;
	[dreg:$0x9] =	wrdreg s17  }
0xc: {  	s19 =	simm.s32 $0x2400;
	[dreg:$0xa] =	wrdreg s18  }
0xd: {  	s20 =	simm.s32 $0x2800;
	[dreg:$0xb] =	wrdreg s19  }
0xe: {  	s21 =	simm.s32 $0x2C00;
	[dreg:$0xc] =	wrdreg s20  }
0xf: {  	s22 =	simm.s32 $0x3000;
	[dreg:$0xd] =	wrdreg s21  }
0x10: {  	s23 =	simm.s32 $0x3400;
	[dreg:$0xe] =	wrdreg s22  }
0x11: {  	s24 =	simm.s32 $0x3800;
	[dreg:$0xf] =	wrdreg s23  }
0x12: {  	s25 =	simm.s32 $0x3C00;
	[dreg:$0x10] =	wrdreg s24  }
0x13: {  	s26 =	simm.s32 $0x4000;
	[dreg:$0x11] =	wrdreg s25  }
0x14: {  	s28 =	simm.s32 $0x4400;
	[dreg:$0x12] =	wrdreg s26  }
0x15: {  	s29 =	simm.s32 $0x4800;
	[dreg:$0x13] =	wrdreg s28  }
0x16: {  	s30 =	simm.s32 $0x4C00;
	[dreg:$0x14] =	wrdreg s29  }
0x17: {  	s31 =	simm.s32 $0x5000;
	[dreg:$0x15] =	wrdreg s30  }
0x18: {  	s3 =	simm.s32 $0x5400;
	[dreg:$0x16] =	wrdreg s31  }
0x19: {  	s7 =	simm.s32 $0x5800;
	[dreg:$0x17] =	wrdreg s3  }
0x1a: {  	s8 =	simm.s32 $0x5C00;
	[dreg:$0x18] =	wrdreg s7  }
0x1b: {  	s9 =	simm.s32 $0x6000;
	[dreg:$0x19] =	wrdreg s8  }
0x1c: {  	s10 =	simm.s32 $0x6400;
	[dreg:$0x1a] =	wrdreg s9  }
0x1d: {  	s11 =	simm.s32 $0x6800;
	[dreg:$0x1b] =	wrdreg s10  }
0x1e: {  	s12 =	simm.s32 $0x6C00;
	[dreg:$0x1c] =	wrdreg s11  }
0x1f: {  	[dreg:$0x1d] =	wrdreg s12;
	s13 =	simm.s32 $0x7000  }
0x20: {  	s14 =	simm.s32 $0x7400;
	[dreg:$0x1e] =	wrdreg s13  }
0x21: {  	s15 =	simm.s32 $0x7800;
	[dreg:$0x1f] =	wrdreg s14  }
0x22: {  	s16 =	simm.s32 $0x7C00;
	[smem:$0x7DB] =	sst s15  }
0x23: {  	s17 =	simm.s32 $0x8000;
	[smem:$0x7DC] =	sst s16  }
0x24: {  	s18 =	simm.s32 $0x8400;
	[smem:$0x7DD] =	sst s17  }
0x25: {  	s19 =	simm.s32 $0x8800;
	[smem:$0x7DE] =	sst s18  }
0x26: {  	s20 =	simm.s32 $0x8C00;
	[smem:$0x7DF] =	sst s19  }
0x27: {  	s21 =	simm.s32 $0x9000;
	[smem:$0x7E0] =	sst s20  }
0x28: {  	s22 =	simm.s32 $0x9400;
	[smem:$0x7E1] =	sst s21  }
0x29: {  	s23 =	simm.s32 $0x9800;
	[smem:$0x7E2] =	sst s22  }
0x2a: {  	s24 =	simm.s32 $0x9C00;
	[smem:$0x7E3] =	sst s23  }
0x2b: {  	s25 =	simm.s32 $0xA000;
	[smem:$0x7E4] =	sst s24  }
0x2c: {  	s26 =	simm.s32 $0xA400;
	[smem:$0x7E5] =	sst s25  }
0x2d: {  	s28 =	simm.s32 $0xA800;
	[smem:$0x7E6] =	sst s26  }
0x2e: {  	s29 =	simm.s32 $0xAC00;
	[smem:$0x7E7] =	sst s28  }
0x2f: {  	s3 =	simm.s32 $0xB000;
	[smem:$0x7E8] =	sst s29  }
0x30: {  	vm0 =	vmmov $0x1;
	vm1 =	vcmask $0x308;
	s7 =	simm.s32 $0xB400;
	[smem:$0x7E9] =	sst s3  }
0x31: {  	vm2 =	vcmask $0x70C;
	vm3 =	vcmask $0xB10;
	vm4 =	vcmask $0xF14;
	s30 =	simm.s32 $0xB800;
	[smem:$0x7EA] =	sst s7  }
0x32: {  	vm5 =	vcmask $0x1318;
	vm6 =	vcmask $0x171C;
	vm7 =	vcmask $0x1B20;
	s9 =	simm.s32 $0xBC00;
	[smem:$0x7EB] =	sst s30  }
0x33: {  	vm8 =	vcmask $0x1F24;
	vm9 =	vcmask $0x2328;
	v1 =	vlaneseq.u32;
	s11 =	simm.s32 $0xC000;
	[smem:$0x7EC] =	sst s9  }
0x34: {  	vm10 =	vcmask $0x272C;
	vm11 =	vcmask $0x2B30;
	v0 =	vmul.u32 $0x400, v1;
	[smem:$0x7ED] =	sst s11;
	s13 =	simm.s32 $0xC400  }
0x35: {  	vm12 =	vcmask $0x2F34;
	vm13 =	vcmask $0x3338;
	v1 =	vmul.u32 $0x80, v1;
	s14 =	simm.s32 $0xC800;
	[smem:$0x7EE] =	sst s13  }
0x36: {  	vm14 =	vcmask $0x373C;
	vm15 =	vmmov $0x7fff;
	v5 =	vor.u32 $0x1, v0;
	s16 =	simm.s32 $0xCC00;
	[smem:$0x7EF] =	sst s14  }
0x37: {  	v4 =	vor.u32 $0x1, v1;
	v7 =	vor.u32 $0x2, v0;
	v8 =	vor.u32 $0x2, v1;
	s17 =	simm.s32 $0xD000;
	[smem:$0x7F0] =	sst s16  }
0x38: {  	v9 =	vor.u32 $0x3, v0;
	v10 =	vor.u32 $0x3, v1;
	v11 =	vor.u32 $0x4, v0;
	s18 =	simm.s32 $0xD400;
	[smem:$0x7F1] =	sst s17  }
0x39: {  	v12 =	vor.u32 $0x4, v1;
	v13 =	vor.u32 $0x5, v0;
	v14 =	vor.u32 $0x5, v1;
	s20 =	simm.s32 $0xD800;
	[smem:$0x7F2] =	sst s18  }
0x3a: {  	v15 =	vor.u32 $0x6, v0;
	v16 =	vor.u32 $0x6, v1;
	v17 =	vor.u32 $0x7, v0;
	s21 =	simm.s32 $0xDC00;
	[smem:$0x7F3] =	sst s20  }
0x3b: {  	v18 =	vor.u32 $0x7, v1;
	v19 =	vor.u32 $0x8, v0;
	v20 =	vor.u32 $0x8, v1;
	s22 =	simm.s32 $0xE000;
	[smem:$0x7F4] =	sst s21  }
0x3c: {  	v21 =	vor.u32 $0x9, v0;
	v22 =	vor.u32 $0x9, v1;
	v23 =	vor.u32 $0xA, v0;
	s23 =	simm.s32 $0xE400;
	[smem:$0x7F5] =	sst s22  }
0x3d: {  	v24 =	vor.u32 $0xA, v1;
	v25 =	vor.u32 $0xB, v0;
	v26 =	vor.u32 $0xB, v1;
	s24 =	simm.s32 $0xE800;
	[smem:$0x7F6] =	sst s23  }
0x3e: {  	v27 =	vor.u32 $0xC, v0;
	v28 =	vor.u32 $0xC, v1;
	v29 =	vor.u32 $0xD, v0;
	s25 =	simm.s32 $0xEC00;
	[smem:$0x7F7] =	sst s24  }
0x3f: {  	s2 =	sadd.s32 $0xC00, s6;
	v30 =	vor.u32 $0xD, v1;
	v31 =	vor.u32 $0xE, v0;
	v32 =	vor.u32 $0xE, v1;
	s26 =	simm.s32 $0xF000;
	[smem:$0x7F8] =	sst s25  }
0x40: {  	s12 =	srdreg.scid;
	v33 =	vor.u32 $0xF, v0;
	v34 =	vor.u32 $0xF, v1;
	v35 =	vor.u32 $0x10, v0;
	s28 =	simm.s32 $0xF400;
	[smem:$0x7F9] =	sst s26  }
0x41: {  	s3 =	stileid.u32;
	v36 =	vor.u32 $0x10, v1;
	v37 =	vor.u32 $0x11, v0;
	v38 =	vor.u32 $0x11, v1;
	s29 =	simm.s32 $0xF800;
	[smem:$0x7FA] =	sst s28  }
0x42: {  	v39 =	vor.u32 $0x12, v0;
	v40 =	vor.u32 $0x12, v1;
	v41 =	vor.u32 $0x13, v0;
	s30 =	simm.s32 $0xFC00;
	s8 =	sshll.u32 s3, $0xE;
	[smem:$0x7FB] =	sst s29  }
0x43: {  	v42 =	vor.u32 $0x13, v1;
	v43 =	vor.u32 $0x14, v0;
	v44 =	vor.u32 $0x14, v1;
	s19 =	sshll.u32 s3, $0xA;
	[smem:$0x7FC] =	sst s30;
	s13 =	simm.s32 $0x0  }
0x44: {  	v45 =	vor.u32 $0x15, v0;
	v46 =	vor.u32 $0x15, v1;
	v47 =	vor.u32 $0x16, v0;
	s31 =	sadd.s32 s8, s6;
	s8 =	sand.u32 $0x1, s12;
	s12 =	simm.s32 $0x10400  }
0x45: {  	v48 =	vor.u32 $0x16, v1;
	v49 =	vor.u32 $0x17, v0;
	v50 =	vor.u32 $0x17, v1;
	s15 =	ssub.s32 $0x2, s8;
	s11 =	sshll.u32 s8, $0x9;
	s8 =	sshll.u32 s8, $0xD  }
0x46: {  	v51 =	vor.u32 $0x18, v0;
	v52 =	vor.u32 $0x18, v1;
	v53 =	vor.u32 $0x19, v0;
	s10 =	sshrl.u32 s15, $0x1;
	s7 =	sadd.s32 s8, s31;
	s8 =	simm.s32 $0x2  }
0x47: {  	v54 =	vor.u32 $0x19, v1;
	v55 =	vor.u32 $0x1A, v0;
	v2 =	vor.u32 $0x1E, v1;
	s31 =	simm.s32 $0x10000;
	s9 =	ssub.s32 s15, s10;
	s10 =	sor.u32 s11, s19  }
0x48: {  	v56 =	vor.u32 $0x1A, v1;
	v57 =	vor.u32 $0x1B, v0;
	v58 =	vor.u32 $0x1B, v1;
	[tilespmem:$0x1FFD0] =	vst v2;
	s7 =	sadd.s32 $0xF43000, s7;
	[smem:$0x7FD] =	sst s31;
	s11 =	simm.s32 $0x1  }
0x49: {  	v59 =	vor.u32 $0x1C, v0;
	v60 =	vor.u32 $0x1C, v1;
	v2 =	vor.u32 $0x1F, v0;
	[tilespmem:$0x1FFF0] =	vst v4;
	s10 =	sshrl.u32 s10, $0x3;
	s6 =	smax.u32 s9, $0x1;
	s9 =	simm.s32 $0x200  }
0x4a: {  	v61 =	vor.u32 $0x1D, v0;
	v62 =	vor.u32 $0x1D, v1;
	v6 =	vor.u32 $0x1E, v0;
	[tilespmem:$0x1FFE0] =	vst v2;
	s4 =	sadd.s32 s4, s10;
	s5 =	sadd.s32 s5, s10;
	s10 =	simm.s32 $0x400  }
.LBB2_1:
0x4b: {  	[tilespmem:s1], [sflag:$0x2] =	stream.linear.gather [hbm4b:s4+s1], $0x200, $0x38;
	[tilespmem:$0x11400] =	vst v63  }
0x4c: {  	_ =	swait.ge [sflag:s8], $0x200  }
0x4d: {  	[sflag:s8] =	ssyncset.done $0x0  }
0x4e: {  	[sflag:s8] =	ssyncadd.s32 $0xFFFFFE00  }
0x4f: {  	[tilespmem:s9], [sflag:$0x2] =	stream.linear.gather [hbm4b:s5+s1], $0x200, $0x38;
	[tilespmem:$0x11400] =	vst v63  }
0x50: {  	_ =	swait.ge [sflag:s8], $0x200  }
0x51: {  	s14 =	simm.s32 $0x0;
	[sflag:s8] =	ssyncset.done $0x0  }
0x52: {  	s15 =	smov.u32 s7;
	s16 =	simm.s32 $0x0;
	[sflag:s8] =	ssyncadd.s32 $0xFFFFFE00  }
.LBB2_2:
0x53: {  	v63 =	vld [tilespmem:s14+$0x0];
	_ =	sdelay $0x4  }
0x54: {  	v2 =	vnsel vm0, $0x0, v63  }
0x55: {  	(xrf0) =	vadd.scan.msk.s32 $0xffff, v2;
	_ =	sdelay $0x2  }
0x56: {  	v2 =	vsel vm1, $0x0, v63;
	_ =	sdelay $0x1  }
0x57: {  	(xrf0) =	vadd.scan.msk.s32 $0xffff, v2  }
0x58: {  	v2, _, _ =	vpop (xrf0)  }
0x59: {  	(v2sf) =	vpush v2, $0xF  }
0x5a: {  	v2 =	vsel vm2, $0x0, v63;
	_ =	sdelay $0x1  }
0x5b: {  	(xrf0) =	vadd.scan.msk.s32 $0xffff, v2  }
0x5c: {  	v2, _, _ =	vpop (xrf0)  }
0x5d: {  	(v2sf) =	vpush v2, $0xF  }
0x5e: {  	v2 =	vsel vm3, $0x0, v63;
	_ =	sdelay $0x1  }
0x5f: {  	(xrf0) =	vadd.scan.msk.s32 $0xffff, v2  }
0x60: {  	v2, _, _ =	vpop (xrf0)  }
0x61: {  	(v2sf) =	vpush v2, $0xF  }
0x62: {  	v2 =	vsel vm4, $0x0, v63;
	_ =	sdelay $0x1  }
0x63: {  	(xrf0) =	vadd.scan.msk.s32 $0xffff, v2  }
0x64: {  	v2, _, _ =	vpop (xrf0)  }
0x65: {  	s17 =	spop (v2sf);
	(v2sf) =	vpush v2, $0xF  }
0x66: {  	v2 =	vsel vm5, $0x0, v63;
	s17 =	sshll.u32 s17, $0x4  }
0x67: {  	s17 =	sand.u32 $0xFFFFF80, s17  }
0x68: {  	(xrf0) =	vadd.scan.msk.s32 $0xffff, v2;
	s17 =	sadd.s32 s2, s17  }
0x69: {  	v2, _, _ =	vpop (xrf0);
	[tilespmem:s10], [sflag:$0x1] =	stream.linear.gather [hbm4b:s17+s1], $0x400, $0x38;
	[tilespmem:$0x11400] =	vst v63  }
0x6a: {  	s29 =	spop (v2sf);
	(v2sf) =	vpush v2, $0xF  }
0x6b: {  	v2 =	vsel vm6, $0x0, v63;
	s17 =	sshll.u32 s29, $0x4  }
0x6c: {  	s17 =	sand.u32 $0xFFFFF80, s17  }
0x6d: {  	s18 =	rddreg [dreg:$0x4];
	(xrf0) =	vadd.scan.msk.s32 $0xffff, v2;
	s17 =	sadd.s32 s2, s17  }
0x6e: {  	v2, _, _ =	vpop (xrf0);
	[tilespmem:s18], [sflag:$0x1] =	stream.linear.gather [hbm4b:s17+s1], $0x400, $0x38;
	[tilespmem:$0x11400] =	vst v63  }
0x6f: {  	s30 =	spop (v2sf);
	(v2sf) =	vpush v2, $0xF  }
0x70: {  	v2 =	vsel vm7, $0x0, v63;
	s17 =	sshll.u32 s30, $0x4  }
0x71: {  	s17 =	sand.u32 $0xFFFFF80, s17  }
0x72: {  	s31 =	rddreg [dreg:$0x5];
	(xrf0) =	vadd.scan.msk.s32 $0xffff, v2;
	s17 =	sadd.s32 s2, s17  }
0x73: {  	v2, _, _ =	vpop (xrf0);
	[tilespmem:s31], [sflag:$0x1] =	stream.linear.gather [hbm4b:s17+s1], $0x400, $0x38;
	[tilespmem:$0x11400] =	vst v63  }
0x74: {  	s19 =	spop (v2sf);
	(v2sf) =	vpush v2, $0xF  }
0x75: {  	v2 =	vsel vm8, $0x0, v63;
	s17 =	sshll.u32 s19, $0x4  }
0x76: {  	s17 =	sand.u32 $0xFFFFF80, s17  }
0x77: {  	s20 =	rddreg [dreg:$0x6];
	(xrf0) =	vadd.scan.msk.s32 $0xffff, v2;
	s17 =	sadd.s32 s2, s17  }
0x78: {  	v2, _, _ =	vpop (xrf0);
	[tilespmem:s20], [sflag:$0x1] =	stream.linear.gather [hbm4b:s17+s1], $0x400, $0x38;
	[tilespmem:$0x11400] =	vst v63  }
0x79: {  	s21 =	spop (v2sf);
	(v2sf) =	vpush v2, $0xF  }
0x7a: {  	v2 =	vsel vm9, $0x0, v63;
	s17 =	sshll.u32 s21, $0x4  }
0x7b: {  	s17 =	sand.u32 $0xFFFFF80, s17  }
0x7c: {  	s22 =	rddreg [dreg:$0x7];
	(xrf0) =	vadd.scan.msk.s32 $0xffff, v2;
	s17 =	sadd.s32 s2, s17  }
0x7d: {  	v2, _, _ =	vpop (xrf0);
	[tilespmem:s22], [sflag:$0x1] =	stream.linear.gather [hbm4b:s17+s1], $0x400, $0x38;
	[tilespmem:$0x11400] =	vst v63  }
0x7e: {  	s23 =	spop (v2sf);
	(v2sf) =	vpush v2, $0xF  }
0x7f: {  	v2 =	vsel vm10, $0x0, v63;
	s17 =	sshll.u32 s23, $0x4  }
0x80: {  	s17 =	sand.u32 $0xFFFFF80, s17  }
0x81: {  	s24 =	rddreg [dreg:$0x8];
	(xrf0) =	vadd.scan.msk.s32 $0xffff, v2;
	s17 =	sadd.s32 s2, s17  }
0x82: {  	v2, _, _ =	vpop (xrf0);
	[tilespmem:s24], [sflag:$0x1] =	stream.linear.gather [hbm4b:s17+s1], $0x400, $0x38;
	[tilespmem:$0x11400] =	vst v63  }
0x83: {  	s25 =	spop (v2sf);
	(v2sf) =	vpush v2, $0xF  }
0x84: {  	v2 =	vsel vm11, $0x0, v63;
	s17 =	sshll.u32 s25, $0x4  }
0x85: {  	s17 =	sand.u32 $0xFFFFF80, s17  }
0x86: {  	s26 =	rddreg [dreg:$0x9];
	(xrf0) =	vadd.scan.msk.s32 $0xffff, v2;
	s17 =	sadd.s32 s2, s17  }
0x87: {  	v2, _, _ =	vpop (xrf0);
	[tilespmem:s26], [sflag:$0x1] =	stream.linear.gather [hbm4b:s17+s1], $0x400, $0x38;
	[tilespmem:$0x11400] =	vst v63  }
0x88: {  	s28 =	spop (v2sf);
	(v2sf) =	vpush v2, $0xF  }
0x89: {  	v2 =	vsel vm12, $0x0, v63;
	s17 =	sshll.u32 s28, $0x4  }
0x8a: {  	s17 =	sand.u32 $0xFFFFF80, s17  }
0x8b: {  	s29 =	rddreg [dreg:$0xa];
	(xrf0) =	vadd.scan.msk.s32 $0xffff, v2;
	s17 =	sadd.s32 s2, s17  }
0x8c: {  	v2, _, _ =	vpop (xrf0);
	[tilespmem:s29], [sflag:$0x1] =	stream.linear.gather [hbm4b:s17+s1], $0x400, $0x38;
	[tilespmem:$0x11400] =	vst v63  }
0x8d: {  	s30 =	spop (v2sf);
	(v2sf) =	vpush v2, $0xF  }
0x8e: {  	v2 =	vsel vm13, $0x0, v63;
	s17 =	sshll.u32 s30, $0x4  }
0x8f: {  	s17 =	sand.u32 $0xFFFFF80, s17  }
0x90: {  	s31 =	rddreg [dreg:$0xb];
	(xrf0) =	vadd.scan.msk.s32 $0xffff, v2;
	s17 =	sadd.s32 s2, s17  }
0x91: {  	v2, _, _ =	vpop (xrf0);
	[tilespmem:s31], [sflag:$0x1] =	stream.linear.gather [hbm4b:s17+s1], $0x400, $0x38;
	[tilespmem:$0x11400] =	vst v63  }
0x92: {  	s19 =	spop (v2sf);
	(v2sf) =	vpush v2, $0xF  }
0x93: {  	v2 =	vsel vm14, $0x0, v63;
	s17 =	sshll.u32 s19, $0x4  }
0x94: {  	s17 =	sand.u32 $0xFFFFF80, s17  }
0x95: {  	s20 =	rddreg [dreg:$0xc];
	(xrf0) =	vadd.scan.msk.s32 $0xffff, v2;
	s17 =	sadd.s32 s2, s17  }
0x96: {  	v2, _, _ =	vpop (xrf0);
	[tilespmem:s20], [sflag:$0x1] =	stream.linear.gather [hbm4b:s17+s1], $0x400, $0x38;
	[tilespmem:$0x11400] =	vst v63  }
0x97: {  	s21 =	spop (v2sf);
	(v2sf) =	vpush v2, $0xF  }
0x98: {  	v2 =	vsel vm15, $0x0, v63;
	s17 =	sshll.u32 s21, $0x4  }
0x99: {  	s17 =	sand.u32 $0xFFFFF80, s17  }
0x9a: {  	s22 =	rddreg [dreg:$0xd];
	(xrf0) =	vadd.scan.msk.s32 $0xffff, v2;
	s17 =	sadd.s32 s2, s17  }
0x9b: {  	v2, _, _ =	vpop (xrf0);
	[tilespmem:s22], [sflag:$0x1] =	stream.linear.gather [hbm4b:s17+s1], $0x400, $0x38;
	[tilespmem:$0x11400] =	vst v63  }
0x9c: {  	s23 =	spop (v2sf);
	(v2sf) =	vpush v2, $0xF  }
0x9d: {  	s17 =	sshll.u32 s23, $0x4  }
0x9e: {  	s17 =	sand.u32 $0xFFFFF80, s17  }
0x9f: {  	s24 =	rddreg [dreg:$0xe];
	s17 =	sadd.s32 s2, s17  }
0xa0: {  	v2, _, _ =	vpop (xrf0);
	[tilespmem:s24], [sflag:$0x1] =	stream.linear.gather [hbm4b:s17+s1], $0x400, $0x38;
	[tilespmem:$0x11400] =	vst v63  }
0xa1: {  	s25 =	spop (v2sf);
	(v2sf) =	vpush v2, $0xF  }
0xa2: {  	s17 =	sshll.u32 s25, $0x4  }
0xa3: {  	s17 =	sand.u32 $0xFFFFF80, s17  }
0xa4: {  	s26 =	rddreg [dreg:$0xf];
	s17 =	sadd.s32 s2, s17  }
0xa5: {  	[tilespmem:s26], [sflag:$0x1] =	stream.linear.gather [hbm4b:s17+s1], $0x400, $0x38;
	[tilespmem:$0x11400] =	vst v63  }
0xa6: {  	s28 =	spop (v2sf)  }
0xa7: {  	s17 =	sshll.u32 s28, $0x4  }
0xa8: {  	s17 =	sand.u32 $0xFFFFF80, s17  }
0xa9: {  	s29 =	rddreg [dreg:$0x10];
	s17 =	sadd.s32 s2, s17  }
0xaa: {  	[tilespmem:s29], [sflag:$0x1] =	stream.linear.gather [hbm4b:s17+s1], $0x400, $0x38;
	[tilespmem:$0x11400] =	vst v63  }
0xab: {  	s30 =	spop (v2sf)  }
0xac: {  	s17 =	sshll.u32 s30, $0x4  }
0xad: {  	s17 =	sand.u32 $0xFFFFF80, s17  }
0xae: {  	s31 =	rddreg [dreg:$0x11];
	s17 =	sadd.s32 s2, s17  }
0xaf: {  	[tilespmem:s31], [sflag:$0x1] =	stream.linear.gather [hbm4b:s17+s1], $0x400, $0x38;
	[tilespmem:$0x11400] =	vst v63  }
0xb0: {  	s19 =	spop (v2sf)  }
0xb1: {  	s17 =	sshll.u32 s19, $0x4  }
0xb2: {  	s17 =	sand.u32 $0xFFFFF80, s17  }
0xb3: {  	s20 =	rddreg [dreg:$0x12];
	s17 =	sadd.s32 s2, s17  }
0xb4: {  	[tilespmem:s20], [sflag:$0x1] =	stream.linear.gather [hbm4b:s17+s1], $0x400, $0x38;
	[tilespmem:$0x11400] =	vst v63  }
0xb5: {  	v2 =	vld [tilespmem:s14+$0x10];
	_ =	sdelay $0x4  }
0xb6: {  	v63 =	vnsel vm0, $0x0, v2  }
0xb7: {  	(xrf0) =	vadd.scan.msk.s32 $0xffff, v63;
	_ =	sdelay $0x2  }
0xb8: {  	v63 =	vsel vm1, $0x0, v2;
	_ =	sdelay $0x1  }
0xb9: {  	(xrf0) =	vadd.scan.msk.s32 $0xffff, v63  }
0xba: {  	v63, _, _ =	vpop (xrf0)  }
0xbb: {  	(v2sf) =	vpush v63, $0xF  }
0xbc: {  	v63 =	vsel vm2, $0x0, v2;
	_ =	sdelay $0x1  }
0xbd: {  	(xrf0) =	vadd.scan.msk.s32 $0xffff, v63  }
0xbe: {  	v63, _, _ =	vpop (xrf0)  }
0xbf: {  	(v2sf) =	vpush v63, $0xF  }
0xc0: {  	v63 =	vsel vm3, $0x0, v2;
	_ =	sdelay $0x1  }
0xc1: {  	(xrf0) =	vadd.scan.msk.s32 $0xffff, v63  }
0xc2: {  	v63, _, _ =	vpop (xrf0)  }
0xc3: {  	(v2sf) =	vpush v63, $0xF  }
0xc4: {  	v63 =	vsel vm4, $0x0, v2;
	_ =	sdelay $0x1  }
0xc5: {  	(xrf0) =	vadd.scan.msk.s32 $0xffff, v63  }
0xc6: {  	v63, _, _ =	vpop (xrf0)  }
0xc7: {  	s21 =	spop (v2sf);
	(v2sf) =	vpush v63, $0xF  }
0xc8: {  	v63 =	vsel vm5, $0x0, v2;
	s17 =	sshll.u32 s21, $0x4  }
0xc9: {  	s17 =	sand.u32 $0xFFFFF80, s17  }
0xca: {  	s22 =	rddreg [dreg:$0x13];
	(xrf0) =	vadd.scan.msk.s32 $0xffff, v63;
	s17 =	sadd.s32 s2, s17  }
0xcb: {  	v63, _, _ =	vpop (xrf0);
	[tilespmem:s22], [sflag:$0x1] =	stream.linear.gather [hbm4b:s17+s1], $0x400, $0x38;
	[tilespmem:$0x11400] =	vst v63  }
0xcc: {  	s23 =	spop (v2sf);
	(v2sf) =	vpush v63, $0xF  }
0xcd: {  	v63 =	vsel vm6, $0x0, v2;
	s17 =	sshll.u32 s23, $0x4  }
0xce: {  	s17 =	sand.u32 $0xFFFFF80, s17  }
0xcf: {  	s24 =	rddreg [dreg:$0x14];
	(xrf0) =	vadd.scan.msk.s32 $0xffff, v63;
	s17 =	sadd.s32 s2, s17  }
0xd0: {  	v63, _, _ =	vpop (xrf0);
	[tilespmem:s24], [sflag:$0x1] =	stream.linear.gather [hbm4b:s17+s1], $0x400, $0x38;
	[tilespmem:$0x11400] =	vst v63  }
0xd1: {  	s25 =	spop (v2sf);
	(v2sf) =	vpush v63, $0xF  }
0xd2: {  	v63 =	vsel vm7, $0x0, v2;
	s17 =	sshll.u32 s25, $0x4  }
0xd3: {  	s17 =	sand.u32 $0xFFFFF80, s17  }
0xd4: {  	s26 =	rddreg [dreg:$0x15];
	(xrf0) =	vadd.scan.msk.s32 $0xffff, v63;
	s17 =	sadd.s32 s2, s17  }
0xd5: {  	v63, _, _ =	vpop (xrf0);
	[tilespmem:s26], [sflag:$0x1] =	stream.linear.gather [hbm4b:s17+s1], $0x400, $0x38;
	[tilespmem:$0x11400] =	vst v63  }
0xd6: {  	s28 =	spop (v2sf);
	(v2sf) =	vpush v63, $0xF  }
0xd7: {  	v63 =	vsel vm8, $0x0, v2;
	s17 =	sshll.u32 s28, $0x4  }
0xd8: {  	s17 =	sand.u32 $0xFFFFF80, s17  }
0xd9: {  	s29 =	rddreg [dreg:$0x16];
	(xrf0) =	vadd.scan.msk.s32 $0xffff, v63;
	s17 =	sadd.s32 s2, s17  }
0xda: {  	v63, _, _ =	vpop (xrf0);
	[tilespmem:s29], [sflag:$0x1] =	stream.linear.gather [hbm4b:s17+s1], $0x400, $0x38;
	[tilespmem:$0x11400] =	vst v63  }
0xdb: {  	s30 =	spop (v2sf);
	(v2sf) =	vpush v63, $0xF  }
0xdc: {  	v63 =	vsel vm9, $0x0, v2;
	s17 =	sshll.u32 s30, $0x4  }
0xdd: {  	s17 =	sand.u32 $0xFFFFF80, s17  }
0xde: {  	s31 =	rddreg [dreg:$0x17];
	(xrf0) =	vadd.scan.msk.s32 $0xffff, v63;
	s17 =	sadd.s32 s2, s17  }
0xdf: {  	v63, _, _ =	vpop (xrf0);
	[tilespmem:s31], [sflag:$0x1] =	stream.linear.gather [hbm4b:s17+s1], $0x400, $0x38;
	[tilespmem:$0x11400] =	vst v63  }
0xe0: {  	s19 =	spop (v2sf);
	(v2sf) =	vpush v63, $0xF  }
0xe1: {  	v63 =	vsel vm10, $0x0, v2;
	s17 =	sshll.u32 s19, $0x4  }
0xe2: {  	s17 =	sand.u32 $0xFFFFF80, s17  }
0xe3: {  	s20 =	rddreg [dreg:$0x18];
	(xrf0) =	vadd.scan.msk.s32 $0xffff, v63;
	s17 =	sadd.s32 s2, s17  }
0xe4: {  	v63, _, _ =	vpop (xrf0);
	[tilespmem:s20], [sflag:$0x1] =	stream.linear.gather [hbm4b:s17+s1], $0x400, $0x38;
	[tilespmem:$0x11400] =	vst v63  }
0xe5: {  	s21 =	spop (v2sf);
	(v2sf) =	vpush v63, $0xF  }
0xe6: {  	v63 =	vsel vm11, $0x0, v2;
	s17 =	sshll.u32 s21, $0x4  }
0xe7: {  	s17 =	sand.u32 $0xFFFFF80, s17  }
0xe8: {  	s22 =	rddreg [dreg:$0x19];
	(xrf0) =	vadd.scan.msk.s32 $0xffff, v63;
	s17 =	sadd.s32 s2, s17  }
0xe9: {  	v63, _, _ =	vpop (xrf0);
	[tilespmem:s22], [sflag:$0x1] =	stream.linear.gather [hbm4b:s17+s1], $0x400, $0x38;
	[tilespmem:$0x11400] =	vst v63  }
0xea: {  	s23 =	spop (v2sf);
	(v2sf) =	vpush v63, $0xF  }
0xeb: {  	v63 =	vsel vm12, $0x0, v2;
	s17 =	sshll.u32 s23, $0x4  }
0xec: {  	s17 =	sand.u32 $0xFFFFF80, s17  }
0xed: {  	s24 =	rddreg [dreg:$0x1a];
	(xrf0) =	vadd.scan.msk.s32 $0xffff, v63;
	s17 =	sadd.s32 s2, s17  }
0xee: {  	v63, _, _ =	vpop (xrf0);
	[tilespmem:s24], [sflag:$0x1] =	stream.linear.gather [hbm4b:s17+s1], $0x400, $0x38;
	[tilespmem:$0x11400] =	vst v63  }
0xef: {  	s25 =	spop (v2sf);
	(v2sf) =	vpush v63, $0xF  }
0xf0: {  	v63 =	vsel vm13, $0x0, v2;
	s17 =	sshll.u32 s25, $0x4  }
0xf1: {  	s17 =	sand.u32 $0xFFFFF80, s17  }
0xf2: {  	s26 =	rddreg [dreg:$0x1b];
	(xrf0) =	vadd.scan.msk.s32 $0xffff, v63;
	s17 =	sadd.s32 s2, s17  }
0xf3: {  	v63, _, _ =	vpop (xrf0);
	[tilespmem:s26], [sflag:$0x1] =	stream.linear.gather [hbm4b:s17+s1], $0x400, $0x38;
	[tilespmem:$0x11400] =	vst v63  }
0xf4: {  	s28 =	spop (v2sf);
	(v2sf) =	vpush v63, $0xF  }
0xf5: {  	v63 =	vsel vm14, $0x0, v2;
	s17 =	sshll.u32 s28, $0x4  }
0xf6: {  	s17 =	sand.u32 $0xFFFFF80, s17  }
0xf7: {  	s29 =	rddreg [dreg:$0x1c];
	(xrf0) =	vadd.scan.msk.s32 $0xffff, v63;
	s17 =	sadd.s32 s2, s17  }
0xf8: {  	v63, _, _ =	vpop (xrf0);
	[tilespmem:s29], [sflag:$0x1] =	stream.linear.gather [hbm4b:s17+s1], $0x400, $0x38;
	[tilespmem:$0x11400] =	vst v63  }
0xf9: {  	s30 =	spop (v2sf);
	(v2sf) =	vpush v63, $0xF  }
0xfa: {  	v2 =	vsel vm15, $0x0, v2;
	s17 =	sshll.u32 s30, $0x4  }
0xfb: {  	s17 =	sand.u32 $0xFFFFF80, s17  }
0xfc: {  	s31 =	rddreg [dreg:$0x1d];
	(xrf0) =	vadd.scan.msk.s32 $0xffff, v2;
	s17 =	sadd.s32 s2, s17  }
0xfd: {  	v2, _, _ =	vpop (xrf0);
	[tilespmem:s31], [sflag:$0x1] =	stream.linear.gather [hbm4b:s17+s1], $0x400, $0x38;
	[tilespmem:$0x11400] =	vst v63  }
0xfe: {  	s18 =	spop (v2sf);
	(v2sf) =	vpush v2, $0xF  }
0xff: {  	s17 =	sshll.u32 s18, $0x4  }
0x100: {  	s17 =	sand.u32 $0xFFFFF80, s17  }
0x101: {  	s19 =	rddreg [dreg:$0x1e];
	s17 =	sadd.s32 s2, s17  }
0x102: {  	v2, _, _ =	vpop (xrf0);
	[tilespmem:s19], [sflag:$0x1] =	stream.linear.gather [hbm4b:s17+s1], $0x400, $0x38;
	[tilespmem:$0x11400] =	vst v63  }
0x103: {  	s20 =	spop (v2sf);
	(v2sf) =	vpush v2, $0xF  }
0x104: {  	s17 =	sshll.u32 s20, $0x4  }
0x105: {  	s17 =	sand.u32 $0xFFFFF80, s17  }
0x106: {  	s21 =	rddreg [dreg:$0x1f];
	s17 =	sadd.s32 s2, s17  }
0x107: {  	[tilespmem:s21], [sflag:$0x1] =	stream.linear.gather [hbm4b:s17+s1], $0x400, $0x38;
	[tilespmem:$0x11400] =	vst v63  }
0x108: {  	s22 =	spop (v2sf)  }
0x109: {  	s23 =	sld [smem:$0x7DB];
	s17 =	sshll.u32 s22, $0x4  }
0x10a: {  	s17 =	sand.u32 $0xFFFFF80, s17  }
0x10b: {  	s17 =	sadd.s32 s2, s17  }
0x10c: {  	[tilespmem:s23], [sflag:$0x1] =	stream.linear.gather [hbm4b:s17+s1], $0x400, $0x38;
	[tilespmem:$0x11400] =	vst v63  }
0x10d: {  	s24 =	spop (v2sf)  }
0x10e: {  	s25 =	sld [smem:$0x7DC];
	s17 =	sshll.u32 s24, $0x4  }
0x10f: {  	s17 =	sand.u32 $0xFFFFF80, s17  }
0x110: {  	s17 =	sadd.s32 s2, s17  }
0x111: {  	[tilespmem:s25], [sflag:$0x1] =	stream.linear.gather [hbm4b:s17+s1], $0x400, $0x38;
	[tilespmem:$0x11400] =	vst v63  }
0x112: {  	s26 =	spop (v2sf)  }
0x113: {  	s28 =	sld [smem:$0x7DD];
	s17 =	sshll.u32 s26, $0x4  }
0x114: {  	s17 =	sand.u32 $0xFFFFF80, s17  }
0x115: {  	s17 =	sadd.s32 s2, s17  }
0x116: {  	[tilespmem:s28], [sflag:$0x1] =	stream.linear.gather [hbm4b:s17+s1], $0x400, $0x38;
	[tilespmem:$0x11400] =	vst v63  }
0x117: {  	s17 =	sand.u32 $0x1E0, s16  }
0x118: {  	v2 =	vld [tilespmem:s17+$0x200];
	_ =	sdelay $0x4  }
0x119: {  	v63 =	vnsel vm0, $0x0, v2  }
0x11a: {  	(xrf0) =	vadd.scan.msk.s32 $0xffff, v63;
	_ =	sdelay $0x2  }
0x11b: {  	v63 =	vsel vm1, $0x0, v2;
	_ =	sdelay $0x1  }
0x11c: {  	(xrf0) =	vadd.scan.msk.s32 $0xffff, v63  }
0x11d: {  	v63, _, _ =	vpop (xrf0)  }
0x11e: {  	(v2sf) =	vpush v63, $0xF  }
0x11f: {  	v63 =	vsel vm2, $0x0, v2;
	_ =	sdelay $0x1  }
0x120: {  	(xrf0) =	vadd.scan.msk.s32 $0xffff, v63  }
0x121: {  	v63, _, _ =	vpop (xrf0)  }
0x122: {  	(v2sf) =	vpush v63, $0xF  }
0x123: {  	v63 =	vsel vm3, $0x0, v2;
	_ =	sdelay $0x1  }
0x124: {  	(xrf0) =	vadd.scan.msk.s32 $0xffff, v63  }
0x125: {  	v63, _, _ =	vpop (xrf0)  }
0x126: {  	(v2sf) =	vpush v63, $0xF  }
0x127: {  	v63 =	vsel vm4, $0x0, v2;
	_ =	sdelay $0x1  }
0x128: {  	(xrf0) =	vadd.scan.msk.s32 $0xffff, v63  }
0x129: {  	v63, _, _ =	vpop (xrf0)  }
0x12a: {  	s29 =	spop (v2sf);
	(v2sf) =	vpush v63, $0xF  }
0x12b: {  	s19 =	sld [smem:$0x7DE];
	v63 =	vsel vm5, $0x0, v2;
	s18 =	sshll.u32 s29, $0x4  }
0x12c: {  	s18 =	sand.u32 $0xFFFFF80, s18  }
0x12d: {  	(xrf0) =	vadd.scan.msk.s32 $0xffff, v63;
	s18 =	sadd.s32 s2, s18  }
0x12e: {  	v63, _, _ =	vpop (xrf0);
	[tilespmem:s19], [sflag:$0x1] =	stream.linear.gather [hbm4b:s18+s1], $0x400, $0x38;
	[tilespmem:$0x11400] =	vst v63  }
0x12f: {  	s30 =	spop (v2sf);
	(v2sf) =	vpush v63, $0xF  }
0x130: {  	s31 =	sld [smem:$0x7DF];
	v63 =	vsel vm6, $0x0, v2;
	s18 =	sshll.u32 s30, $0x4  }
0x131: {  	s18 =	sand.u32 $0xFFFFF80, s18  }
0x132: {  	(xrf0) =	vadd.scan.msk.s32 $0xffff, v63;
	s18 =	sadd.s32 s2, s18  }
0x133: {  	v63, _, _ =	vpop (xrf0);
	[tilespmem:s31], [sflag:$0x1] =	stream.linear.gather [hbm4b:s18+s1], $0x400, $0x38;
	[tilespmem:$0x11400] =	vst v63  }
0x134: {  	s19 =	spop (v2sf);
	(v2sf) =	vpush v63, $0xF  }
0x135: {  	s20 =	sld [smem:$0x7E0];
	v63 =	vsel vm7, $0x0, v2;
	s18 =	sshll.u32 s19, $0x4  }
0x136: {  	s18 =	sand.u32 $0xFFFFF80, s18  }
0x137: {  	(xrf0) =	vadd.scan.msk.s32 $0xffff, v63;
	s18 =	sadd.s32 s2, s18  }
0x138: {  	v63, _, _ =	vpop (xrf0);
	[tilespmem:s20], [sflag:$0x1] =	stream.linear.gather [hbm4b:s18+s1], $0x400, $0x38;
	[tilespmem:$0x11400] =	vst v63  }
0x139: {  	s21 =	spop (v2sf);
	(v2sf) =	vpush v63, $0xF  }
0x13a: {  	s22 =	sld [smem:$0x7E1];
	v63 =	vsel vm8, $0x0, v2;
	s18 =	sshll.u32 s21, $0x4  }
0x13b: {  	s18 =	sand.u32 $0xFFFFF80, s18  }
0x13c: {  	(xrf0) =	vadd.scan.msk.s32 $0xffff, v63;
	s18 =	sadd.s32 s2, s18  }
0x13d: {  	v63, _, _ =	vpop (xrf0);
	[tilespmem:s22], [sflag:$0x1] =	stream.linear.gather [hbm4b:s18+s1], $0x400, $0x38;
	[tilespmem:$0x11400] =	vst v63  }
0x13e: {  	s23 =	spop (v2sf);
	(v2sf) =	vpush v63, $0xF  }
0x13f: {  	s24 =	sld [smem:$0x7E2];
	v63 =	vsel vm9, $0x0, v2;
	s18 =	sshll.u32 s23, $0x4  }
0x140: {  	s18 =	sand.u32 $0xFFFFF80, s18  }
0x141: {  	(xrf0) =	vadd.scan.msk.s32 $0xffff, v63;
	s18 =	sadd.s32 s2, s18  }
0x142: {  	v63, _, _ =	vpop (xrf0);
	[tilespmem:s24], [sflag:$0x1] =	stream.linear.gather [hbm4b:s18+s1], $0x400, $0x38;
	[tilespmem:$0x11400] =	vst v63  }
0x143: {  	s25 =	spop (v2sf);
	(v2sf) =	vpush v63, $0xF  }
0x144: {  	s26 =	sld [smem:$0x7E3];
	v63 =	vsel vm10, $0x0, v2;
	s18 =	sshll.u32 s25, $0x4  }
0x145: {  	s18 =	sand.u32 $0xFFFFF80, s18  }
0x146: {  	(xrf0) =	vadd.scan.msk.s32 $0xffff, v63;
	s18 =	sadd.s32 s2, s18  }
0x147: {  	v63, _, _ =	vpop (xrf0);
	[tilespmem:s26], [sflag:$0x1] =	stream.linear.gather [hbm4b:s18+s1], $0x400, $0x38;
	[tilespmem:$0x11400] =	vst v63  }
0x148: {  	s28 =	spop (v2sf);
	(v2sf) =	vpush v63, $0xF  }
0x149: {  	s29 =	sld [smem:$0x7E4];
	v63 =	vsel vm11, $0x0, v2;
	s18 =	sshll.u32 s28, $0x4  }
0x14a: {  	s18 =	sand.u32 $0xFFFFF80, s18  }
0x14b: {  	(xrf0) =	vadd.scan.msk.s32 $0xffff, v63;
	s18 =	sadd.s32 s2, s18  }
0x14c: {  	v63, _, _ =	vpop (xrf0);
	[tilespmem:s29], [sflag:$0x1] =	stream.linear.gather [hbm4b:s18+s1], $0x400, $0x38;
	[tilespmem:$0x11400] =	vst v63  }
0x14d: {  	s30 =	spop (v2sf);
	(v2sf) =	vpush v63, $0xF  }
0x14e: {  	s31 =	sld [smem:$0x7E5];
	v63 =	vsel vm12, $0x0, v2;
	s18 =	sshll.u32 s30, $0x4  }
0x14f: {  	s18 =	sand.u32 $0xFFFFF80, s18  }
0x150: {  	(xrf0) =	vadd.scan.msk.s32 $0xffff, v63;
	s18 =	sadd.s32 s2, s18  }
0x151: {  	v63, _, _ =	vpop (xrf0);
	[tilespmem:s31], [sflag:$0x1] =	stream.linear.gather [hbm4b:s18+s1], $0x400, $0x38;
	[tilespmem:$0x11400] =	vst v63  }
0x152: {  	s19 =	spop (v2sf);
	(v2sf) =	vpush v63, $0xF  }
0x153: {  	s20 =	sld [smem:$0x7E6];
	v63 =	vsel vm13, $0x0, v2;
	s18 =	sshll.u32 s19, $0x4  }
0x154: {  	s18 =	sand.u32 $0xFFFFF80, s18  }
0x155: {  	(xrf0) =	vadd.scan.msk.s32 $0xffff, v63;
	s18 =	sadd.s32 s2, s18  }
0x156: {  	v63, _, _ =	vpop (xrf0);
	[tilespmem:s20], [sflag:$0x1] =	stream.linear.gather [hbm4b:s18+s1], $0x400, $0x38;
	[tilespmem:$0x11400] =	vst v63  }
0x157: {  	s21 =	spop (v2sf);
	(v2sf) =	vpush v63, $0xF  }
0x158: {  	s22 =	sld [smem:$0x7E7];
	v63 =	vsel vm14, $0x0, v2;
	s18 =	sshll.u32 s21, $0x4  }
0x159: {  	s18 =	sand.u32 $0xFFFFF80, s18  }
0x15a: {  	(xrf0) =	vadd.scan.msk.s32 $0xffff, v63;
	s18 =	sadd.s32 s2, s18  }
0x15b: {  	v63, _, _ =	vpop (xrf0);
	[tilespmem:s22], [sflag:$0x1] =	stream.linear.gather [hbm4b:s18+s1], $0x400, $0x38;
	[tilespmem:$0x11400] =	vst v63  }
0x15c: {  	s23 =	spop (v2sf);
	(v2sf) =	vpush v63, $0xF  }
0x15d: {  	s24 =	sld [smem:$0x7E8];
	v2 =	vsel vm15, $0x0, v2;
	s18 =	sshll.u32 s23, $0x4  }
0x15e: {  	s18 =	sand.u32 $0xFFFFF80, s18  }
0x15f: {  	(xrf0) =	vadd.scan.msk.s32 $0xffff, v2;
	s18 =	sadd.s32 s2, s18  }
0x160: {  	v2, _, _ =	vpop (xrf0);
	[tilespmem:s24], [sflag:$0x1] =	stream.linear.gather [hbm4b:s18+s1], $0x400, $0x38;
	[tilespmem:$0x11400] =	vst v63  }
0x161: {  	s25 =	spop (v2sf);
	(v2sf) =	vpush v2, $0xF  }
0x162: {  	s26 =	sld [smem:$0x7E9];
	s18 =	sshll.u32 s25, $0x4  }
0x163: {  	s18 =	sand.u32 $0xFFFFF80, s18  }
0x164: {  	s18 =	sadd.s32 s2, s18  }
0x165: {  	v2, _, _ =	vpop (xrf0);
	[tilespmem:s26], [sflag:$0x1] =	stream.linear.gather [hbm4b:s18+s1], $0x400, $0x38;
	[tilespmem:$0x11400] =	vst v63  }
0x166: {  	s28 =	spop (v2sf);
	(v2sf) =	vpush v2, $0xF  }
0x167: {  	s29 =	sld [smem:$0x7EA];
	s18 =	sshll.u32 s28, $0x4  }
0x168: {  	s18 =	sand.u32 $0xFFFFF80, s18  }
0x169: {  	s18 =	sadd.s32 s2, s18  }
0x16a: {  	[tilespmem:s29], [sflag:$0x1] =	stream.linear.gather [hbm4b:s18+s1], $0x400, $0x38;
	[tilespmem:$0x11400] =	vst v63  }
0x16b: {  	s30 =	spop (v2sf)  }
0x16c: {  	s31 =	sld [smem:$0x7EB];
	s18 =	sshll.u32 s30, $0x4  }
0x16d: {  	s18 =	sand.u32 $0xFFFFF80, s18  }
0x16e: {  	s18 =	sadd.s32 s2, s18  }
0x16f: {  	[tilespmem:s31], [sflag:$0x1] =	stream.linear.gather [hbm4b:s18+s1], $0x400, $0x38;
	[tilespmem:$0x11400] =	vst v63  }
0x170: {  	s19 =	spop (v2sf)  }
0x171: {  	s20 =	sld [smem:$0x7EC];
	s18 =	sshll.u32 s19, $0x4  }
0x172: {  	s18 =	sand.u32 $0xFFFFF80, s18  }
0x173: {  	s18 =	sadd.s32 s2, s18  }
0x174: {  	[tilespmem:s20], [sflag:$0x1] =	stream.linear.gather [hbm4b:s18+s1], $0x400, $0x38;
	[tilespmem:$0x11400] =	vst v63  }
0x175: {  	s21 =	spop (v2sf)  }
0x176: {  	s22 =	sld [smem:$0x7ED];
	s18 =	sshll.u32 s21, $0x4  }
0x177: {  	s18 =	sand.u32 $0xFFFFF80, s18  }
0x178: {  	s18 =	sadd.s32 s2, s18  }
0x179: {  	[tilespmem:s22], [sflag:$0x1] =	stream.linear.gather [hbm4b:s18+s1], $0x400, $0x38;
	[tilespmem:$0x11400] =	vst v63  }
0x17a: {  	v2 =	vld [tilespmem:s14+$0x210];
	_ =	sdelay $0x4  }
0x17b: {  	v63 =	vnsel vm0, $0x0, v2  }
0x17c: {  	(xrf0) =	vadd.scan.msk.s32 $0xffff, v63;
	_ =	sdelay $0x2  }
0x17d: {  	v63 =	vsel vm1, $0x0, v2;
	_ =	sdelay $0x1  }
0x17e: {  	(xrf0) =	vadd.scan.msk.s32 $0xffff, v63  }
0x17f: {  	v63, _, _ =	vpop (xrf0)  }
0x180: {  	(v2sf) =	vpush v63, $0xF  }
0x181: {  	v63 =	vsel vm2, $0x0, v2;
	_ =	sdelay $0x1  }
0x182: {  	(xrf0) =	vadd.scan.msk.s32 $0xffff, v63  }
0x183: {  	v63, _, _ =	vpop (xrf0)  }
0x184: {  	(v2sf) =	vpush v63, $0xF  }
0x185: {  	v63 =	vsel vm3, $0x0, v2;
	_ =	sdelay $0x1  }
0x186: {  	(xrf0) =	vadd.scan.msk.s32 $0xffff, v63  }
0x187: {  	v63, _, _ =	vpop (xrf0)  }
0x188: {  	(v2sf) =	vpush v63, $0xF  }
0x189: {  	v63 =	vsel vm4, $0x0, v2;
	_ =	sdelay $0x1  }
0x18a: {  	(xrf0) =	vadd.scan.msk.s32 $0xffff, v63  }
0x18b: {  	v63, _, _ =	vpop (xrf0)  }
0x18c: {  	s23 =	spop (v2sf);
	(v2sf) =	vpush v63, $0xF  }
0x18d: {  	s24 =	sld [smem:$0x7EE];
	v63 =	vsel vm5, $0x0, v2;
	s18 =	sshll.u32 s23, $0x4  }
0x18e: {  	s18 =	sand.u32 $0xFFFFF80, s18  }
0x18f: {  	(xrf0) =	vadd.scan.msk.s32 $0xffff, v63;
	s18 =	sadd.s32 s2, s18  }
0x190: {  	v63, _, _ =	vpop (xrf0);
	[tilespmem:s24], [sflag:$0x1] =	stream.linear.gather [hbm4b:s18+s1], $0x400, $0x38;
	[tilespmem:$0x11400] =	vst v63  }
0x191: {  	s25 =	spop (v2sf);
	(v2sf) =	vpush v63, $0xF  }
0x192: {  	s26 =	sld [smem:$0x7EF];
	v63 =	vsel vm6, $0x0, v2;
	s18 =	sshll.u32 s25, $0x4  }
0x193: {  	s18 =	sand.u32 $0xFFFFF80, s18  }
0x194: {  	(xrf0) =	vadd.scan.msk.s32 $0xffff, v63;
	s18 =	sadd.s32 s2, s18  }
0x195: {  	v63, _, _ =	vpop (xrf0);
	[tilespmem:s26], [sflag:$0x1] =	stream.linear.gather [hbm4b:s18+s1], $0x400, $0x38;
	[tilespmem:$0x11400] =	vst v63  }
0x196: {  	s28 =	spop (v2sf);
	(v2sf) =	vpush v63, $0xF  }
0x197: {  	s29 =	sld [smem:$0x7F0];
	v63 =	vsel vm7, $0x0, v2;
	s18 =	sshll.u32 s28, $0x4  }
0x198: {  	s18 =	sand.u32 $0xFFFFF80, s18  }
0x199: {  	(xrf0) =	vadd.scan.msk.s32 $0xffff, v63;
	s18 =	sadd.s32 s2, s18  }
0x19a: {  	v63, _, _ =	vpop (xrf0);
	[tilespmem:s29], [sflag:$0x1] =	stream.linear.gather [hbm4b:s18+s1], $0x400, $0x38;
	[tilespmem:$0x11400] =	vst v63  }
0x19b: {  	s30 =	spop (v2sf);
	(v2sf) =	vpush v63, $0xF  }
0x19c: {  	s31 =	sld [smem:$0x7F1];
	v63 =	vsel vm8, $0x0, v2;
	s18 =	sshll.u32 s30, $0x4  }
0x19d: {  	s18 =	sand.u32 $0xFFFFF80, s18  }
0x19e: {  	(xrf0) =	vadd.scan.msk.s32 $0xffff, v63;
	s18 =	sadd.s32 s2, s18  }
0x19f: {  	v63, _, _ =	vpop (xrf0);
	[tilespmem:s31], [sflag:$0x1] =	stream.linear.gather [hbm4b:s18+s1], $0x400, $0x38;
	[tilespmem:$0x11400] =	vst v63  }
0x1a0: {  	s19 =	spop (v2sf);
	(v2sf) =	vpush v63, $0xF  }
0x1a1: {  	s20 =	sld [smem:$0x7F2];
	v63 =	vsel vm9, $0x0, v2;
	s18 =	sshll.u32 s19, $0x4  }
0x1a2: {  	s18 =	sand.u32 $0xFFFFF80, s18  }
0x1a3: {  	(xrf0) =	vadd.scan.msk.s32 $0xffff, v63;
	s18 =	sadd.s32 s2, s18  }
0x1a4: {  	v63, _, _ =	vpop (xrf0);
	[tilespmem:s20], [sflag:$0x1] =	stream.linear.gather [hbm4b:s18+s1], $0x400, $0x38;
	[tilespmem:$0x11400] =	vst v63  }
0x1a5: {  	s21 =	spop (v2sf);
	(v2sf) =	vpush v63, $0xF  }
0x1a6: {  	s22 =	sld [smem:$0x7F3];
	v63 =	vsel vm10, $0x0, v2;
	s18 =	sshll.u32 s21, $0x4  }
0x1a7: {  	s18 =	sand.u32 $0xFFFFF80, s18  }
0x1a8: {  	(xrf0) =	vadd.scan.msk.s32 $0xffff, v63;
	s18 =	sadd.s32 s2, s18  }
0x1a9: {  	v63, _, _ =	vpop (xrf0);
	[tilespmem:s22], [sflag:$0x1] =	stream.linear.gather [hbm4b:s18+s1], $0x400, $0x38;
	[tilespmem:$0x11400] =	vst v63  }
0x1aa: {  	s23 =	spop (v2sf);
	(v2sf) =	vpush v63, $0xF  }
0x1ab: {  	s24 =	sld [smem:$0x7F4];
	v63 =	vsel vm11, $0x0, v2;
	s18 =	sshll.u32 s23, $0x4  }
0x1ac: {  	s18 =	sand.u32 $0xFFFFF80, s18  }
0x1ad: {  	(xrf0) =	vadd.scan.msk.s32 $0xffff, v63;
	s18 =	sadd.s32 s2, s18  }
0x1ae: {  	v63, _, _ =	vpop (xrf0);
	[tilespmem:s24], [sflag:$0x1] =	stream.linear.gather [hbm4b:s18+s1], $0x400, $0x38;
	[tilespmem:$0x11400] =	vst v63  }
0x1af: {  	s25 =	spop (v2sf);
	(v2sf) =	vpush v63, $0xF  }
0x1b0: {  	s26 =	sld [smem:$0x7F5];
	v63 =	vsel vm12, $0x0, v2;
	s18 =	sshll.u32 s25, $0x4  }
0x1b1: {  	s18 =	sand.u32 $0xFFFFF80, s18  }
0x1b2: {  	(xrf0) =	vadd.scan.msk.s32 $0xffff, v63;
	s18 =	sadd.s32 s2, s18  }
0x1b3: {  	v63, _, _ =	vpop (xrf0);
	[tilespmem:s26], [sflag:$0x1] =	stream.linear.gather [hbm4b:s18+s1], $0x400, $0x38;
	[tilespmem:$0x11400] =	vst v63  }
0x1b4: {  	s28 =	spop (v2sf);
	(v2sf) =	vpush v63, $0xF  }
0x1b5: {  	s29 =	sld [smem:$0x7F6];
	v63 =	vsel vm13, $0x0, v2;
	s18 =	sshll.u32 s28, $0x4  }
0x1b6: {  	s18 =	sand.u32 $0xFFFFF80, s18  }
0x1b7: {  	(xrf0) =	vadd.scan.msk.s32 $0xffff, v63;
	s18 =	sadd.s32 s2, s18  }
0x1b8: {  	v63, _, _ =	vpop (xrf0);
	[tilespmem:s29], [sflag:$0x1] =	stream.linear.gather [hbm4b:s18+s1], $0x400, $0x38;
	[tilespmem:$0x11400] =	vst v63  }
0x1b9: {  	s30 =	spop (v2sf);
	(v2sf) =	vpush v63, $0xF  }
0x1ba: {  	s31 =	sld [smem:$0x7F7];
	v63 =	vsel vm14, $0x0, v2;
	s18 =	sshll.u32 s30, $0x4  }
0x1bb: {  	s18 =	sand.u32 $0xFFFFF80, s18  }
0x1bc: {  	(xrf0) =	vadd.scan.msk.s32 $0xffff, v63;
	s18 =	sadd.s32 s2, s18  }
0x1bd: {  	v63, _, _ =	vpop (xrf0);
	[tilespmem:s31], [sflag:$0x1] =	stream.linear.gather [hbm4b:s18+s1], $0x400, $0x38;
	[tilespmem:$0x11400] =	vst v63  }
0x1be: {  	s19 =	spop (v2sf);
	(v2sf) =	vpush v63, $0xF  }
0x1bf: {  	s20 =	sld [smem:$0x7F8];
	v2 =	vsel vm15, $0x0, v2;
	s18 =	sshll.u32 s19, $0x4  }
0x1c0: {  	s18 =	sand.u32 $0xFFFFF80, s18  }
0x1c1: {  	(xrf0) =	vadd.scan.msk.s32 $0xffff, v2;
	s18 =	sadd.s32 s2, s18  }
0x1c2: {  	v2, _, _ =	vpop (xrf0);
	[tilespmem:s20], [sflag:$0x1] =	stream.linear.gather [hbm4b:s18+s1], $0x400, $0x38;
	[tilespmem:$0x11400] =	vst v63  }
0x1c3: {  	s21 =	spop (v2sf);
	(v2sf) =	vpush v2, $0xF  }
0x1c4: {  	s22 =	sld [smem:$0x7F9];
	s18 =	sshll.u32 s21, $0x4  }
0x1c5: {  	s18 =	sand.u32 $0xFFFFF80, s18  }
0x1c6: {  	s18 =	sadd.s32 s2, s18  }
0x1c7: {  	v2, _, _ =	vpop (xrf0);
	[tilespmem:s22], [sflag:$0x1] =	stream.linear.gather [hbm4b:s18+s1], $0x400, $0x38;
	[tilespmem:$0x11400] =	vst v63  }
0x1c8: {  	s23 =	spop (v2sf);
	(v2sf) =	vpush v2, $0xF  }
0x1c9: {  	s24 =	sld [smem:$0x7FA];
	s18 =	sshll.u32 s23, $0x4  }
0x1ca: {  	s18 =	sand.u32 $0xFFFFF80, s18  }
0x1cb: {  	s18 =	sadd.s32 s2, s18  }
0x1cc: {  	[tilespmem:s24], [sflag:$0x1] =	stream.linear.gather [hbm4b:s18+s1], $0x400, $0x38;
	[tilespmem:$0x11400] =	vst v63  }
0x1cd: {  	s25 =	spop (v2sf)  }
0x1ce: {  	s26 =	sld [smem:$0x7FB];
	s18 =	sshll.u32 s25, $0x4  }
0x1cf: {  	s18 =	sand.u32 $0xFFFFF80, s18  }
0x1d0: {  	s18 =	sadd.s32 s2, s18  }
0x1d1: {  	[tilespmem:s26], [sflag:$0x1] =	stream.linear.gather [hbm4b:s18+s1], $0x400, $0x38;
	[tilespmem:$0x11400] =	vst v63  }
0x1d2: {  	s28 =	spop (v2sf)  }
0x1d3: {  	s29 =	sld [smem:$0x7FC];
	s18 =	sshll.u32 s28, $0x4  }
0x1d4: {  	s18 =	sand.u32 $0xFFFFF80, s18  }
0x1d5: {  	s18 =	sadd.s32 s2, s18  }
0x1d6: {  	[tilespmem:s29], [sflag:$0x1] =	stream.linear.gather [hbm4b:s18+s1], $0x400, $0x38;
	[tilespmem:$0x11400] =	vst v63  }
0x1d7: {  	s30 =	spop (v2sf)  }
0x1d8: {  	s31 =	sld [smem:$0x7FD];
	s18 =	sshll.u32 s30, $0x4  }
0x1d9: {  	s18 =	sand.u32 $0xFFFFF80, s18  }
0x1da: {  	s18 =	sadd.s32 s2, s18  }
0x1db: {  	[tilespmem:s31], [sflag:$0x1] =	stream.linear.gather [hbm4b:s18+s1], $0x400, $0x38;
	[tilespmem:$0x11400] =	vst v63  }
0x1dc: {  	_ =	swait.ge [sflag:s11], $0x10000  }
0x1dd: {  	[sflag:s11] =	ssyncset.done $0x0  }
0x1de: {  	[sflag:s11] =	ssyncadd.s32 $0xFFFF0000  }
0x1df: {  	v2 =	vld [tilespmem:s14+$0x0];
	_ =	sdelay $0x4  }
0x1e0: {  	v2 =	vshll.u32 v2, $0x7  }
0x1e1: {  	v63 =	vand.u32 $0x380, v2  }
0x1e2: {  	v2 =	vor.u32 v0, v63;
	_ =	sdelay $0x4  }
0x1e3: {  	v2 =	vld.idx.msk [tilespmem:v2+s10+$0x0], $0xffff  }
0x1e4: {  	v3 =	vor.u32 v5, v63;
	_ =	sdelay $0x3  }
0x1e5: {  	[tilespmem:v1+s12+$0x0] =	vst.idx.msk $0xffff, v2  }
0x1e6: {  	v2 =	vld.idx.msk [tilespmem:v3+s10+$0x0], $0xffff  }
0x1e7: {  	v3 =	vor.u32 v7, v63;
	_ =	sdelay $0x3  }
0x1e8: {  	[tilespmem:v4+s12+$0x0] =	vst.idx.msk $0xffff, v2  }
0x1e9: {  	v2 =	vld.idx.msk [tilespmem:v3+s10+$0x0], $0xffff  }
0x1ea: {  	v3 =	vor.u32 v9, v63;
	_ =	sdelay $0x3  }
0x1eb: {  	[tilespmem:v8+s12+$0x0] =	vst.idx.msk $0xffff, v2  }
0x1ec: {  	v2 =	vld.idx.msk [tilespmem:v3+s10+$0x0], $0xffff  }
0x1ed: {  	v3 =	vor.u32 v11, v63;
	_ =	sdelay $0x3  }
0x1ee: {  	[tilespmem:v10+s12+$0x0] =	vst.idx.msk $0xffff, v2  }
0x1ef: {  	v2 =	vld.idx.msk [tilespmem:v3+s10+$0x0], $0xffff  }
0x1f0: {  	v3 =	vor.u32 v13, v63;
	_ =	sdelay $0x3  }
0x1f1: {  	[tilespmem:v12+s12+$0x0] =	vst.idx.msk $0xffff, v2  }
0x1f2: {  	v2 =	vld.idx.msk [tilespmem:v3+s10+$0x0], $0xffff  }
0x1f3: {  	v3 =	vor.u32 v15, v63;
	_ =	sdelay $0x3  }
0x1f4: {  	[tilespmem:v14+s12+$0x0] =	vst.idx.msk $0xffff, v2  }
0x1f5: {  	v2 =	vld.idx.msk [tilespmem:v3+s10+$0x0], $0xffff  }
0x1f6: {  	v3 =	vor.u32 v17, v63;
	_ =	sdelay $0x3  }
0x1f7: {  	[tilespmem:v16+s12+$0x0] =	vst.idx.msk $0xffff, v2  }
0x1f8: {  	v2 =	vld.idx.msk [tilespmem:v3+s10+$0x0], $0xffff  }
0x1f9: {  	v3 =	vor.u32 v19, v63;
	_ =	sdelay $0x3  }
0x1fa: {  	[tilespmem:v18+s12+$0x0] =	vst.idx.msk $0xffff, v2  }
0x1fb: {  	v2 =	vld.idx.msk [tilespmem:v3+s10+$0x0], $0xffff  }
0x1fc: {  	v3 =	vor.u32 v21, v63;
	_ =	sdelay $0x3  }
0x1fd: {  	[tilespmem:v20+s12+$0x0] =	vst.idx.msk $0xffff, v2  }
0x1fe: {  	v2 =	vld.idx.msk [tilespmem:v3+s10+$0x0], $0xffff  }
0x1ff: {  	v3 =	vor.u32 v23, v63;
	_ =	sdelay $0x3  }
0x200: {  	[tilespmem:v22+s12+$0x0] =	vst.idx.msk $0xffff, v2  }
0x201: {  	v2 =	vld.idx.msk [tilespmem:v3+s10+$0x0], $0xffff  }
0x202: {  	v3 =	vor.u32 v25, v63;
	_ =	sdelay $0x3  }
0x203: {  	[tilespmem:v24+s12+$0x0] =	vst.idx.msk $0xffff, v2  }
0x204: {  	v2 =	vld.idx.msk [tilespmem:v3+s10+$0x0], $0xffff  }
0x205: {  	v3 =	vor.u32 v27, v63;
	_ =	sdelay $0x3  }
0x206: {  	[tilespmem:v26+s12+$0x0] =	vst.idx.msk $0xffff, v2  }
0x207: {  	v2 =	vld.idx.msk [tilespmem:v3+s10+$0x0], $0xffff  }
0x208: {  	v3 =	vor.u32 v29, v63;
	_ =	sdelay $0x3  }
0x209: {  	[tilespmem:v28+s12+$0x0] =	vst.idx.msk $0xffff, v2  }
0x20a: {  	v2 =	vld.idx.msk [tilespmem:v3+s10+$0x0], $0xffff  }
0x20b: {  	v3 =	vor.u32 v31, v63;
	_ =	sdelay $0x3  }
0x20c: {  	[tilespmem:v30+s12+$0x0] =	vst.idx.msk $0xffff, v2  }
0x20d: {  	v2 =	vld.idx.msk [tilespmem:v3+s10+$0x0], $0xffff  }
0x20e: {  	v3 =	vor.u32 v33, v63;
	_ =	sdelay $0x3  }
0x20f: {  	[tilespmem:v32+s12+$0x0] =	vst.idx.msk $0xffff, v2  }
0x210: {  	v2 =	vld.idx.msk [tilespmem:v3+s10+$0x0], $0xffff  }
0x211: {  	v3 =	vor.u32 v35, v63;
	_ =	sdelay $0x3  }
0x212: {  	[tilespmem:v34+s12+$0x0] =	vst.idx.msk $0xffff, v2  }
0x213: {  	v2 =	vld.idx.msk [tilespmem:v3+s10+$0x0], $0xffff  }
0x214: {  	v3 =	vor.u32 v37, v63;
	_ =	sdelay $0x3  }
0x215: {  	[tilespmem:v36+s12+$0x0] =	vst.idx.msk $0xffff, v2  }
0x216: {  	v2 =	vld.idx.msk [tilespmem:v3+s10+$0x0], $0xffff  }
0x217: {  	v3 =	vor.u32 v39, v63;
	_ =	sdelay $0x3  }
0x218: {  	[tilespmem:v38+s12+$0x0] =	vst.idx.msk $0xffff, v2  }
0x219: {  	v2 =	vld.idx.msk [tilespmem:v3+s10+$0x0], $0xffff  }
0x21a: {  	v3 =	vor.u32 v41, v63;
	_ =	sdelay $0x3  }
0x21b: {  	[tilespmem:v40+s12+$0x0] =	vst.idx.msk $0xffff, v2  }
0x21c: {  	v2 =	vld.idx.msk [tilespmem:v3+s10+$0x0], $0xffff  }
0x21d: {  	v3 =	vor.u32 v43, v63;
	_ =	sdelay $0x3  }
0x21e: {  	[tilespmem:v42+s12+$0x0] =	vst.idx.msk $0xffff, v2  }
0x21f: {  	v2 =	vld.idx.msk [tilespmem:v3+s10+$0x0], $0xffff  }
0x220: {  	v3 =	vor.u32 v45, v63;
	_ =	sdelay $0x3  }
0x221: {  	[tilespmem:v44+s12+$0x0] =	vst.idx.msk $0xffff, v2  }
0x222: {  	v2 =	vld.idx.msk [tilespmem:v3+s10+$0x0], $0xffff  }
0x223: {  	v3 =	vor.u32 v47, v63;
	_ =	sdelay $0x3  }
0x224: {  	[tilespmem:v46+s12+$0x0] =	vst.idx.msk $0xffff, v2  }
0x225: {  	v2 =	vld.idx.msk [tilespmem:v3+s10+$0x0], $0xffff  }
0x226: {  	v3 =	vor.u32 v49, v63;
	_ =	sdelay $0x3  }
0x227: {  	[tilespmem:v48+s12+$0x0] =	vst.idx.msk $0xffff, v2  }
0x228: {  	v2 =	vld.idx.msk [tilespmem:v3+s10+$0x0], $0xffff  }
0x229: {  	v3 =	vor.u32 v51, v63;
	_ =	sdelay $0x3  }
0x22a: {  	[tilespmem:v50+s12+$0x0] =	vst.idx.msk $0xffff, v2  }
0x22b: {  	v2 =	vld.idx.msk [tilespmem:v3+s10+$0x0], $0xffff  }
0x22c: {  	v3 =	vor.u32 v53, v63;
	_ =	sdelay $0x3  }
0x22d: {  	[tilespmem:v52+s12+$0x0] =	vst.idx.msk $0xffff, v2  }
0x22e: {  	v2 =	vld.idx.msk [tilespmem:v3+s10+$0x0], $0xffff  }
0x22f: {  	v3 =	vor.u32 v55, v63;
	_ =	sdelay $0x3  }
0x230: {  	[tilespmem:v54+s12+$0x0] =	vst.idx.msk $0xffff, v2  }
0x231: {  	v2 =	vld.idx.msk [tilespmem:v3+s10+$0x0], $0xffff  }
0x232: {  	v3 =	vor.u32 v57, v63;
	_ =	sdelay $0x3  }
0x233: {  	[tilespmem:v56+s12+$0x0] =	vst.idx.msk $0xffff, v2  }
0x234: {  	v2 =	vld.idx.msk [tilespmem:v3+s10+$0x0], $0xffff  }
0x235: {  	v3 =	vor.u32 v59, v63;
	_ =	sdelay $0x3  }
0x236: {  	[tilespmem:v58+s12+$0x0] =	vst.idx.msk $0xffff, v2  }
0x237: {  	v2 =	vld.idx.msk [tilespmem:v3+s10+$0x0], $0xffff  }
0x238: {  	v3 =	vor.u32 v61, v63;
	_ =	sdelay $0x3  }
0x239: {  	[tilespmem:v60+s12+$0x0] =	vst.idx.msk $0xffff, v2  }
0x23a: {  	v2 =	vld.idx.msk [tilespmem:v3+s10+$0x0], $0xffff  }
0x23b: {  	v3 =	vor.u32 v6, v63;
	_ =	sdelay $0x3  }
0x23c: {  	[tilespmem:v62+s12+$0x0] =	vst.idx.msk $0xffff, v2  }
0x23d: {  	v2 =	vld.idx.msk [tilespmem:v3+s10+$0x0], $0xffff  }
0x23e: {  	v3 =	vld [tilespmem:$0x1FFE0]  }
0x23f: {  	v4 =	vld [tilespmem:$0x1FFD0];
	_ =	sdelay $0x3  }
0x240: {  	v3 =	vor.u32 v3, v63;
	_ =	sdelay $0x3  }
0x241: {  	[tilespmem:v4+s12+$0x0] =	vst.idx.msk $0xffff, v2  }
0x242: {  	v4 =	vor.u32 $0x20, v0;
	v2 =	vld.idx.msk [tilespmem:v3+s10+$0x0], $0xffff;
	v3 =	vor.u32 $0x1F, v1  }
0x243: {  	v4 =	vor.u32 v4, v63;
	_ =	sdelay $0x3  }
0x244: {  	[tilespmem:v3+s12+$0x0] =	vst.idx.msk $0xffff, v2  }
0x245: {  	v3 =	vor.u32 $0x20, v1;
	v2 =	vld.idx.msk [tilespmem:v4+s10+$0x0], $0xffff;
	v4 =	vor.u32 $0x21, v0  }
0x246: {  	v4 =	vor.u32 v4, v63;
	_ =	sdelay $0x3  }
0x247: {  	[tilespmem:v3+s12+$0x0] =	vst.idx.msk $0xffff, v2  }
0x248: {  	v3 =	vor.u32 $0x21, v1;
	v2 =	vld.idx.msk [tilespmem:v4+s10+$0x0], $0xffff;
	v4 =	vor.u32 $0x22, v0  }
0x249: {  	v4 =	vor.u32 v4, v63;
	_ =	sdelay $0x3  }
0x24a: {  	[tilespmem:v3+s12+$0x0] =	vst.idx.msk $0xffff, v2  }
0x24b: {  	v3 =	vor.u32 $0x22, v1;
	v2 =	vld.idx.msk [tilespmem:v4+s10+$0x0], $0xffff;
	v4 =	vor.u32 $0x23, v0  }
0x24c: {  	v4 =	vor.u32 v4, v63;
	_ =	sdelay $0x3  }
0x24d: {  	[tilespmem:v3+s12+$0x0] =	vst.idx.msk $0xffff, v2  }
0x24e: {  	v3 =	vor.u32 $0x23, v1;
	v2 =	vld.idx.msk [tilespmem:v4+s10+$0x0], $0xffff;
	v4 =	vor.u32 $0x24, v0  }
0x24f: {  	v4 =	vor.u32 v4, v63;
	_ =	sdelay $0x3  }
0x250: {  	[tilespmem:v3+s12+$0x0] =	vst.idx.msk $0xffff, v2  }
0x251: {  	v3 =	vor.u32 $0x24, v1;
	v2 =	vld.idx.msk [tilespmem:v4+s10+$0x0], $0xffff;
	v4 =	vor.u32 $0x25, v0  }
0x252: {  	v4 =	vor.u32 v4, v63;
	_ =	sdelay $0x3  }
0x253: {  	[tilespmem:v3+s12+$0x0] =	vst.idx.msk $0xffff, v2  }
0x254: {  	v3 =	vor.u32 $0x25, v1;
	v2 =	vld.idx.msk [tilespmem:v4+s10+$0x0], $0xffff;
	v4 =	vor.u32 $0x26, v0  }
0x255: {  	v4 =	vor.u32 v4, v63;
	_ =	sdelay $0x3  }
0x256: {  	[tilespmem:v3+s12+$0x0] =	vst.idx.msk $0xffff, v2  }
0x257: {  	v3 =	vor.u32 $0x26, v1;
	v2 =	vld.idx.msk [tilespmem:v4+s10+$0x0], $0xffff;
	v4 =	vor.u32 $0x27, v0  }
0x258: {  	v4 =	vor.u32 v4, v63;
	_ =	sdelay $0x3  }
0x259: {  	[tilespmem:v3+s12+$0x0] =	vst.idx.msk $0xffff, v2  }
0x25a: {  	v3 =	vor.u32 $0x27, v1;
	v2 =	vld.idx.msk [tilespmem:v4+s10+$0x0], $0xffff;
	v4 =	vor.u32 $0x28, v0  }
0x25b: {  	v4 =	vor.u32 v4, v63;
	_ =	sdelay $0x3  }
0x25c: {  	[tilespmem:v3+s12+$0x0] =	vst.idx.msk $0xffff, v2  }
0x25d: {  	v3 =	vor.u32 $0x28, v1;
	v2 =	vld.idx.msk [tilespmem:v4+s10+$0x0], $0xffff;
	v4 =	vor.u32 $0x29, v0  }
0x25e: {  	v4 =	vor.u32 v4, v63;
	_ =	sdelay $0x3  }
0x25f: {  	[tilespmem:v3+s12+$0x0] =	vst.idx.msk $0xffff, v2  }
0x260: {  	v3 =	vor.u32 $0x29, v1;
	v2 =	vld.idx.msk [tilespmem:v4+s10+$0x0], $0xffff;
	v4 =	vor.u32 $0x2A, v0  }
0x261: {  	v4 =	vor.u32 v4, v63;
	_ =	sdelay $0x3  }
0x262: {  	[tilespmem:v3+s12+$0x0] =	vst.idx.msk $0xffff, v2  }
0x263: {  	v3 =	vor.u32 $0x2A, v1;
	v2 =	vld.idx.msk [tilespmem:v4+s10+$0x0], $0xffff;
	v4 =	vor.u32 $0x2B, v0  }
0x264: {  	v4 =	vor.u32 v4, v63;
	_ =	sdelay $0x3  }
0x265: {  	[tilespmem:v3+s12+$0x0] =	vst.idx.msk $0xffff, v2  }
0x266: {  	v3 =	vor.u32 $0x2B, v1;
	v2 =	vld.idx.msk [tilespmem:v4+s10+$0x0], $0xffff;
	v4 =	vor.u32 $0x2C, v0  }
0x267: {  	v4 =	vor.u32 v4, v63;
	_ =	sdelay $0x3  }
0x268: {  	[tilespmem:v3+s12+$0x0] =	vst.idx.msk $0xffff, v2  }
0x269: {  	v3 =	vor.u32 $0x2C, v1;
	v2 =	vld.idx.msk [tilespmem:v4+s10+$0x0], $0xffff;
	v4 =	vor.u32 $0x2D, v0  }
0x26a: {  	v4 =	vor.u32 v4, v63;
	_ =	sdelay $0x3  }
0x26b: {  	[tilespmem:v3+s12+$0x0] =	vst.idx.msk $0xffff, v2  }
0x26c: {  	v3 =	vor.u32 $0x2D, v1;
	v2 =	vld.idx.msk [tilespmem:v4+s10+$0x0], $0xffff;
	v4 =	vor.u32 $0x2E, v0  }
0x26d: {  	v4 =	vor.u32 v4, v63;
	_ =	sdelay $0x3  }
0x26e: {  	[tilespmem:v3+s12+$0x0] =	vst.idx.msk $0xffff, v2  }
0x26f: {  	v3 =	vor.u32 $0x2E, v1;
	v2 =	vld.idx.msk [tilespmem:v4+s10+$0x0], $0xffff;
	v4 =	vor.u32 $0x2F, v0  }
0x270: {  	v4 =	vor.u32 v4, v63;
	_ =	sdelay $0x3  }
0x271: {  	[tilespmem:v3+s12+$0x0] =	vst.idx.msk $0xffff, v2  }
0x272: {  	v3 =	vor.u32 $0x2F, v1;
	v2 =	vld.idx.msk [tilespmem:v4+s10+$0x0], $0xffff;
	v4 =	vor.u32 $0x30, v0  }
0x273: {  	v4 =	vor.u32 v4, v63;
	_ =	sdelay $0x3  }
0x274: {  	[tilespmem:v3+s12+$0x0] =	vst.idx.msk $0xffff, v2  }
0x275: {  	v3 =	vor.u32 $0x30, v1;
	v2 =	vld.idx.msk [tilespmem:v4+s10+$0x0], $0xffff;
	v4 =	vor.u32 $0x31, v0  }
0x276: {  	v4 =	vor.u32 v4, v63;
	_ =	sdelay $0x3  }
0x277: {  	[tilespmem:v3+s12+$0x0] =	vst.idx.msk $0xffff, v2  }
0x278: {  	v3 =	vor.u32 $0x31, v1;
	v2 =	vld.idx.msk [tilespmem:v4+s10+$0x0], $0xffff;
	v4 =	vor.u32 $0x32, v0  }
0x279: {  	v4 =	vor.u32 v4, v63;
	_ =	sdelay $0x3  }
0x27a: {  	[tilespmem:v3+s12+$0x0] =	vst.idx.msk $0xffff, v2  }
0x27b: {  	v3 =	vor.u32 $0x32, v1;
	v2 =	vld.idx.msk [tilespmem:v4+s10+$0x0], $0xffff;
	v4 =	vor.u32 $0x33, v0  }
0x27c: {  	v4 =	vor.u32 v4, v63;
	_ =	sdelay $0x3  }
0x27d: {  	[tilespmem:v3+s12+$0x0] =	vst.idx.msk $0xffff, v2  }
0x27e: {  	v3 =	vor.u32 $0x33, v1;
	v2 =	vld.idx.msk [tilespmem:v4+s10+$0x0], $0xffff;
	v4 =	vor.u32 $0x34, v0  }
0x27f: {  	v4 =	vor.u32 v4, v63;
	_ =	sdelay $0x3  }
0x280: {  	[tilespmem:v3+s12+$0x0] =	vst.idx.msk $0xffff, v2  }
0x281: {  	v3 =	vor.u32 $0x34, v1;
	v2 =	vld.idx.msk [tilespmem:v4+s10+$0x0], $0xffff;
	v4 =	vor.u32 $0x35, v0  }
0x282: {  	v4 =	vor.u32 v4, v63;
	_ =	sdelay $0x3  }
0x283: {  	[tilespmem:v3+s12+$0x0] =	vst.idx.msk $0xffff, v2  }
0x284: {  	v3 =	vor.u32 $0x35, v1;
	v2 =	vld.idx.msk [tilespmem:v4+s10+$0x0], $0xffff;
	v4 =	vor.u32 $0x36, v0  }
0x285: {  	v4 =	vor.u32 v4, v63;
	_ =	sdelay $0x3  }
0x286: {  	[tilespmem:v3+s12+$0x0] =	vst.idx.msk $0xffff, v2  }
0x287: {  	v3 =	vor.u32 $0x36, v1;
	v2 =	vld.idx.msk [tilespmem:v4+s10+$0x0], $0xffff;
	v4 =	vor.u32 $0x37, v0  }
0x288: {  	v4 =	vor.u32 v4, v63;
	_ =	sdelay $0x3  }
0x289: {  	[tilespmem:v3+s12+$0x0] =	vst.idx.msk $0xffff, v2  }
0x28a: {  	v3 =	vor.u32 $0x37, v1;
	v2 =	vld.idx.msk [tilespmem:v4+s10+$0x0], $0xffff;
	v4 =	vor.u32 $0x38, v0  }
0x28b: {  	v4 =	vor.u32 v4, v63;
	_ =	sdelay $0x3  }
0x28c: {  	[tilespmem:v3+s12+$0x0] =	vst.idx.msk $0xffff, v2  }
0x28d: {  	v3 =	vor.u32 $0x38, v1;
	v2 =	vld.idx.msk [tilespmem:v4+s10+$0x0], $0xffff;
	v4 =	vor.u32 $0x39, v0  }
0x28e: {  	v4 =	vor.u32 v4, v63;
	_ =	sdelay $0x3  }
0x28f: {  	[tilespmem:v3+s12+$0x0] =	vst.idx.msk $0xffff, v2  }
0x290: {  	v3 =	vor.u32 $0x39, v1;
	v2 =	vld.idx.msk [tilespmem:v4+s10+$0x0], $0xffff;
	v4 =	vor.u32 $0x3A, v0  }
0x291: {  	v4 =	vor.u32 v4, v63;
	_ =	sdelay $0x3  }
0x292: {  	[tilespmem:v3+s12+$0x0] =	vst.idx.msk $0xffff, v2  }
0x293: {  	v3 =	vor.u32 $0x3A, v1;
	v2 =	vld.idx.msk [tilespmem:v4+s10+$0x0], $0xffff;
	v4 =	vor.u32 $0x3B, v0  }
0x294: {  	v4 =	vor.u32 v4, v63;
	_ =	sdelay $0x3  }
0x295: {  	[tilespmem:v3+s12+$0x0] =	vst.idx.msk $0xffff, v2  }
0x296: {  	v3 =	vor.u32 $0x3B, v1;
	v2 =	vld.idx.msk [tilespmem:v4+s10+$0x0], $0xffff;
	v4 =	vor.u32 $0x3C, v0  }
0x297: {  	v4 =	vor.u32 v4, v63;
	_ =	sdelay $0x3  }
0x298: {  	[tilespmem:v3+s12+$0x0] =	vst.idx.msk $0xffff, v2  }
0x299: {  	v3 =	vor.u32 $0x3C, v1;
	v2 =	vld.idx.msk [tilespmem:v4+s10+$0x0], $0xffff;
	v4 =	vor.u32 $0x3D, v0  }
0x29a: {  	v4 =	vor.u32 v4, v63;
	_ =	sdelay $0x3  }
0x29b: {  	[tilespmem:v3+s12+$0x0] =	vst.idx.msk $0xffff, v2  }
0x29c: {  	v3 =	vor.u32 $0x3D, v1;
	v2 =	vld.idx.msk [tilespmem:v4+s10+$0x0], $0xffff;
	v4 =	vor.u32 $0x3E, v0  }
0x29d: {  	v4 =	vor.u32 v4, v63;
	_ =	sdelay $0x3  }
0x29e: {  	[tilespmem:v3+s12+$0x0] =	vst.idx.msk $0xffff, v2  }
0x29f: {  	v3 =	vor.u32 $0x3E, v1;
	v2 =	vld.idx.msk [tilespmem:v4+s10+$0x0], $0xffff;
	v4 =	vor.u32 $0x3F, v0  }
0x2a0: {  	v4 =	vor.u32 v4, v63;
	_ =	sdelay $0x3  }
0x2a1: {  	[tilespmem:v3+s12+$0x0] =	vst.idx.msk $0xffff, v2  }
0x2a2: {  	v3 =	vor.u32 $0x3F, v1;
	v2 =	vld.idx.msk [tilespmem:v4+s10+$0x0], $0xffff;
	_ =	sdelay $0x4  }
0x2a3: {  	[tilespmem:v3+s12+$0x0] =	vst.idx.msk $0xffff, v2  }
0x2a4: {  	v2 =	vld [tilespmem:s14+$0x10];
	_ =	sdelay $0x4  }
0x2a5: {  	v2 =	vshll.u32 v2, $0x7  }
0x2a6: {  	v63 =	vand.u32 $0x380, v2;
	v2 =	vor.u32 $0x4000, v0  }
0x2a7: {  	v2 =	vor.u32 v2, v63;
	_ =	sdelay $0x4  }
0x2a8: {  	v4 =	vor.u32 $0x4001, v0;
	v3 =	vor.u32 $0x800, v1;
	v2 =	vld.idx.msk [tilespmem:v2+s10+$0x0], $0xffff  }
0x2a9: {  	v4 =	vor.u32 v4, v63;
	_ =	sdelay $0x3  }
0x2aa: {  	[tilespmem:v3+s12+$0x0] =	vst.idx.msk $0xffff, v2  }
0x2ab: {  	v3 =	vor.u32 $0x801, v1;
	v2 =	vld.idx.msk [tilespmem:v4+s10+$0x0], $0xffff;
	v4 =	vor.u32 $0x4002, v0  }
0x2ac: {  	v4 =	vor.u32 v4, v63;
	_ =	sdelay $0x3  }
0x2ad: {  	[tilespmem:v3+s12+$0x0] =	vst.idx.msk $0xffff, v2  }
0x2ae: {  	v3 =	vor.u32 $0x802, v1;
	v2 =	vld.idx.msk [tilespmem:v4+s10+$0x0], $0xffff;
	v4 =	vor.u32 $0x4003, v0  }
0x2af: {  	v4 =	vor.u32 v4, v63;
	_ =	sdelay $0x3  }
0x2b0: {  	[tilespmem:v3+s12+$0x0] =	vst.idx.msk $0xffff, v2  }
0x2b1: {  	v3 =	vor.u32 $0x803, v1;
	v2 =	vld.idx.msk [tilespmem:v4+s10+$0x0], $0xffff;
	v4 =	vor.u32 $0x4004, v0  }
0x2b2: {  	v4 =	vor.u32 v4, v63;
	_ =	sdelay $0x3  }
0x2b3: {  	[tilespmem:v3+s12+$0x0] =	vst.idx.msk $0xffff, v2  }
0x2b4: {  	v3 =	vor.u32 $0x804, v1;
	v2 =	vld.idx.msk [tilespmem:v4+s10+$0x0], $0xffff;
	v4 =	vor.u32 $0x4005, v0  }
0x2b5: {  	v4 =	vor.u32 v4, v63;
	_ =	sdelay $0x3  }
0x2b6: {  	[tilespmem:v3+s12+$0x0] =	vst.idx.msk $0xffff, v2  }
0x2b7: {  	v3 =	vor.u32 $0x805, v1;
	v2 =	vld.idx.msk [tilespmem:v4+s10+$0x0], $0xffff;
	v4 =	vor.u32 $0x4006, v0  }
0x2b8: {  	v4 =	vor.u32 v4, v63;
	_ =	sdelay $0x3  }
0x2b9: {  	[tilespmem:v3+s12+$0x0] =	vst.idx.msk $0xffff, v2  }
0x2ba: {  	v3 =	vor.u32 $0x806, v1;
	v2 =	vld.idx.msk [tilespmem:v4+s10+$0x0], $0xffff;
	v4 =	vor.u32 $0x4007, v0  }
0x2bb: {  	v4 =	vor.u32 v4, v63;
	_ =	sdelay $0x3  }
0x2bc: {  	[tilespmem:v3+s12+$0x0] =	vst.idx.msk $0xffff, v2  }
0x2bd: {  	v3 =	vor.u32 $0x807, v1;
	v2 =	vld.idx.msk [tilespmem:v4+s10+$0x0], $0xffff;
	v4 =	vor.u32 $0x4008, v0  }
0x2be: {  	v4 =	vor.u32 v4, v63;
	_ =	sdelay $0x3  }
0x2bf: {  	[tilespmem:v3+s12+$0x0] =	vst.idx.msk $0xffff, v2  }
0x2c0: {  	v3 =	vor.u32 $0x808, v1;
	v2 =	vld.idx.msk [tilespmem:v4+s10+$0x0], $0xffff;
	v4 =	vor.u32 $0x4009, v0  }
0x2c1: {  	v4 =	vor.u32 v4, v63;
	_ =	sdelay $0x3  }
0x2c2: {  	[tilespmem:v3+s12+$0x0] =	vst.idx.msk $0xffff, v2  }
0x2c3: {  	v3 =	vor.u32 $0x809, v1;
	v2 =	vld.idx.msk [tilespmem:v4+s10+$0x0], $0xffff;
	v4 =	vor.u32 $0x400A, v0  }
0x2c4: {  	v4 =	vor.u32 v4, v63;
	_ =	sdelay $0x3  }
0x2c5: {  	[tilespmem:v3+s12+$0x0] =	vst.idx.msk $0xffff, v2  }
0x2c6: {  	v3 =	vor.u32 $0x80A, v1;
	v2 =	vld.idx.msk [tilespmem:v4+s10+$0x0], $0xffff;
	v4 =	vor.u32 $0x400B, v0  }
0x2c7: {  	v4 =	vor.u32 v4, v63;
	_ =	sdelay $0x3  }
0x2c8: {  	[tilespmem:v3+s12+$0x0] =	vst.idx.msk $0xffff, v2  }
0x2c9: {  	v3 =	vor.u32 $0x80B, v1;
	v2 =	vld.idx.msk [tilespmem:v4+s10+$0x0], $0xffff;
	v4 =	vor.u32 $0x400C, v0  }
0x2ca: {  	v4 =	vor.u32 v4, v63;
	_ =	sdelay $0x3  }
0x2cb: {  	[tilespmem:v3+s12+$0x0] =	vst.idx.msk $0xffff, v2  }
0x2cc: {  	v3 =	vor.u32 $0x80C, v1;
	v2 =	vld.idx.msk [tilespmem:v4+s10+$0x0], $0xffff;
	v4 =	vor.u32 $0x400D, v0  }
0x2cd: {  	v4 =	vor.u32 v4, v63;
	_ =	sdelay $0x3  }
0x2ce: {  	[tilespmem:v3+s12+$0x0] =	vst.idx.msk $0xffff, v2  }
0x2cf: {  	v3 =	vor.u32 $0x80D, v1;
	v2 =	vld.idx.msk [tilespmem:v4+s10+$0x0], $0xffff;
	v4 =	vor.u32 $0x400E, v0  }
0x2d0: {  	v4 =	vor.u32 v4, v63;
	_ =	sdelay $0x3  }
0x2d1: {  	[tilespmem:v3+s12+$0x0] =	vst.idx.msk $0xffff, v2  }
0x2d2: {  	v3 =	vor.u32 $0x80E, v1;
	v2 =	vld.idx.msk [tilespmem:v4+s10+$0x0], $0xffff;
	v4 =	vor.u32 $0x400F, v0  }
0x2d3: {  	v4 =	vor.u32 v4, v63;
	_ =	sdelay $0x3  }
0x2d4: {  	[tilespmem:v3+s12+$0x0] =	vst.idx.msk $0xffff, v2  }
0x2d5: {  	v3 =	vor.u32 $0x80F, v1;
	v2 =	vld.idx.msk [tilespmem:v4+s10+$0x0], $0xffff;
	v4 =	vor.u32 $0x4010, v0  }
0x2d6: {  	v4 =	vor.u32 v4, v63;
	_ =	sdelay $0x3  }
0x2d7: {  	[tilespmem:v3+s12+$0x0] =	vst.idx.msk $0xffff, v2  }
0x2d8: {  	v3 =	vor.u32 $0x810, v1;
	v2 =	vld.idx.msk [tilespmem:v4+s10+$0x0], $0xffff;
	v4 =	vor.u32 $0x4011, v0  }
0x2d9: {  	v4 =	vor.u32 v4, v63;
	_ =	sdelay $0x3  }
0x2da: {  	[tilespmem:v3+s12+$0x0] =	vst.idx.msk $0xffff, v2  }
0x2db: {  	v3 =	vor.u32 $0x811, v1;
	v2 =	vld.idx.msk [tilespmem:v4+s10+$0x0], $0xffff;
	v4 =	vor.u32 $0x4012, v0  }
0x2dc: {  	v4 =	vor.u32 v4, v63;
	_ =	sdelay $0x3  }
0x2dd: {  	[tilespmem:v3+s12+$0x0] =	vst.idx.msk $0xffff, v2  }
0x2de: {  	v3 =	vor.u32 $0x812, v1;
	v2 =	vld.idx.msk [tilespmem:v4+s10+$0x0], $0xffff;
	v4 =	vor.u32 $0x4013, v0  }
0x2df: {  	v4 =	vor.u32 v4, v63;
	_ =	sdelay $0x3  }
0x2e0: {  	[tilespmem:v3+s12+$0x0] =	vst.idx.msk $0xffff, v2  }
0x2e1: {  	v3 =	vor.u32 $0x813, v1;
	v2 =	vld.idx.msk [tilespmem:v4+s10+$0x0], $0xffff;
	v4 =	vor.u32 $0x4014, v0  }
0x2e2: {  	v4 =	vor.u32 v4, v63;
	_ =	sdelay $0x3  }
0x2e3: {  	[tilespmem:v3+s12+$0x0] =	vst.idx.msk $0xffff, v2  }
0x2e4: {  	v3 =	vor.u32 $0x814, v1;
	v2 =	vld.idx.msk [tilespmem:v4+s10+$0x0], $0xffff;
	v4 =	vor.u32 $0x4015, v0  }
0x2e5: {  	v4 =	vor.u32 v4, v63;
	_ =	sdelay $0x3  }
0x2e6: {  	[tilespmem:v3+s12+$0x0] =	vst.idx.msk $0xffff, v2  }
0x2e7: {  	v3 =	vor.u32 $0x815, v1;
	v2 =	vld.idx.msk [tilespmem:v4+s10+$0x0], $0xffff;
	v4 =	vor.u32 $0x4016, v0  }
0x2e8: {  	v4 =	vor.u32 v4, v63;
	_ =	sdelay $0x3  }
0x2e9: {  	[tilespmem:v3+s12+$0x0] =	vst.idx.msk $0xffff, v2  }
0x2ea: {  	v3 =	vor.u32 $0x816, v1;
	v2 =	vld.idx.msk [tilespmem:v4+s10+$0x0], $0xffff;
	v4 =	vor.u32 $0x4017, v0  }
0x2eb: {  	v4 =	vor.u32 v4, v63;
	_ =	sdelay $0x3  }
0x2ec: {  	[tilespmem:v3+s12+$0x0] =	vst.idx.msk $0xffff, v2  }
0x2ed: {  	v3 =	vor.u32 $0x817, v1;
	v2 =	vld.idx.msk [tilespmem:v4+s10+$0x0], $0xffff;
	v4 =	vor.u32 $0x4018, v0  }
0x2ee: {  	v4 =	vor.u32 v4, v63;
	_ =	sdelay $0x3  }
0x2ef: {  	[tilespmem:v3+s12+$0x0] =	vst.idx.msk $0xffff, v2  }
0x2f0: {  	v3 =	vor.u32 $0x818, v1;
	v2 =	vld.idx.msk [tilespmem:v4+s10+$0x0], $0xffff;
	v4 =	vor.u32 $0x4019, v0  }
0x2f1: {  	v4 =	vor.u32 v4, v63;
	_ =	sdelay $0x3  }
0x2f2: {  	[tilespmem:v3+s12+$0x0] =	vst.idx.msk $0xffff, v2  }
0x2f3: {  	v3 =	vor.u32 $0x819, v1;
	v2 =	vld.idx.msk [tilespmem:v4+s10+$0x0], $0xffff;
	v4 =	vor.u32 $0x401A, v0  }
0x2f4: {  	v4 =	vor.u32 v4, v63;
	_ =	sdelay $0x3  }
0x2f5: {  	[tilespmem:v3+s12+$0x0] =	vst.idx.msk $0xffff, v2  }
0x2f6: {  	v3 =	vor.u32 $0x81A, v1;
	v2 =	vld.idx.msk [tilespmem:v4+s10+$0x0], $0xffff;
	v4 =	vor.u32 $0x401B, v0  }
0x2f7: {  	v4 =	vor.u32 v4, v63;
	_ =	sdelay $0x3  }
0x2f8: {  	[tilespmem:v3+s12+$0x0] =	vst.idx.msk $0xffff, v2  }
0x2f9: {  	v3 =	vor.u32 $0x81B, v1;
	v2 =	vld.idx.msk [tilespmem:v4+s10+$0x0], $0xffff;
	v4 =	vor.u32 $0x401C, v0  }
0x2fa: {  	v4 =	vor.u32 v4, v63;
	_ =	sdelay $0x3  }
0x2fb: {  	[tilespmem:v3+s12+$0x0] =	vst.idx.msk $0xffff, v2  }
0x2fc: {  	v3 =	vor.u32 $0x81C, v1;
	v2 =	vld.idx.msk [tilespmem:v4+s10+$0x0], $0xffff;
	v4 =	vor.u32 $0x401D, v0  }
0x2fd: {  	v4 =	vor.u32 v4, v63;
	_ =	sdelay $0x3  }
0x2fe: {  	[tilespmem:v3+s12+$0x0] =	vst.idx.msk $0xffff, v2  }
0x2ff: {  	v3 =	vor.u32 $0x81D, v1;
	v2 =	vld.idx.msk [tilespmem:v4+s10+$0x0], $0xffff;
	v4 =	vor.u32 $0x401E, v0  }
0x300: {  	v4 =	vor.u32 v4, v63;
	_ =	sdelay $0x3  }
0x301: {  	[tilespmem:v3+s12+$0x0] =	vst.idx.msk $0xffff, v2  }
0x302: {  	v3 =	vor.u32 $0x81E, v1;
	v2 =	vld.idx.msk [tilespmem:v4+s10+$0x0], $0xffff;
	v4 =	vor.u32 $0x401F, v0  }
0x303: {  	v4 =	vor.u32 v4, v63;
	_ =	sdelay $0x3  }
0x304: {  	[tilespmem:v3+s12+$0x0] =	vst.idx.msk $0xffff, v2  }
0x305: {  	v3 =	vor.u32 $0x81F, v1;
	v2 =	vld.idx.msk [tilespmem:v4+s10+$0x0], $0xffff;
	v4 =	vor.u32 $0x4020, v0  }
0x306: {  	v4 =	vor.u32 v4, v63;
	_ =	sdelay $0x3  }
0x307: {  	[tilespmem:v3+s12+$0x0] =	vst.idx.msk $0xffff, v2  }
0x308: {  	v3 =	vor.u32 $0x820, v1;
	v2 =	vld.idx.msk [tilespmem:v4+s10+$0x0], $0xffff;
	v4 =	vor.u32 $0x4021, v0  }
0x309: {  	v4 =	vor.u32 v4, v63;
	_ =	sdelay $0x3  }
0x30a: {  	[tilespmem:v3+s12+$0x0] =	vst.idx.msk $0xffff, v2  }
0x30b: {  	v3 =	vor.u32 $0x821, v1;
	v2 =	vld.idx.msk [tilespmem:v4+s10+$0x0], $0xffff;
	v4 =	vor.u32 $0x4022, v0  }
0x30c: {  	v4 =	vor.u32 v4, v63;
	_ =	sdelay $0x3  }
0x30d: {  	[tilespmem:v3+s12+$0x0] =	vst.idx.msk $0xffff, v2  }
0x30e: {  	v3 =	vor.u32 $0x822, v1;
	v2 =	vld.idx.msk [tilespmem:v4+s10+$0x0], $0xffff;
	v4 =	vor.u32 $0x4023, v0  }
0x30f: {  	v4 =	vor.u32 v4, v63;
	_ =	sdelay $0x3  }
0x310: {  	[tilespmem:v3+s12+$0x0] =	vst.idx.msk $0xffff, v2  }
0x311: {  	v3 =	vor.u32 $0x823, v1;
	v2 =	vld.idx.msk [tilespmem:v4+s10+$0x0], $0xffff;
	v4 =	vor.u32 $0x4024, v0  }
0x312: {  	v4 =	vor.u32 v4, v63;
	_ =	sdelay $0x3  }
0x313: {  	[tilespmem:v3+s12+$0x0] =	vst.idx.msk $0xffff, v2  }
0x314: {  	v3 =	vor.u32 $0x824, v1;
	v2 =	vld.idx.msk [tilespmem:v4+s10+$0x0], $0xffff;
	v4 =	vor.u32 $0x4025, v0  }
0x315: {  	v4 =	vor.u32 v4, v63;
	_ =	sdelay $0x3  }
0x316: {  	[tilespmem:v3+s12+$0x0] =	vst.idx.msk $0xffff, v2  }
0x317: {  	v3 =	vor.u32 $0x825, v1;
	v2 =	vld.idx.msk [tilespmem:v4+s10+$0x0], $0xffff;
	v4 =	vor.u32 $0x4026, v0  }
0x318: {  	v4 =	vor.u32 v4, v63;
	_ =	sdelay $0x3  }
0x319: {  	[tilespmem:v3+s12+$0x0] =	vst.idx.msk $0xffff, v2  }
0x31a: {  	v3 =	vor.u32 $0x826, v1;
	v2 =	vld.idx.msk [tilespmem:v4+s10+$0x0], $0xffff;
	v4 =	vor.u32 $0x4027, v0  }
0x31b: {  	v4 =	vor.u32 v4, v63;
	_ =	sdelay $0x3  }
0x31c: {  	[tilespmem:v3+s12+$0x0] =	vst.idx.msk $0xffff, v2  }
0x31d: {  	v3 =	vor.u32 $0x827, v1;
	v2 =	vld.idx.msk [tilespmem:v4+s10+$0x0], $0xffff;
	v4 =	vor.u32 $0x4028, v0  }
0x31e: {  	v4 =	vor.u32 v4, v63;
	_ =	sdelay $0x3  }
0x31f: {  	[tilespmem:v3+s12+$0x0] =	vst.idx.msk $0xffff, v2  }
0x320: {  	v3 =	vor.u32 $0x828, v1;
	v2 =	vld.idx.msk [tilespmem:v4+s10+$0x0], $0xffff;
	v4 =	vor.u32 $0x4029, v0  }
0x321: {  	v4 =	vor.u32 v4, v63;
	_ =	sdelay $0x3  }
0x322: {  	[tilespmem:v3+s12+$0x0] =	vst.idx.msk $0xffff, v2  }
0x323: {  	v3 =	vor.u32 $0x829, v1;
	v2 =	vld.idx.msk [tilespmem:v4+s10+$0x0], $0xffff;
	v4 =	vor.u32 $0x402A, v0  }
0x324: {  	v4 =	vor.u32 v4, v63;
	_ =	sdelay $0x3  }
0x325: {  	[tilespmem:v3+s12+$0x0] =	vst.idx.msk $0xffff, v2  }
0x326: {  	v3 =	vor.u32 $0x82A, v1;
	v2 =	vld.idx.msk [tilespmem:v4+s10+$0x0], $0xffff;
	v4 =	vor.u32 $0x402B, v0  }
0x327: {  	v4 =	vor.u32 v4, v63;
	_ =	sdelay $0x3  }
0x328: {  	[tilespmem:v3+s12+$0x0] =	vst.idx.msk $0xffff, v2  }
0x329: {  	v3 =	vor.u32 $0x82B, v1;
	v2 =	vld.idx.msk [tilespmem:v4+s10+$0x0], $0xffff;
	v4 =	vor.u32 $0x402C, v0  }
0x32a: {  	v4 =	vor.u32 v4, v63;
	_ =	sdelay $0x3  }
0x32b: {  	[tilespmem:v3+s12+$0x0] =	vst.idx.msk $0xffff, v2  }
0x32c: {  	v3 =	vor.u32 $0x82C, v1;
	v2 =	vld.idx.msk [tilespmem:v4+s10+$0x0], $0xffff;
	v4 =	vor.u32 $0x402D, v0  }
0x32d: {  	v4 =	vor.u32 v4, v63;
	_ =	sdelay $0x3  }
0x32e: {  	[tilespmem:v3+s12+$0x0] =	vst.idx.msk $0xffff, v2  }
0x32f: {  	v3 =	vor.u32 $0x82D, v1;
	v2 =	vld.idx.msk [tilespmem:v4+s10+$0x0], $0xffff;
	v4 =	vor.u32 $0x402E, v0  }
0x330: {  	v4 =	vor.u32 v4, v63;
	_ =	sdelay $0x3  }
0x331: {  	[tilespmem:v3+s12+$0x0] =	vst.idx.msk $0xffff, v2  }
0x332: {  	v3 =	vor.u32 $0x82E, v1;
	v2 =	vld.idx.msk [tilespmem:v4+s10+$0x0], $0xffff;
	v4 =	vor.u32 $0x402F, v0  }
0x333: {  	v4 =	vor.u32 v4, v63;
	_ =	sdelay $0x3  }
0x334: {  	[tilespmem:v3+s12+$0x0] =	vst.idx.msk $0xffff, v2  }
0x335: {  	v3 =	vor.u32 $0x82F, v1;
	v2 =	vld.idx.msk [tilespmem:v4+s10+$0x0], $0xffff;
	v4 =	vor.u32 $0x4030, v0  }
0x336: {  	v4 =	vor.u32 v4, v63;
	_ =	sdelay $0x3  }
0x337: {  	[tilespmem:v3+s12+$0x0] =	vst.idx.msk $0xffff, v2  }
0x338: {  	v3 =	vor.u32 $0x830, v1;
	v2 =	vld.idx.msk [tilespmem:v4+s10+$0x0], $0xffff;
	v4 =	vor.u32 $0x4031, v0  }
0x339: {  	v4 =	vor.u32 v4, v63;
	_ =	sdelay $0x3  }
0x33a: {  	[tilespmem:v3+s12+$0x0] =	vst.idx.msk $0xffff, v2  }
0x33b: {  	v3 =	vor.u32 $0x831, v1;
	v2 =	vld.idx.msk [tilespmem:v4+s10+$0x0], $0xffff;
	v4 =	vor.u32 $0x4032, v0  }
0x33c: {  	v4 =	vor.u32 v4, v63;
	_ =	sdelay $0x3  }
0x33d: {  	[tilespmem:v3+s12+$0x0] =	vst.idx.msk $0xffff, v2  }
0x33e: {  	v3 =	vor.u32 $0x832, v1;
	v2 =	vld.idx.msk [tilespmem:v4+s10+$0x0], $0xffff;
	v4 =	vor.u32 $0x4033, v0  }
0x33f: {  	v4 =	vor.u32 v4, v63;
	_ =	sdelay $0x3  }
0x340: {  	[tilespmem:v3+s12+$0x0] =	vst.idx.msk $0xffff, v2  }
0x341: {  	v3 =	vor.u32 $0x833, v1;
	v2 =	vld.idx.msk [tilespmem:v4+s10+$0x0], $0xffff;
	v4 =	vor.u32 $0x4034, v0  }
0x342: {  	v4 =	vor.u32 v4, v63;
	_ =	sdelay $0x3  }
0x343: {  	[tilespmem:v3+s12+$0x0] =	vst.idx.msk $0xffff, v2  }
0x344: {  	v3 =	vor.u32 $0x834, v1;
	v2 =	vld.idx.msk [tilespmem:v4+s10+$0x0], $0xffff;
	v4 =	vor.u32 $0x4035, v0  }
0x345: {  	v4 =	vor.u32 v4, v63;
	_ =	sdelay $0x3  }
0x346: {  	[tilespmem:v3+s12+$0x0] =	vst.idx.msk $0xffff, v2  }
0x347: {  	v3 =	vor.u32 $0x835, v1;
	v2 =	vld.idx.msk [tilespmem:v4+s10+$0x0], $0xffff;
	v4 =	vor.u32 $0x4036, v0  }
0x348: {  	v4 =	vor.u32 v4, v63;
	_ =	sdelay $0x3  }
0x349: {  	[tilespmem:v3+s12+$0x0] =	vst.idx.msk $0xffff, v2  }
0x34a: {  	v3 =	vor.u32 $0x836, v1;
	v2 =	vld.idx.msk [tilespmem:v4+s10+$0x0], $0xffff;
	v4 =	vor.u32 $0x4037, v0  }
0x34b: {  	v4 =	vor.u32 v4, v63;
	_ =	sdelay $0x3  }
0x34c: {  	[tilespmem:v3+s12+$0x0] =	vst.idx.msk $0xffff, v2  }
0x34d: {  	v3 =	vor.u32 $0x837, v1;
	v2 =	vld.idx.msk [tilespmem:v4+s10+$0x0], $0xffff;
	v4 =	vor.u32 $0x4038, v0  }
0x34e: {  	v4 =	vor.u32 v4, v63;
	_ =	sdelay $0x3  }
0x34f: {  	[tilespmem:v3+s12+$0x0] =	vst.idx.msk $0xffff, v2  }
0x350: {  	v3 =	vor.u32 $0x838, v1;
	v2 =	vld.idx.msk [tilespmem:v4+s10+$0x0], $0xffff;
	v4 =	vor.u32 $0x4039, v0  }
0x351: {  	v4 =	vor.u32 v4, v63;
	_ =	sdelay $0x3  }
0x352: {  	[tilespmem:v3+s12+$0x0] =	vst.idx.msk $0xffff, v2  }
0x353: {  	v3 =	vor.u32 $0x839, v1;
	v2 =	vld.idx.msk [tilespmem:v4+s10+$0x0], $0xffff;
	v4 =	vor.u32 $0x403A, v0  }
0x354: {  	v4 =	vor.u32 v4, v63;
	_ =	sdelay $0x3  }
0x355: {  	[tilespmem:v3+s12+$0x0] =	vst.idx.msk $0xffff, v2  }
0x356: {  	v3 =	vor.u32 $0x83A, v1;
	v2 =	vld.idx.msk [tilespmem:v4+s10+$0x0], $0xffff;
	v4 =	vor.u32 $0x403B, v0  }
0x357: {  	v4 =	vor.u32 v4, v63;
	_ =	sdelay $0x3  }
0x358: {  	[tilespmem:v3+s12+$0x0] =	vst.idx.msk $0xffff, v2  }
0x359: {  	v3 =	vor.u32 $0x83B, v1;
	v2 =	vld.idx.msk [tilespmem:v4+s10+$0x0], $0xffff;
	v4 =	vor.u32 $0x403C, v0  }
0x35a: {  	v4 =	vor.u32 v4, v63;
	_ =	sdelay $0x3  }
0x35b: {  	[tilespmem:v3+s12+$0x0] =	vst.idx.msk $0xffff, v2  }
0x35c: {  	v3 =	vor.u32 $0x83C, v1;
	v2 =	vld.idx.msk [tilespmem:v4+s10+$0x0], $0xffff;
	v4 =	vor.u32 $0x403D, v0  }
0x35d: {  	v4 =	vor.u32 v4, v63;
	_ =	sdelay $0x3  }
0x35e: {  	[tilespmem:v3+s12+$0x0] =	vst.idx.msk $0xffff, v2  }
0x35f: {  	v3 =	vor.u32 $0x83D, v1;
	v2 =	vld.idx.msk [tilespmem:v4+s10+$0x0], $0xffff;
	v4 =	vor.u32 $0x403E, v0  }
0x360: {  	v4 =	vor.u32 v4, v63;
	_ =	sdelay $0x3  }
0x361: {  	[tilespmem:v3+s12+$0x0] =	vst.idx.msk $0xffff, v2  }
0x362: {  	v3 =	vor.u32 $0x83E, v1;
	v2 =	vld.idx.msk [tilespmem:v4+s10+$0x0], $0xffff;
	v4 =	vor.u32 $0x403F, v0  }
0x363: {  	v4 =	vor.u32 v4, v63;
	_ =	sdelay $0x3  }
0x364: {  	[tilespmem:v3+s12+$0x0] =	vst.idx.msk $0xffff, v2  }
0x365: {  	v3 =	vor.u32 $0x83F, v1;
	v2 =	vld.idx.msk [tilespmem:v4+s10+$0x0], $0xffff;
	_ =	sdelay $0x4  }
0x366: {  	[tilespmem:v3+s12+$0x0] =	vst.idx.msk $0xffff, v2  }
0x367: {  	v2 =	vld [tilespmem:s17+$0x200];
	_ =	sdelay $0x4  }
0x368: {  	v2 =	vshll.u32 v2, $0x7  }
0x369: {  	v63 =	vand.u32 $0x380, v2;
	v2 =	vor.u32 $0x8000, v0  }
0x36a: {  	v2 =	vor.u32 v2, v63;
	_ =	sdelay $0x4  }
0x36b: {  	v4 =	vor.u32 $0x8001, v0;
	v3 =	vor.u32 $0x40, v1;
	v2 =	vld.idx.msk [tilespmem:v2+s10+$0x0], $0xffff  }
0x36c: {  	v4 =	vor.u32 v4, v63;
	_ =	sdelay $0x3  }
0x36d: {  	[tilespmem:v3+s12+$0x0] =	vst.idx.msk $0xffff, v2  }
0x36e: {  	v3 =	vor.u32 $0x41, v1;
	v2 =	vld.idx.msk [tilespmem:v4+s10+$0x0], $0xffff;
	v4 =	vor.u32 $0x8002, v0  }
0x36f: {  	v4 =	vor.u32 v4, v63;
	_ =	sdelay $0x3  }
0x370: {  	[tilespmem:v3+s12+$0x0] =	vst.idx.msk $0xffff, v2  }
0x371: {  	v3 =	vor.u32 $0x42, v1;
	v2 =	vld.idx.msk [tilespmem:v4+s10+$0x0], $0xffff;
	v4 =	vor.u32 $0x8003, v0  }
0x372: {  	v4 =	vor.u32 v4, v63;
	_ =	sdelay $0x3  }
0x373: {  	[tilespmem:v3+s12+$0x0] =	vst.idx.msk $0xffff, v2  }
0x374: {  	v3 =	vor.u32 $0x43, v1;
	v2 =	vld.idx.msk [tilespmem:v4+s10+$0x0], $0xffff;
	v4 =	vor.u32 $0x8004, v0  }
0x375: {  	v4 =	vor.u32 v4, v63;
	_ =	sdelay $0x3  }
0x376: {  	[tilespmem:v3+s12+$0x0] =	vst.idx.msk $0xffff, v2  }
0x377: {  	v3 =	vor.u32 $0x44, v1;
	v2 =	vld.idx.msk [tilespmem:v4+s10+$0x0], $0xffff;
	v4 =	vor.u32 $0x8005, v0  }
0x378: {  	v4 =	vor.u32 v4, v63;
	_ =	sdelay $0x3  }
0x379: {  	[tilespmem:v3+s12+$0x0] =	vst.idx.msk $0xffff, v2  }
0x37a: {  	v3 =	vor.u32 $0x45, v1;
	v2 =	vld.idx.msk [tilespmem:v4+s10+$0x0], $0xffff;
	v4 =	vor.u32 $0x8006, v0  }
0x37b: {  	v4 =	vor.u32 v4, v63;
	_ =	sdelay $0x3  }
0x37c: {  	[tilespmem:v3+s12+$0x0] =	vst.idx.msk $0xffff, v2  }
0x37d: {  	v3 =	vor.u32 $0x46, v1;
	v2 =	vld.idx.msk [tilespmem:v4+s10+$0x0], $0xffff;
	v4 =	vor.u32 $0x8007, v0  }
0x37e: {  	v4 =	vor.u32 v4, v63;
	_ =	sdelay $0x3  }
0x37f: {  	[tilespmem:v3+s12+$0x0] =	vst.idx.msk $0xffff, v2  }
0x380: {  	v3 =	vor.u32 $0x47, v1;
	v2 =	vld.idx.msk [tilespmem:v4+s10+$0x0], $0xffff;
	v4 =	vor.u32 $0x8008, v0  }
0x381: {  	v4 =	vor.u32 v4, v63;
	_ =	sdelay $0x3  }
0x382: {  	[tilespmem:v3+s12+$0x0] =	vst.idx.msk $0xffff, v2  }
0x383: {  	v3 =	vor.u32 $0x48, v1;
	v2 =	vld.idx.msk [tilespmem:v4+s10+$0x0], $0xffff;
	v4 =	vor.u32 $0x8009, v0  }
0x384: {  	v4 =	vor.u32 v4, v63;
	_ =	sdelay $0x3  }
0x385: {  	[tilespmem:v3+s12+$0x0] =	vst.idx.msk $0xffff, v2  }
0x386: {  	v3 =	vor.u32 $0x49, v1;
	v2 =	vld.idx.msk [tilespmem:v4+s10+$0x0], $0xffff;
	v4 =	vor.u32 $0x800A, v0  }
0x387: {  	v4 =	vor.u32 v4, v63;
	_ =	sdelay $0x3  }
0x388: {  	[tilespmem:v3+s12+$0x0] =	vst.idx.msk $0xffff, v2  }
0x389: {  	v3 =	vor.u32 $0x4A, v1;
	v2 =	vld.idx.msk [tilespmem:v4+s10+$0x0], $0xffff;
	v4 =	vor.u32 $0x800B, v0  }
0x38a: {  	v4 =	vor.u32 v4, v63;
	_ =	sdelay $0x3  }
0x38b: {  	[tilespmem:v3+s12+$0x0] =	vst.idx.msk $0xffff, v2  }
0x38c: {  	v3 =	vor.u32 $0x4B, v1;
	v2 =	vld.idx.msk [tilespmem:v4+s10+$0x0], $0xffff;
	v4 =	vor.u32 $0x800C, v0  }
0x38d: {  	v4 =	vor.u32 v4, v63;
	_ =	sdelay $0x3  }
0x38e: {  	[tilespmem:v3+s12+$0x0] =	vst.idx.msk $0xffff, v2  }
0x38f: {  	v3 =	vor.u32 $0x4C, v1;
	v2 =	vld.idx.msk [tilespmem:v4+s10+$0x0], $0xffff;
	v4 =	vor.u32 $0x800D, v0  }
0x390: {  	v4 =	vor.u32 v4, v63;
	_ =	sdelay $0x3  }
0x391: {  	[tilespmem:v3+s12+$0x0] =	vst.idx.msk $0xffff, v2  }
0x392: {  	v3 =	vor.u32 $0x4D, v1;
	v2 =	vld.idx.msk [tilespmem:v4+s10+$0x0], $0xffff;
	v4 =	vor.u32 $0x800E, v0  }
0x393: {  	v4 =	vor.u32 v4, v63;
	_ =	sdelay $0x3  }
0x394: {  	[tilespmem:v3+s12+$0x0] =	vst.idx.msk $0xffff, v2  }
0x395: {  	v3 =	vor.u32 $0x4E, v1;
	v2 =	vld.idx.msk [tilespmem:v4+s10+$0x0], $0xffff;
	v4 =	vor.u32 $0x800F, v0  }
0x396: {  	v4 =	vor.u32 v4, v63;
	_ =	sdelay $0x3  }
0x397: {  	[tilespmem:v3+s12+$0x0] =	vst.idx.msk $0xffff, v2  }
0x398: {  	v3 =	vor.u32 $0x4F, v1;
	v2 =	vld.idx.msk [tilespmem:v4+s10+$0x0], $0xffff;
	v4 =	vor.u32 $0x8010, v0  }
0x399: {  	v4 =	vor.u32 v4, v63;
	_ =	sdelay $0x3  }
0x39a: {  	[tilespmem:v3+s12+$0x0] =	vst.idx.msk $0xffff, v2  }
0x39b: {  	v3 =	vor.u32 $0x50, v1;
	v2 =	vld.idx.msk [tilespmem:v4+s10+$0x0], $0xffff;
	v4 =	vor.u32 $0x8011, v0  }
0x39c: {  	v4 =	vor.u32 v4, v63;
	_ =	sdelay $0x3  }
0x39d: {  	[tilespmem:v3+s12+$0x0] =	vst.idx.msk $0xffff, v2  }
0x39e: {  	v3 =	vor.u32 $0x51, v1;
	v2 =	vld.idx.msk [tilespmem:v4+s10+$0x0], $0xffff;
	v4 =	vor.u32 $0x8012, v0  }
0x39f: {  	v4 =	vor.u32 v4, v63;
	_ =	sdelay $0x3  }
0x3a0: {  	[tilespmem:v3+s12+$0x0] =	vst.idx.msk $0xffff, v2  }
0x3a1: {  	v3 =	vor.u32 $0x52, v1;
	v2 =	vld.idx.msk [tilespmem:v4+s10+$0x0], $0xffff;
	v4 =	vor.u32 $0x8013, v0  }
0x3a2: {  	v4 =	vor.u32 v4, v63;
	_ =	sdelay $0x3  }
0x3a3: {  	[tilespmem:v3+s12+$0x0] =	vst.idx.msk $0xffff, v2  }
0x3a4: {  	v3 =	vor.u32 $0x53, v1;
	v2 =	vld.idx.msk [tilespmem:v4+s10+$0x0], $0xffff;
	v4 =	vor.u32 $0x8014, v0  }
0x3a5: {  	v4 =	vor.u32 v4, v63;
	_ =	sdelay $0x3  }
0x3a6: {  	[tilespmem:v3+s12+$0x0] =	vst.idx.msk $0xffff, v2  }
0x3a7: {  	v3 =	vor.u32 $0x54, v1;
	v2 =	vld.idx.msk [tilespmem:v4+s10+$0x0], $0xffff;
	v4 =	vor.u32 $0x8015, v0  }
0x3a8: {  	v4 =	vor.u32 v4, v63;
	_ =	sdelay $0x3  }
0x3a9: {  	[tilespmem:v3+s12+$0x0] =	vst.idx.msk $0xffff, v2  }
0x3aa: {  	v3 =	vor.u32 $0x55, v1;
	v2 =	vld.idx.msk [tilespmem:v4+s10+$0x0], $0xffff;
	v4 =	vor.u32 $0x8016, v0  }
0x3ab: {  	v4 =	vor.u32 v4, v63;
	_ =	sdelay $0x3  }
0x3ac: {  	[tilespmem:v3+s12+$0x0] =	vst.idx.msk $0xffff, v2  }
0x3ad: {  	v3 =	vor.u32 $0x56, v1;
	v2 =	vld.idx.msk [tilespmem:v4+s10+$0x0], $0xffff;
	v4 =	vor.u32 $0x8017, v0  }
0x3ae: {  	v4 =	vor.u32 v4, v63;
	_ =	sdelay $0x3  }
0x3af: {  	[tilespmem:v3+s12+$0x0] =	vst.idx.msk $0xffff, v2  }
0x3b0: {  	v3 =	vor.u32 $0x57, v1;
	v2 =	vld.idx.msk [tilespmem:v4+s10+$0x0], $0xffff;
	v4 =	vor.u32 $0x8018, v0  }
0x3b1: {  	v4 =	vor.u32 v4, v63;
	_ =	sdelay $0x3  }
0x3b2: {  	[tilespmem:v3+s12+$0x0] =	vst.idx.msk $0xffff, v2  }
0x3b3: {  	v3 =	vor.u32 $0x58, v1;
	v2 =	vld.idx.msk [tilespmem:v4+s10+$0x0], $0xffff;
	v4 =	vor.u32 $0x8019, v0  }
0x3b4: {  	v4 =	vor.u32 v4, v63;
	_ =	sdelay $0x3  }
0x3b5: {  	[tilespmem:v3+s12+$0x0] =	vst.idx.msk $0xffff, v2  }
0x3b6: {  	v3 =	vor.u32 $0x59, v1;
	v2 =	vld.idx.msk [tilespmem:v4+s10+$0x0], $0xffff;
	v4 =	vor.u32 $0x801A, v0  }
0x3b7: {  	v4 =	vor.u32 v4, v63;
	_ =	sdelay $0x3  }
0x3b8: {  	[tilespmem:v3+s12+$0x0] =	vst.idx.msk $0xffff, v2  }
0x3b9: {  	v3 =	vor.u32 $0x5A, v1;
	v2 =	vld.idx.msk [tilespmem:v4+s10+$0x0], $0xffff;
	v4 =	vor.u32 $0x801B, v0  }
0x3ba: {  	v4 =	vor.u32 v4, v63;
	_ =	sdelay $0x3  }
0x3bb: {  	[tilespmem:v3+s12+$0x0] =	vst.idx.msk $0xffff, v2  }
0x3bc: {  	v3 =	vor.u32 $0x5B, v1;
	v2 =	vld.idx.msk [tilespmem:v4+s10+$0x0], $0xffff;
	v4 =	vor.u32 $0x801C, v0  }
0x3bd: {  	v4 =	vor.u32 v4, v63;
	_ =	sdelay $0x3  }
0x3be: {  	[tilespmem:v3+s12+$0x0] =	vst.idx.msk $0xffff, v2  }
0x3bf: {  	v3 =	vor.u32 $0x5C, v1;
	v2 =	vld.idx.msk [tilespmem:v4+s10+$0x0], $0xffff;
	v4 =	vor.u32 $0x801D, v0  }
0x3c0: {  	v4 =	vor.u32 v4, v63;
	_ =	sdelay $0x3  }
0x3c1: {  	[tilespmem:v3+s12+$0x0] =	vst.idx.msk $0xffff, v2  }
0x3c2: {  	v3 =	vor.u32 $0x5D, v1;
	v2 =	vld.idx.msk [tilespmem:v4+s10+$0x0], $0xffff;
	v4 =	vor.u32 $0x801E, v0  }
0x3c3: {  	v4 =	vor.u32 v4, v63;
	_ =	sdelay $0x3  }
0x3c4: {  	[tilespmem:v3+s12+$0x0] =	vst.idx.msk $0xffff, v2  }
0x3c5: {  	v3 =	vor.u32 $0x5E, v1;
	v2 =	vld.idx.msk [tilespmem:v4+s10+$0x0], $0xffff;
	v4 =	vor.u32 $0x801F, v0  }
0x3c6: {  	v4 =	vor.u32 v4, v63;
	_ =	sdelay $0x3  }
0x3c7: {  	[tilespmem:v3+s12+$0x0] =	vst.idx.msk $0xffff, v2  }
0x3c8: {  	v3 =	vor.u32 $0x5F, v1;
	v2 =	vld.idx.msk [tilespmem:v4+s10+$0x0], $0xffff;
	v4 =	vor.u32 $0x8020, v0  }
0x3c9: {  	v4 =	vor.u32 v4, v63;
	_ =	sdelay $0x3  }
0x3ca: {  	[tilespmem:v3+s12+$0x0] =	vst.idx.msk $0xffff, v2  }
0x3cb: {  	v3 =	vor.u32 $0x60, v1;
	v2 =	vld.idx.msk [tilespmem:v4+s10+$0x0], $0xffff;
	v4 =	vor.u32 $0x8021, v0  }
0x3cc: {  	v4 =	vor.u32 v4, v63;
	_ =	sdelay $0x3  }
0x3cd: {  	[tilespmem:v3+s12+$0x0] =	vst.idx.msk $0xffff, v2  }
0x3ce: {  	v3 =	vor.u32 $0x61, v1;
	v2 =	vld.idx.msk [tilespmem:v4+s10+$0x0], $0xffff;
	v4 =	vor.u32 $0x8022, v0  }
0x3cf: {  	v4 =	vor.u32 v4, v63;
	_ =	sdelay $0x3  }
0x3d0: {  	[tilespmem:v3+s12+$0x0] =	vst.idx.msk $0xffff, v2  }
0x3d1: {  	v3 =	vor.u32 $0x62, v1;
	v2 =	vld.idx.msk [tilespmem:v4+s10+$0x0], $0xffff;
	v4 =	vor.u32 $0x8023, v0  }
0x3d2: {  	v4 =	vor.u32 v4, v63;
	_ =	sdelay $0x3  }
0x3d3: {  	[tilespmem:v3+s12+$0x0] =	vst.idx.msk $0xffff, v2  }
0x3d4: {  	v3 =	vor.u32 $0x63, v1;
	v2 =	vld.idx.msk [tilespmem:v4+s10+$0x0], $0xffff;
	v4 =	vor.u32 $0x8024, v0  }
0x3d5: {  	v4 =	vor.u32 v4, v63;
	_ =	sdelay $0x3  }
0x3d6: {  	[tilespmem:v3+s12+$0x0] =	vst.idx.msk $0xffff, v2  }
0x3d7: {  	v3 =	vor.u32 $0x64, v1;
	v2 =	vld.idx.msk [tilespmem:v4+s10+$0x0], $0xffff;
	v4 =	vor.u32 $0x8025, v0  }
0x3d8: {  	v4 =	vor.u32 v4, v63;
	_ =	sdelay $0x3  }
0x3d9: {  	[tilespmem:v3+s12+$0x0] =	vst.idx.msk $0xffff, v2  }
0x3da: {  	v3 =	vor.u32 $0x65, v1;
	v2 =	vld.idx.msk [tilespmem:v4+s10+$0x0], $0xffff;
	v4 =	vor.u32 $0x8026, v0  }
0x3db: {  	v4 =	vor.u32 v4, v63;
	_ =	sdelay $0x3  }
0x3dc: {  	[tilespmem:v3+s12+$0x0] =	vst.idx.msk $0xffff, v2  }
0x3dd: {  	v3 =	vor.u32 $0x66, v1;
	v2 =	vld.idx.msk [tilespmem:v4+s10+$0x0], $0xffff;
	v4 =	vor.u32 $0x8027, v0  }
0x3de: {  	v4 =	vor.u32 v4, v63;
	_ =	sdelay $0x3  }
0x3df: {  	[tilespmem:v3+s12+$0x0] =	vst.idx.msk $0xffff, v2  }
0x3e0: {  	v3 =	vor.u32 $0x67, v1;
	v2 =	vld.idx.msk [tilespmem:v4+s10+$0x0], $0xffff;
	v4 =	vor.u32 $0x8028, v0  }
0x3e1: {  	v4 =	vor.u32 v4, v63;
	_ =	sdelay $0x3  }
0x3e2: {  	[tilespmem:v3+s12+$0x0] =	vst.idx.msk $0xffff, v2  }
0x3e3: {  	v3 =	vor.u32 $0x68, v1;
	v2 =	vld.idx.msk [tilespmem:v4+s10+$0x0], $0xffff;
	v4 =	vor.u32 $0x8029, v0  }
0x3e4: {  	v4 =	vor.u32 v4, v63;
	_ =	sdelay $0x3  }
0x3e5: {  	[tilespmem:v3+s12+$0x0] =	vst.idx.msk $0xffff, v2  }
0x3e6: {  	v3 =	vor.u32 $0x69, v1;
	v2 =	vld.idx.msk [tilespmem:v4+s10+$0x0], $0xffff;
	v4 =	vor.u32 $0x802A, v0  }
0x3e7: {  	v4 =	vor.u32 v4, v63;
	_ =	sdelay $0x3  }
0x3e8: {  	[tilespmem:v3+s12+$0x0] =	vst.idx.msk $0xffff, v2  }
0x3e9: {  	v3 =	vor.u32 $0x6A, v1;
	v2 =	vld.idx.msk [tilespmem:v4+s10+$0x0], $0xffff;
	v4 =	vor.u32 $0x802B, v0  }
0x3ea: {  	v4 =	vor.u32 v4, v63;
	_ =	sdelay $0x3  }
0x3eb: {  	[tilespmem:v3+s12+$0x0] =	vst.idx.msk $0xffff, v2  }
0x3ec: {  	v3 =	vor.u32 $0x6B, v1;
	v2 =	vld.idx.msk [tilespmem:v4+s10+$0x0], $0xffff;
	v4 =	vor.u32 $0x802C, v0  }
0x3ed: {  	v4 =	vor.u32 v4, v63;
	_ =	sdelay $0x3  }
0x3ee: {  	[tilespmem:v3+s12+$0x0] =	vst.idx.msk $0xffff, v2  }
0x3ef: {  	v3 =	vor.u32 $0x6C, v1;
	v2 =	vld.idx.msk [tilespmem:v4+s10+$0x0], $0xffff;
	v4 =	vor.u32 $0x802D, v0  }
0x3f0: {  	v4 =	vor.u32 v4, v63;
	_ =	sdelay $0x3  }
0x3f1: {  	[tilespmem:v3+s12+$0x0] =	vst.idx.msk $0xffff, v2  }
0x3f2: {  	v3 =	vor.u32 $0x6D, v1;
	v2 =	vld.idx.msk [tilespmem:v4+s10+$0x0], $0xffff;
	v4 =	vor.u32 $0x802E, v0  }
0x3f3: {  	v4 =	vor.u32 v4, v63;
	_ =	sdelay $0x3  }
0x3f4: {  	[tilespmem:v3+s12+$0x0] =	vst.idx.msk $0xffff, v2  }
0x3f5: {  	v3 =	vor.u32 $0x6E, v1;
	v2 =	vld.idx.msk [tilespmem:v4+s10+$0x0], $0xffff;
	v4 =	vor.u32 $0x802F, v0  }
0x3f6: {  	v4 =	vor.u32 v4, v63;
	_ =	sdelay $0x3  }
0x3f7: {  	[tilespmem:v3+s12+$0x0] =	vst.idx.msk $0xffff, v2  }
0x3f8: {  	v3 =	vor.u32 $0x6F, v1;
	v2 =	vld.idx.msk [tilespmem:v4+s10+$0x0], $0xffff;
	v4 =	vor.u32 $0x8030, v0  }
0x3f9: {  	v4 =	vor.u32 v4, v63;
	_ =	sdelay $0x3  }
0x3fa: {  	[tilespmem:v3+s12+$0x0] =	vst.idx.msk $0xffff, v2  }
0x3fb: {  	v3 =	vor.u32 $0x70, v1;
	v2 =	vld.idx.msk [tilespmem:v4+s10+$0x0], $0xffff;
	v4 =	vor.u32 $0x8031, v0  }
0x3fc: {  	v4 =	vor.u32 v4, v63;
	_ =	sdelay $0x3  }
0x3fd: {  	[tilespmem:v3+s12+$0x0] =	vst.idx.msk $0xffff, v2  }
0x3fe: {  	v3 =	vor.u32 $0x71, v1;
	v2 =	vld.idx.msk [tilespmem:v4+s10+$0x0], $0xffff;
	v4 =	vor.u32 $0x8032, v0  }
0x3ff: {  	v4 =	vor.u32 v4, v63;
	_ =	sdelay $0x3  }
0x400: {  	[tilespmem:v3+s12+$0x0] =	vst.idx.msk $0xffff, v2  }
0x401: {  	v3 =	vor.u32 $0x72, v1;
	v2 =	vld.idx.msk [tilespmem:v4+s10+$0x0], $0xffff;
	v4 =	vor.u32 $0x8033, v0  }
0x402: {  	v4 =	vor.u32 v4, v63;
	_ =	sdelay $0x3  }
0x403: {  	[tilespmem:v3+s12+$0x0] =	vst.idx.msk $0xffff, v2  }
0x404: {  	v3 =	vor.u32 $0x73, v1;
	v2 =	vld.idx.msk [tilespmem:v4+s10+$0x0], $0xffff;
	v4 =	vor.u32 $0x8034, v0  }
0x405: {  	v4 =	vor.u32 v4, v63;
	_ =	sdelay $0x3  }
0x406: {  	[tilespmem:v3+s12+$0x0] =	vst.idx.msk $0xffff, v2  }
0x407: {  	v3 =	vor.u32 $0x74, v1;
	v2 =	vld.idx.msk [tilespmem:v4+s10+$0x0], $0xffff;
	v4 =	vor.u32 $0x8035, v0  }
0x408: {  	v4 =	vor.u32 v4, v63;
	_ =	sdelay $0x3  }
0x409: {  	[tilespmem:v3+s12+$0x0] =	vst.idx.msk $0xffff, v2  }
0x40a: {  	v3 =	vor.u32 $0x75, v1;
	v2 =	vld.idx.msk [tilespmem:v4+s10+$0x0], $0xffff;
	v4 =	vor.u32 $0x8036, v0  }
0x40b: {  	v4 =	vor.u32 v4, v63;
	_ =	sdelay $0x3  }
0x40c: {  	[tilespmem:v3+s12+$0x0] =	vst.idx.msk $0xffff, v2  }
0x40d: {  	v3 =	vor.u32 $0x76, v1;
	v2 =	vld.idx.msk [tilespmem:v4+s10+$0x0], $0xffff;
	v4 =	vor.u32 $0x8037, v0  }
0x40e: {  	v4 =	vor.u32 v4, v63;
	_ =	sdelay $0x3  }
0x40f: {  	[tilespmem:v3+s12+$0x0] =	vst.idx.msk $0xffff, v2  }
0x410: {  	v3 =	vor.u32 $0x77, v1;
	v2 =	vld.idx.msk [tilespmem:v4+s10+$0x0], $0xffff;
	v4 =	vor.u32 $0x8038, v0  }
0x411: {  	v4 =	vor.u32 v4, v63;
	_ =	sdelay $0x3  }
0x412: {  	[tilespmem:v3+s12+$0x0] =	vst.idx.msk $0xffff, v2  }
0x413: {  	v3 =	vor.u32 $0x78, v1;
	v2 =	vld.idx.msk [tilespmem:v4+s10+$0x0], $0xffff;
	v4 =	vor.u32 $0x8039, v0  }
0x414: {  	v4 =	vor.u32 v4, v63;
	_ =	sdelay $0x3  }
0x415: {  	[tilespmem:v3+s12+$0x0] =	vst.idx.msk $0xffff, v2  }
0x416: {  	v3 =	vor.u32 $0x79, v1;
	v2 =	vld.idx.msk [tilespmem:v4+s10+$0x0], $0xffff;
	v4 =	vor.u32 $0x803A, v0  }
0x417: {  	v4 =	vor.u32 v4, v63;
	_ =	sdelay $0x3  }
0x418: {  	[tilespmem:v3+s12+$0x0] =	vst.idx.msk $0xffff, v2  }
0x419: {  	v3 =	vor.u32 $0x7A, v1;
	v2 =	vld.idx.msk [tilespmem:v4+s10+$0x0], $0xffff;
	v4 =	vor.u32 $0x803B, v0  }
0x41a: {  	v4 =	vor.u32 v4, v63;
	_ =	sdelay $0x3  }
0x41b: {  	[tilespmem:v3+s12+$0x0] =	vst.idx.msk $0xffff, v2  }
0x41c: {  	v3 =	vor.u32 $0x7B, v1;
	v2 =	vld.idx.msk [tilespmem:v4+s10+$0x0], $0xffff;
	v4 =	vor.u32 $0x803C, v0  }
0x41d: {  	v4 =	vor.u32 v4, v63;
	_ =	sdelay $0x3  }
0x41e: {  	[tilespmem:v3+s12+$0x0] =	vst.idx.msk $0xffff, v2  }
0x41f: {  	v3 =	vor.u32 $0x7C, v1;
	v2 =	vld.idx.msk [tilespmem:v4+s10+$0x0], $0xffff;
	v4 =	vor.u32 $0x803D, v0  }
0x420: {  	v4 =	vor.u32 v4, v63;
	_ =	sdelay $0x3  }
0x421: {  	[tilespmem:v3+s12+$0x0] =	vst.idx.msk $0xffff, v2  }
0x422: {  	v3 =	vor.u32 $0x7D, v1;
	v2 =	vld.idx.msk [tilespmem:v4+s10+$0x0], $0xffff;
	v4 =	vor.u32 $0x803E, v0  }
0x423: {  	v4 =	vor.u32 v4, v63;
	_ =	sdelay $0x3  }
0x424: {  	[tilespmem:v3+s12+$0x0] =	vst.idx.msk $0xffff, v2  }
0x425: {  	v3 =	vor.u32 $0x7E, v1;
	v2 =	vld.idx.msk [tilespmem:v4+s10+$0x0], $0xffff;
	v4 =	vor.u32 $0x803F, v0  }
0x426: {  	v4 =	vor.u32 v4, v63;
	_ =	sdelay $0x3  }
0x427: {  	[tilespmem:v3+s12+$0x0] =	vst.idx.msk $0xffff, v2  }
0x428: {  	v3 =	vor.u32 $0x7F, v1;
	v2 =	vld.idx.msk [tilespmem:v4+s10+$0x0], $0xffff;
	_ =	sdelay $0x4  }
0x429: {  	[tilespmem:v3+s12+$0x0] =	vst.idx.msk $0xffff, v2  }
0x42a: {  	v2 =	vld [tilespmem:s14+$0x210];
	_ =	sdelay $0x4  }
0x42b: {  	v2 =	vshll.u32 v2, $0x7  }
0x42c: {  	v63 =	vand.u32 $0x380, v2;
	v2 =	vor.u32 $0xC000, v0  }
0x42d: {  	v2 =	vor.u32 v2, v63;
	_ =	sdelay $0x4  }
0x42e: {  	v4 =	vor.u32 $0xC001, v0;
	v3 =	vor.u32 $0x840, v1;
	v2 =	vld.idx.msk [tilespmem:v2+s10+$0x0], $0xffff  }
0x42f: {  	v4 =	vor.u32 v4, v63;
	_ =	sdelay $0x3  }
0x430: {  	[tilespmem:v3+s12+$0x0] =	vst.idx.msk $0xffff, v2  }
0x431: {  	v3 =	vor.u32 $0x841, v1;
	v2 =	vld.idx.msk [tilespmem:v4+s10+$0x0], $0xffff;
	v4 =	vor.u32 $0xC002, v0  }
0x432: {  	v4 =	vor.u32 v4, v63;
	_ =	sdelay $0x3  }
0x433: {  	[tilespmem:v3+s12+$0x0] =	vst.idx.msk $0xffff, v2  }
0x434: {  	v3 =	vor.u32 $0x842, v1;
	v2 =	vld.idx.msk [tilespmem:v4+s10+$0x0], $0xffff;
	v4 =	vor.u32 $0xC003, v0  }
0x435: {  	v4 =	vor.u32 v4, v63;
	_ =	sdelay $0x3  }
0x436: {  	[tilespmem:v3+s12+$0x0] =	vst.idx.msk $0xffff, v2  }
0x437: {  	v3 =	vor.u32 $0x843, v1;
	v2 =	vld.idx.msk [tilespmem:v4+s10+$0x0], $0xffff;
	v4 =	vor.u32 $0xC004, v0  }
0x438: {  	v4 =	vor.u32 v4, v63;
	_ =	sdelay $0x3  }
0x439: {  	[tilespmem:v3+s12+$0x0] =	vst.idx.msk $0xffff, v2  }
0x43a: {  	v3 =	vor.u32 $0x844, v1;
	v2 =	vld.idx.msk [tilespmem:v4+s10+$0x0], $0xffff;
	v4 =	vor.u32 $0xC005, v0  }
0x43b: {  	v4 =	vor.u32 v4, v63;
	_ =	sdelay $0x3  }
0x43c: {  	[tilespmem:v3+s12+$0x0] =	vst.idx.msk $0xffff, v2  }
0x43d: {  	v3 =	vor.u32 $0x845, v1;
	v2 =	vld.idx.msk [tilespmem:v4+s10+$0x0], $0xffff;
	v4 =	vor.u32 $0xC006, v0  }
0x43e: {  	v4 =	vor.u32 v4, v63;
	_ =	sdelay $0x3  }
0x43f: {  	[tilespmem:v3+s12+$0x0] =	vst.idx.msk $0xffff, v2  }
0x440: {  	v3 =	vor.u32 $0x846, v1;
	v2 =	vld.idx.msk [tilespmem:v4+s10+$0x0], $0xffff;
	v4 =	vor.u32 $0xC007, v0  }
0x441: {  	v4 =	vor.u32 v4, v63;
	_ =	sdelay $0x3  }
0x442: {  	[tilespmem:v3+s12+$0x0] =	vst.idx.msk $0xffff, v2  }
0x443: {  	v3 =	vor.u32 $0x847, v1;
	v2 =	vld.idx.msk [tilespmem:v4+s10+$0x0], $0xffff;
	v4 =	vor.u32 $0xC008, v0  }
0x444: {  	v4 =	vor.u32 v4, v63;
	_ =	sdelay $0x3  }
0x445: {  	[tilespmem:v3+s12+$0x0] =	vst.idx.msk $0xffff, v2  }
0x446: {  	v3 =	vor.u32 $0x848, v1;
	v2 =	vld.idx.msk [tilespmem:v4+s10+$0x0], $0xffff;
	v4 =	vor.u32 $0xC009, v0  }
0x447: {  	v4 =	vor.u32 v4, v63;
	_ =	sdelay $0x3  }
0x448: {  	[tilespmem:v3+s12+$0x0] =	vst.idx.msk $0xffff, v2  }
0x449: {  	v3 =	vor.u32 $0x849, v1;
	v2 =	vld.idx.msk [tilespmem:v4+s10+$0x0], $0xffff;
	v4 =	vor.u32 $0xC00A, v0  }
0x44a: {  	v4 =	vor.u32 v4, v63;
	_ =	sdelay $0x3  }
0x44b: {  	[tilespmem:v3+s12+$0x0] =	vst.idx.msk $0xffff, v2  }
0x44c: {  	v3 =	vor.u32 $0x84A, v1;
	v2 =	vld.idx.msk [tilespmem:v4+s10+$0x0], $0xffff;
	v4 =	vor.u32 $0xC00B, v0  }
0x44d: {  	v4 =	vor.u32 v4, v63;
	_ =	sdelay $0x3  }
0x44e: {  	[tilespmem:v3+s12+$0x0] =	vst.idx.msk $0xffff, v2  }
0x44f: {  	v3 =	vor.u32 $0x84B, v1;
	v2 =	vld.idx.msk [tilespmem:v4+s10+$0x0], $0xffff;
	v4 =	vor.u32 $0xC00C, v0  }
0x450: {  	v4 =	vor.u32 v4, v63;
	_ =	sdelay $0x3  }
0x451: {  	[tilespmem:v3+s12+$0x0] =	vst.idx.msk $0xffff, v2  }
0x452: {  	v3 =	vor.u32 $0x84C, v1;
	v2 =	vld.idx.msk [tilespmem:v4+s10+$0x0], $0xffff;
	v4 =	vor.u32 $0xC00D, v0  }
0x453: {  	v4 =	vor.u32 v4, v63;
	_ =	sdelay $0x3  }
0x454: {  	[tilespmem:v3+s12+$0x0] =	vst.idx.msk $0xffff, v2  }
0x455: {  	v3 =	vor.u32 $0x84D, v1;
	v2 =	vld.idx.msk [tilespmem:v4+s10+$0x0], $0xffff;
	v4 =	vor.u32 $0xC00E, v0  }
0x456: {  	v4 =	vor.u32 v4, v63;
	_ =	sdelay $0x3  }
0x457: {  	[tilespmem:v3+s12+$0x0] =	vst.idx.msk $0xffff, v2  }
0x458: {  	v3 =	vor.u32 $0x84E, v1;
	v2 =	vld.idx.msk [tilespmem:v4+s10+$0x0], $0xffff;
	v4 =	vor.u32 $0xC00F, v0  }
0x459: {  	v4 =	vor.u32 v4, v63;
	_ =	sdelay $0x3  }
0x45a: {  	[tilespmem:v3+s12+$0x0] =	vst.idx.msk $0xffff, v2  }
0x45b: {  	v3 =	vor.u32 $0x84F, v1;
	v2 =	vld.idx.msk [tilespmem:v4+s10+$0x0], $0xffff;
	v4 =	vor.u32 $0xC010, v0  }
0x45c: {  	v4 =	vor.u32 v4, v63;
	_ =	sdelay $0x3  }
0x45d: {  	[tilespmem:v3+s12+$0x0] =	vst.idx.msk $0xffff, v2  }
0x45e: {  	v3 =	vor.u32 $0x850, v1;
	v2 =	vld.idx.msk [tilespmem:v4+s10+$0x0], $0xffff;
	v4 =	vor.u32 $0xC011, v0  }
0x45f: {  	v4 =	vor.u32 v4, v63;
	_ =	sdelay $0x3  }
0x460: {  	[tilespmem:v3+s12+$0x0] =	vst.idx.msk $0xffff, v2  }
0x461: {  	v3 =	vor.u32 $0x851, v1;
	v2 =	vld.idx.msk [tilespmem:v4+s10+$0x0], $0xffff;
	v4 =	vor.u32 $0xC012, v0  }
0x462: {  	v4 =	vor.u32 v4, v63;
	_ =	sdelay $0x3  }
0x463: {  	[tilespmem:v3+s12+$0x0] =	vst.idx.msk $0xffff, v2  }
0x464: {  	v3 =	vor.u32 $0x852, v1;
	v2 =	vld.idx.msk [tilespmem:v4+s10+$0x0], $0xffff;
	v4 =	vor.u32 $0xC013, v0  }
0x465: {  	v4 =	vor.u32 v4, v63;
	_ =	sdelay $0x3  }
0x466: {  	[tilespmem:v3+s12+$0x0] =	vst.idx.msk $0xffff, v2  }
0x467: {  	v3 =	vor.u32 $0x853, v1;
	v2 =	vld.idx.msk [tilespmem:v4+s10+$0x0], $0xffff;
	v4 =	vor.u32 $0xC014, v0  }
0x468: {  	v4 =	vor.u32 v4, v63;
	_ =	sdelay $0x3  }
0x469: {  	[tilespmem:v3+s12+$0x0] =	vst.idx.msk $0xffff, v2  }
0x46a: {  	v3 =	vor.u32 $0x854, v1;
	v2 =	vld.idx.msk [tilespmem:v4+s10+$0x0], $0xffff;
	v4 =	vor.u32 $0xC015, v0  }
0x46b: {  	v4 =	vor.u32 v4, v63;
	_ =	sdelay $0x3  }
0x46c: {  	[tilespmem:v3+s12+$0x0] =	vst.idx.msk $0xffff, v2  }
0x46d: {  	v3 =	vor.u32 $0x855, v1;
	v2 =	vld.idx.msk [tilespmem:v4+s10+$0x0], $0xffff;
	v4 =	vor.u32 $0xC016, v0  }
0x46e: {  	v4 =	vor.u32 v4, v63;
	_ =	sdelay $0x3  }
0x46f: {  	[tilespmem:v3+s12+$0x0] =	vst.idx.msk $0xffff, v2  }
0x470: {  	v3 =	vor.u32 $0x856, v1;
	v2 =	vld.idx.msk [tilespmem:v4+s10+$0x0], $0xffff;
	v4 =	vor.u32 $0xC017, v0  }
0x471: {  	v4 =	vor.u32 v4, v63;
	_ =	sdelay $0x3  }
0x472: {  	[tilespmem:v3+s12+$0x0] =	vst.idx.msk $0xffff, v2  }
0x473: {  	v3 =	vor.u32 $0x857, v1;
	v2 =	vld.idx.msk [tilespmem:v4+s10+$0x0], $0xffff;
	v4 =	vor.u32 $0xC018, v0  }
0x474: {  	v4 =	vor.u32 v4, v63;
	_ =	sdelay $0x3  }
0x475: {  	[tilespmem:v3+s12+$0x0] =	vst.idx.msk $0xffff, v2  }
0x476: {  	v3 =	vor.u32 $0x858, v1;
	v2 =	vld.idx.msk [tilespmem:v4+s10+$0x0], $0xffff;
	v4 =	vor.u32 $0xC019, v0  }
0x477: {  	v4 =	vor.u32 v4, v63;
	_ =	sdelay $0x3  }
0x478: {  	[tilespmem:v3+s12+$0x0] =	vst.idx.msk $0xffff, v2  }
0x479: {  	v3 =	vor.u32 $0x859, v1;
	v2 =	vld.idx.msk [tilespmem:v4+s10+$0x0], $0xffff;
	v4 =	vor.u32 $0xC01A, v0  }
0x47a: {  	v4 =	vor.u32 v4, v63;
	_ =	sdelay $0x3  }
0x47b: {  	[tilespmem:v3+s12+$0x0] =	vst.idx.msk $0xffff, v2  }
0x47c: {  	v3 =	vor.u32 $0x85A, v1;
	v2 =	vld.idx.msk [tilespmem:v4+s10+$0x0], $0xffff;
	v4 =	vor.u32 $0xC01B, v0  }
0x47d: {  	v4 =	vor.u32 v4, v63;
	_ =	sdelay $0x3  }
0x47e: {  	[tilespmem:v3+s12+$0x0] =	vst.idx.msk $0xffff, v2  }
0x47f: {  	v3 =	vor.u32 $0x85B, v1;
	v2 =	vld.idx.msk [tilespmem:v4+s10+$0x0], $0xffff;
	v4 =	vor.u32 $0xC01C, v0  }
0x480: {  	v4 =	vor.u32 v4, v63;
	_ =	sdelay $0x3  }
0x481: {  	[tilespmem:v3+s12+$0x0] =	vst.idx.msk $0xffff, v2  }
0x482: {  	v3 =	vor.u32 $0x85C, v1;
	v2 =	vld.idx.msk [tilespmem:v4+s10+$0x0], $0xffff;
	v4 =	vor.u32 $0xC01D, v0  }
0x483: {  	v4 =	vor.u32 v4, v63;
	_ =	sdelay $0x3  }
0x484: {  	[tilespmem:v3+s12+$0x0] =	vst.idx.msk $0xffff, v2  }
0x485: {  	v3 =	vor.u32 $0x85D, v1;
	v2 =	vld.idx.msk [tilespmem:v4+s10+$0x0], $0xffff;
	v4 =	vor.u32 $0xC01E, v0  }
0x486: {  	v4 =	vor.u32 v4, v63;
	_ =	sdelay $0x3  }
0x487: {  	[tilespmem:v3+s12+$0x0] =	vst.idx.msk $0xffff, v2  }
0x488: {  	v3 =	vor.u32 $0x85E, v1;
	v2 =	vld.idx.msk [tilespmem:v4+s10+$0x0], $0xffff;
	v4 =	vor.u32 $0xC01F, v0  }
0x489: {  	v4 =	vor.u32 v4, v63;
	_ =	sdelay $0x3  }
0x48a: {  	[tilespmem:v3+s12+$0x0] =	vst.idx.msk $0xffff, v2  }
0x48b: {  	v3 =	vor.u32 $0x85F, v1;
	v2 =	vld.idx.msk [tilespmem:v4+s10+$0x0], $0xffff;
	v4 =	vor.u32 $0xC020, v0  }
0x48c: {  	v4 =	vor.u32 v4, v63;
	_ =	sdelay $0x3  }
0x48d: {  	[tilespmem:v3+s12+$0x0] =	vst.idx.msk $0xffff, v2  }
0x48e: {  	v3 =	vor.u32 $0x860, v1;
	v2 =	vld.idx.msk [tilespmem:v4+s10+$0x0], $0xffff;
	v4 =	vor.u32 $0xC021, v0  }
0x48f: {  	v4 =	vor.u32 v4, v63;
	_ =	sdelay $0x3  }
0x490: {  	[tilespmem:v3+s12+$0x0] =	vst.idx.msk $0xffff, v2  }
0x491: {  	v3 =	vor.u32 $0x861, v1;
	v2 =	vld.idx.msk [tilespmem:v4+s10+$0x0], $0xffff;
	v4 =	vor.u32 $0xC022, v0  }
0x492: {  	v4 =	vor.u32 v4, v63;
	_ =	sdelay $0x3  }
0x493: {  	[tilespmem:v3+s12+$0x0] =	vst.idx.msk $0xffff, v2  }
0x494: {  	v3 =	vor.u32 $0x862, v1;
	v2 =	vld.idx.msk [tilespmem:v4+s10+$0x0], $0xffff;
	v4 =	vor.u32 $0xC023, v0  }
0x495: {  	v4 =	vor.u32 v4, v63;
	_ =	sdelay $0x3  }
0x496: {  	[tilespmem:v3+s12+$0x0] =	vst.idx.msk $0xffff, v2  }
0x497: {  	v3 =	vor.u32 $0x863, v1;
	v2 =	vld.idx.msk [tilespmem:v4+s10+$0x0], $0xffff;
	v4 =	vor.u32 $0xC024, v0  }
0x498: {  	v4 =	vor.u32 v4, v63;
	_ =	sdelay $0x3  }
0x499: {  	[tilespmem:v3+s12+$0x0] =	vst.idx.msk $0xffff, v2  }
0x49a: {  	v3 =	vor.u32 $0x864, v1;
	v2 =	vld.idx.msk [tilespmem:v4+s10+$0x0], $0xffff;
	v4 =	vor.u32 $0xC025, v0  }
0x49b: {  	v4 =	vor.u32 v4, v63;
	_ =	sdelay $0x3  }
0x49c: {  	[tilespmem:v3+s12+$0x0] =	vst.idx.msk $0xffff, v2  }
0x49d: {  	v3 =	vor.u32 $0x865, v1;
	v2 =	vld.idx.msk [tilespmem:v4+s10+$0x0], $0xffff;
	v4 =	vor.u32 $0xC026, v0  }
0x49e: {  	v4 =	vor.u32 v4, v63;
	_ =	sdelay $0x3  }
0x49f: {  	[tilespmem:v3+s12+$0x0] =	vst.idx.msk $0xffff, v2  }
0x4a0: {  	v3 =	vor.u32 $0x866, v1;
	v2 =	vld.idx.msk [tilespmem:v4+s10+$0x0], $0xffff;
	v4 =	vor.u32 $0xC027, v0  }
0x4a1: {  	v4 =	vor.u32 v4, v63;
	_ =	sdelay $0x3  }
0x4a2: {  	[tilespmem:v3+s12+$0x0] =	vst.idx.msk $0xffff, v2  }
0x4a3: {  	v3 =	vor.u32 $0x867, v1;
	v2 =	vld.idx.msk [tilespmem:v4+s10+$0x0], $0xffff;
	v4 =	vor.u32 $0xC028, v0  }
0x4a4: {  	v4 =	vor.u32 v4, v63;
	_ =	sdelay $0x3  }
0x4a5: {  	[tilespmem:v3+s12+$0x0] =	vst.idx.msk $0xffff, v2  }
0x4a6: {  	v3 =	vor.u32 $0x868, v1;
	v2 =	vld.idx.msk [tilespmem:v4+s10+$0x0], $0xffff;
	v4 =	vor.u32 $0xC029, v0  }
0x4a7: {  	v4 =	vor.u32 v4, v63;
	_ =	sdelay $0x3  }
0x4a8: {  	[tilespmem:v3+s12+$0x0] =	vst.idx.msk $0xffff, v2  }
0x4a9: {  	v3 =	vor.u32 $0x869, v1;
	v2 =	vld.idx.msk [tilespmem:v4+s10+$0x0], $0xffff;
	v4 =	vor.u32 $0xC02A, v0  }
0x4aa: {  	v4 =	vor.u32 v4, v63;
	_ =	sdelay $0x3  }
0x4ab: {  	[tilespmem:v3+s12+$0x0] =	vst.idx.msk $0xffff, v2  }
0x4ac: {  	v3 =	vor.u32 $0x86A, v1;
	v2 =	vld.idx.msk [tilespmem:v4+s10+$0x0], $0xffff;
	v4 =	vor.u32 $0xC02B, v0  }
0x4ad: {  	v4 =	vor.u32 v4, v63;
	_ =	sdelay $0x3  }
0x4ae: {  	[tilespmem:v3+s12+$0x0] =	vst.idx.msk $0xffff, v2  }
0x4af: {  	v3 =	vor.u32 $0x86B, v1;
	v2 =	vld.idx.msk [tilespmem:v4+s10+$0x0], $0xffff;
	v4 =	vor.u32 $0xC02C, v0  }
0x4b0: {  	v4 =	vor.u32 v4, v63;
	_ =	sdelay $0x3  }
0x4b1: {  	[tilespmem:v3+s12+$0x0] =	vst.idx.msk $0xffff, v2  }
0x4b2: {  	v3 =	vor.u32 $0x86C, v1;
	v2 =	vld.idx.msk [tilespmem:v4+s10+$0x0], $0xffff;
	v4 =	vor.u32 $0xC02D, v0  }
0x4b3: {  	v4 =	vor.u32 v4, v63;
	_ =	sdelay $0x3  }
0x4b4: {  	[tilespmem:v3+s12+$0x0] =	vst.idx.msk $0xffff, v2  }
0x4b5: {  	v3 =	vor.u32 $0x86D, v1;
	v2 =	vld.idx.msk [tilespmem:v4+s10+$0x0], $0xffff;
	v4 =	vor.u32 $0xC02E, v0  }
0x4b6: {  	v4 =	vor.u32 v4, v63;
	_ =	sdelay $0x3  }
0x4b7: {  	[tilespmem:v3+s12+$0x0] =	vst.idx.msk $0xffff, v2  }
0x4b8: {  	v3 =	vor.u32 $0x86E, v1;
	v2 =	vld.idx.msk [tilespmem:v4+s10+$0x0], $0xffff;
	v4 =	vor.u32 $0xC02F, v0  }
0x4b9: {  	v4 =	vor.u32 v4, v63;
	_ =	sdelay $0x3  }
0x4ba: {  	[tilespmem:v3+s12+$0x0] =	vst.idx.msk $0xffff, v2  }
0x4bb: {  	v3 =	vor.u32 $0x86F, v1;
	v2 =	vld.idx.msk [tilespmem:v4+s10+$0x0], $0xffff;
	v4 =	vor.u32 $0xC030, v0  }
0x4bc: {  	v4 =	vor.u32 v4, v63;
	_ =	sdelay $0x3  }
0x4bd: {  	[tilespmem:v3+s12+$0x0] =	vst.idx.msk $0xffff, v2  }
0x4be: {  	v3 =	vor.u32 $0x870, v1;
	v2 =	vld.idx.msk [tilespmem:v4+s10+$0x0], $0xffff;
	v4 =	vor.u32 $0xC031, v0  }
0x4bf: {  	v4 =	vor.u32 v4, v63;
	_ =	sdelay $0x3  }
0x4c0: {  	[tilespmem:v3+s12+$0x0] =	vst.idx.msk $0xffff, v2  }
0x4c1: {  	v3 =	vor.u32 $0x871, v1;
	v2 =	vld.idx.msk [tilespmem:v4+s10+$0x0], $0xffff;
	v4 =	vor.u32 $0xC032, v0  }
0x4c2: {  	v4 =	vor.u32 v4, v63;
	_ =	sdelay $0x3  }
0x4c3: {  	[tilespmem:v3+s12+$0x0] =	vst.idx.msk $0xffff, v2  }
0x4c4: {  	v3 =	vor.u32 $0x872, v1;
	v2 =	vld.idx.msk [tilespmem:v4+s10+$0x0], $0xffff;
	v4 =	vor.u32 $0xC033, v0  }
0x4c5: {  	v4 =	vor.u32 v4, v63;
	_ =	sdelay $0x3  }
0x4c6: {  	[tilespmem:v3+s12+$0x0] =	vst.idx.msk $0xffff, v2  }
0x4c7: {  	v3 =	vor.u32 $0x873, v1;
	v2 =	vld.idx.msk [tilespmem:v4+s10+$0x0], $0xffff;
	v4 =	vor.u32 $0xC034, v0  }
0x4c8: {  	v4 =	vor.u32 v4, v63;
	_ =	sdelay $0x3  }
0x4c9: {  	[tilespmem:v3+s12+$0x0] =	vst.idx.msk $0xffff, v2  }
0x4ca: {  	v3 =	vor.u32 $0x874, v1;
	v2 =	vld.idx.msk [tilespmem:v4+s10+$0x0], $0xffff;
	v4 =	vor.u32 $0xC035, v0  }
0x4cb: {  	v4 =	vor.u32 v4, v63;
	_ =	sdelay $0x3  }
0x4cc: {  	[tilespmem:v3+s12+$0x0] =	vst.idx.msk $0xffff, v2  }
0x4cd: {  	v3 =	vor.u32 $0x875, v1;
	v2 =	vld.idx.msk [tilespmem:v4+s10+$0x0], $0xffff;
	v4 =	vor.u32 $0xC036, v0  }
0x4ce: {  	v4 =	vor.u32 v4, v63;
	_ =	sdelay $0x3  }
0x4cf: {  	[tilespmem:v3+s12+$0x0] =	vst.idx.msk $0xffff, v2  }
0x4d0: {  	v3 =	vor.u32 $0x876, v1;
	v2 =	vld.idx.msk [tilespmem:v4+s10+$0x0], $0xffff;
	v4 =	vor.u32 $0xC037, v0  }
0x4d1: {  	v4 =	vor.u32 v4, v63;
	_ =	sdelay $0x3  }
0x4d2: {  	[tilespmem:v3+s12+$0x0] =	vst.idx.msk $0xffff, v2  }
0x4d3: {  	v3 =	vor.u32 $0x877, v1;
	v2 =	vld.idx.msk [tilespmem:v4+s10+$0x0], $0xffff;
	v4 =	vor.u32 $0xC038, v0  }
0x4d4: {  	v4 =	vor.u32 v4, v63;
	_ =	sdelay $0x3  }
0x4d5: {  	[tilespmem:v3+s12+$0x0] =	vst.idx.msk $0xffff, v2  }
0x4d6: {  	v3 =	vor.u32 $0x878, v1;
	v2 =	vld.idx.msk [tilespmem:v4+s10+$0x0], $0xffff;
	v4 =	vor.u32 $0xC039, v0  }
0x4d7: {  	v4 =	vor.u32 v4, v63;
	_ =	sdelay $0x3  }
0x4d8: {  	[tilespmem:v3+s12+$0x0] =	vst.idx.msk $0xffff, v2  }
0x4d9: {  	v3 =	vor.u32 $0x879, v1;
	v2 =	vld.idx.msk [tilespmem:v4+s10+$0x0], $0xffff;
	v4 =	vor.u32 $0xC03A, v0  }
0x4da: {  	v4 =	vor.u32 v4, v63;
	_ =	sdelay $0x3  }
0x4db: {  	[tilespmem:v3+s12+$0x0] =	vst.idx.msk $0xffff, v2  }
0x4dc: {  	v3 =	vor.u32 $0x87A, v1;
	v2 =	vld.idx.msk [tilespmem:v4+s10+$0x0], $0xffff;
	v4 =	vor.u32 $0xC03B, v0  }
0x4dd: {  	v4 =	vor.u32 v4, v63;
	_ =	sdelay $0x3  }
0x4de: {  	[tilespmem:v3+s12+$0x0] =	vst.idx.msk $0xffff, v2  }
0x4df: {  	v3 =	vor.u32 $0x87B, v1;
	v2 =	vld.idx.msk [tilespmem:v4+s10+$0x0], $0xffff;
	v4 =	vor.u32 $0xC03C, v0  }
0x4e0: {  	v4 =	vor.u32 v4, v63;
	_ =	sdelay $0x3  }
0x4e1: {  	[tilespmem:v3+s12+$0x0] =	vst.idx.msk $0xffff, v2  }
0x4e2: {  	v3 =	vor.u32 $0x87C, v1;
	v2 =	vld.idx.msk [tilespmem:v4+s10+$0x0], $0xffff;
	v4 =	vor.u32 $0xC03D, v0  }
0x4e3: {  	v4 =	vor.u32 v4, v63;
	_ =	sdelay $0x3  }
0x4e4: {  	[tilespmem:v3+s12+$0x0] =	vst.idx.msk $0xffff, v2  }
0x4e5: {  	v3 =	vor.u32 $0x87D, v1;
	v2 =	vld.idx.msk [tilespmem:v4+s10+$0x0], $0xffff;
	v4 =	vor.u32 $0xC03E, v0  }
0x4e6: {  	v4 =	vor.u32 v4, v63;
	_ =	sdelay $0x3  }
0x4e7: {  	[tilespmem:v3+s12+$0x0] =	vst.idx.msk $0xffff, v2  }
0x4e8: {  	v3 =	vor.u32 $0x87E, v1;
	v2 =	vld.idx.msk [tilespmem:v4+s10+$0x0], $0xffff;
	v4 =	vor.u32 $0xC03F, v0  }
0x4e9: {  	v4 =	vor.u32 v4, v63;
	_ =	sdelay $0x3  }
0x4ea: {  	[tilespmem:v3+s12+$0x0] =	vst.idx.msk $0xffff, v2  }
0x4eb: {  	v3 =	vor.u32 $0x87F, v1;
	v2 =	vld.idx.msk [tilespmem:v4+s10+$0x0], $0xffff;
	_ =	sdelay $0x3  }
0x4ec: {  	p0 =	sne.s32 s16, $0x1E0  }
.Ltmp0:
0x4ed: {  	[tilespmem:v3+s12+$0x0] =	vst.idx.msk $0xffff, v2;
	(pc) =	sbr.rel @p0 .LBB2_2-.Ltmp0, $4  }
0x4ee: {  	[hbm4b:s15+s1] =	stream.linear.scatter [tilespmem:s12], [sflag:$0x2], $0x1000, $0x38;
	[tilespmem:$0x11400] =	vst v63  }
0x4ef: {  	v4 =	vld [tilespmem:$0x1FFF0];
	_ =	swait.ge [sflag:s8], $0x1000  }
0x4f0: {  	s16 =	sadd.s32 $0x20, s16;
	[sflag:s8] =	ssyncset.done $0x0  }
0x4f1: {  	s14 =	sadd.s32 $0x20, s14;
	s15 =	sadd.s32 $0x200, s15;
	[sflag:s8] =	ssyncadd.s32 $0xFFFFF000  }
0x4f2: {  	s13 =	sadd.s32 $0x1, s13  }
0x4f3: {  	p0 =	sne.s32 s13, s6  }
.Ltmp1:
0x4f4: {  	_ = 	snop;
	(pc) =	sbr.rel @p0 .LBB2_1-.Ltmp1, $1  }
0x4f5: {  	_ =	sdelay $0x3  }
0x4f6: {  	_ =	sfence.sel $0x180000  }
0x4f7: {  	[bflag:$0x0] =	sbarrier.arrive $0xFFFF  }
0x4f8: {  	p0 =	sne.s32 s3, $0x0;
	_ =	strace $0x90000047  }
0x4f9: {  	s0 =	sadd.s32 @!p0 $0x100000, s0;
	[bflag:$0x2] =	sbarrier.arrive $0xFFFF  }
0x4fa: {  	[sflag:s0] =	ssyncadd.tile.s32 @!p0 $0x1;
	_ =	shalt  }
.Lfunc_end2:
_tile_overlayer_lowered:
.L_overlay_start_2:
0x4fb: {  	(tag) =	ssettag $0x2  }
0x4fc: {  	s0 =	rddreg [dreg:$0x0];
	s2 =	stileid.u32  }
0x4fd: {  	s1 =	rddreg [dreg:$0x1];
	p0 =	sne.s32 s2, $0x0  }
0x4fe: {  	s3 =	rddreg [dreg:$0x2];
	[bflag:$0x3] =	sbarrier.arrive $0xFFFF;
	s2 =	simm.s32 @!p0 $0x1C02  }
0x4ff: {  	[timem:s3], [sflag:s2] =	dma.local @!p0 [hbm:s0], s1  }
0x500: {  	s0 =	simm.s32 @!p0 $0x2  }
0x501: {  	_ =	swait.ge @!p0 [sflag:s0], s1  }
0x502: {  	s1 =	ssub.s32 @!p0 $0x0, s1;
	[sflag:s0] =	ssyncset.done @!p0 $0x0  }
0x503: {  	[sflag:s0] =	ssyncadd.s32 @!p0 s1  }
0x504: {  	[bflag:$0x3] =	sbarrier.arrive $0xFFFF  }
0x505: {  	_ =	shalt  }

</sc_bundles>
